<compile_context>
chip_gen: v7x
topology: tpu7x:2x2x1
jax: 0.10.2.dev20260603
libtpu: 0.0.44.dev20260713+nightly
codegen_flags: <defaults>
</compile_context>

<pallas_src>
import functools

import jax
import jax.numpy as jnp
from jax import lax
from jax.experimental import pallas as pl
from jax.experimental.pallas import tpu as pltpu
from jax.experimental.pallas import tpu_sc as plsc

_NC = 2
_NS = 16
_NW = _NC * _NS
_L = 16


@functools.lru_cache(maxsize=None)
def _transpose_table(V: int, D: int):
    VB = 256
    NFULL = V // VB
    TAIL = V - NFULL * VB
    NT = NFULL // _NW
    NEXTRA = NFULL - NT * _NW
    PB = VB // 2
    mesh = plsc.VectorSubcoreMesh(core_axis_name="c", subcore_axis_name="s")

    @functools.partial(
        pl.kernel,
        mesh=mesh,
        compiler_params=pltpu.CompilerParams(needs_layout_passes=False),
        out_type=jax.ShapeDtypeStruct((V // 2, 2 * D), jnp.float32),
        scratch_types=[
            pltpu.VMEM((D, VB), jnp.float32),
            pltpu.VMEM((D, VB), jnp.float32),
            pltpu.VMEM((PB, 2 * D), jnp.float32),
            pltpu.VMEM((PB, 2 * D), jnp.float32),
            pltpu.VMEM((D, TAIL), jnp.float32),
            pltpu.SemaphoreType.DMA,
            pltpu.SemaphoreType.DMA,
            pltpu.SemaphoreType.DMA,
            pltpu.SemaphoreType.DMA,
        ],
    )
    def k(tt_hbm, tail_hbm, outp_hbm, tb0, tb1, tp0, tp1, tbt, si0, si1, so0, so1):
        wid = lax.axis_index("s") * _NC + lax.axis_index("c")
        lane = lax.iota(jnp.int32, _L)

        tbs = (tb0, tb1)
        tps = (tp0, tp1)
        sis = (si0, si1)
        sos = (so0, so1)

        def in_copy(blk, par):
            return pltpu.make_async_copy(
                tt_hbm.at[:, pl.ds(blk * VB, VB)], tbs[par], sis[par])

        def out_copy(blk, par):
            return pltpu.make_async_copy(
                tps[par], outp_hbm.at[pl.ds(blk * PB, PB)], sos[par])

        def transpose_block(tb, tp, npairs):
            nv = 2 * npairs
            vgs = []
            for vg in range(nv // _L):
                vb = lane + vg * _L
                vgs.append((vb,
                            lax.shift_right_logical(vb, 1),
                            lax.shift_left(lax.bitwise_and(vb, 1), 6)))

            def cbody(c, carry):
                cc = lax.bitwise_and(c + lane, D - 1)
                vals = [plsc.load_gather(tb, [cc, vb]) for vb, _, _ in vgs]
                for (vb, prow, jbase), val in zip(vgs, vals):
                    plsc.store_scatter(tp, [prow, jbase + cc], val)
                return carry

            lax.fori_loop(0, D, cbody, 0)

        in_copy(wid, 0).start()
        in_copy(wid + _NW, 1).start()

        def body(t, carry):
            for par in range(2):
                g = 2 * t + par
                blk = wid + _NW * g
                in_copy(blk, par).wait()

                @pl.when(g >= 2)
                def _():
                    out_copy(wid + _NW * (g - 2), par).wait()

                transpose_block(tbs[par], tps[par], PB)
                out_copy(blk, par).start()

                @pl.when(g + 2 < NT)
                def _():
                    in_copy(wid + _NW * (g + 2), par).start()

            return carry

        lax.fori_loop(0, NT // 2, body, 0)
        if NT % 2:
            gl = NT - 1
            blk = wid + _NW * gl
            in_copy(blk, 0).wait()
            out_copy(wid + _NW * (gl - 2), 0).wait()
            transpose_block(tb0, tp0, PB)
            out_copy(blk, 0).start()
            out_copy(wid + _NW * (gl - 1), 1).wait()
            out_copy(blk, 0).wait()
        else:
            out_copy(wid + _NW * (NT - 2), 0).wait()
            out_copy(wid + _NW * (NT - 1), 1).wait()

        @pl.when(wid < NEXTRA)
        def _():
            blk = NFULL - NEXTRA + wid
            in_copy(blk, 0).start()
            in_copy(blk, 0).wait()
            transpose_block(tb0, tp0, PB)
            out_copy(blk, 0).start()
            out_copy(blk, 0).wait()

        @pl.when(wid == NEXTRA)
        def _():
            pltpu.sync_copy(tail_hbm, tbt)
            transpose_block(tbt, tp0, TAIL // 2)
            pltpu.sync_copy(tp0.at[pl.ds(0, TAIL // 2)],
                            outp_hbm.at[pl.ds(NFULL * PB, TAIL // 2)])

    return k


@functools.lru_cache(maxsize=None)
def _embed_lookup(A: int, Bb: int, V: int, D: int):
    AW = A // _NW
    NG = AW // _L
    mesh = plsc.VectorSubcoreMesh(core_axis_name="c", subcore_axis_name="s")

    @functools.partial(
        pl.kernel,
        mesh=mesh,
        compiler_params=pltpu.CompilerParams(needs_layout_passes=False),
        out_type=jax.ShapeDtypeStruct((Bb, D, A), jnp.float32),
        scratch_types=[
            pltpu.VMEM((Bb, AW), jnp.int32),
            pltpu.VMEM((4, AW), jnp.int32),
            pltpu.VMEM((4, AW), jnp.int32),
            pltpu.VMEM((AW, 2 * D), jnp.float32),
            pltpu.VMEM((AW, 2 * D), jnp.float32),
            pltpu.VMEM((AW, 2 * D), jnp.float32),
            pltpu.VMEM((AW, 2 * D), jnp.float32),
            pltpu.VMEM((D, AW), jnp.float32),
            pltpu.VMEM((D, AW), jnp.float32),
            pltpu.SemaphoreType.DMA,
            pltpu.SemaphoreType.DMA,
            pltpu.SemaphoreType.DMA,
            pltpu.SemaphoreType.DMA,
            pltpu.SemaphoreType.DMA,
            pltpu.SemaphoreType.DMA,
        ],
    )
    def k(xt_hbm, tab_hbm, out_hbm, idx_v, pidx_v, off_v,
          g0, g1, g2, g3, tbuf0, tbuf1,
          sem0, sem1, sem2, sem3, wb0, wb1):
        wid = lax.axis_index("s") * _NC + lax.axis_index("c")
        a0 = wid * AW
        pltpu.sync_copy(xt_hbm.at[:, pl.ds(a0, AW)], idx_v)

        lane = lax.iota(jnp.int32, _L)

        gbufs = (g0, g1, g2, g3)
        sems = (sem0, sem1, sem2, sem3)
        tbufs = (tbuf0, tbuf1)
        wbs = (wb0, wb1)

        def prep(b, par):
            for kk in range(NG):
                v = idx_v[b, pl.ds(kk * _L, _L)]
                pidx_v[par, pl.ds(kk * _L, _L)] = lax.shift_right_logical(v, 1)
                off_v[par, pl.ds(kk * _L, _L)] = lax.shift_left(
                    lax.bitwise_and(v, 1), 6)

        def g_copy(par):
            return pltpu.make_async_copy(
                tab_hbm.at[pidx_v.at[par]], gbufs[par], sems[par])

        def wb_copy(b, tbuf, wbsem):
            return pltpu.make_async_copy(
                tbuf, out_hbm.at[b, :, pl.ds(a0, AW)], wbsem)

        def process(b, par):
            gbuf = gbufs[par]
            tbuf = tbufs[par % 2]
            groups = [(lane + kk * _L, off_v[par, pl.ds(kk * _L, _L)])
                      for kk in range(NG)]

            @pl.when(b >= 2)
            def _():
                wb_copy(b - 2, tbuf, wbs[par % 2]).wait()

            def cbody(c, carry):
                cc = lax.bitwise_and(c + lane, D - 1)
                vals = [plsc.load_gather(gbuf, [row, off + cc])
                        for row, off in groups]
                for (row, _), val in zip(groups, vals):
                    plsc.store_scatter(tbuf, [cc, row], val)
                return carry

            lax.fori_loop(0, D, cbody, 0)
            wb_copy(b, tbuf, wbs[par % 2]).start()

        for par in range(3):
            prep(par, par)
            g_copy(par).start()

        def body(q, carry):
            for par in range(4):
                b = 4 * q + par
                g_copy(par).wait()
                process(b, par)
                npar = (par + 3) % 4

                @pl.when(b + 3 < Bb)
                def _():
                    prep(b + 3, npar)
                    g_copy(npar).start()

            return carry

        lax.fori_loop(0, Bb // 4, body, 0)
        wb_copy(Bb - 2, tbuf0, wb0).wait()
        wb_copy(Bb - 1, tbuf1, wb1).wait()

    return k


def kernel(x, table):
    A, Bb = x.shape
    V, D = table.shape
    tt = table.T
    tab_pairs = _transpose_table(V, D)(tt, tt[:, V - V % 256:])
    out = _embed_lookup(A, Bb, V, D)(x.T, tab_pairs)
    return out.transpose(2, 0, 1)

# --- scband reference (transcript-rebuilt; emitter-appended) ---
"""Pipeline reference for scband-embeddings-71665824301176 (READ-ONLY COPY).

The authoritative reference and input builder live on the scoring server;
editing this copy changes nothing except your own understanding.
"""

import jax, jax.numpy as jnp
import numpy as np

VOCAB = 1000000
EMBED = 64

def setup_inputs(seed: int = 0) -> dict:
    key = jax.random.key(seed)
    k1, k2 = jax.random.split(key)
    x = jax.random.randint(k1, (4096, 200), 0, VOCAB, dtype=jnp.int64 if jax.config.jax_enable_x64 else jnp.int32).astype(jnp.int32)
    table = jax.random.normal(k2, (VOCAB, EMBED), dtype=jnp.float32)
    return {"x": x, "table": table}

def reference(x, table):
    # nn.Embedding forward: gather rows of the embedding table
    return jnp.take(table, x, axis=0)

if __name__ == "__main__":
    import jax
    _d = setup_inputs()
    print(jax.jit(kernel)(*tuple(_d.values())))

</pallas_src>

<mosaic_0001>
#map = affine_map<(d0, d1) -> (0, 0)>
module attributes {stable_mosaic.version = 14 : i64} {
  func.func @k(%arg0: i32, %arg1: i32, %arg2: memref<64x1000000xf32, #tpu.memory_space<hbm>>, %arg3: memref<64x64xf32, #tpu.memory_space<hbm>>, %arg4: memref<500000x128xf32, #tpu.memory_space<hbm>>, %arg5: memref<64x256xf32, #tpu.memory_space<vmem>>, %arg6: memref<64x256xf32, #tpu.memory_space<vmem>>, %arg7: memref<128x128xf32, #tpu.memory_space<vmem>>, %arg8: memref<128x128xf32, #tpu.memory_space<vmem>>, %arg9: memref<64x64xf32, #tpu.memory_space<vmem>>, %arg10: memref<!tpu.dma_semaphore, #tpu.memory_space<semaphore_mem>>, %arg11: memref<!tpu.dma_semaphore, #tpu.memory_space<semaphore_mem>>, %arg12: memref<!tpu.dma_semaphore, #tpu.memory_space<semaphore_mem>>, %arg13: memref<!tpu.dma_semaphore, #tpu.memory_space<semaphore_mem>>) attributes {dimension_semantics = [#tpu.dimension_semantics<core_parallel>, #tpu.dimension_semantics<subcore_parallel>], iteration_bounds = array<i64: 2, 16>, scalar_prefetch = 0 : i64, scratch_operands = 9 : i64, tpu.core_type = #tpu.core_type<sc_vector_subcore>, window_params = [{transform_indices = #map}, {transform_indices = #map}, {transform_indices = #map}]} {
    %mul3A = arith.constant 2 : i32
    %mul3A_0 = arith.muli %arg1, %mul3A : i32
    %add3A = arith.addi %mul3A_0, %arg0 : i32
    %iota3A = tpu.iota {dimensions = array<i32: 0>} : vector<16xi32>
    %mul3A_1 = arith.constant 256 : i32
    %mul3A_2 = arith.muli %add3A, %mul3A_1 : i32
    %dma_start3A = arith.constant 0 : i32
    %dma_start3A_3 = tpu.memref_slice %arg2[%dma_start3A, %mul3A_2] : memref<64x1000000xf32, #tpu.memory_space<hbm>> -> memref<64x256xf32, #tpu.memory_space<hbm>>
    %dma_start3A_4 = arith.constant 0 : i32
    %dma_start3A_5 = tpu.memref_slice %arg2[%dma_start3A_4, %mul3A_2] : memref<64x1000000xf32, #tpu.memory_space<hbm>> -> memref<64x256xf32, #tpu.memory_space<hbm>>
    tpu.enqueue_dma source(%dma_start3A_5 : memref<64x256xf32, #tpu.memory_space<hbm>>) target(%arg5 : memref<64x256xf32, #tpu.memory_space<vmem>>) target_semaphore(%arg10 : memref<!tpu.dma_semaphore, #tpu.memory_space<semaphore_mem>>)
    %add3A_6 = arith.constant 32 : i32
    %add3A_7 = arith.addi %add3A, %add3A_6 : i32
    %mul3A_8 = arith.constant 256 : i32
    %mul3A_9 = arith.muli %add3A_7, %mul3A_8 : i32
    %dma_start3A_10 = arith.constant 0 : i32
    %dma_start3A_11 = tpu.memref_slice %arg2[%dma_start3A_10, %mul3A_9] : memref<64x1000000xf32, #tpu.memory_space<hbm>> -> memref<64x256xf32, #tpu.memory_space<hbm>>
    %dma_start3A_12 = arith.constant 0 : i32
    %dma_start3A_13 = tpu.memref_slice %arg2[%dma_start3A_12, %mul3A_9] : memref<64x1000000xf32, #tpu.memory_space<hbm>> -> memref<64x256xf32, #tpu.memory_space<hbm>>
    tpu.enqueue_dma source(%dma_start3A_13 : memref<64x256xf32, #tpu.memory_space<hbm>>) target(%arg6 : memref<64x256xf32, #tpu.memory_space<vmem>>) target_semaphore(%arg11 : memref<!tpu.dma_semaphore, #tpu.memory_space<semaphore_mem>>)
    %scan3A = arith.constant 0 : i32
    %scan3A_14 = arith.constant 0 : i32
    %scan3A_15 = arith.constant 61 : i32
    %scan3A_16 = arith.addi %scan3A_14, %scan3A_15 : i32
    %scan3A_17 = arith.constant 1 : i32
    scf.for %scan3A_40 = %scan3A_14 to %scan3A_16 step %scan3A_17  : i32 {
      %mul3A_41 = arith.constant 2 : i32
      %mul3A_42 = arith.muli %mul3A_41, %scan3A_40 : i32
      %add3A_43 = arith.constant 0 : i32
      %add3A_44 = arith.addi %mul3A_42, %add3A_43 : i32
      %mul3A_45 = arith.constant 32 : i32
      %mul3A_46 = arith.muli %mul3A_45, %add3A_44 : i32
      %add3A_47 = arith.addi %add3A, %mul3A_46 : i32
      %mul3A_48 = arith.constant 256 : i32
      %mul3A_49 = arith.muli %add3A_47, %mul3A_48 : i32
      %dma_wait3A_50 = arith.constant 0 : i32
      %dma_wait3A_51 = tpu.memref_slice %arg2[%dma_wait3A_50, %mul3A_49] : memref<64x1000000xf32, #tpu.memory_space<hbm>> -> memref<64x256xf32, #tpu.memory_space<hbm>>
      %dma_wait3A_52 = arith.constant 0 : i32
      %dma_wait3A_53 = tpu.memref_slice %arg2[%dma_wait3A_52, %mul3A_49] : memref<64x1000000xf32, #tpu.memory_space<hbm>> -> memref<64x256xf32, #tpu.memory_space<hbm>>
      tpu.wait_dma2 semaphore(%arg10 : memref<!tpu.dma_semaphore, #tpu.memory_space<semaphore_mem>>) src(%dma_wait3A_53 : memref<64x256xf32, #tpu.memory_space<hbm>>) dst(%arg5 : memref<64x256xf32, #tpu.memory_space<vmem>>)
      %ge3A = arith.constant 2 : i32
      %ge3A_54 = arith.cmpi sge, %add3A_44, %ge3A : i32
      %convert_element_type3A_55 = arith.extui %ge3A_54 : i1 to i32
      %cond3A_56 = arith.constant 0 : i32
      %cond3A_57 = arith.cmpi ne, %convert_element_type3A_55, %cond3A_56 : i32
      scf.if %cond3A_57 {
        %sub3A = arith.constant 2 : i32
        %sub3A_495 = arith.subi %add3A_44, %sub3A : i32
        %mul3A_496 = arith.constant 32 : i32
        %mul3A_497 = arith.muli %mul3A_496, %sub3A_495 : i32
        %add3A_498 = arith.addi %add3A, %mul3A_497 : i32
        %mul3A_499 = arith.constant 128 : i32
        %mul3A_500 = arith.muli %add3A_498, %mul3A_499 : i32
        %dma_wait3A_501 = arith.constant 0 : i32
        %dma_wait3A_502 = tpu.memref_slice %arg4[%mul3A_500, %dma_wait3A_501] : memref<500000x128xf32, #tpu.memory_space<hbm>> -> memref<128x128xf32, #tpu.memory_space<hbm>>
        %dma_wait3A_503 = arith.constant 0 : i32
        %dma_wait3A_504 = tpu.memref_slice %arg4[%mul3A_500, %dma_wait3A_503] : memref<500000x128xf32, #tpu.memory_space<hbm>> -> memref<128x128xf32, #tpu.memory_space<hbm>>
        tpu.wait_dma2 semaphore(%arg12 : memref<!tpu.dma_semaphore, #tpu.memory_space<semaphore_mem>>) src(%arg7 : memref<128x128xf32, #tpu.memory_space<vmem>>) dst(%dma_wait3A_504 : memref<128x128xf32, #tpu.memory_space<hbm>>)
      } else {
      }
      %add3A_58 = arith.constant 0 : i32
      %add3A_59 = vector.broadcast %add3A_58 : i32 to vector<16xi32>
      %add3A_60 = arith.addi %iota3A, %add3A_59 : vector<16xi32>
      %shift_right_logical3A = arith.constant 1 : i32
      %shift_right_logical3A_61 = vector.broadcast %shift_right_logical3A : i32 to vector<16xi32>
      %shift_right_logical3A_62 = arith.shrui %add3A_60, %shift_right_logical3A_61 : vector<16xi32>
      %and3A = arith.constant 1 : i32
      %and3A_63 = vector.broadcast %and3A : i32 to vector<16xi32>
      %and3A_64 = arith.andi %add3A_60, %and3A_63 : vector<16xi32>
      %shift_left3A = arith.constant 6 : i32
      %shift_left3A_65 = vector.broadcast %shift_left3A : i32 to vector<16xi32>
      %shift_left3A_66 = arith.shli %and3A_64, %shift_left3A_65 : vector<16xi32>
      %add3A_67 = arith.constant 16 : i32
      %add3A_68 = vector.broadcast %add3A_67 : i32 to vector<16xi32>
      %add3A_69 = arith.addi %iota3A, %add3A_68 : vector<16xi32>
      %shift_right_logical3A_70 = arith.constant 1 : i32
      %shift_right_logical3A_71 = vector.broadcast %shift_right_logical3A_70 : i32 to vector<16xi32>
      %shift_right_logical3A_72 = arith.shrui %add3A_69, %shift_right_logical3A_71 : vector<16xi32>
      %and3A_73 = arith.constant 1 : i32
      %and3A_74 = vector.broadcast %and3A_73 : i32 to vector<16xi32>
      %and3A_75 = arith.andi %add3A_69, %and3A_74 : vector<16xi32>
      %shift_left3A_76 = arith.constant 6 : i32
      %shift_left3A_77 = vector.broadcast %shift_left3A_76 : i32 to vector<16xi32>
      %shift_left3A_78 = arith.shli %and3A_75, %shift_left3A_77 : vector<16xi32>
      %add3A_79 = arith.constant 32 : i32
      %add3A_80 = vector.broadcast %add3A_79 : i32 to vector<16xi32>
      %add3A_81 = arith.addi %iota3A, %add3A_80 : vector<16xi32>
      %shift_right_logical3A_82 = arith.constant 1 : i32
      %shift_right_logical3A_83 = vector.broadcast %shift_right_logical3A_82 : i32 to vector<16xi32>
      %shift_right_logical3A_84 = arith.shrui %add3A_81, %shift_right_logical3A_83 : vector<16xi32>
      %and3A_85 = arith.constant 1 : i32
      %and3A_86 = vector.broadcast %and3A_85 : i32 to vector<16xi32>
      %and3A_87 = arith.andi %add3A_81, %and3A_86 : vector<16xi32>
      %shift_left3A_88 = arith.constant 6 : i32
      %shift_left3A_89 = vector.broadcast %shift_left3A_88 : i32 to vector<16xi32>
      %shift_left3A_90 = arith.shli %and3A_87, %shift_left3A_89 : vector<16xi32>
      %add3A_91 = arith.constant 48 : i32
      %add3A_92 = vector.broadcast %add3A_91 : i32 to vector<16xi32>
      %add3A_93 = arith.addi %iota3A, %add3A_92 : vector<16xi32>
      %shift_right_logical3A_94 = arith.constant 1 : i32
      %shift_right_logical3A_95 = vector.broadcast %shift_right_logical3A_94 : i32 to vector<16xi32>
      %shift_right_logical3A_96 = arith.shrui %add3A_93, %shift_right_logical3A_95 : vector<16xi32>
      %and3A_97 = arith.constant 1 : i32
      %and3A_98 = vector.broadcast %and3A_97 : i32 to vector<16xi32>
      %and3A_99 = arith.andi %add3A_93, %and3A_98 : vector<16xi32>
      %shift_left3A_100 = arith.constant 6 : i32
      %shift_left3A_101 = vector.broadcast %shift_left3A_100 : i32 to vector<16xi32>
      %shift_left3A_102 = arith.shli %and3A_99, %shift_left3A_101 : vector<16xi32>
      %add3A_103 = arith.constant 64 : i32
      %add3A_104 = vector.broadcast %add3A_103 : i32 to vector<16xi32>
      %add3A_105 = arith.addi %iota3A, %add3A_104 : vector<16xi32>
      %shift_right_logical3A_106 = arith.constant 1 : i32
      %shift_right_logical3A_107 = vector.broadcast %shift_right_logical3A_106 : i32 to vector<16xi32>
      %shift_right_logical3A_108 = arith.shrui %add3A_105, %shift_right_logical3A_107 : vector<16xi32>
      %and3A_109 = arith.constant 1 : i32
      %and3A_110 = vector.broadcast %and3A_109 : i32 to vector<16xi32>
      %and3A_111 = arith.andi %add3A_105, %and3A_110 : vector<16xi32>
      %shift_left3A_112 = arith.constant 6 : i32
      %shift_left3A_113 = vector.broadcast %shift_left3A_112 : i32 to vector<16xi32>
      %shift_left3A_114 = arith.shli %and3A_111, %shift_left3A_113 : vector<16xi32>
      %add3A_115 = arith.constant 80 : i32
      %add3A_116 = vector.broadcast %add3A_115 : i32 to vector<16xi32>
      %add3A_117 = arith.addi %iota3A, %add3A_116 : vector<16xi32>
      %shift_right_logical3A_118 = arith.constant 1 : i32
      %shift_right_logical3A_119 = vector.broadcast %shift_right_logical3A_118 : i32 to vector<16xi32>
      %shift_right_logical3A_120 = arith.shrui %add3A_117, %shift_right_logical3A_119 : vector<16xi32>
      %and3A_121 = arith.constant 1 : i32
      %and3A_122 = vector.broadcast %and3A_121 : i32 to vector<16xi32>
      %and3A_123 = arith.andi %add3A_117, %and3A_122 : vector<16xi32>
      %shift_left3A_124 = arith.constant 6 : i32
      %shift_left3A_125 = vector.broadcast %shift_left3A_124 : i32 to vector<16xi32>
      %shift_left3A_126 = arith.shli %and3A_123, %shift_left3A_125 : vector<16xi32>
      %add3A_127 = arith.constant 96 : i32
      %add3A_128 = vector.broadcast %add3A_127 : i32 to vector<16xi32>
      %add3A_129 = arith.addi %iota3A, %add3A_128 : vector<16xi32>
      %shift_right_logical3A_130 = arith.constant 1 : i32
      %shift_right_logical3A_131 = vector.broadcast %shift_right_logical3A_130 : i32 to vector<16xi32>
      %shift_right_logical3A_132 = arith.shrui %add3A_129, %shift_right_logical3A_131 : vector<16xi32>
      %and3A_133 = arith.constant 1 : i32
      %and3A_134 = vector.broadcast %and3A_133 : i32 to vector<16xi32>
      %and3A_135 = arith.andi %add3A_129, %and3A_134 : vector<16xi32>
      %shift_left3A_136 = arith.constant 6 : i32
      %shift_left3A_137 = vector.broadcast %shift_left3A_136 : i32 to vector<16xi32>
      %shift_left3A_138 = arith.shli %and3A_135, %shift_left3A_137 : vector<16xi32>
      %add3A_139 = arith.constant 112 : i32
      %add3A_140 = vector.broadcast %add3A_139 : i32 to vector<16xi32>
      %add3A_141 = arith.addi %iota3A, %add3A_140 : vector<16xi32>
      %shift_right_logical3A_142 = arith.constant 1 : i32
      %shift_right_logical3A_143 = vector.broadcast %shift_right_logical3A_142 : i32 to vector<16xi32>
      %shift_right_logical3A_144 = arith.shrui %add3A_141, %shift_right_logical3A_143 : vector<16xi32>
      %and3A_145 = arith.constant 1 : i32
      %and3A_146 = vector.broadcast %and3A_145 : i32 to vector<16xi32>
      %and3A_147 = arith.andi %add3A_141, %and3A_146 : vector<16xi32>
      %shift_left3A_148 = arith.constant 6 : i32
      %shift_left3A_149 = vector.broadcast %shift_left3A_148 : i32 to vector<16xi32>
      %shift_left3A_150 = arith.shli %and3A_147, %shift_left3A_149 : vector<16xi32>
      %add3A_151 = arith.constant 128 : i32
      %add3A_152 = vector.broadcast %add3A_151 : i32 to vector<16xi32>
      %add3A_153 = arith.addi %iota3A, %add3A_152 : vector<16xi32>
      %shift_right_logical3A_154 = arith.constant 1 : i32
      %shift_right_logical3A_155 = vector.broadcast %shift_right_logical3A_154 : i32 to vector<16xi32>
      %shift_right_logical3A_156 = arith.shrui %add3A_153, %shift_right_logical3A_155 : vector<16xi32>
      %and3A_157 = arith.constant 1 : i32
      %and3A_158 = vector.broadcast %and3A_157 : i32 to vector<16xi32>
      %and3A_159 = arith.andi %add3A_153, %and3A_158 : vector<16xi32>
      %shift_left3A_160 = arith.constant 6 : i32
      %shift_left3A_161 = vector.broadcast %shift_left3A_160 : i32 to vector<16xi32>
      %shift_left3A_162 = arith.shli %and3A_159, %shift_left3A_161 : vector<16xi32>
      %add3A_163 = arith.constant 144 : i32
      %add3A_164 = vector.broadcast %add3A_163 : i32 to vector<16xi32>
      %add3A_165 = arith.addi %iota3A, %add3A_164 : vector<16xi32>
      %shift_right_logical3A_166 = arith.constant 1 : i32
      %shift_right_logical3A_167 = vector.broadcast %shift_right_logical3A_166 : i32 to vector<16xi32>
      %shift_right_logical3A_168 = arith.shrui %add3A_165, %shift_right_logical3A_167 : vector<16xi32>
      %and3A_169 = arith.constant 1 : i32
      %and3A_170 = vector.broadcast %and3A_169 : i32 to vector<16xi32>
      %and3A_171 = arith.andi %add3A_165, %and3A_170 : vector<16xi32>
      %shift_left3A_172 = arith.constant 6 : i32
      %shift_left3A_173 = vector.broadcast %shift_left3A_172 : i32 to vector<16xi32>
      %shift_left3A_174 = arith.shli %and3A_171, %shift_left3A_173 : vector<16xi32>
      %add3A_175 = arith.constant 160 : i32
      %add3A_176 = vector.broadcast %add3A_175 : i32 to vector<16xi32>
      %add3A_177 = arith.addi %iota3A, %add3A_176 : vector<16xi32>
      %shift_right_logical3A_178 = arith.constant 1 : i32
      %shift_right_logical3A_179 = vector.broadcast %shift_right_logical3A_178 : i32 to vector<16xi32>
      %shift_right_logical3A_180 = arith.shrui %add3A_177, %shift_right_logical3A_179 : vector<16xi32>
      %and3A_181 = arith.constant 1 : i32
      %and3A_182 = vector.broadcast %and3A_181 : i32 to vector<16xi32>
      %and3A_183 = arith.andi %add3A_177, %and3A_182 : vector<16xi32>
      %shift_left3A_184 = arith.constant 6 : i32
      %shift_left3A_185 = vector.broadcast %shift_left3A_184 : i32 to vector<16xi32>
      %shift_left3A_186 = arith.shli %and3A_183, %shift_left3A_185 : vector<16xi32>
      %add3A_187 = arith.constant 176 : i32
      %add3A_188 = vector.broadcast %add3A_187 : i32 to vector<16xi32>
      %add3A_189 = arith.addi %iota3A, %add3A_188 : vector<16xi32>
      %shift_right_logical3A_190 = arith.constant 1 : i32
      %shift_right_logical3A_191 = vector.broadcast %shift_right_logical3A_190 : i32 to vector<16xi32>
      %shift_right_logical3A_192 = arith.shrui %add3A_189, %shift_right_logical3A_191 : vector<16xi32>
      %and3A_193 = arith.constant 1 : i32
      %and3A_194 = vector.broadcast %and3A_193 : i32 to vector<16xi32>
      %and3A_195 = arith.andi %add3A_189, %and3A_194 : vector<16xi32>
      %shift_left3A_196 = arith.constant 6 : i32
      %shift_left3A_197 = vector.broadcast %shift_left3A_196 : i32 to vector<16xi32>
      %shift_left3A_198 = arith.shli %and3A_195, %shift_left3A_197 : vector<16xi32>
      %add3A_199 = arith.constant 192 : i32
      %add3A_200 = vector.broadcast %add3A_199 : i32 to vector<16xi32>
      %add3A_201 = arith.addi %iota3A, %add3A_200 : vector<16xi32>
      %shift_right_logical3A_202 = arith.constant 1 : i32
      %shift_right_logical3A_203 = vector.broadcast %shift_right_logical3A_202 : i32 to vector<16xi32>
      %shift_right_logical3A_204 = arith.shrui %add3A_201, %shift_right_logical3A_203 : vector<16xi32>
      %and3A_205 = arith.constant 1 : i32
      %and3A_206 = vector.broadcast %and3A_205 : i32 to vector<16xi32>
      %and3A_207 = arith.andi %add3A_201, %and3A_206 : vector<16xi32>
      %shift_left3A_208 = arith.constant 6 : i32
      %shift_left3A_209 = vector.broadcast %shift_left3A_208 : i32 to vector<16xi32>
      %shift_left3A_210 = arith.shli %and3A_207, %shift_left3A_209 : vector<16xi32>
      %add3A_211 = arith.constant 208 : i32
      %add3A_212 = vector.broadcast %add3A_211 : i32 to vector<16xi32>
      %add3A_213 = arith.addi %iota3A, %add3A_212 : vector<16xi32>
      %shift_right_logical3A_214 = arith.constant 1 : i32
      %shift_right_logical3A_215 = vector.broadcast %shift_right_logical3A_214 : i32 to vector<16xi32>
      %shift_right_logical3A_216 = arith.shrui %add3A_213, %shift_right_logical3A_215 : vector<16xi32>
      %and3A_217 = arith.constant 1 : i32
      %and3A_218 = vector.broadcast %and3A_217 : i32 to vector<16xi32>
      %and3A_219 = arith.andi %add3A_213, %and3A_218 : vector<16xi32>
      %shift_left3A_220 = arith.constant 6 : i32
      %shift_left3A_221 = vector.broadcast %shift_left3A_220 : i32 to vector<16xi32>
      %shift_left3A_222 = arith.shli %and3A_219, %shift_left3A_221 : vector<16xi32>
      %add3A_223 = arith.constant 224 : i32
      %add3A_224 = vector.broadcast %add3A_223 : i32 to vector<16xi32>
      %add3A_225 = arith.addi %iota3A, %add3A_224 : vector<16xi32>
      %shift_right_logical3A_226 = arith.constant 1 : i32
      %shift_right_logical3A_227 = vector.broadcast %shift_right_logical3A_226 : i32 to vector<16xi32>
      %shift_right_logical3A_228 = arith.shrui %add3A_225, %shift_right_logical3A_227 : vector<16xi32>
      %and3A_229 = arith.constant 1 : i32
      %and3A_230 = vector.broadcast %and3A_229 : i32 to vector<16xi32>
      %and3A_231 = arith.andi %add3A_225, %and3A_230 : vector<16xi32>
      %shift_left3A_232 = arith.constant 6 : i32
      %shift_left3A_233 = vector.broadcast %shift_left3A_232 : i32 to vector<16xi32>
      %shift_left3A_234 = arith.shli %and3A_231, %shift_left3A_233 : vector<16xi32>
      %add3A_235 = arith.constant 240 : i32
      %add3A_236 = vector.broadcast %add3A_235 : i32 to vector<16xi32>
      %add3A_237 = arith.addi %iota3A, %add3A_236 : vector<16xi32>
      %shift_right_logical3A_238 = arith.constant 1 : i32
      %shift_right_logical3A_239 = vector.broadcast %shift_right_logical3A_238 : i32 to vector<16xi32>
      %shift_right_logical3A_240 = arith.shrui %add3A_237, %shift_right_logical3A_239 : vector<16xi32>
      %and3A_241 = arith.constant 1 : i32
      %and3A_242 = vector.broadcast %and3A_241 : i32 to vector<16xi32>
      %and3A_243 = arith.andi %add3A_237, %and3A_242 : vector<16xi32>
      %shift_left3A_244 = arith.constant 6 : i32
      %shift_left3A_245 = vector.broadcast %shift_left3A_244 : i32 to vector<16xi32>
      %shift_left3A_246 = arith.shli %and3A_243, %shift_left3A_245 : vector<16xi32>
      %scan3A_247 = arith.constant 0 : i32
      %scan3A_248 = arith.constant 0 : i32
      %scan3A_249 = arith.constant 64 : i32
      %scan3A_250 = arith.addi %scan3A_248, %scan3A_249 : i32
      %scan3A_251 = arith.constant 1 : i32
      scf.for %scan3A_495 = %scan3A_248 to %scan3A_250 step %scan3A_251  : i32 {
        %add3A_496 = vector.broadcast %scan3A_495 : i32 to vector<16xi32>
        %add3A_497 = arith.addi %add3A_496, %iota3A : vector<16xi32>
        %and3A_498 = arith.constant 63 : i32
        %and3A_499 = vector.broadcast %and3A_498 : i32 to vector<16xi32>
        %and3A_500 = arith.andi %add3A_497, %and3A_499 : vector<16xi32>
        %gather3A = tpu.vector_load_idx %arg5[%and3A_500, %add3A_60] : memref<64x256xf32, #tpu.memory_space<vmem>>[vector<16xi32>, vector<16xi32>], vector<16xf32>,
        %gather3A_501 = tpu.vector_load_idx %arg5[%and3A_500, %add3A_69] : memref<64x256xf32, #tpu.memory_space<vmem>>[vector<16xi32>, vector<16xi32>], vector<16xf32>,
        %gather3A_502 = tpu.vector_load_idx %arg5[%and3A_500, %add3A_81] : memref<64x256xf32, #tpu.memory_space<vmem>>[vector<16xi32>, vector<16xi32>], vector<16xf32>,
        %gather3A_503 = tpu.vector_load_idx %arg5[%and3A_500, %add3A_93] : memref<64x256xf32, #tpu.memory_space<vmem>>[vector<16xi32>, vector<16xi32>], vector<16xf32>,
        %gather3A_504 = tpu.vector_load_idx %arg5[%and3A_500, %add3A_105] : memref<64x256xf32, #tpu.memory_space<vmem>>[vector<16xi32>, vector<16xi32>], vector<16xf32>,
        %gather3A_505 = tpu.vector_load_idx %arg5[%and3A_500, %add3A_117] : memref<64x256xf32, #tpu.memory_space<vmem>>[vector<16xi32>, vector<16xi32>], vector<16xf32>,
        %gather3A_506 = tpu.vector_load_idx %arg5[%and3A_500, %add3A_129] : memref<64x256xf32, #tpu.memory_space<vmem>>[vector<16xi32>, vector<16xi32>], vector<16xf32>,
        %gather3A_507 = tpu.vector_load_idx %arg5[%and3A_500, %add3A_141] : memref<64x256xf32, #tpu.memory_space<vmem>>[vector<16xi32>, vector<16xi32>], vector<16xf32>,
        %gather3A_508 = tpu.vector_load_idx %arg5[%and3A_500, %add3A_153] : memref<64x256xf32, #tpu.memory_space<vmem>>[vector<16xi32>, vector<16xi32>], vector<16xf32>,
        %gather3A_509 = tpu.vector_load_idx %arg5[%and3A_500, %add3A_165] : memref<64x256xf32, #tpu.memory_space<vmem>>[vector<16xi32>, vector<16xi32>], vector<16xf32>,
        %gather3A_510 = tpu.vector_load_idx %arg5[%and3A_500, %add3A_177] : memref<64x256xf32, #tpu.memory_space<vmem>>[vector<16xi32>, vector<16xi32>], vector<16xf32>,
        %gather3A_511 = tpu.vector_load_idx %arg5[%and3A_500, %add3A_189] : memref<64x256xf32, #tpu.memory_space<vmem>>[vector<16xi32>, vector<16xi32>], vector<16xf32>,
        %gather3A_512 = tpu.vector_load_idx %arg5[%and3A_500, %add3A_201] : memref<64x256xf32, #tpu.memory_space<vmem>>[vector<16xi32>, vector<16xi32>], vector<16xf32>,
        %gather3A_513 = tpu.vector_load_idx %arg5[%and3A_500, %add3A_213] : memref<64x256xf32, #tpu.memory_space<vmem>>[vector<16xi32>, vector<16xi32>], vector<16xf32>,
        %gather3A_514 = tpu.vector_load_idx %arg5[%and3A_500, %add3A_225] : memref<64x256xf32, #tpu.memory_space<vmem>>[vector<16xi32>, vector<16xi32>], vector<16xf32>,
        %gather3A_515 = tpu.vector_load_idx %arg5[%and3A_500, %add3A_237] : memref<64x256xf32, #tpu.memory_space<vmem>>[vector<16xi32>, vector<16xi32>], vector<16xf32>,
        %add3A_516 = arith.addi %shift_left3A_66, %and3A_500 : vector<16xi32>
        tpu.vector_store_idx %arg7[%shift_right_logical3A_62, %add3A_516], %gather3A : memref<128x128xf32, #tpu.memory_space<vmem>>[vector<16xi32>, vector<16xi32>], vector<16xf32>,
        %add3A_517 = arith.addi %shift_left3A_78, %and3A_500 : vector<16xi32>
        tpu.vector_store_idx %arg7[%shift_right_logical3A_72, %add3A_517], %gather3A_501 : memref<128x128xf32, #tpu.memory_space<vmem>>[vector<16xi32>, vector<16xi32>], vector<16xf32>,
        %add3A_518 = arith.addi %shift_left3A_90, %and3A_500 : vector<16xi32>
        tpu.vector_store_idx %arg7[%shift_right_logical3A_84, %add3A_518], %gather3A_502 : memref<128x128xf32, #tpu.memory_space<vmem>>[vector<16xi32>, vector<16xi32>], vector<16xf32>,
        %add3A_519 = arith.addi %shift_left3A_102, %and3A_500 : vector<16xi32>
        tpu.vector_store_idx %arg7[%shift_right_logical3A_96, %add3A_519], %gather3A_503 : memref<128x128xf32, #tpu.memory_space<vmem>>[vector<16xi32>, vector<16xi32>], vector<16xf32>,
        %add3A_520 = arith.addi %shift_left3A_114, %and3A_500 : vector<16xi32>
        tpu.vector_store_idx %arg7[%shift_right_logical3A_108, %add3A_520], %gather3A_504 : memref<128x128xf32, #tpu.memory_space<vmem>>[vector<16xi32>, vector<16xi32>], vector<16xf32>,
        %add3A_521 = arith.addi %shift_left3A_126, %and3A_500 : vector<16xi32>
        tpu.vector_store_idx %arg7[%shift_right_logical3A_120, %add3A_521], %gather3A_505 : memref<128x128xf32, #tpu.memory_space<vmem>>[vector<16xi32>, vector<16xi32>], vector<16xf32>,
        %add3A_522 = arith.addi %shift_left3A_138, %and3A_500 : vector<16xi32>
        tpu.vector_store_idx %arg7[%shift_right_logical3A_132, %add3A_522], %gather3A_506 : memref<128x128xf32, #tpu.memory_space<vmem>>[vector<16xi32>, vector<16xi32>], vector<16xf32>,
        %add3A_523 = arith.addi %shift_left3A_150, %and3A_500 : vector<16xi32>
        tpu.vector_store_idx %arg7[%shift_right_logical3A_144, %add3A_523], %gather3A_507 : memref<128x128xf32, #tpu.memory_space<vmem>>[vector<16xi32>, vector<16xi32>], vector<16xf32>,
        %add3A_524 = arith.addi %shift_left3A_162, %and3A_500 : vector<16xi32>
        tpu.vector_store_idx %arg7[%shift_right_logical3A_156, %add3A_524], %gather3A_508 : memref<128x128xf32, #tpu.memory_space<vmem>>[vector<16xi32>, vector<16xi32>], vector<16xf32>,
        %add3A_525 = arith.addi %shift_left3A_174, %and3A_500 : vector<16xi32>
        tpu.vector_store_idx %arg7[%shift_right_logical3A_168, %add3A_525], %gather3A_509 : memref<128x128xf32, #tpu.memory_space<vmem>>[vector<16xi32>, vector<16xi32>], vector<16xf32>,
        %add3A_526 = arith.addi %shift_left3A_186, %and3A_500 : vector<16xi32>
        tpu.vector_store_idx %arg7[%shift_right_logical3A_180, %add3A_526], %gather3A_510 : memref<128x128xf32, #tpu.memory_space<vmem>>[vector<16xi32>, vector<16xi32>], vector<16xf32>,
        %add3A_527 = arith.addi %shift_left3A_198, %and3A_500 : vector<16xi32>
        tpu.vector_store_idx %arg7[%shift_right_logical3A_192, %add3A_527], %gather3A_511 : memref<128x128xf32, #tpu.memory_space<vmem>>[vector<16xi32>, vector<16xi32>], vector<16xf32>,
        %add3A_528 = arith.addi %shift_left3A_210, %and3A_500 : vector<16xi32>
        tpu.vector_store_idx %arg7[%shift_right_logical3A_204, %add3A_528], %gather3A_512 : memref<128x128xf32, #tpu.memory_space<vmem>>[vector<16xi32>, vector<16xi32>], vector<16xf32>,
        %add3A_529 = arith.addi %shift_left3A_222, %and3A_500 : vector<16xi32>
        tpu.vector_store_idx %arg7[%shift_right_logical3A_216, %add3A_529], %gather3A_513 : memref<128x128xf32, #tpu.memory_space<vmem>>[vector<16xi32>, vector<16xi32>], vector<16xf32>,
        %add3A_530 = arith.addi %shift_left3A_234, %and3A_500 : vector<16xi32>
        tpu.vector_store_idx %arg7[%shift_right_logical3A_228, %add3A_530], %gather3A_514 : memref<128x128xf32, #tpu.memory_space<vmem>>[vector<16xi32>, vector<16xi32>], vector<16xf32>,
        %add3A_531 = arith.addi %shift_left3A_246, %and3A_500 : vector<16xi32>
        tpu.vector_store_idx %arg7[%shift_right_logical3A_240, %add3A_531], %gather3A_515 : memref<128x128xf32, #tpu.memory_space<vmem>>[vector<16xi32>, vector<16xi32>], vector<16xf32>,
      }
      %scan3A_252 = arith.constant 64 : i32
      %mul3A_253 = arith.constant 128 : i32
      %mul3A_254 = arith.muli %add3A_47, %mul3A_253 : i32
      %dma_start3A_255 = arith.constant 0 : i32
      %dma_start3A_256 = tpu.memref_slice %arg4[%mul3A_254, %dma_start3A_255] : memref<500000x128xf32, #tpu.memory_space<hbm>> -> memref<128x128xf32, #tpu.memory_space<hbm>>
      %dma_start3A_257 = arith.constant 0 : i32
      %dma_start3A_258 = tpu.memref_slice %arg4[%mul3A_254, %dma_start3A_257] : memref<500000x128xf32, #tpu.memory_space<hbm>> -> memref<128x128xf32, #tpu.memory_space<hbm>>
      tpu.enqueue_dma source(%arg7 : memref<128x128xf32, #tpu.memory_space<vmem>>) target(%dma_start3A_258 : memref<128x128xf32, #tpu.memory_space<hbm>>) target_semaphore(%arg12 : memref<!tpu.dma_semaphore, #tpu.memory_space<semaphore_mem>>)
      %add3A_259 = arith.constant 2 : i32
      %add3A_260 = arith.addi %add3A_44, %add3A_259 : i32
      %lt3A_261 = arith.constant 122 : i32
      %lt3A_262 = arith.cmpi slt, %add3A_260, %lt3A_261 : i32
      %convert_element_type3A_263 = arith.extui %lt3A_262 : i1 to i32
      %cond3A_264 = arith.constant 0 : i32
      %cond3A_265 = arith.cmpi ne, %convert_element_type3A_263, %cond3A_264 : i32
      scf.if %cond3A_265 {
        %add3A_495 = arith.constant 2 : i32
        %add3A_496 = arith.addi %add3A_44, %add3A_495 : i32
        %mul3A_497 = arith.constant 32 : i32
        %mul3A_498 = arith.muli %mul3A_497, %add3A_496 : i32
        %add3A_499 = arith.addi %add3A, %mul3A_498 : i32
        %mul3A_500 = arith.constant 256 : i32
        %mul3A_501 = arith.muli %add3A_499, %mul3A_500 : i32
        %dma_start3A_502 = arith.constant 0 : i32
        %dma_start3A_503 = tpu.memref_slice %arg2[%dma_start3A_502, %mul3A_501] : memref<64x1000000xf32, #tpu.memory_space<hbm>> -> memref<64x256xf32, #tpu.memory_space<hbm>>
        %dma_start3A_504 = arith.constant 0 : i32
        %dma_start3A_505 = tpu.memref_slice %arg2[%dma_start3A_504, %mul3A_501] : memref<64x1000000xf32, #tpu.memory_space<hbm>> -> memref<64x256xf32, #tpu.memory_space<hbm>>
        tpu.enqueue_dma source(%dma_start3A_505 : memref<64x256xf32, #tpu.memory_space<hbm>>) target(%arg5 : memref<64x256xf32, #tpu.memory_space<vmem>>) target_semaphore(%arg10 : memref<!tpu.dma_semaphore, #tpu.memory_space<semaphore_mem>>)
      } else {
      }
      %mul3A_266 = arith.constant 2 : i32
      %mul3A_267 = arith.muli %mul3A_266, %scan3A_40 : i32
      %add3A_268 = arith.constant 1 : i32
      %add3A_269 = arith.addi %mul3A_267, %add3A_268 : i32
      %mul3A_270 = arith.constant 32 : i32
      %mul3A_271 = arith.muli %mul3A_270, %add3A_269 : i32
      %add3A_272 = arith.addi %add3A, %mul3A_271 : i32
      %mul3A_273 = arith.constant 256 : i32
      %mul3A_274 = arith.muli %add3A_272, %mul3A_273 : i32
      %dma_wait3A_275 = arith.constant 0 : i32
      %dma_wait3A_276 = tpu.memref_slice %arg2[%dma_wait3A_275, %mul3A_274] : memref<64x1000000xf32, #tpu.memory_space<hbm>> -> memref<64x256xf32, #tpu.memory_space<hbm>>
      %dma_wait3A_277 = arith.constant 0 : i32
      %dma_wait3A_278 = tpu.memref_slice %arg2[%dma_wait3A_277, %mul3A_274] : memref<64x1000000xf32, #tpu.memory_space<hbm>> -> memref<64x256xf32, #tpu.memory_space<hbm>>
      tpu.wait_dma2 semaphore(%arg11 : memref<!tpu.dma_semaphore, #tpu.memory_space<semaphore_mem>>) src(%dma_wait3A_278 : memref<64x256xf32, #tpu.memory_space<hbm>>) dst(%arg6 : memref<64x256xf32, #tpu.memory_space<vmem>>)
      %ge3A_279 = arith.constant 2 : i32
      %ge3A_280 = arith.cmpi sge, %add3A_269, %ge3A_279 : i32
      %convert_element_type3A_281 = arith.extui %ge3A_280 : i1 to i32
      %cond3A_282 = arith.constant 0 : i32
      %cond3A_283 = arith.cmpi ne, %convert_element_type3A_281, %cond3A_282 : i32
      scf.if %cond3A_283 {
        %sub3A = arith.constant 2 : i32
        %sub3A_495 = arith.subi %add3A_269, %sub3A : i32
        %mul3A_496 = arith.constant 32 : i32
        %mul3A_497 = arith.muli %mul3A_496, %sub3A_495 : i32
        %add3A_498 = arith.addi %add3A, %mul3A_497 : i32
        %mul3A_499 = arith.constant 128 : i32
        %mul3A_500 = arith.muli %add3A_498, %mul3A_499 : i32
        %dma_wait3A_501 = arith.constant 0 : i32
        %dma_wait3A_502 = tpu.memref_slice %arg4[%mul3A_500, %dma_wait3A_501] : memref<500000x128xf32, #tpu.memory_space<hbm>> -> memref<128x128xf32, #tpu.memory_space<hbm>>
        %dma_wait3A_503 = arith.constant 0 : i32
        %dma_wait3A_504 = tpu.memref_slice %arg4[%mul3A_500, %dma_wait3A_503] : memref<500000x128xf32, #tpu.memory_space<hbm>> -> memref<128x128xf32, #tpu.memory_space<hbm>>
        tpu.wait_dma2 semaphore(%arg13 : memref<!tpu.dma_semaphore, #tpu.memory_space<semaphore_mem>>) src(%arg8 : memref<128x128xf32, #tpu.memory_space<vmem>>) dst(%dma_wait3A_504 : memref<128x128xf32, #tpu.memory_space<hbm>>)
      } else {
      }
      %add3A_284 = arith.constant 0 : i32
      %add3A_285 = vector.broadcast %add3A_284 : i32 to vector<16xi32>
      %add3A_286 = arith.addi %iota3A, %add3A_285 : vector<16xi32>
      %shift_right_logical3A_287 = arith.constant 1 : i32
      %shift_right_logical3A_288 = vector.broadcast %shift_right_logical3A_287 : i32 to vector<16xi32>
      %shift_right_logical3A_289 = arith.shrui %add3A_286, %shift_right_logical3A_288 : vector<16xi32>
      %and3A_290 = arith.constant 1 : i32
      %and3A_291 = vector.broadcast %and3A_290 : i32 to vector<16xi32>
      %and3A_292 = arith.andi %add3A_286, %and3A_291 : vector<16xi32>
      %shift_left3A_293 = arith.constant 6 : i32
      %shift_left3A_294 = vector.broadcast %shift_left3A_293 : i32 to vector<16xi32>
      %shift_left3A_295 = arith.shli %and3A_292, %shift_left3A_294 : vector<16xi32>
      %add3A_296 = arith.constant 16 : i32
      %add3A_297 = vector.broadcast %add3A_296 : i32 to vector<16xi32>
      %add3A_298 = arith.addi %iota3A, %add3A_297 : vector<16xi32>
      %shift_right_logical3A_299 = arith.constant 1 : i32
      %shift_right_logical3A_300 = vector.broadcast %shift_right_logical3A_299 : i32 to vector<16xi32>
      %shift_right_logical3A_301 = arith.shrui %add3A_298, %shift_right_logical3A_300 : vector<16xi32>
      %and3A_302 = arith.constant 1 : i32
      %and3A_303 = vector.broadcast %and3A_302 : i32 to vector<16xi32>
      %and3A_304 = arith.andi %add3A_298, %and3A_303 : vector<16xi32>
      %shift_left3A_305 = arith.constant 6 : i32
      %shift_left3A_306 = vector.broadcast %shift_left3A_305 : i32 to vector<16xi32>
      %shift_left3A_307 = arith.shli %and3A_304, %shift_left3A_306 : vector<16xi32>
      %add3A_308 = arith.constant 32 : i32
      %add3A_309 = vector.broadcast %add3A_308 : i32 to vector<16xi32>
      %add3A_310 = arith.addi %iota3A, %add3A_309 : vector<16xi32>
      %shift_right_logical3A_311 = arith.constant 1 : i32
      %shift_right_logical3A_312 = vector.broadcast %shift_right_logical3A_311 : i32 to vector<16xi32>
      %shift_right_logical3A_313 = arith.shrui %add3A_310, %shift_right_logical3A_312 : vector<16xi32>
      %and3A_314 = arith.constant 1 : i32
      %and3A_315 = vector.broadcast %and3A_314 : i32 to vector<16xi32>
      %and3A_316 = arith.andi %add3A_310, %and3A_315 : vector<16xi32>
      %shift_left3A_317 = arith.constant 6 : i32
      %shift_left3A_318 = vector.broadcast %shift_left3A_317 : i32 to vector<16xi32>
      %shift_left3A_319 = arith.shli %and3A_316, %shift_left3A_318 : vector<16xi32>
      %add3A_320 = arith.constant 48 : i32
      %add3A_321 = vector.broadcast %add3A_320 : i32 to vector<16xi32>
      %add3A_322 = arith.addi %iota3A, %add3A_321 : vector<16xi32>
      %shift_right_logical3A_323 = arith.constant 1 : i32
      %shift_right_logical3A_324 = vector.broadcast %shift_right_logical3A_323 : i32 to vector<16xi32>
      %shift_right_logical3A_325 = arith.shrui %add3A_322, %shift_right_logical3A_324 : vector<16xi32>
      %and3A_326 = arith.constant 1 : i32
      %and3A_327 = vector.broadcast %and3A_326 : i32 to vector<16xi32>
      %and3A_328 = arith.andi %add3A_322, %and3A_327 : vector<16xi32>
      %shift_left3A_329 = arith.constant 6 : i32
      %shift_left3A_330 = vector.broadcast %shift_left3A_329 : i32 to vector<16xi32>
      %shift_left3A_331 = arith.shli %and3A_328, %shift_left3A_330 : vector<16xi32>
      %add3A_332 = arith.constant 64 : i32
      %add3A_333 = vector.broadcast %add3A_332 : i32 to vector<16xi32>
      %add3A_334 = arith.addi %iota3A, %add3A_333 : vector<16xi32>
      %shift_right_logical3A_335 = arith.constant 1 : i32
      %shift_right_logical3A_336 = vector.broadcast %shift_right_logical3A_335 : i32 to vector<16xi32>
      %shift_right_logical3A_337 = arith.shrui %add3A_334, %shift_right_logical3A_336 : vector<16xi32>
      %and3A_338 = arith.constant 1 : i32
      %and3A_339 = vector.broadcast %and3A_338 : i32 to vector<16xi32>
      %and3A_340 = arith.andi %add3A_334, %and3A_339 : vector<16xi32>
      %shift_left3A_341 = arith.constant 6 : i32
      %shift_left3A_342 = vector.broadcast %shift_left3A_341 : i32 to vector<16xi32>
      %shift_left3A_343 = arith.shli %and3A_340, %shift_left3A_342 : vector<16xi32>
      %add3A_344 = arith.constant 80 : i32
      %add3A_345 = vector.broadcast %add3A_344 : i32 to vector<16xi32>
      %add3A_346 = arith.addi %iota3A, %add3A_345 : vector<16xi32>
      %shift_right_logical3A_347 = arith.constant 1 : i32
      %shift_right_logical3A_348 = vector.broadcast %shift_right_logical3A_347 : i32 to vector<16xi32>
      %shift_right_logical3A_349 = arith.shrui %add3A_346, %shift_right_logical3A_348 : vector<16xi32>
      %and3A_350 = arith.constant 1 : i32
      %and3A_351 = vector.broadcast %and3A_350 : i32 to vector<16xi32>
      %and3A_352 = arith.andi %add3A_346, %and3A_351 : vector<16xi32>
      %shift_left3A_353 = arith.constant 6 : i32
      %shift_left3A_354 = vector.broadcast %shift_left3A_353 : i32 to vector<16xi32>
      %shift_left3A_355 = arith.shli %and3A_352, %shift_left3A_354 : vector<16xi32>
      %add3A_356 = arith.constant 96 : i32
      %add3A_357 = vector.broadcast %add3A_356 : i32 to vector<16xi32>
      %add3A_358 = arith.addi %iota3A, %add3A_357 : vector<16xi32>
      %shift_right_logical3A_359 = arith.constant 1 : i32
      %shift_right_logical3A_360 = vector.broadcast %shift_right_logical3A_359 : i32 to vector<16xi32>
      %shift_right_logical3A_361 = arith.shrui %add3A_358, %shift_right_logical3A_360 : vector<16xi32>
      %and3A_362 = arith.constant 1 : i32
      %and3A_363 = vector.broadcast %and3A_362 : i32 to vector<16xi32>
      %and3A_364 = arith.andi %add3A_358, %and3A_363 : vector<16xi32>
      %shift_left3A_365 = arith.constant 6 : i32
      %shift_left3A_366 = vector.broadcast %shift_left3A_365 : i32 to vector<16xi32>
      %shift_left3A_367 = arith.shli %and3A_364, %shift_left3A_366 : vector<16xi32>
      %add3A_368 = arith.constant 112 : i32
      %add3A_369 = vector.broadcast %add3A_368 : i32 to vector<16xi32>
      %add3A_370 = arith.addi %iota3A, %add3A_369 : vector<16xi32>
      %shift_right_logical3A_371 = arith.constant 1 : i32
      %shift_right_logical3A_372 = vector.broadcast %shift_right_logical3A_371 : i32 to vector<16xi32>
      %shift_right_logical3A_373 = arith.shrui %add3A_370, %shift_right_logical3A_372 : vector<16xi32>
      %and3A_374 = arith.constant 1 : i32
      %and3A_375 = vector.broadcast %and3A_374 : i32 to vector<16xi32>
      %and3A_376 = arith.andi %add3A_370, %and3A_375 : vector<16xi32>
      %shift_left3A_377 = arith.constant 6 : i32
      %shift_left3A_378 = vector.broadcast %shift_left3A_377 : i32 to vector<16xi32>
      %shift_left3A_379 = arith.shli %and3A_376, %shift_left3A_378 : vector<16xi32>
      %add3A_380 = arith.constant 128 : i32
      %add3A_381 = vector.broadcast %add3A_380 : i32 to vector<16xi32>
      %add3A_382 = arith.addi %iota3A, %add3A_381 : vector<16xi32>
      %shift_right_logical3A_383 = arith.constant 1 : i32
      %shift_right_logical3A_384 = vector.broadcast %shift_right_logical3A_383 : i32 to vector<16xi32>
      %shift_right_logical3A_385 = arith.shrui %add3A_382, %shift_right_logical3A_384 : vector<16xi32>
      %and3A_386 = arith.constant 1 : i32
      %and3A_387 = vector.broadcast %and3A_386 : i32 to vector<16xi32>
      %and3A_388 = arith.andi %add3A_382, %and3A_387 : vector<16xi32>
      %shift_left3A_389 = arith.constant 6 : i32
      %shift_left3A_390 = vector.broadcast %shift_left3A_389 : i32 to vector<16xi32>
      %shift_left3A_391 = arith.shli %and3A_388, %shift_left3A_390 : vector<16xi32>
      %add3A_392 = arith.constant 144 : i32
      %add3A_393 = vector.broadcast %add3A_392 : i32 to vector<16xi32>
      %add3A_394 = arith.addi %iota3A, %add3A_393 : vector<16xi32>
      %shift_right_logical3A_395 = arith.constant 1 : i32
      %shift_right_logical3A_396 = vector.broadcast %shift_right_logical3A_395 : i32 to vector<16xi32>
      %shift_right_logical3A_397 = arith.shrui %add3A_394, %shift_right_logical3A_396 : vector<16xi32>
      %and3A_398 = arith.constant 1 : i32
      %and3A_399 = vector.broadcast %and3A_398 : i32 to vector<16xi32>
      %and3A_400 = arith.andi %add3A_394, %and3A_399 : vector<16xi32>
      %shift_left3A_401 = arith.constant 6 : i32
      %shift_left3A_402 = vector.broadcast %shift_left3A_401 : i32 to vector<16xi32>
      %shift_left3A_403 = arith.shli %and3A_400, %shift_left3A_402 : vector<16xi32>
      %add3A_404 = arith.constant 160 : i32
      %add3A_405 = vector.broadcast %add3A_404 : i32 to vector<16xi32>
      %add3A_406 = arith.addi %iota3A, %add3A_405 : vector<16xi32>
      %shift_right_logical3A_407 = arith.constant 1 : i32
      %shift_right_logical3A_408 = vector.broadcast %shift_right_logical3A_407 : i32 to vector<16xi32>
      %shift_right_logical3A_409 = arith.shrui %add3A_406, %shift_right_logical3A_408 : vector<16xi32>
      %and3A_410 = arith.constant 1 : i32
      %and3A_411 = vector.broadcast %and3A_410 : i32 to vector<16xi32>
      %and3A_412 = arith.andi %add3A_406, %and3A_411 : vector<16xi32>
      %shift_left3A_413 = arith.constant 6 : i32
      %shift_left3A_414 = vector.broadcast %shift_left3A_413 : i32 to vector<16xi32>
      %shift_left3A_415 = arith.shli %and3A_412, %shift_left3A_414 : vector<16xi32>
      %add3A_416 = arith.constant 176 : i32
      %add3A_417 = vector.broadcast %add3A_416 : i32 to vector<16xi32>
      %add3A_418 = arith.addi %iota3A, %add3A_417 : vector<16xi32>
      %shift_right_logical3A_419 = arith.constant 1 : i32
      %shift_right_logical3A_420 = vector.broadcast %shift_right_logical3A_419 : i32 to vector<16xi32>
      %shift_right_logical3A_421 = arith.shrui %add3A_418, %shift_right_logical3A_420 : vector<16xi32>
      %and3A_422 = arith.constant 1 : i32
      %and3A_423 = vector.broadcast %and3A_422 : i32 to vector<16xi32>
      %and3A_424 = arith.andi %add3A_418, %and3A_423 : vector<16xi32>
      %shift_left3A_425 = arith.constant 6 : i32
      %shift_left3A_426 = vector.broadcast %shift_left3A_425 : i32 to vector<16xi32>
      %shift_left3A_427 = arith.shli %and3A_424, %shift_left3A_426 : vector<16xi32>
      %add3A_428 = arith.constant 192 : i32
      %add3A_429 = vector.broadcast %add3A_428 : i32 to vector<16xi32>
      %add3A_430 = arith.addi %iota3A, %add3A_429 : vector<16xi32>
      %shift_right_logical3A_431 = arith.constant 1 : i32
      %shift_right_logical3A_432 = vector.broadcast %shift_right_logical3A_431 : i32 to vector<16xi32>
      %shift_right_logical3A_433 = arith.shrui %add3A_430, %shift_right_logical3A_432 : vector<16xi32>
      %and3A_434 = arith.constant 1 : i32
      %and3A_435 = vector.broadcast %and3A_434 : i32 to vector<16xi32>
      %and3A_436 = arith.andi %add3A_430, %and3A_435 : vector<16xi32>
      %shift_left3A_437 = arith.constant 6 : i32
      %shift_left3A_438 = vector.broadcast %shift_left3A_437 : i32 to vector<16xi32>
      %shift_left3A_439 = arith.shli %and3A_436, %shift_left3A_438 : vector<16xi32>
      %add3A_440 = arith.constant 208 : i32
      %add3A_441 = vector.broadcast %add3A_440 : i32 to vector<16xi32>
      %add3A_442 = arith.addi %iota3A, %add3A_441 : vector<16xi32>
      %shift_right_logical3A_443 = arith.constant 1 : i32
      %shift_right_logical3A_444 = vector.broadcast %shift_right_logical3A_443 : i32 to vector<16xi32>
      %shift_right_logical3A_445 = arith.shrui %add3A_442, %shift_right_logical3A_444 : vector<16xi32>
      %and3A_446 = arith.constant 1 : i32
      %and3A_447 = vector.broadcast %and3A_446 : i32 to vector<16xi32>
      %and3A_448 = arith.andi %add3A_442, %and3A_447 : vector<16xi32>
      %shift_left3A_449 = arith.constant 6 : i32
      %shift_left3A_450 = vector.broadcast %shift_left3A_449 : i32 to vector<16xi32>
      %shift_left3A_451 = arith.shli %and3A_448, %shift_left3A_450 : vector<16xi32>
      %add3A_452 = arith.constant 224 : i32
      %add3A_453 = vector.broadcast %add3A_452 : i32 to vector<16xi32>
      %add3A_454 = arith.addi %iota3A, %add3A_453 : vector<16xi32>
      %shift_right_logical3A_455 = arith.constant 1 : i32
      %shift_right_logical3A_456 = vector.broadcast %shift_right_logical3A_455 : i32 to vector<16xi32>
      %shift_right_logical3A_457 = arith.shrui %add3A_454, %shift_right_logical3A_456 : vector<16xi32>
      %and3A_458 = arith.constant 1 : i32
      %and3A_459 = vector.broadcast %and3A_458 : i32 to vector<16xi32>
      %and3A_460 = arith.andi %add3A_454, %and3A_459 : vector<16xi32>
      %shift_left3A_461 = arith.constant 6 : i32
      %shift_left3A_462 = vector.broadcast %shift_left3A_461 : i32 to vector<16xi32>
      %shift_left3A_463 = arith.shli %and3A_460, %shift_left3A_462 : vector<16xi32>
      %add3A_464 = arith.constant 240 : i32
      %add3A_465 = vector.broadcast %add3A_464 : i32 to vector<16xi32>
      %add3A_466 = arith.addi %iota3A, %add3A_465 : vector<16xi32>
      %shift_right_logical3A_467 = arith.constant 1 : i32
      %shift_right_logical3A_468 = vector.broadcast %shift_right_logical3A_467 : i32 to vector<16xi32>
      %shift_right_logical3A_469 = arith.shrui %add3A_466, %shift_right_logical3A_468 : vector<16xi32>
      %and3A_470 = arith.constant 1 : i32
      %and3A_471 = vector.broadcast %and3A_470 : i32 to vector<16xi32>
      %and3A_472 = arith.andi %add3A_466, %and3A_471 : vector<16xi32>
      %shift_left3A_473 = arith.constant 6 : i32
      %shift_left3A_474 = vector.broadcast %shift_left3A_473 : i32 to vector<16xi32>
      %shift_left3A_475 = arith.shli %and3A_472, %shift_left3A_474 : vector<16xi32>
      %scan3A_476 = arith.constant 0 : i32
      %scan3A_477 = arith.constant 0 : i32
      %scan3A_478 = arith.constant 64 : i32
      %scan3A_479 = arith.addi %scan3A_477, %scan3A_478 : i32
      %scan3A_480 = arith.constant 1 : i32
      scf.for %scan3A_495 = %scan3A_477 to %scan3A_479 step %scan3A_480  : i32 {
        %add3A_496 = vector.broadcast %scan3A_495 : i32 to vector<16xi32>
        %add3A_497 = arith.addi %add3A_496, %iota3A : vector<16xi32>
        %and3A_498 = arith.constant 63 : i32
        %and3A_499 = vector.broadcast %and3A_498 : i32 to vector<16xi32>
        %and3A_500 = arith.andi %add3A_497, %and3A_499 : vector<16xi32>
        %gather3A = tpu.vector_load_idx %arg6[%and3A_500, %add3A_286] : memref<64x256xf32, #tpu.memory_space<vmem>>[vector<16xi32>, vector<16xi32>], vector<16xf32>,
        %gather3A_501 = tpu.vector_load_idx %arg6[%and3A_500, %add3A_298] : memref<64x256xf32, #tpu.memory_space<vmem>>[vector<16xi32>, vector<16xi32>], vector<16xf32>,
        %gather3A_502 = tpu.vector_load_idx %arg6[%and3A_500, %add3A_310] : memref<64x256xf32, #tpu.memory_space<vmem>>[vector<16xi32>, vector<16xi32>], vector<16xf32>,
        %gather3A_503 = tpu.vector_load_idx %arg6[%and3A_500, %add3A_322] : memref<64x256xf32, #tpu.memory_space<vmem>>[vector<16xi32>, vector<16xi32>], vector<16xf32>,
        %gather3A_504 = tpu.vector_load_idx %arg6[%and3A_500, %add3A_334] : memref<64x256xf32, #tpu.memory_space<vmem>>[vector<16xi32>, vector<16xi32>], vector<16xf32>,
        %gather3A_505 = tpu.vector_load_idx %arg6[%and3A_500, %add3A_346] : memref<64x256xf32, #tpu.memory_space<vmem>>[vector<16xi32>, vector<16xi32>], vector<16xf32>,
        %gather3A_506 = tpu.vector_load_idx %arg6[%and3A_500, %add3A_358] : memref<64x256xf32, #tpu.memory_space<vmem>>[vector<16xi32>, vector<16xi32>], vector<16xf32>,
        %gather3A_507 = tpu.vector_load_idx %arg6[%and3A_500, %add3A_370] : memref<64x256xf32, #tpu.memory_space<vmem>>[vector<16xi32>, vector<16xi32>], vector<16xf32>,
        %gather3A_508 = tpu.vector_load_idx %arg6[%and3A_500, %add3A_382] : memref<64x256xf32, #tpu.memory_space<vmem>>[vector<16xi32>, vector<16xi32>], vector<16xf32>,
        %gather3A_509 = tpu.vector_load_idx %arg6[%and3A_500, %add3A_394] : memref<64x256xf32, #tpu.memory_space<vmem>>[vector<16xi32>, vector<16xi32>], vector<16xf32>,
        %gather3A_510 = tpu.vector_load_idx %arg6[%and3A_500, %add3A_406] : memref<64x256xf32, #tpu.memory_space<vmem>>[vector<16xi32>, vector<16xi32>], vector<16xf32>,
        %gather3A_511 = tpu.vector_load_idx %arg6[%and3A_500, %add3A_418] : memref<64x256xf32, #tpu.memory_space<vmem>>[vector<16xi32>, vector<16xi32>], vector<16xf32>,
        %gather3A_512 = tpu.vector_load_idx %arg6[%and3A_500, %add3A_430] : memref<64x256xf32, #tpu.memory_space<vmem>>[vector<16xi32>, vector<16xi32>], vector<16xf32>,
        %gather3A_513 = tpu.vector_load_idx %arg6[%and3A_500, %add3A_442] : memref<64x256xf32, #tpu.memory_space<vmem>>[vector<16xi32>, vector<16xi32>], vector<16xf32>,
        %gather3A_514 = tpu.vector_load_idx %arg6[%and3A_500, %add3A_454] : memref<64x256xf32, #tpu.memory_space<vmem>>[vector<16xi32>, vector<16xi32>], vector<16xf32>,
        %gather3A_515 = tpu.vector_load_idx %arg6[%and3A_500, %add3A_466] : memref<64x256xf32, #tpu.memory_space<vmem>>[vector<16xi32>, vector<16xi32>], vector<16xf32>,
        %add3A_516 = arith.addi %shift_left3A_295, %and3A_500 : vector<16xi32>
        tpu.vector_store_idx %arg8[%shift_right_logical3A_289, %add3A_516], %gather3A : memref<128x128xf32, #tpu.memory_space<vmem>>[vector<16xi32>, vector<16xi32>], vector<16xf32>,
        %add3A_517 = arith.addi %shift_left3A_307, %and3A_500 : vector<16xi32>
        tpu.vector_store_idx %arg8[%shift_right_logical3A_301, %add3A_517], %gather3A_501 : memref<128x128xf32, #tpu.memory_space<vmem>>[vector<16xi32>, vector<16xi32>], vector<16xf32>,
        %add3A_518 = arith.addi %shift_left3A_319, %and3A_500 : vector<16xi32>
        tpu.vector_store_idx %arg8[%shift_right_logical3A_313, %add3A_518], %gather3A_502 : memref<128x128xf32, #tpu.memory_space<vmem>>[vector<16xi32>, vector<16xi32>], vector<16xf32>,
        %add3A_519 = arith.addi %shift_left3A_331, %and3A_500 : vector<16xi32>
        tpu.vector_store_idx %arg8[%shift_right_logical3A_325, %add3A_519], %gather3A_503 : memref<128x128xf32, #tpu.memory_space<vmem>>[vector<16xi32>, vector<16xi32>], vector<16xf32>,
        %add3A_520 = arith.addi %shift_left3A_343, %and3A_500 : vector<16xi32>
        tpu.vector_store_idx %arg8[%shift_right_logical3A_337, %add3A_520], %gather3A_504 : memref<128x128xf32, #tpu.memory_space<vmem>>[vector<16xi32>, vector<16xi32>], vector<16xf32>,
        %add3A_521 = arith.addi %shift_left3A_355, %and3A_500 : vector<16xi32>
        tpu.vector_store_idx %arg8[%shift_right_logical3A_349, %add3A_521], %gather3A_505 : memref<128x128xf32, #tpu.memory_space<vmem>>[vector<16xi32>, vector<16xi32>], vector<16xf32>,
        %add3A_522 = arith.addi %shift_left3A_367, %and3A_500 : vector<16xi32>
        tpu.vector_store_idx %arg8[%shift_right_logical3A_361, %add3A_522], %gather3A_506 : memref<128x128xf32, #tpu.memory_space<vmem>>[vector<16xi32>, vector<16xi32>], vector<16xf32>,
        %add3A_523 = arith.addi %shift_left3A_379, %and3A_500 : vector<16xi32>
        tpu.vector_store_idx %arg8[%shift_right_logical3A_373, %add3A_523], %gather3A_507 : memref<128x128xf32, #tpu.memory_space<vmem>>[vector<16xi32>, vector<16xi32>], vector<16xf32>,
        %add3A_524 = arith.addi %shift_left3A_391, %and3A_500 : vector<16xi32>
        tpu.vector_store_idx %arg8[%shift_right_logical3A_385, %add3A_524], %gather3A_508 : memref<128x128xf32, #tpu.memory_space<vmem>>[vector<16xi32>, vector<16xi32>], vector<16xf32>,
        %add3A_525 = arith.addi %shift_left3A_403, %and3A_500 : vector<16xi32>
        tpu.vector_store_idx %arg8[%shift_right_logical3A_397, %add3A_525], %gather3A_509 : memref<128x128xf32, #tpu.memory_space<vmem>>[vector<16xi32>, vector<16xi32>], vector<16xf32>,
        %add3A_526 = arith.addi %shift_left3A_415, %and3A_500 : vector<16xi32>
        tpu.vector_store_idx %arg8[%shift_right_logical3A_409, %add3A_526], %gather3A_510 : memref<128x128xf32, #tpu.memory_space<vmem>>[vector<16xi32>, vector<16xi32>], vector<16xf32>,
        %add3A_527 = arith.addi %shift_left3A_427, %and3A_500 : vector<16xi32>
        tpu.vector_store_idx %arg8[%shift_right_logical3A_421, %add3A_527], %gather3A_511 : memref<128x128xf32, #tpu.memory_space<vmem>>[vector<16xi32>, vector<16xi32>], vector<16xf32>,
        %add3A_528 = arith.addi %shift_left3A_439, %and3A_500 : vector<16xi32>
        tpu.vector_store_idx %arg8[%shift_right_logical3A_433, %add3A_528], %gather3A_512 : memref<128x128xf32, #tpu.memory_space<vmem>>[vector<16xi32>, vector<16xi32>], vector<16xf32>,
        %add3A_529 = arith.addi %shift_left3A_451, %and3A_500 : vector<16xi32>
        tpu.vector_store_idx %arg8[%shift_right_logical3A_445, %add3A_529], %gather3A_513 : memref<128x128xf32, #tpu.memory_space<vmem>>[vector<16xi32>, vector<16xi32>], vector<16xf32>,
        %add3A_530 = arith.addi %shift_left3A_463, %and3A_500 : vector<16xi32>
        tpu.vector_store_idx %arg8[%shift_right_logical3A_457, %add3A_530], %gather3A_514 : memref<128x128xf32, #tpu.memory_space<vmem>>[vector<16xi32>, vector<16xi32>], vector<16xf32>,
        %add3A_531 = arith.addi %shift_left3A_475, %and3A_500 : vector<16xi32>
        tpu.vector_store_idx %arg8[%shift_right_logical3A_469, %add3A_531], %gather3A_515 : memref<128x128xf32, #tpu.memory_space<vmem>>[vector<16xi32>, vector<16xi32>], vector<16xf32>,
      }
      %scan3A_481 = arith.constant 64 : i32
      %mul3A_482 = arith.constant 128 : i32
      %mul3A_483 = arith.muli %add3A_272, %mul3A_482 : i32
      %dma_start3A_484 = arith.constant 0 : i32
      %dma_start3A_485 = tpu.memref_slice %arg4[%mul3A_483, %dma_start3A_484] : memref<500000x128xf32, #tpu.memory_space<hbm>> -> memref<128x128xf32, #tpu.memory_space<hbm>>
      %dma_start3A_486 = arith.constant 0 : i32
      %dma_start3A_487 = tpu.memref_slice %arg4[%mul3A_483, %dma_start3A_486] : memref<500000x128xf32, #tpu.memory_space<hbm>> -> memref<128x128xf32, #tpu.memory_space<hbm>>
      tpu.enqueue_dma source(%arg8 : memref<128x128xf32, #tpu.memory_space<vmem>>) target(%dma_start3A_487 : memref<128x128xf32, #tpu.memory_space<hbm>>) target_semaphore(%arg13 : memref<!tpu.dma_semaphore, #tpu.memory_space<semaphore_mem>>)
      %add3A_488 = arith.constant 2 : i32
      %add3A_489 = arith.addi %add3A_269, %add3A_488 : i32
      %lt3A_490 = arith.constant 122 : i32
      %lt3A_491 = arith.cmpi slt, %add3A_489, %lt3A_490 : i32
      %convert_element_type3A_492 = arith.extui %lt3A_491 : i1 to i32
      %cond3A_493 = arith.constant 0 : i32
      %cond3A_494 = arith.cmpi ne, %convert_element_type3A_492, %cond3A_493 : i32
      scf.if %cond3A_494 {
        %add3A_495 = arith.constant 2 : i32
        %add3A_496 = arith.addi %add3A_269, %add3A_495 : i32
        %mul3A_497 = arith.constant 32 : i32
        %mul3A_498 = arith.muli %mul3A_497, %add3A_496 : i32
        %add3A_499 = arith.addi %add3A, %mul3A_498 : i32
        %mul3A_500 = arith.constant 256 : i32
        %mul3A_501 = arith.muli %add3A_499, %mul3A_500 : i32
        %dma_start3A_502 = arith.constant 0 : i32
        %dma_start3A_503 = tpu.memref_slice %arg2[%dma_start3A_502, %mul3A_501] : memref<64x1000000xf32, #tpu.memory_space<hbm>> -> memref<64x256xf32, #tpu.memory_space<hbm>>
        %dma_start3A_504 = arith.constant 0 : i32
        %dma_start3A_505 = tpu.memref_slice %arg2[%dma_start3A_504, %mul3A_501] : memref<64x1000000xf32, #tpu.memory_space<hbm>> -> memref<64x256xf32, #tpu.memory_space<hbm>>
        tpu.enqueue_dma source(%dma_start3A_505 : memref<64x256xf32, #tpu.memory_space<hbm>>) target(%arg6 : memref<64x256xf32, #tpu.memory_space<vmem>>) target_semaphore(%arg11 : memref<!tpu.dma_semaphore, #tpu.memory_space<semaphore_mem>>)
      } else {
      }
    }
    %scan3A_18 = arith.constant 61 : i32
    %add3A_19 = arith.constant 3840 : i32
    %add3A_20 = arith.addi %add3A, %add3A_19 : i32
    %mul3A_21 = arith.constant 128 : i32
    %mul3A_22 = arith.muli %add3A_20, %mul3A_21 : i32
    %dma_wait3A = arith.constant 0 : i32
    %dma_wait3A_23 = tpu.memref_slice %arg4[%mul3A_22, %dma_wait3A] : memref<500000x128xf32, #tpu.memory_space<hbm>> -> memref<128x128xf32, #tpu.memory_space<hbm>>
    %dma_wait3A_24 = arith.constant 0 : i32
    %dma_wait3A_25 = tpu.memref_slice %arg4[%mul3A_22, %dma_wait3A_24] : memref<500000x128xf32, #tpu.memory_space<hbm>> -> memref<128x128xf32, #tpu.memory_space<hbm>>
    tpu.wait_dma2 semaphore(%arg12 : memref<!tpu.dma_semaphore, #tpu.memory_space<semaphore_mem>>) src(%arg7 : memref<128x128xf32, #tpu.memory_space<vmem>>) dst(%dma_wait3A_25 : memref<128x128xf32, #tpu.memory_space<hbm>>)
    %add3A_26 = arith.constant 3872 : i32
    %add3A_27 = arith.addi %add3A, %add3A_26 : i32
    %mul3A_28 = arith.constant 128 : i32
    %mul3A_29 = arith.muli %add3A_27, %mul3A_28 : i32
    %dma_wait3A_30 = arith.constant 0 : i32
    %dma_wait3A_31 = tpu.memref_slice %arg4[%mul3A_29, %dma_wait3A_30] : memref<500000x128xf32, #tpu.memory_space<hbm>> -> memref<128x128xf32, #tpu.memory_space<hbm>>
    %dma_wait3A_32 = arith.constant 0 : i32
    %dma_wait3A_33 = tpu.memref_slice %arg4[%mul3A_29, %dma_wait3A_32] : memref<500000x128xf32, #tpu.memory_space<hbm>> -> memref<128x128xf32, #tpu.memory_space<hbm>>
    tpu.wait_dma2 semaphore(%arg13 : memref<!tpu.dma_semaphore, #tpu.memory_space<semaphore_mem>>) src(%arg8 : memref<128x128xf32, #tpu.memory_space<vmem>>) dst(%dma_wait3A_33 : memref<128x128xf32, #tpu.memory_space<hbm>>)
    %lt3A = arith.constant 2 : i32
    %lt3A_34 = arith.cmpi slt, %add3A, %lt3A : i32
    %convert_element_type3A = arith.extui %lt3A_34 : i1 to i32
    %cond3A = arith.constant 0 : i32
    %cond3A_35 = arith.cmpi ne, %convert_element_type3A, %cond3A : i32
    scf.if %cond3A_35 {
      %add3A_40 = arith.constant 3904 : i32
      %add3A_41 = arith.addi %add3A_40, %add3A : i32
      %mul3A_42 = arith.constant 256 : i32
      %mul3A_43 = arith.muli %add3A_41, %mul3A_42 : i32
      %dma_start3A_44 = arith.constant 0 : i32
      %dma_start3A_45 = tpu.memref_slice %arg2[%dma_start3A_44, %mul3A_43] : memref<64x1000000xf32, #tpu.memory_space<hbm>> -> memref<64x256xf32, #tpu.memory_space<hbm>>
      %dma_start3A_46 = arith.constant 0 : i32
      %dma_start3A_47 = tpu.memref_slice %arg2[%dma_start3A_46, %mul3A_43] : memref<64x1000000xf32, #tpu.memory_space<hbm>> -> memref<64x256xf32, #tpu.memory_space<hbm>>
      tpu.enqueue_dma source(%dma_start3A_47 : memref<64x256xf32, #tpu.memory_space<hbm>>) target(%arg5 : memref<64x256xf32, #tpu.memory_space<vmem>>) target_semaphore(%arg10 : memref<!tpu.dma_semaphore, #tpu.memory_space<semaphore_mem>>)
      %mul3A_48 = arith.constant 256 : i32
      %mul3A_49 = arith.muli %add3A_41, %mul3A_48 : i32
      %dma_wait3A_50 = arith.constant 0 : i32
      %dma_wait3A_51 = tpu.memref_slice %arg2[%dma_wait3A_50, %mul3A_49] : memref<64x1000000xf32, #tpu.memory_space<hbm>> -> memref<64x256xf32, #tpu.memory_space<hbm>>
      %dma_wait3A_52 = arith.constant 0 : i32
      %dma_wait3A_53 = tpu.memref_slice %arg2[%dma_wait3A_52, %mul3A_49] : memref<64x1000000xf32, #tpu.memory_space<hbm>> -> memref<64x256xf32, #tpu.memory_space<hbm>>
      tpu.wait_dma2 semaphore(%arg10 : memref<!tpu.dma_semaphore, #tpu.memory_space<semaphore_mem>>) src(%dma_wait3A_53 : memref<64x256xf32, #tpu.memory_space<hbm>>) dst(%arg5 : memref<64x256xf32, #tpu.memory_space<vmem>>)
      %add3A_54 = arith.constant 0 : i32
      %add3A_55 = vector.broadcast %add3A_54 : i32 to vector<16xi32>
      %add3A_56 = arith.addi %iota3A, %add3A_55 : vector<16xi32>
      %shift_right_logical3A = arith.constant 1 : i32
      %shift_right_logical3A_57 = vector.broadcast %shift_right_logical3A : i32 to vector<16xi32>
      %shift_right_logical3A_58 = arith.shrui %add3A_56, %shift_right_logical3A_57 : vector<16xi32>
      %and3A = arith.constant 1 : i32
      %and3A_59 = vector.broadcast %and3A : i32 to vector<16xi32>
      %and3A_60 = arith.andi %add3A_56, %and3A_59 : vector<16xi32>
      %shift_left3A = arith.constant 6 : i32
      %shift_left3A_61 = vector.broadcast %shift_left3A : i32 to vector<16xi32>
      %shift_left3A_62 = arith.shli %and3A_60, %shift_left3A_61 : vector<16xi32>
      %add3A_63 = arith.constant 16 : i32
      %add3A_64 = vector.broadcast %add3A_63 : i32 to vector<16xi32>
      %add3A_65 = arith.addi %iota3A, %add3A_64 : vector<16xi32>
      %shift_right_logical3A_66 = arith.constant 1 : i32
      %shift_right_logical3A_67 = vector.broadcast %shift_right_logical3A_66 : i32 to vector<16xi32>
      %shift_right_logical3A_68 = arith.shrui %add3A_65, %shift_right_logical3A_67 : vector<16xi32>
      %and3A_69 = arith.constant 1 : i32
      %and3A_70 = vector.broadcast %and3A_69 : i32 to vector<16xi32>
      %and3A_71 = arith.andi %add3A_65, %and3A_70 : vector<16xi32>
      %shift_left3A_72 = arith.constant 6 : i32
      %shift_left3A_73 = vector.broadcast %shift_left3A_72 : i32 to vector<16xi32>
      %shift_left3A_74 = arith.shli %and3A_71, %shift_left3A_73 : vector<16xi32>
      %add3A_75 = arith.constant 32 : i32
      %add3A_76 = vector.broadcast %add3A_75 : i32 to vector<16xi32>
      %add3A_77 = arith.addi %iota3A, %add3A_76 : vector<16xi32>
      %shift_right_logical3A_78 = arith.constant 1 : i32
      %shift_right_logical3A_79 = vector.broadcast %shift_right_logical3A_78 : i32 to vector<16xi32>
      %shift_right_logical3A_80 = arith.shrui %add3A_77, %shift_right_logical3A_79 : vector<16xi32>
      %and3A_81 = arith.constant 1 : i32
      %and3A_82 = vector.broadcast %and3A_81 : i32 to vector<16xi32>
      %and3A_83 = arith.andi %add3A_77, %and3A_82 : vector<16xi32>
      %shift_left3A_84 = arith.constant 6 : i32
      %shift_left3A_85 = vector.broadcast %shift_left3A_84 : i32 to vector<16xi32>
      %shift_left3A_86 = arith.shli %and3A_83, %shift_left3A_85 : vector<16xi32>
      %add3A_87 = arith.constant 48 : i32
      %add3A_88 = vector.broadcast %add3A_87 : i32 to vector<16xi32>
      %add3A_89 = arith.addi %iota3A, %add3A_88 : vector<16xi32>
      %shift_right_logical3A_90 = arith.constant 1 : i32
      %shift_right_logical3A_91 = vector.broadcast %shift_right_logical3A_90 : i32 to vector<16xi32>
      %shift_right_logical3A_92 = arith.shrui %add3A_89, %shift_right_logical3A_91 : vector<16xi32>
      %and3A_93 = arith.constant 1 : i32
      %and3A_94 = vector.broadcast %and3A_93 : i32 to vector<16xi32>
      %and3A_95 = arith.andi %add3A_89, %and3A_94 : vector<16xi32>
      %shift_left3A_96 = arith.constant 6 : i32
      %shift_left3A_97 = vector.broadcast %shift_left3A_96 : i32 to vector<16xi32>
      %shift_left3A_98 = arith.shli %and3A_95, %shift_left3A_97 : vector<16xi32>
      %add3A_99 = arith.constant 64 : i32
      %add3A_100 = vector.broadcast %add3A_99 : i32 to vector<16xi32>
      %add3A_101 = arith.addi %iota3A, %add3A_100 : vector<16xi32>
      %shift_right_logical3A_102 = arith.constant 1 : i32
      %shift_right_logical3A_103 = vector.broadcast %shift_right_logical3A_102 : i32 to vector<16xi32>
      %shift_right_logical3A_104 = arith.shrui %add3A_101, %shift_right_logical3A_103 : vector<16xi32>
      %and3A_105 = arith.constant 1 : i32
      %and3A_106 = vector.broadcast %and3A_105 : i32 to vector<16xi32>
      %and3A_107 = arith.andi %add3A_101, %and3A_106 : vector<16xi32>
      %shift_left3A_108 = arith.constant 6 : i32
      %shift_left3A_109 = vector.broadcast %shift_left3A_108 : i32 to vector<16xi32>
      %shift_left3A_110 = arith.shli %and3A_107, %shift_left3A_109 : vector<16xi32>
      %add3A_111 = arith.constant 80 : i32
      %add3A_112 = vector.broadcast %add3A_111 : i32 to vector<16xi32>
      %add3A_113 = arith.addi %iota3A, %add3A_112 : vector<16xi32>
      %shift_right_logical3A_114 = arith.constant 1 : i32
      %shift_right_logical3A_115 = vector.broadcast %shift_right_logical3A_114 : i32 to vector<16xi32>
      %shift_right_logical3A_116 = arith.shrui %add3A_113, %shift_right_logical3A_115 : vector<16xi32>
      %and3A_117 = arith.constant 1 : i32
      %and3A_118 = vector.broadcast %and3A_117 : i32 to vector<16xi32>
      %and3A_119 = arith.andi %add3A_113, %and3A_118 : vector<16xi32>
      %shift_left3A_120 = arith.constant 6 : i32
      %shift_left3A_121 = vector.broadcast %shift_left3A_120 : i32 to vector<16xi32>
      %shift_left3A_122 = arith.shli %and3A_119, %shift_left3A_121 : vector<16xi32>
      %add3A_123 = arith.constant 96 : i32
      %add3A_124 = vector.broadcast %add3A_123 : i32 to vector<16xi32>
      %add3A_125 = arith.addi %iota3A, %add3A_124 : vector<16xi32>
      %shift_right_logical3A_126 = arith.constant 1 : i32
      %shift_right_logical3A_127 = vector.broadcast %shift_right_logical3A_126 : i32 to vector<16xi32>
      %shift_right_logical3A_128 = arith.shrui %add3A_125, %shift_right_logical3A_127 : vector<16xi32>
      %and3A_129 = arith.constant 1 : i32
      %and3A_130 = vector.broadcast %and3A_129 : i32 to vector<16xi32>
      %and3A_131 = arith.andi %add3A_125, %and3A_130 : vector<16xi32>
      %shift_left3A_132 = arith.constant 6 : i32
      %shift_left3A_133 = vector.broadcast %shift_left3A_132 : i32 to vector<16xi32>
      %shift_left3A_134 = arith.shli %and3A_131, %shift_left3A_133 : vector<16xi32>
      %add3A_135 = arith.constant 112 : i32
      %add3A_136 = vector.broadcast %add3A_135 : i32 to vector<16xi32>
      %add3A_137 = arith.addi %iota3A, %add3A_136 : vector<16xi32>
      %shift_right_logical3A_138 = arith.constant 1 : i32
      %shift_right_logical3A_139 = vector.broadcast %shift_right_logical3A_138 : i32 to vector<16xi32>
      %shift_right_logical3A_140 = arith.shrui %add3A_137, %shift_right_logical3A_139 : vector<16xi32>
      %and3A_141 = arith.constant 1 : i32
      %and3A_142 = vector.broadcast %and3A_141 : i32 to vector<16xi32>
      %and3A_143 = arith.andi %add3A_137, %and3A_142 : vector<16xi32>
      %shift_left3A_144 = arith.constant 6 : i32
      %shift_left3A_145 = vector.broadcast %shift_left3A_144 : i32 to vector<16xi32>
      %shift_left3A_146 = arith.shli %and3A_143, %shift_left3A_145 : vector<16xi32>
      %add3A_147 = arith.constant 128 : i32
      %add3A_148 = vector.broadcast %add3A_147 : i32 to vector<16xi32>
      %add3A_149 = arith.addi %iota3A, %add3A_148 : vector<16xi32>
      %shift_right_logical3A_150 = arith.constant 1 : i32
      %shift_right_logical3A_151 = vector.broadcast %shift_right_logical3A_150 : i32 to vector<16xi32>
      %shift_right_logical3A_152 = arith.shrui %add3A_149, %shift_right_logical3A_151 : vector<16xi32>
      %and3A_153 = arith.constant 1 : i32
      %and3A_154 = vector.broadcast %and3A_153 : i32 to vector<16xi32>
      %and3A_155 = arith.andi %add3A_149, %and3A_154 : vector<16xi32>
      %shift_left3A_156 = arith.constant 6 : i32
      %shift_left3A_157 = vector.broadcast %shift_left3A_156 : i32 to vector<16xi32>
      %shift_left3A_158 = arith.shli %and3A_155, %shift_left3A_157 : vector<16xi32>
      %add3A_159 = arith.constant 144 : i32
      %add3A_160 = vector.broadcast %add3A_159 : i32 to vector<16xi32>
      %add3A_161 = arith.addi %iota3A, %add3A_160 : vector<16xi32>
      %shift_right_logical3A_162 = arith.constant 1 : i32
      %shift_right_logical3A_163 = vector.broadcast %shift_right_logical3A_162 : i32 to vector<16xi32>
      %shift_right_logical3A_164 = arith.shrui %add3A_161, %shift_right_logical3A_163 : vector<16xi32>
      %and3A_165 = arith.constant 1 : i32
      %and3A_166 = vector.broadcast %and3A_165 : i32 to vector<16xi32>
      %and3A_167 = arith.andi %add3A_161, %and3A_166 : vector<16xi32>
      %shift_left3A_168 = arith.constant 6 : i32
      %shift_left3A_169 = vector.broadcast %shift_left3A_168 : i32 to vector<16xi32>
      %shift_left3A_170 = arith.shli %and3A_167, %shift_left3A_169 : vector<16xi32>
      %add3A_171 = arith.constant 160 : i32
      %add3A_172 = vector.broadcast %add3A_171 : i32 to vector<16xi32>
      %add3A_173 = arith.addi %iota3A, %add3A_172 : vector<16xi32>
      %shift_right_logical3A_174 = arith.constant 1 : i32
      %shift_right_logical3A_175 = vector.broadcast %shift_right_logical3A_174 : i32 to vector<16xi32>
      %shift_right_logical3A_176 = arith.shrui %add3A_173, %shift_right_logical3A_175 : vector<16xi32>
      %and3A_177 = arith.constant 1 : i32
      %and3A_178 = vector.broadcast %and3A_177 : i32 to vector<16xi32>
      %and3A_179 = arith.andi %add3A_173, %and3A_178 : vector<16xi32>
      %shift_left3A_180 = arith.constant 6 : i32
      %shift_left3A_181 = vector.broadcast %shift_left3A_180 : i32 to vector<16xi32>
      %shift_left3A_182 = arith.shli %and3A_179, %shift_left3A_181 : vector<16xi32>
      %add3A_183 = arith.constant 176 : i32
      %add3A_184 = vector.broadcast %add3A_183 : i32 to vector<16xi32>
      %add3A_185 = arith.addi %iota3A, %add3A_184 : vector<16xi32>
      %shift_right_logical3A_186 = arith.constant 1 : i32
      %shift_right_logical3A_187 = vector.broadcast %shift_right_logical3A_186 : i32 to vector<16xi32>
      %shift_right_logical3A_188 = arith.shrui %add3A_185, %shift_right_logical3A_187 : vector<16xi32>
      %and3A_189 = arith.constant 1 : i32
      %and3A_190 = vector.broadcast %and3A_189 : i32 to vector<16xi32>
      %and3A_191 = arith.andi %add3A_185, %and3A_190 : vector<16xi32>
      %shift_left3A_192 = arith.constant 6 : i32
      %shift_left3A_193 = vector.broadcast %shift_left3A_192 : i32 to vector<16xi32>
      %shift_left3A_194 = arith.shli %and3A_191, %shift_left3A_193 : vector<16xi32>
      %add3A_195 = arith.constant 192 : i32
      %add3A_196 = vector.broadcast %add3A_195 : i32 to vector<16xi32>
      %add3A_197 = arith.addi %iota3A, %add3A_196 : vector<16xi32>
      %shift_right_logical3A_198 = arith.constant 1 : i32
      %shift_right_logical3A_199 = vector.broadcast %shift_right_logical3A_198 : i32 to vector<16xi32>
      %shift_right_logical3A_200 = arith.shrui %add3A_197, %shift_right_logical3A_199 : vector<16xi32>
      %and3A_201 = arith.constant 1 : i32
      %and3A_202 = vector.broadcast %and3A_201 : i32 to vector<16xi32>
      %and3A_203 = arith.andi %add3A_197, %and3A_202 : vector<16xi32>
      %shift_left3A_204 = arith.constant 6 : i32
      %shift_left3A_205 = vector.broadcast %shift_left3A_204 : i32 to vector<16xi32>
      %shift_left3A_206 = arith.shli %and3A_203, %shift_left3A_205 : vector<16xi32>
      %add3A_207 = arith.constant 208 : i32
      %add3A_208 = vector.broadcast %add3A_207 : i32 to vector<16xi32>
      %add3A_209 = arith.addi %iota3A, %add3A_208 : vector<16xi32>
      %shift_right_logical3A_210 = arith.constant 1 : i32
      %shift_right_logical3A_211 = vector.broadcast %shift_right_logical3A_210 : i32 to vector<16xi32>
      %shift_right_logical3A_212 = arith.shrui %add3A_209, %shift_right_logical3A_211 : vector<16xi32>
      %and3A_213 = arith.constant 1 : i32
      %and3A_214 = vector.broadcast %and3A_213 : i32 to vector<16xi32>
      %and3A_215 = arith.andi %add3A_209, %and3A_214 : vector<16xi32>
      %shift_left3A_216 = arith.constant 6 : i32
      %shift_left3A_217 = vector.broadcast %shift_left3A_216 : i32 to vector<16xi32>
      %shift_left3A_218 = arith.shli %and3A_215, %shift_left3A_217 : vector<16xi32>
      %add3A_219 = arith.constant 224 : i32
      %add3A_220 = vector.broadcast %add3A_219 : i32 to vector<16xi32>
      %add3A_221 = arith.addi %iota3A, %add3A_220 : vector<16xi32>
      %shift_right_logical3A_222 = arith.constant 1 : i32
      %shift_right_logical3A_223 = vector.broadcast %shift_right_logical3A_222 : i32 to vector<16xi32>
      %shift_right_logical3A_224 = arith.shrui %add3A_221, %shift_right_logical3A_223 : vector<16xi32>
      %and3A_225 = arith.constant 1 : i32
      %and3A_226 = vector.broadcast %and3A_225 : i32 to vector<16xi32>
      %and3A_227 = arith.andi %add3A_221, %and3A_226 : vector<16xi32>
      %shift_left3A_228 = arith.constant 6 : i32
      %shift_left3A_229 = vector.broadcast %shift_left3A_228 : i32 to vector<16xi32>
      %shift_left3A_230 = arith.shli %and3A_227, %shift_left3A_229 : vector<16xi32>
      %add3A_231 = arith.constant 240 : i32
      %add3A_232 = vector.broadcast %add3A_231 : i32 to vector<16xi32>
      %add3A_233 = arith.addi %iota3A, %add3A_232 : vector<16xi32>
      %shift_right_logical3A_234 = arith.constant 1 : i32
      %shift_right_logical3A_235 = vector.broadcast %shift_right_logical3A_234 : i32 to vector<16xi32>
      %shift_right_logical3A_236 = arith.shrui %add3A_233, %shift_right_logical3A_235 : vector<16xi32>
      %and3A_237 = arith.constant 1 : i32
      %and3A_238 = vector.broadcast %and3A_237 : i32 to vector<16xi32>
      %and3A_239 = arith.andi %add3A_233, %and3A_238 : vector<16xi32>
      %shift_left3A_240 = arith.constant 6 : i32
      %shift_left3A_241 = vector.broadcast %shift_left3A_240 : i32 to vector<16xi32>
      %shift_left3A_242 = arith.shli %and3A_239, %shift_left3A_241 : vector<16xi32>
      %scan3A_243 = arith.constant 0 : i32
      %scan3A_244 = arith.constant 0 : i32
      %scan3A_245 = arith.constant 64 : i32
      %scan3A_246 = arith.addi %scan3A_244, %scan3A_245 : i32
      %scan3A_247 = arith.constant 1 : i32
      scf.for %scan3A_261 = %scan3A_244 to %scan3A_246 step %scan3A_247  : i32 {
        %add3A_262 = vector.broadcast %scan3A_261 : i32 to vector<16xi32>
        %add3A_263 = arith.addi %add3A_262, %iota3A : vector<16xi32>
        %and3A_264 = arith.constant 63 : i32
        %and3A_265 = vector.broadcast %and3A_264 : i32 to vector<16xi32>
        %and3A_266 = arith.andi %add3A_263, %and3A_265 : vector<16xi32>
        %gather3A = tpu.vector_load_idx %arg5[%and3A_266, %add3A_56] : memref<64x256xf32, #tpu.memory_space<vmem>>[vector<16xi32>, vector<16xi32>], vector<16xf32>,
        %gather3A_267 = tpu.vector_load_idx %arg5[%and3A_266, %add3A_65] : memref<64x256xf32, #tpu.memory_space<vmem>>[vector<16xi32>, vector<16xi32>], vector<16xf32>,
        %gather3A_268 = tpu.vector_load_idx %arg5[%and3A_266, %add3A_77] : memref<64x256xf32, #tpu.memory_space<vmem>>[vector<16xi32>, vector<16xi32>], vector<16xf32>,
        %gather3A_269 = tpu.vector_load_idx %arg5[%and3A_266, %add3A_89] : memref<64x256xf32, #tpu.memory_space<vmem>>[vector<16xi32>, vector<16xi32>], vector<16xf32>,
        %gather3A_270 = tpu.vector_load_idx %arg5[%and3A_266, %add3A_101] : memref<64x256xf32, #tpu.memory_space<vmem>>[vector<16xi32>, vector<16xi32>], vector<16xf32>,
        %gather3A_271 = tpu.vector_load_idx %arg5[%and3A_266, %add3A_113] : memref<64x256xf32, #tpu.memory_space<vmem>>[vector<16xi32>, vector<16xi32>], vector<16xf32>,
        %gather3A_272 = tpu.vector_load_idx %arg5[%and3A_266, %add3A_125] : memref<64x256xf32, #tpu.memory_space<vmem>>[vector<16xi32>, vector<16xi32>], vector<16xf32>,
        %gather3A_273 = tpu.vector_load_idx %arg5[%and3A_266, %add3A_137] : memref<64x256xf32, #tpu.memory_space<vmem>>[vector<16xi32>, vector<16xi32>], vector<16xf32>,
        %gather3A_274 = tpu.vector_load_idx %arg5[%and3A_266, %add3A_149] : memref<64x256xf32, #tpu.memory_space<vmem>>[vector<16xi32>, vector<16xi32>], vector<16xf32>,
        %gather3A_275 = tpu.vector_load_idx %arg5[%and3A_266, %add3A_161] : memref<64x256xf32, #tpu.memory_space<vmem>>[vector<16xi32>, vector<16xi32>], vector<16xf32>,
        %gather3A_276 = tpu.vector_load_idx %arg5[%and3A_266, %add3A_173] : memref<64x256xf32, #tpu.memory_space<vmem>>[vector<16xi32>, vector<16xi32>], vector<16xf32>,
        %gather3A_277 = tpu.vector_load_idx %arg5[%and3A_266, %add3A_185] : memref<64x256xf32, #tpu.memory_space<vmem>>[vector<16xi32>, vector<16xi32>], vector<16xf32>,
        %gather3A_278 = tpu.vector_load_idx %arg5[%and3A_266, %add3A_197] : memref<64x256xf32, #tpu.memory_space<vmem>>[vector<16xi32>, vector<16xi32>], vector<16xf32>,
        %gather3A_279 = tpu.vector_load_idx %arg5[%and3A_266, %add3A_209] : memref<64x256xf32, #tpu.memory_space<vmem>>[vector<16xi32>, vector<16xi32>], vector<16xf32>,
        %gather3A_280 = tpu.vector_load_idx %arg5[%and3A_266, %add3A_221] : memref<64x256xf32, #tpu.memory_space<vmem>>[vector<16xi32>, vector<16xi32>], vector<16xf32>,
        %gather3A_281 = tpu.vector_load_idx %arg5[%and3A_266, %add3A_233] : memref<64x256xf32, #tpu.memory_space<vmem>>[vector<16xi32>, vector<16xi32>], vector<16xf32>,
        %add3A_282 = arith.addi %shift_left3A_62, %and3A_266 : vector<16xi32>
        tpu.vector_store_idx %arg7[%shift_right_logical3A_58, %add3A_282], %gather3A : memref<128x128xf32, #tpu.memory_space<vmem>>[vector<16xi32>, vector<16xi32>], vector<16xf32>,
        %add3A_283 = arith.addi %shift_left3A_74, %and3A_266 : vector<16xi32>
        tpu.vector_store_idx %arg7[%shift_right_logical3A_68, %add3A_283], %gather3A_267 : memref<128x128xf32, #tpu.memory_space<vmem>>[vector<16xi32>, vector<16xi32>], vector<16xf32>,
        %add3A_284 = arith.addi %shift_left3A_86, %and3A_266 : vector<16xi32>
        tpu.vector_store_idx %arg7[%shift_right_logical3A_80, %add3A_284], %gather3A_268 : memref<128x128xf32, #tpu.memory_space<vmem>>[vector<16xi32>, vector<16xi32>], vector<16xf32>,
        %add3A_285 = arith.addi %shift_left3A_98, %and3A_266 : vector<16xi32>
        tpu.vector_store_idx %arg7[%shift_right_logical3A_92, %add3A_285], %gather3A_269 : memref<128x128xf32, #tpu.memory_space<vmem>>[vector<16xi32>, vector<16xi32>], vector<16xf32>,
        %add3A_286 = arith.addi %shift_left3A_110, %and3A_266 : vector<16xi32>
        tpu.vector_store_idx %arg7[%shift_right_logical3A_104, %add3A_286], %gather3A_270 : memref<128x128xf32, #tpu.memory_space<vmem>>[vector<16xi32>, vector<16xi32>], vector<16xf32>,
        %add3A_287 = arith.addi %shift_left3A_122, %and3A_266 : vector<16xi32>
        tpu.vector_store_idx %arg7[%shift_right_logical3A_116, %add3A_287], %gather3A_271 : memref<128x128xf32, #tpu.memory_space<vmem>>[vector<16xi32>, vector<16xi32>], vector<16xf32>,
        %add3A_288 = arith.addi %shift_left3A_134, %and3A_266 : vector<16xi32>
        tpu.vector_store_idx %arg7[%shift_right_logical3A_128, %add3A_288], %gather3A_272 : memref<128x128xf32, #tpu.memory_space<vmem>>[vector<16xi32>, vector<16xi32>], vector<16xf32>,
        %add3A_289 = arith.addi %shift_left3A_146, %and3A_266 : vector<16xi32>
        tpu.vector_store_idx %arg7[%shift_right_logical3A_140, %add3A_289], %gather3A_273 : memref<128x128xf32, #tpu.memory_space<vmem>>[vector<16xi32>, vector<16xi32>], vector<16xf32>,
        %add3A_290 = arith.addi %shift_left3A_158, %and3A_266 : vector<16xi32>
        tpu.vector_store_idx %arg7[%shift_right_logical3A_152, %add3A_290], %gather3A_274 : memref<128x128xf32, #tpu.memory_space<vmem>>[vector<16xi32>, vector<16xi32>], vector<16xf32>,
        %add3A_291 = arith.addi %shift_left3A_170, %and3A_266 : vector<16xi32>
        tpu.vector_store_idx %arg7[%shift_right_logical3A_164, %add3A_291], %gather3A_275 : memref<128x128xf32, #tpu.memory_space<vmem>>[vector<16xi32>, vector<16xi32>], vector<16xf32>,
        %add3A_292 = arith.addi %shift_left3A_182, %and3A_266 : vector<16xi32>
        tpu.vector_store_idx %arg7[%shift_right_logical3A_176, %add3A_292], %gather3A_276 : memref<128x128xf32, #tpu.memory_space<vmem>>[vector<16xi32>, vector<16xi32>], vector<16xf32>,
        %add3A_293 = arith.addi %shift_left3A_194, %and3A_266 : vector<16xi32>
        tpu.vector_store_idx %arg7[%shift_right_logical3A_188, %add3A_293], %gather3A_277 : memref<128x128xf32, #tpu.memory_space<vmem>>[vector<16xi32>, vector<16xi32>], vector<16xf32>,
        %add3A_294 = arith.addi %shift_left3A_206, %and3A_266 : vector<16xi32>
        tpu.vector_store_idx %arg7[%shift_right_logical3A_200, %add3A_294], %gather3A_278 : memref<128x128xf32, #tpu.memory_space<vmem>>[vector<16xi32>, vector<16xi32>], vector<16xf32>,
        %add3A_295 = arith.addi %shift_left3A_218, %and3A_266 : vector<16xi32>
        tpu.vector_store_idx %arg7[%shift_right_logical3A_212, %add3A_295], %gather3A_279 : memref<128x128xf32, #tpu.memory_space<vmem>>[vector<16xi32>, vector<16xi32>], vector<16xf32>,
        %add3A_296 = arith.addi %shift_left3A_230, %and3A_266 : vector<16xi32>
        tpu.vector_store_idx %arg7[%shift_right_logical3A_224, %add3A_296], %gather3A_280 : memref<128x128xf32, #tpu.memory_space<vmem>>[vector<16xi32>, vector<16xi32>], vector<16xf32>,
        %add3A_297 = arith.addi %shift_left3A_242, %and3A_266 : vector<16xi32>
        tpu.vector_store_idx %arg7[%shift_right_logical3A_236, %add3A_297], %gather3A_281 : memref<128x128xf32, #tpu.memory_space<vmem>>[vector<16xi32>, vector<16xi32>], vector<16xf32>,
      }
      %scan3A_248 = arith.constant 64 : i32
      %mul3A_249 = arith.constant 128 : i32
      %mul3A_250 = arith.muli %add3A_41, %mul3A_249 : i32
      %dma_start3A_251 = arith.constant 0 : i32
      %dma_start3A_252 = tpu.memref_slice %arg4[%mul3A_250, %dma_start3A_251] : memref<500000x128xf32, #tpu.memory_space<hbm>> -> memref<128x128xf32, #tpu.memory_space<hbm>>
      %dma_start3A_253 = arith.constant 0 : i32
      %dma_start3A_254 = tpu.memref_slice %arg4[%mul3A_250, %dma_start3A_253] : memref<500000x128xf32, #tpu.memory_space<hbm>> -> memref<128x128xf32, #tpu.memory_space<hbm>>
      tpu.enqueue_dma source(%arg7 : memref<128x128xf32, #tpu.memory_space<vmem>>) target(%dma_start3A_254 : memref<128x128xf32, #tpu.memory_space<hbm>>) target_semaphore(%arg12 : memref<!tpu.dma_semaphore, #tpu.memory_space<semaphore_mem>>)
      %mul3A_255 = arith.constant 128 : i32
      %mul3A_256 = arith.muli %add3A_41, %mul3A_255 : i32
      %dma_wait3A_257 = arith.constant 0 : i32
      %dma_wait3A_258 = tpu.memref_slice %arg4[%mul3A_256, %dma_wait3A_257] : memref<500000x128xf32, #tpu.memory_space<hbm>> -> memref<128x128xf32, #tpu.memory_space<hbm>>
      %dma_wait3A_259 = arith.constant 0 : i32
      %dma_wait3A_260 = tpu.memref_slice %arg4[%mul3A_256, %dma_wait3A_259] : memref<500000x128xf32, #tpu.memory_space<hbm>> -> memref<128x128xf32, #tpu.memory_space<hbm>>
      tpu.wait_dma2 semaphore(%arg12 : memref<!tpu.dma_semaphore, #tpu.memory_space<semaphore_mem>>) src(%arg7 : memref<128x128xf32, #tpu.memory_space<vmem>>) dst(%dma_wait3A_260 : memref<128x128xf32, #tpu.memory_space<hbm>>)
    } else {
    }
    %eq3A = arith.constant 2 : i32
    %eq3A_36 = arith.cmpi eq, %add3A, %eq3A : i32
    %convert_element_type3A_37 = arith.extui %eq3A_36 : i1 to i32
    %cond3A_38 = arith.constant 0 : i32
    %cond3A_39 = arith.cmpi ne, %convert_element_type3A_37, %cond3A_38 : i32
    scf.if %cond3A_39 {
      "tpu.region"() ({
        %run_scoped3A = tpu.sem_alloc : memref<!tpu.dma_semaphore, #tpu.memory_space<semaphore_mem>>
        tpu.enqueue_dma source(%arg3 : memref<64x64xf32, #tpu.memory_space<hbm>>) target(%arg9 : memref<64x64xf32, #tpu.memory_space<vmem>>) target_semaphore(%run_scoped3A : memref<!tpu.dma_semaphore, #tpu.memory_space<semaphore_mem>>)
        tpu.wait_dma2 semaphore(%run_scoped3A : memref<!tpu.dma_semaphore, #tpu.memory_space<semaphore_mem>>) src(%arg3 : memref<64x64xf32, #tpu.memory_space<hbm>>) dst(%arg9 : memref<64x64xf32, #tpu.memory_space<vmem>>)
        tpu.yield
      }) : () -> ()
      %add3A_40 = arith.constant 0 : i32
      %add3A_41 = vector.broadcast %add3A_40 : i32 to vector<16xi32>
      %add3A_42 = arith.addi %iota3A, %add3A_41 : vector<16xi32>
      %shift_right_logical3A = arith.constant 1 : i32
      %shift_right_logical3A_43 = vector.broadcast %shift_right_logical3A : i32 to vector<16xi32>
      %shift_right_logical3A_44 = arith.shrui %add3A_42, %shift_right_logical3A_43 : vector<16xi32>
      %and3A = arith.constant 1 : i32
      %and3A_45 = vector.broadcast %and3A : i32 to vector<16xi32>
      %and3A_46 = arith.andi %add3A_42, %and3A_45 : vector<16xi32>
      %shift_left3A = arith.constant 6 : i32
      %shift_left3A_47 = vector.broadcast %shift_left3A : i32 to vector<16xi32>
      %shift_left3A_48 = arith.shli %and3A_46, %shift_left3A_47 : vector<16xi32>
      %add3A_49 = arith.constant 16 : i32
      %add3A_50 = vector.broadcast %add3A_49 : i32 to vector<16xi32>
      %add3A_51 = arith.addi %iota3A, %add3A_50 : vector<16xi32>
      %shift_right_logical3A_52 = arith.constant 1 : i32
      %shift_right_logical3A_53 = vector.broadcast %shift_right_logical3A_52 : i32 to vector<16xi32>
      %shift_right_logical3A_54 = arith.shrui %add3A_51, %shift_right_logical3A_53 : vector<16xi32>
      %and3A_55 = arith.constant 1 : i32
      %and3A_56 = vector.broadcast %and3A_55 : i32 to vector<16xi32>
      %and3A_57 = arith.andi %add3A_51, %and3A_56 : vector<16xi32>
      %shift_left3A_58 = arith.constant 6 : i32
      %shift_left3A_59 = vector.broadcast %shift_left3A_58 : i32 to vector<16xi32>
      %shift_left3A_60 = arith.shli %and3A_57, %shift_left3A_59 : vector<16xi32>
      %add3A_61 = arith.constant 32 : i32
      %add3A_62 = vector.broadcast %add3A_61 : i32 to vector<16xi32>
      %add3A_63 = arith.addi %iota3A, %add3A_62 : vector<16xi32>
      %shift_right_logical3A_64 = arith.constant 1 : i32
      %shift_right_logical3A_65 = vector.broadcast %shift_right_logical3A_64 : i32 to vector<16xi32>
      %shift_right_logical3A_66 = arith.shrui %add3A_63, %shift_right_logical3A_65 : vector<16xi32>
      %and3A_67 = arith.constant 1 : i32
      %and3A_68 = vector.broadcast %and3A_67 : i32 to vector<16xi32>
      %and3A_69 = arith.andi %add3A_63, %and3A_68 : vector<16xi32>
      %shift_left3A_70 = arith.constant 6 : i32
      %shift_left3A_71 = vector.broadcast %shift_left3A_70 : i32 to vector<16xi32>
      %shift_left3A_72 = arith.shli %and3A_69, %shift_left3A_71 : vector<16xi32>
      %add3A_73 = arith.constant 48 : i32
      %add3A_74 = vector.broadcast %add3A_73 : i32 to vector<16xi32>
      %add3A_75 = arith.addi %iota3A, %add3A_74 : vector<16xi32>
      %shift_right_logical3A_76 = arith.constant 1 : i32
      %shift_right_logical3A_77 = vector.broadcast %shift_right_logical3A_76 : i32 to vector<16xi32>
      %shift_right_logical3A_78 = arith.shrui %add3A_75, %shift_right_logical3A_77 : vector<16xi32>
      %and3A_79 = arith.constant 1 : i32
      %and3A_80 = vector.broadcast %and3A_79 : i32 to vector<16xi32>
      %and3A_81 = arith.andi %add3A_75, %and3A_80 : vector<16xi32>
      %shift_left3A_82 = arith.constant 6 : i32
      %shift_left3A_83 = vector.broadcast %shift_left3A_82 : i32 to vector<16xi32>
      %shift_left3A_84 = arith.shli %and3A_81, %shift_left3A_83 : vector<16xi32>
      %scan3A_85 = arith.constant 0 : i32
      %scan3A_86 = arith.constant 0 : i32
      %scan3A_87 = arith.constant 64 : i32
      %scan3A_88 = arith.addi %scan3A_86, %scan3A_87 : i32
      %scan3A_89 = arith.constant 1 : i32
      scf.for %scan3A_91 = %scan3A_86 to %scan3A_88 step %scan3A_89  : i32 {
        %add3A_92 = vector.broadcast %scan3A_91 : i32 to vector<16xi32>
        %add3A_93 = arith.addi %add3A_92, %iota3A : vector<16xi32>
        %and3A_94 = arith.constant 63 : i32
        %and3A_95 = vector.broadcast %and3A_94 : i32 to vector<16xi32>
        %and3A_96 = arith.andi %add3A_93, %and3A_95 : vector<16xi32>
        %gather3A = tpu.vector_load_idx %arg9[%and3A_96, %add3A_42] : memref<64x64xf32, #tpu.memory_space<vmem>>[vector<16xi32>, vector<16xi32>], vector<16xf32>,
        %gather3A_97 = tpu.vector_load_idx %arg9[%and3A_96, %add3A_51] : memref<64x64xf32, #tpu.memory_space<vmem>>[vector<16xi32>, vector<16xi32>], vector<16xf32>,
        %gather3A_98 = tpu.vector_load_idx %arg9[%and3A_96, %add3A_63] : memref<64x64xf32, #tpu.memory_space<vmem>>[vector<16xi32>, vector<16xi32>], vector<16xf32>,
        %gather3A_99 = tpu.vector_load_idx %arg9[%and3A_96, %add3A_75] : memref<64x64xf32, #tpu.memory_space<vmem>>[vector<16xi32>, vector<16xi32>], vector<16xf32>,
        %add3A_100 = arith.addi %shift_left3A_48, %and3A_96 : vector<16xi32>
        tpu.vector_store_idx %arg7[%shift_right_logical3A_44, %add3A_100], %gather3A : memref<128x128xf32, #tpu.memory_space<vmem>>[vector<16xi32>, vector<16xi32>], vector<16xf32>,
        %add3A_101 = arith.addi %shift_left3A_60, %and3A_96 : vector<16xi32>
        tpu.vector_store_idx %arg7[%shift_right_logical3A_54, %add3A_101], %gather3A_97 : memref<128x128xf32, #tpu.memory_space<vmem>>[vector<16xi32>, vector<16xi32>], vector<16xf32>,
        %add3A_102 = arith.addi %shift_left3A_72, %and3A_96 : vector<16xi32>
        tpu.vector_store_idx %arg7[%shift_right_logical3A_66, %add3A_102], %gather3A_98 : memref<128x128xf32, #tpu.memory_space<vmem>>[vector<16xi32>, vector<16xi32>], vector<16xf32>,
        %add3A_103 = arith.addi %shift_left3A_84, %and3A_96 : vector<16xi32>
        tpu.vector_store_idx %arg7[%shift_right_logical3A_78, %add3A_103], %gather3A_99 : memref<128x128xf32, #tpu.memory_space<vmem>>[vector<16xi32>, vector<16xi32>], vector<16xf32>,
      }
      %scan3A_90 = arith.constant 64 : i32
      "tpu.region"() ({
        %run_scoped3A = tpu.sem_alloc : memref<!tpu.dma_semaphore, #tpu.memory_space<semaphore_mem>>
        %dma_start3A_91 = arith.constant 0 : i32
        %dma_start3A_92 = arith.constant 0 : i32
        %dma_start3A_93 = tpu.memref_slice %arg7[%dma_start3A_91, %dma_start3A_92] : memref<128x128xf32, #tpu.memory_space<vmem>> -> memref<32x128xf32, #tpu.memory_space<vmem>>
        %dma_start3A_94 = arith.constant 499968 : i32
        %dma_start3A_95 = arith.constant 0 : i32
        %dma_start3A_96 = tpu.memref_slice %arg4[%dma_start3A_94, %dma_start3A_95] : memref<500000x128xf32, #tpu.memory_space<hbm>> -> memref<32x128xf32, #tpu.memory_space<hbm>>
        %dma_start3A_97 = arith.constant 499968 : i32
        %dma_start3A_98 = arith.constant 0 : i32
        %dma_start3A_99 = tpu.memref_slice %arg4[%dma_start3A_97, %dma_start3A_98] : memref<500000x128xf32, #tpu.memory_space<hbm>> -> memref<32x128xf32, #tpu.memory_space<hbm>>
        %dma_start3A_100 = arith.constant 0 : i32
        %dma_start3A_101 = arith.constant 0 : i32
        %dma_start3A_102 = tpu.memref_slice %arg7[%dma_start3A_100, %dma_start3A_101] : memref<128x128xf32, #tpu.memory_space<vmem>> -> memref<32x128xf32, #tpu.memory_space<vmem>>
        tpu.enqueue_dma source(%dma_start3A_102 : memref<32x128xf32, #tpu.memory_space<vmem>>) target(%dma_start3A_99 : memref<32x128xf32, #tpu.memory_space<hbm>>) target_semaphore(%run_scoped3A : memref<!tpu.dma_semaphore, #tpu.memory_space<semaphore_mem>>)
        %dma_wait3A_103 = arith.constant 0 : i32
        %dma_wait3A_104 = arith.constant 0 : i32
        %dma_wait3A_105 = tpu.memref_slice %arg7[%dma_wait3A_103, %dma_wait3A_104] : memref<128x128xf32, #tpu.memory_space<vmem>> -> memref<32x128xf32, #tpu.memory_space<vmem>>
        %dma_wait3A_106 = arith.constant 499968 : i32
        %dma_wait3A_107 = arith.constant 0 : i32
        %dma_wait3A_108 = tpu.memref_slice %arg4[%dma_wait3A_106, %dma_wait3A_107] : memref<500000x128xf32, #tpu.memory_space<hbm>> -> memref<32x128xf32, #tpu.memory_space<hbm>>
        %dma_wait3A_109 = arith.constant 499968 : i32
        %dma_wait3A_110 = arith.constant 0 : i32
        %dma_wait3A_111 = tpu.memref_slice %arg4[%dma_wait3A_109, %dma_wait3A_110] : memref<500000x128xf32, #tpu.memory_space<hbm>> -> memref<32x128xf32, #tpu.memory_space<hbm>>
        %dma_wait3A_112 = arith.constant 0 : i32
        %dma_wait3A_113 = arith.constant 0 : i32
        %dma_wait3A_114 = tpu.memref_slice %arg7[%dma_wait3A_112, %dma_wait3A_113] : memref<128x128xf32, #tpu.memory_space<vmem>> -> memref<32x128xf32, #tpu.memory_space<vmem>>
        tpu.wait_dma2 semaphore(%run_scoped3A : memref<!tpu.dma_semaphore, #tpu.memory_space<semaphore_mem>>) src(%dma_wait3A_114 : memref<32x128xf32, #tpu.memory_space<vmem>>) dst(%dma_wait3A_111 : memref<32x128xf32, #tpu.memory_space<hbm>>)
        tpu.yield
      }) : () -> ()
    } else {
    }
    return
  }
}

#map = affine_map<(d0, d1) -> (0, 0)>
#map1 = affine_map<(d0, d1) -> (0, 0, 0)>
module attributes {stable_mosaic.version = 14 : i64} {
  func.func @k(%arg0: i32, %arg1: i32, %arg2: memref<200x4096xi32, #tpu.memory_space<hbm>>, %arg3: memref<500000x128xf32, #tpu.memory_space<hbm>>, %arg4: memref<200x64x4096xf32, #tpu.memory_space<hbm>>, %arg5: memref<200x128xi32, #tpu.memory_space<vmem>>, %arg6: memref<4x128xi32, #tpu.memory_space<vmem>>, %arg7: memref<4x128xi32, #tpu.memory_space<vmem>>, %arg8: memref<128x128xf32, #tpu.memory_space<vmem>>, %arg9: memref<128x128xf32, #tpu.memory_space<vmem>>, %arg10: memref<128x128xf32, #tpu.memory_space<vmem>>, %arg11: memref<128x128xf32, #tpu.memory_space<vmem>>, %arg12: memref<64x128xf32, #tpu.memory_space<vmem>>, %arg13: memref<64x128xf32, #tpu.memory_space<vmem>>, %arg14: memref<!tpu.dma_semaphore, #tpu.memory_space<semaphore_mem>>, %arg15: memref<!tpu.dma_semaphore, #tpu.memory_space<semaphore_mem>>, %arg16: memref<!tpu.dma_semaphore, #tpu.memory_space<semaphore_mem>>, %arg17: memref<!tpu.dma_semaphore, #tpu.memory_space<semaphore_mem>>, %arg18: memref<!tpu.dma_semaphore, #tpu.memory_space<semaphore_mem>>, %arg19: memref<!tpu.dma_semaphore, #tpu.memory_space<semaphore_mem>>) attributes {dimension_semantics = [#tpu.dimension_semantics<core_parallel>, #tpu.dimension_semantics<subcore_parallel>], iteration_bounds = array<i64: 2, 16>, scalar_prefetch = 0 : i64, scratch_operands = 15 : i64, tpu.core_type = #tpu.core_type<sc_vector_subcore>, window_params = [{transform_indices = #map}, {transform_indices = #map}, {transform_indices = #map1}]} {
    %mul3A = arith.constant 2 : i32
    %mul3A_0 = arith.muli %arg1, %mul3A : i32
    %add3A = arith.addi %mul3A_0, %arg0 : i32
    %mul3A_1 = arith.constant 128 : i32
    %mul3A_2 = arith.muli %add3A, %mul3A_1 : i32
    "tpu.region"() ({
      %run_scoped3A = tpu.sem_alloc : memref<!tpu.dma_semaphore, #tpu.memory_space<semaphore_mem>>
      %dma_start3A_540 = arith.constant 0 : i32
      %dma_start3A_541 = tpu.memref_slice %arg2[%dma_start3A_540, %mul3A_2] : memref<200x4096xi32, #tpu.memory_space<hbm>> -> memref<200x128xi32, #tpu.memory_space<hbm>>
      %dma_start3A_542 = arith.constant 0 : i32
      %dma_start3A_543 = tpu.memref_slice %arg2[%dma_start3A_542, %mul3A_2] : memref<200x4096xi32, #tpu.memory_space<hbm>> -> memref<200x128xi32, #tpu.memory_space<hbm>>
      tpu.enqueue_dma source(%dma_start3A_543 : memref<200x128xi32, #tpu.memory_space<hbm>>) target(%arg5 : memref<200x128xi32, #tpu.memory_space<vmem>>) target_semaphore(%run_scoped3A : memref<!tpu.dma_semaphore, #tpu.memory_space<semaphore_mem>>)
      %dma_wait3A_544 = arith.constant 0 : i32
      %dma_wait3A_545 = tpu.memref_slice %arg2[%dma_wait3A_544, %mul3A_2] : memref<200x4096xi32, #tpu.memory_space<hbm>> -> memref<200x128xi32, #tpu.memory_space<hbm>>
      %dma_wait3A_546 = arith.constant 0 : i32
      %dma_wait3A_547 = tpu.memref_slice %arg2[%dma_wait3A_546, %mul3A_2] : memref<200x4096xi32, #tpu.memory_space<hbm>> -> memref<200x128xi32, #tpu.memory_space<hbm>>
      tpu.wait_dma2 semaphore(%run_scoped3A : memref<!tpu.dma_semaphore, #tpu.memory_space<semaphore_mem>>) src(%dma_wait3A_547 : memref<200x128xi32, #tpu.memory_space<hbm>>) dst(%arg5 : memref<200x128xi32, #tpu.memory_space<vmem>>)
      tpu.yield
    }) : () -> ()
    %iota3A = tpu.iota {dimensions = array<i32: 0>} : vector<16xi32>
    %get3A = arith.constant 0 : i32
    %get3A_3 = arith.index_cast %get3A : i32 to index
    %get3A_4 = arith.constant 0 : index
    %get3A_5 = tpu.vector_load %arg5[%get3A_3, %get3A_4] {strides = array<i32>} : memref<200x128xi32, #tpu.memory_space<vmem>>, vector<16xi32>,
    %shift_right_logical3A = arith.constant 1 : i32
    %shift_right_logical3A_6 = vector.broadcast %shift_right_logical3A : i32 to vector<16xi32>
    %shift_right_logical3A_7 = arith.shrui %get3A_5, %shift_right_logical3A_6 : vector<16xi32>
    %swap3A = arith.constant 0 : i32
    %swap3A_8 = arith.index_cast %swap3A : i32 to index
    %swap3A_9 = arith.constant 0 : index
    %swap3A_10 = tpu.vector_load %arg6[%swap3A_8, %swap3A_9] {strides = array<i32>} : memref<4x128xi32, #tpu.memory_space<vmem>>, vector<16xi32>,
    tpu.vector_store %arg6[%swap3A_8, %swap3A_9], %shift_right_logical3A_7 {strides = array<i32>} : memref<4x128xi32, #tpu.memory_space<vmem>>, vector<16xi32>,
    %and3A = arith.constant 1 : i32
    %and3A_11 = vector.broadcast %and3A : i32 to vector<16xi32>
    %and3A_12 = arith.andi %get3A_5, %and3A_11 : vector<16xi32>
    %shift_left3A = arith.constant 6 : i32
    %shift_left3A_13 = vector.broadcast %shift_left3A : i32 to vector<16xi32>
    %shift_left3A_14 = arith.shli %and3A_12, %shift_left3A_13 : vector<16xi32>
    %swap3A_15 = arith.constant 0 : i32
    %swap3A_16 = arith.index_cast %swap3A_15 : i32 to index
    %swap3A_17 = arith.constant 0 : index
    %swap3A_18 = tpu.vector_load %arg7[%swap3A_16, %swap3A_17] {strides = array<i32>} : memref<4x128xi32, #tpu.memory_space<vmem>>, vector<16xi32>,
    tpu.vector_store %arg7[%swap3A_16, %swap3A_17], %shift_left3A_14 {strides = array<i32>} : memref<4x128xi32, #tpu.memory_space<vmem>>, vector<16xi32>,
    %get3A_19 = arith.constant 0 : i32
    %get3A_20 = arith.index_cast %get3A_19 : i32 to index
    %get3A_21 = arith.constant 16 : index
    %get3A_22 = tpu.vector_load %arg5[%get3A_20, %get3A_21] {strides = array<i32>} : memref<200x128xi32, #tpu.memory_space<vmem>>, vector<16xi32>,
    %shift_right_logical3A_23 = arith.constant 1 : i32
    %shift_right_logical3A_24 = vector.broadcast %shift_right_logical3A_23 : i32 to vector<16xi32>
    %shift_right_logical3A_25 = arith.shrui %get3A_22, %shift_right_logical3A_24 : vector<16xi32>
    %swap3A_26 = arith.constant 0 : i32
    %swap3A_27 = arith.index_cast %swap3A_26 : i32 to index
    %swap3A_28 = arith.constant 16 : index
    %swap3A_29 = tpu.vector_load %arg6[%swap3A_27, %swap3A_28] {strides = array<i32>} : memref<4x128xi32, #tpu.memory_space<vmem>>, vector<16xi32>,
    tpu.vector_store %arg6[%swap3A_27, %swap3A_28], %shift_right_logical3A_25 {strides = array<i32>} : memref<4x128xi32, #tpu.memory_space<vmem>>, vector<16xi32>,
    %and3A_30 = arith.constant 1 : i32
    %and3A_31 = vector.broadcast %and3A_30 : i32 to vector<16xi32>
    %and3A_32 = arith.andi %get3A_22, %and3A_31 : vector<16xi32>
    %shift_left3A_33 = arith.constant 6 : i32
    %shift_left3A_34 = vector.broadcast %shift_left3A_33 : i32 to vector<16xi32>
    %shift_left3A_35 = arith.shli %and3A_32, %shift_left3A_34 : vector<16xi32>
    %swap3A_36 = arith.constant 0 : i32
    %swap3A_37 = arith.index_cast %swap3A_36 : i32 to index
    %swap3A_38 = arith.constant 16 : index
    %swap3A_39 = tpu.vector_load %arg7[%swap3A_37, %swap3A_38] {strides = array<i32>} : memref<4x128xi32, #tpu.memory_space<vmem>>, vector<16xi32>,
    tpu.vector_store %arg7[%swap3A_37, %swap3A_38], %shift_left3A_35 {strides = array<i32>} : memref<4x128xi32, #tpu.memory_space<vmem>>, vector<16xi32>,
    %get3A_40 = arith.constant 0 : i32
    %get3A_41 = arith.index_cast %get3A_40 : i32 to index
    %get3A_42 = arith.constant 32 : index
    %get3A_43 = tpu.vector_load %arg5[%get3A_41, %get3A_42] {strides = array<i32>} : memref<200x128xi32, #tpu.memory_space<vmem>>, vector<16xi32>,
    %shift_right_logical3A_44 = arith.constant 1 : i32
    %shift_right_logical3A_45 = vector.broadcast %shift_right_logical3A_44 : i32 to vector<16xi32>
    %shift_right_logical3A_46 = arith.shrui %get3A_43, %shift_right_logical3A_45 : vector<16xi32>
    %swap3A_47 = arith.constant 0 : i32
    %swap3A_48 = arith.index_cast %swap3A_47 : i32 to index
    %swap3A_49 = arith.constant 32 : index
    %swap3A_50 = tpu.vector_load %arg6[%swap3A_48, %swap3A_49] {strides = array<i32>} : memref<4x128xi32, #tpu.memory_space<vmem>>, vector<16xi32>,
    tpu.vector_store %arg6[%swap3A_48, %swap3A_49], %shift_right_logical3A_46 {strides = array<i32>} : memref<4x128xi32, #tpu.memory_space<vmem>>, vector<16xi32>,
    %and3A_51 = arith.constant 1 : i32
    %and3A_52 = vector.broadcast %and3A_51 : i32 to vector<16xi32>
    %and3A_53 = arith.andi %get3A_43, %and3A_52 : vector<16xi32>
    %shift_left3A_54 = arith.constant 6 : i32
    %shift_left3A_55 = vector.broadcast %shift_left3A_54 : i32 to vector<16xi32>
    %shift_left3A_56 = arith.shli %and3A_53, %shift_left3A_55 : vector<16xi32>
    %swap3A_57 = arith.constant 0 : i32
    %swap3A_58 = arith.index_cast %swap3A_57 : i32 to index
    %swap3A_59 = arith.constant 32 : index
    %swap3A_60 = tpu.vector_load %arg7[%swap3A_58, %swap3A_59] {strides = array<i32>} : memref<4x128xi32, #tpu.memory_space<vmem>>, vector<16xi32>,
    tpu.vector_store %arg7[%swap3A_58, %swap3A_59], %shift_left3A_56 {strides = array<i32>} : memref<4x128xi32, #tpu.memory_space<vmem>>, vector<16xi32>,
    %get3A_61 = arith.constant 0 : i32
    %get3A_62 = arith.index_cast %get3A_61 : i32 to index
    %get3A_63 = arith.constant 48 : index
    %get3A_64 = tpu.vector_load %arg5[%get3A_62, %get3A_63] {strides = array<i32>} : memref<200x128xi32, #tpu.memory_space<vmem>>, vector<16xi32>,
    %shift_right_logical3A_65 = arith.constant 1 : i32
    %shift_right_logical3A_66 = vector.broadcast %shift_right_logical3A_65 : i32 to vector<16xi32>
    %shift_right_logical3A_67 = arith.shrui %get3A_64, %shift_right_logical3A_66 : vector<16xi32>
    %swap3A_68 = arith.constant 0 : i32
    %swap3A_69 = arith.index_cast %swap3A_68 : i32 to index
    %swap3A_70 = arith.constant 48 : index
    %swap3A_71 = tpu.vector_load %arg6[%swap3A_69, %swap3A_70] {strides = array<i32>} : memref<4x128xi32, #tpu.memory_space<vmem>>, vector<16xi32>,
    tpu.vector_store %arg6[%swap3A_69, %swap3A_70], %shift_right_logical3A_67 {strides = array<i32>} : memref<4x128xi32, #tpu.memory_space<vmem>>, vector<16xi32>,
    %and3A_72 = arith.constant 1 : i32
    %and3A_73 = vector.broadcast %and3A_72 : i32 to vector<16xi32>
    %and3A_74 = arith.andi %get3A_64, %and3A_73 : vector<16xi32>
    %shift_left3A_75 = arith.constant 6 : i32
    %shift_left3A_76 = vector.broadcast %shift_left3A_75 : i32 to vector<16xi32>
    %shift_left3A_77 = arith.shli %and3A_74, %shift_left3A_76 : vector<16xi32>
    %swap3A_78 = arith.constant 0 : i32
    %swap3A_79 = arith.index_cast %swap3A_78 : i32 to index
    %swap3A_80 = arith.constant 48 : index
    %swap3A_81 = tpu.vector_load %arg7[%swap3A_79, %swap3A_80] {strides = array<i32>} : memref<4x128xi32, #tpu.memory_space<vmem>>, vector<16xi32>,
    tpu.vector_store %arg7[%swap3A_79, %swap3A_80], %shift_left3A_77 {strides = array<i32>} : memref<4x128xi32, #tpu.memory_space<vmem>>, vector<16xi32>,
    %get3A_82 = arith.constant 0 : i32
    %get3A_83 = arith.index_cast %get3A_82 : i32 to index
    %get3A_84 = arith.constant 64 : index
    %get3A_85 = tpu.vector_load %arg5[%get3A_83, %get3A_84] {strides = array<i32>} : memref<200x128xi32, #tpu.memory_space<vmem>>, vector<16xi32>,
    %shift_right_logical3A_86 = arith.constant 1 : i32
    %shift_right_logical3A_87 = vector.broadcast %shift_right_logical3A_86 : i32 to vector<16xi32>
    %shift_right_logical3A_88 = arith.shrui %get3A_85, %shift_right_logical3A_87 : vector<16xi32>
    %swap3A_89 = arith.constant 0 : i32
    %swap3A_90 = arith.index_cast %swap3A_89 : i32 to index
    %swap3A_91 = arith.constant 64 : index
    %swap3A_92 = tpu.vector_load %arg6[%swap3A_90, %swap3A_91] {strides = array<i32>} : memref<4x128xi32, #tpu.memory_space<vmem>>, vector<16xi32>,
    tpu.vector_store %arg6[%swap3A_90, %swap3A_91], %shift_right_logical3A_88 {strides = array<i32>} : memref<4x128xi32, #tpu.memory_space<vmem>>, vector<16xi32>,
    %and3A_93 = arith.constant 1 : i32
    %and3A_94 = vector.broadcast %and3A_93 : i32 to vector<16xi32>
    %and3A_95 = arith.andi %get3A_85, %and3A_94 : vector<16xi32>
    %shift_left3A_96 = arith.constant 6 : i32
    %shift_left3A_97 = vector.broadcast %shift_left3A_96 : i32 to vector<16xi32>
    %shift_left3A_98 = arith.shli %and3A_95, %shift_left3A_97 : vector<16xi32>
    %swap3A_99 = arith.constant 0 : i32
    %swap3A_100 = arith.index_cast %swap3A_99 : i32 to index
    %swap3A_101 = arith.constant 64 : index
    %swap3A_102 = tpu.vector_load %arg7[%swap3A_100, %swap3A_101] {strides = array<i32>} : memref<4x128xi32, #tpu.memory_space<vmem>>, vector<16xi32>,
    tpu.vector_store %arg7[%swap3A_100, %swap3A_101], %shift_left3A_98 {strides = array<i32>} : memref<4x128xi32, #tpu.memory_space<vmem>>, vector<16xi32>,
    %get3A_103 = arith.constant 0 : i32
    %get3A_104 = arith.index_cast %get3A_103 : i32 to index
    %get3A_105 = arith.constant 80 : index
    %get3A_106 = tpu.vector_load %arg5[%get3A_104, %get3A_105] {strides = array<i32>} : memref<200x128xi32, #tpu.memory_space<vmem>>, vector<16xi32>,
    %shift_right_logical3A_107 = arith.constant 1 : i32
    %shift_right_logical3A_108 = vector.broadcast %shift_right_logical3A_107 : i32 to vector<16xi32>
    %shift_right_logical3A_109 = arith.shrui %get3A_106, %shift_right_logical3A_108 : vector<16xi32>
    %swap3A_110 = arith.constant 0 : i32
    %swap3A_111 = arith.index_cast %swap3A_110 : i32 to index
    %swap3A_112 = arith.constant 80 : index
    %swap3A_113 = tpu.vector_load %arg6[%swap3A_111, %swap3A_112] {strides = array<i32>} : memref<4x128xi32, #tpu.memory_space<vmem>>, vector<16xi32>,
    tpu.vector_store %arg6[%swap3A_111, %swap3A_112], %shift_right_logical3A_109 {strides = array<i32>} : memref<4x128xi32, #tpu.memory_space<vmem>>, vector<16xi32>,
    %and3A_114 = arith.constant 1 : i32
    %and3A_115 = vector.broadcast %and3A_114 : i32 to vector<16xi32>
    %and3A_116 = arith.andi %get3A_106, %and3A_115 : vector<16xi32>
    %shift_left3A_117 = arith.constant 6 : i32
    %shift_left3A_118 = vector.broadcast %shift_left3A_117 : i32 to vector<16xi32>
    %shift_left3A_119 = arith.shli %and3A_116, %shift_left3A_118 : vector<16xi32>
    %swap3A_120 = arith.constant 0 : i32
    %swap3A_121 = arith.index_cast %swap3A_120 : i32 to index
    %swap3A_122 = arith.constant 80 : index
    %swap3A_123 = tpu.vector_load %arg7[%swap3A_121, %swap3A_122] {strides = array<i32>} : memref<4x128xi32, #tpu.memory_space<vmem>>, vector<16xi32>,
    tpu.vector_store %arg7[%swap3A_121, %swap3A_122], %shift_left3A_119 {strides = array<i32>} : memref<4x128xi32, #tpu.memory_space<vmem>>, vector<16xi32>,
    %get3A_124 = arith.constant 0 : i32
    %get3A_125 = arith.index_cast %get3A_124 : i32 to index
    %get3A_126 = arith.constant 96 : index
    %get3A_127 = tpu.vector_load %arg5[%get3A_125, %get3A_126] {strides = array<i32>} : memref<200x128xi32, #tpu.memory_space<vmem>>, vector<16xi32>,
    %shift_right_logical3A_128 = arith.constant 1 : i32
    %shift_right_logical3A_129 = vector.broadcast %shift_right_logical3A_128 : i32 to vector<16xi32>
    %shift_right_logical3A_130 = arith.shrui %get3A_127, %shift_right_logical3A_129 : vector<16xi32>
    %swap3A_131 = arith.constant 0 : i32
    %swap3A_132 = arith.index_cast %swap3A_131 : i32 to index
    %swap3A_133 = arith.constant 96 : index
    %swap3A_134 = tpu.vector_load %arg6[%swap3A_132, %swap3A_133] {strides = array<i32>} : memref<4x128xi32, #tpu.memory_space<vmem>>, vector<16xi32>,
    tpu.vector_store %arg6[%swap3A_132, %swap3A_133], %shift_right_logical3A_130 {strides = array<i32>} : memref<4x128xi32, #tpu.memory_space<vmem>>, vector<16xi32>,
    %and3A_135 = arith.constant 1 : i32
    %and3A_136 = vector.broadcast %and3A_135 : i32 to vector<16xi32>
    %and3A_137 = arith.andi %get3A_127, %and3A_136 : vector<16xi32>
    %shift_left3A_138 = arith.constant 6 : i32
    %shift_left3A_139 = vector.broadcast %shift_left3A_138 : i32 to vector<16xi32>
    %shift_left3A_140 = arith.shli %and3A_137, %shift_left3A_139 : vector<16xi32>
    %swap3A_141 = arith.constant 0 : i32
    %swap3A_142 = arith.index_cast %swap3A_141 : i32 to index
    %swap3A_143 = arith.constant 96 : index
    %swap3A_144 = tpu.vector_load %arg7[%swap3A_142, %swap3A_143] {strides = array<i32>} : memref<4x128xi32, #tpu.memory_space<vmem>>, vector<16xi32>,
    tpu.vector_store %arg7[%swap3A_142, %swap3A_143], %shift_left3A_140 {strides = array<i32>} : memref<4x128xi32, #tpu.memory_space<vmem>>, vector<16xi32>,
    %get3A_145 = arith.constant 0 : i32
    %get3A_146 = arith.index_cast %get3A_145 : i32 to index
    %get3A_147 = arith.constant 112 : index
    %get3A_148 = tpu.vector_load %arg5[%get3A_146, %get3A_147] {strides = array<i32>} : memref<200x128xi32, #tpu.memory_space<vmem>>, vector<16xi32>,
    %shift_right_logical3A_149 = arith.constant 1 : i32
    %shift_right_logical3A_150 = vector.broadcast %shift_right_logical3A_149 : i32 to vector<16xi32>
    %shift_right_logical3A_151 = arith.shrui %get3A_148, %shift_right_logical3A_150 : vector<16xi32>
    %swap3A_152 = arith.constant 0 : i32
    %swap3A_153 = arith.index_cast %swap3A_152 : i32 to index
    %swap3A_154 = arith.constant 112 : index
    %swap3A_155 = tpu.vector_load %arg6[%swap3A_153, %swap3A_154] {strides = array<i32>} : memref<4x128xi32, #tpu.memory_space<vmem>>, vector<16xi32>,
    tpu.vector_store %arg6[%swap3A_153, %swap3A_154], %shift_right_logical3A_151 {strides = array<i32>} : memref<4x128xi32, #tpu.memory_space<vmem>>, vector<16xi32>,
    %and3A_156 = arith.constant 1 : i32
    %and3A_157 = vector.broadcast %and3A_156 : i32 to vector<16xi32>
    %and3A_158 = arith.andi %get3A_148, %and3A_157 : vector<16xi32>
    %shift_left3A_159 = arith.constant 6 : i32
    %shift_left3A_160 = vector.broadcast %shift_left3A_159 : i32 to vector<16xi32>
    %shift_left3A_161 = arith.shli %and3A_158, %shift_left3A_160 : vector<16xi32>
    %swap3A_162 = arith.constant 0 : i32
    %swap3A_163 = arith.index_cast %swap3A_162 : i32 to index
    %swap3A_164 = arith.constant 112 : index
    %swap3A_165 = tpu.vector_load %arg7[%swap3A_163, %swap3A_164] {strides = array<i32>} : memref<4x128xi32, #tpu.memory_space<vmem>>, vector<16xi32>,
    tpu.vector_store %arg7[%swap3A_163, %swap3A_164], %shift_left3A_161 {strides = array<i32>} : memref<4x128xi32, #tpu.memory_space<vmem>>, vector<16xi32>,
    %dma_start3A = arith.constant 0 : i32
    %dma_start3A_166 = arith.constant 0 : i32
    %dma_start3A_167 = tpu.memref_slice %arg6[%dma_start3A, %dma_start3A_166] : memref<4x128xi32, #tpu.memory_space<vmem>> -> memref<1x128xi32, #tpu.memory_space<vmem>>
    %dma_start3A_168 = tpu.memref_squeeze %dma_start3A_167 : memref<1x128xi32, #tpu.memory_space<vmem>> -> memref<128xi32, #tpu.memory_space<vmem>>
    %dma_start3A_169 = arith.constant 0 : i32
    %dma_start3A_170 = arith.constant 0 : i32
    %dma_start3A_171 = tpu.memref_slice %arg3[%dma_start3A_169, %dma_start3A_170] : memref<500000x128xf32, #tpu.memory_space<hbm>> -> memref<500000x128xf32, #tpu.memory_space<hbm>>
    tpu.enqueue_indirect_dma source(%dma_start3A_171 : memref<500000x128xf32, #tpu.memory_space<hbm>>) target(%arg8 : memref<128x128xf32, #tpu.memory_space<vmem>>) offsets(%dma_start3A_168 : memref<128xi32, #tpu.memory_space<vmem>>) semaphore(%arg14 : memref<!tpu.dma_semaphore, #tpu.memory_space<semaphore_mem>>)
    %get3A_172 = arith.constant 1 : i32
    %get3A_173 = arith.index_cast %get3A_172 : i32 to index
    %get3A_174 = arith.constant 0 : index
    %get3A_175 = tpu.vector_load %arg5[%get3A_173, %get3A_174] {strides = array<i32>} : memref<200x128xi32, #tpu.memory_space<vmem>>, vector<16xi32>,
    %shift_right_logical3A_176 = arith.constant 1 : i32
    %shift_right_logical3A_177 = vector.broadcast %shift_right_logical3A_176 : i32 to vector<16xi32>
    %shift_right_logical3A_178 = arith.shrui %get3A_175, %shift_right_logical3A_177 : vector<16xi32>
    %swap3A_179 = arith.constant 1 : i32
    %swap3A_180 = arith.index_cast %swap3A_179 : i32 to index
    %swap3A_181 = arith.constant 0 : index
    %swap3A_182 = tpu.vector_load %arg6[%swap3A_180, %swap3A_181] {strides = array<i32>} : memref<4x128xi32, #tpu.memory_space<vmem>>, vector<16xi32>,
    tpu.vector_store %arg6[%swap3A_180, %swap3A_181], %shift_right_logical3A_178 {strides = array<i32>} : memref<4x128xi32, #tpu.memory_space<vmem>>, vector<16xi32>,
    %and3A_183 = arith.constant 1 : i32
    %and3A_184 = vector.broadcast %and3A_183 : i32 to vector<16xi32>
    %and3A_185 = arith.andi %get3A_175, %and3A_184 : vector<16xi32>
    %shift_left3A_186 = arith.constant 6 : i32
    %shift_left3A_187 = vector.broadcast %shift_left3A_186 : i32 to vector<16xi32>
    %shift_left3A_188 = arith.shli %and3A_185, %shift_left3A_187 : vector<16xi32>
    %swap3A_189 = arith.constant 1 : i32
    %swap3A_190 = arith.index_cast %swap3A_189 : i32 to index
    %swap3A_191 = arith.constant 0 : index
    %swap3A_192 = tpu.vector_load %arg7[%swap3A_190, %swap3A_191] {strides = array<i32>} : memref<4x128xi32, #tpu.memory_space<vmem>>, vector<16xi32>,
    tpu.vector_store %arg7[%swap3A_190, %swap3A_191], %shift_left3A_188 {strides = array<i32>} : memref<4x128xi32, #tpu.memory_space<vmem>>, vector<16xi32>,
    %get3A_193 = arith.constant 1 : i32
    %get3A_194 = arith.index_cast %get3A_193 : i32 to index
    %get3A_195 = arith.constant 16 : index
    %get3A_196 = tpu.vector_load %arg5[%get3A_194, %get3A_195] {strides = array<i32>} : memref<200x128xi32, #tpu.memory_space<vmem>>, vector<16xi32>,
    %shift_right_logical3A_197 = arith.constant 1 : i32
    %shift_right_logical3A_198 = vector.broadcast %shift_right_logical3A_197 : i32 to vector<16xi32>
    %shift_right_logical3A_199 = arith.shrui %get3A_196, %shift_right_logical3A_198 : vector<16xi32>
    %swap3A_200 = arith.constant 1 : i32
    %swap3A_201 = arith.index_cast %swap3A_200 : i32 to index
    %swap3A_202 = arith.constant 16 : index
    %swap3A_203 = tpu.vector_load %arg6[%swap3A_201, %swap3A_202] {strides = array<i32>} : memref<4x128xi32, #tpu.memory_space<vmem>>, vector<16xi32>,
    tpu.vector_store %arg6[%swap3A_201, %swap3A_202], %shift_right_logical3A_199 {strides = array<i32>} : memref<4x128xi32, #tpu.memory_space<vmem>>, vector<16xi32>,
    %and3A_204 = arith.constant 1 : i32
    %and3A_205 = vector.broadcast %and3A_204 : i32 to vector<16xi32>
    %and3A_206 = arith.andi %get3A_196, %and3A_205 : vector<16xi32>
    %shift_left3A_207 = arith.constant 6 : i32
    %shift_left3A_208 = vector.broadcast %shift_left3A_207 : i32 to vector<16xi32>
    %shift_left3A_209 = arith.shli %and3A_206, %shift_left3A_208 : vector<16xi32>
    %swap3A_210 = arith.constant 1 : i32
    %swap3A_211 = arith.index_cast %swap3A_210 : i32 to index
    %swap3A_212 = arith.constant 16 : index
    %swap3A_213 = tpu.vector_load %arg7[%swap3A_211, %swap3A_212] {strides = array<i32>} : memref<4x128xi32, #tpu.memory_space<vmem>>, vector<16xi32>,
    tpu.vector_store %arg7[%swap3A_211, %swap3A_212], %shift_left3A_209 {strides = array<i32>} : memref<4x128xi32, #tpu.memory_space<vmem>>, vector<16xi32>,
    %get3A_214 = arith.constant 1 : i32
    %get3A_215 = arith.index_cast %get3A_214 : i32 to index
    %get3A_216 = arith.constant 32 : index
    %get3A_217 = tpu.vector_load %arg5[%get3A_215, %get3A_216] {strides = array<i32>} : memref<200x128xi32, #tpu.memory_space<vmem>>, vector<16xi32>,
    %shift_right_logical3A_218 = arith.constant 1 : i32
    %shift_right_logical3A_219 = vector.broadcast %shift_right_logical3A_218 : i32 to vector<16xi32>
    %shift_right_logical3A_220 = arith.shrui %get3A_217, %shift_right_logical3A_219 : vector<16xi32>
    %swap3A_221 = arith.constant 1 : i32
    %swap3A_222 = arith.index_cast %swap3A_221 : i32 to index
    %swap3A_223 = arith.constant 32 : index
    %swap3A_224 = tpu.vector_load %arg6[%swap3A_222, %swap3A_223] {strides = array<i32>} : memref<4x128xi32, #tpu.memory_space<vmem>>, vector<16xi32>,
    tpu.vector_store %arg6[%swap3A_222, %swap3A_223], %shift_right_logical3A_220 {strides = array<i32>} : memref<4x128xi32, #tpu.memory_space<vmem>>, vector<16xi32>,
    %and3A_225 = arith.constant 1 : i32
    %and3A_226 = vector.broadcast %and3A_225 : i32 to vector<16xi32>
    %and3A_227 = arith.andi %get3A_217, %and3A_226 : vector<16xi32>
    %shift_left3A_228 = arith.constant 6 : i32
    %shift_left3A_229 = vector.broadcast %shift_left3A_228 : i32 to vector<16xi32>
    %shift_left3A_230 = arith.shli %and3A_227, %shift_left3A_229 : vector<16xi32>
    %swap3A_231 = arith.constant 1 : i32
    %swap3A_232 = arith.index_cast %swap3A_231 : i32 to index
    %swap3A_233 = arith.constant 32 : index
    %swap3A_234 = tpu.vector_load %arg7[%swap3A_232, %swap3A_233] {strides = array<i32>} : memref<4x128xi32, #tpu.memory_space<vmem>>, vector<16xi32>,
    tpu.vector_store %arg7[%swap3A_232, %swap3A_233], %shift_left3A_230 {strides = array<i32>} : memref<4x128xi32, #tpu.memory_space<vmem>>, vector<16xi32>,
    %get3A_235 = arith.constant 1 : i32
    %get3A_236 = arith.index_cast %get3A_235 : i32 to index
    %get3A_237 = arith.constant 48 : index
    %get3A_238 = tpu.vector_load %arg5[%get3A_236, %get3A_237] {strides = array<i32>} : memref<200x128xi32, #tpu.memory_space<vmem>>, vector<16xi32>,
    %shift_right_logical3A_239 = arith.constant 1 : i32
    %shift_right_logical3A_240 = vector.broadcast %shift_right_logical3A_239 : i32 to vector<16xi32>
    %shift_right_logical3A_241 = arith.shrui %get3A_238, %shift_right_logical3A_240 : vector<16xi32>
    %swap3A_242 = arith.constant 1 : i32
    %swap3A_243 = arith.index_cast %swap3A_242 : i32 to index
    %swap3A_244 = arith.constant 48 : index
    %swap3A_245 = tpu.vector_load %arg6[%swap3A_243, %swap3A_244] {strides = array<i32>} : memref<4x128xi32, #tpu.memory_space<vmem>>, vector<16xi32>,
    tpu.vector_store %arg6[%swap3A_243, %swap3A_244], %shift_right_logical3A_241 {strides = array<i32>} : memref<4x128xi32, #tpu.memory_space<vmem>>, vector<16xi32>,
    %and3A_246 = arith.constant 1 : i32
    %and3A_247 = vector.broadcast %and3A_246 : i32 to vector<16xi32>
    %and3A_248 = arith.andi %get3A_238, %and3A_247 : vector<16xi32>
    %shift_left3A_249 = arith.constant 6 : i32
    %shift_left3A_250 = vector.broadcast %shift_left3A_249 : i32 to vector<16xi32>
    %shift_left3A_251 = arith.shli %and3A_248, %shift_left3A_250 : vector<16xi32>
    %swap3A_252 = arith.constant 1 : i32
    %swap3A_253 = arith.index_cast %swap3A_252 : i32 to index
    %swap3A_254 = arith.constant 48 : index
    %swap3A_255 = tpu.vector_load %arg7[%swap3A_253, %swap3A_254] {strides = array<i32>} : memref<4x128xi32, #tpu.memory_space<vmem>>, vector<16xi32>,
    tpu.vector_store %arg7[%swap3A_253, %swap3A_254], %shift_left3A_251 {strides = array<i32>} : memref<4x128xi32, #tpu.memory_space<vmem>>, vector<16xi32>,
    %get3A_256 = arith.constant 1 : i32
    %get3A_257 = arith.index_cast %get3A_256 : i32 to index
    %get3A_258 = arith.constant 64 : index
    %get3A_259 = tpu.vector_load %arg5[%get3A_257, %get3A_258] {strides = array<i32>} : memref<200x128xi32, #tpu.memory_space<vmem>>, vector<16xi32>,
    %shift_right_logical3A_260 = arith.constant 1 : i32
    %shift_right_logical3A_261 = vector.broadcast %shift_right_logical3A_260 : i32 to vector<16xi32>
    %shift_right_logical3A_262 = arith.shrui %get3A_259, %shift_right_logical3A_261 : vector<16xi32>
    %swap3A_263 = arith.constant 1 : i32
    %swap3A_264 = arith.index_cast %swap3A_263 : i32 to index
    %swap3A_265 = arith.constant 64 : index
    %swap3A_266 = tpu.vector_load %arg6[%swap3A_264, %swap3A_265] {strides = array<i32>} : memref<4x128xi32, #tpu.memory_space<vmem>>, vector<16xi32>,
    tpu.vector_store %arg6[%swap3A_264, %swap3A_265], %shift_right_logical3A_262 {strides = array<i32>} : memref<4x128xi32, #tpu.memory_space<vmem>>, vector<16xi32>,
    %and3A_267 = arith.constant 1 : i32
    %and3A_268 = vector.broadcast %and3A_267 : i32 to vector<16xi32>
    %and3A_269 = arith.andi %get3A_259, %and3A_268 : vector<16xi32>
    %shift_left3A_270 = arith.constant 6 : i32
    %shift_left3A_271 = vector.broadcast %shift_left3A_270 : i32 to vector<16xi32>
    %shift_left3A_272 = arith.shli %and3A_269, %shift_left3A_271 : vector<16xi32>
    %swap3A_273 = arith.constant 1 : i32
    %swap3A_274 = arith.index_cast %swap3A_273 : i32 to index
    %swap3A_275 = arith.constant 64 : index
    %swap3A_276 = tpu.vector_load %arg7[%swap3A_274, %swap3A_275] {strides = array<i32>} : memref<4x128xi32, #tpu.memory_space<vmem>>, vector<16xi32>,
    tpu.vector_store %arg7[%swap3A_274, %swap3A_275], %shift_left3A_272 {strides = array<i32>} : memref<4x128xi32, #tpu.memory_space<vmem>>, vector<16xi32>,
    %get3A_277 = arith.constant 1 : i32
    %get3A_278 = arith.index_cast %get3A_277 : i32 to index
    %get3A_279 = arith.constant 80 : index
    %get3A_280 = tpu.vector_load %arg5[%get3A_278, %get3A_279] {strides = array<i32>} : memref<200x128xi32, #tpu.memory_space<vmem>>, vector<16xi32>,
    %shift_right_logical3A_281 = arith.constant 1 : i32
    %shift_right_logical3A_282 = vector.broadcast %shift_right_logical3A_281 : i32 to vector<16xi32>
    %shift_right_logical3A_283 = arith.shrui %get3A_280, %shift_right_logical3A_282 : vector<16xi32>
    %swap3A_284 = arith.constant 1 : i32
    %swap3A_285 = arith.index_cast %swap3A_284 : i32 to index
    %swap3A_286 = arith.constant 80 : index
    %swap3A_287 = tpu.vector_load %arg6[%swap3A_285, %swap3A_286] {strides = array<i32>} : memref<4x128xi32, #tpu.memory_space<vmem>>, vector<16xi32>,
    tpu.vector_store %arg6[%swap3A_285, %swap3A_286], %shift_right_logical3A_283 {strides = array<i32>} : memref<4x128xi32, #tpu.memory_space<vmem>>, vector<16xi32>,
    %and3A_288 = arith.constant 1 : i32
    %and3A_289 = vector.broadcast %and3A_288 : i32 to vector<16xi32>
    %and3A_290 = arith.andi %get3A_280, %and3A_289 : vector<16xi32>
    %shift_left3A_291 = arith.constant 6 : i32
    %shift_left3A_292 = vector.broadcast %shift_left3A_291 : i32 to vector<16xi32>
    %shift_left3A_293 = arith.shli %and3A_290, %shift_left3A_292 : vector<16xi32>
    %swap3A_294 = arith.constant 1 : i32
    %swap3A_295 = arith.index_cast %swap3A_294 : i32 to index
    %swap3A_296 = arith.constant 80 : index
    %swap3A_297 = tpu.vector_load %arg7[%swap3A_295, %swap3A_296] {strides = array<i32>} : memref<4x128xi32, #tpu.memory_space<vmem>>, vector<16xi32>,
    tpu.vector_store %arg7[%swap3A_295, %swap3A_296], %shift_left3A_293 {strides = array<i32>} : memref<4x128xi32, #tpu.memory_space<vmem>>, vector<16xi32>,
    %get3A_298 = arith.constant 1 : i32
    %get3A_299 = arith.index_cast %get3A_298 : i32 to index
    %get3A_300 = arith.constant 96 : index
    %get3A_301 = tpu.vector_load %arg5[%get3A_299, %get3A_300] {strides = array<i32>} : memref<200x128xi32, #tpu.memory_space<vmem>>, vector<16xi32>,
    %shift_right_logical3A_302 = arith.constant 1 : i32
    %shift_right_logical3A_303 = vector.broadcast %shift_right_logical3A_302 : i32 to vector<16xi32>
    %shift_right_logical3A_304 = arith.shrui %get3A_301, %shift_right_logical3A_303 : vector<16xi32>
    %swap3A_305 = arith.constant 1 : i32
    %swap3A_306 = arith.index_cast %swap3A_305 : i32 to index
    %swap3A_307 = arith.constant 96 : index
    %swap3A_308 = tpu.vector_load %arg6[%swap3A_306, %swap3A_307] {strides = array<i32>} : memref<4x128xi32, #tpu.memory_space<vmem>>, vector<16xi32>,
    tpu.vector_store %arg6[%swap3A_306, %swap3A_307], %shift_right_logical3A_304 {strides = array<i32>} : memref<4x128xi32, #tpu.memory_space<vmem>>, vector<16xi32>,
    %and3A_309 = arith.constant 1 : i32
    %and3A_310 = vector.broadcast %and3A_309 : i32 to vector<16xi32>
    %and3A_311 = arith.andi %get3A_301, %and3A_310 : vector<16xi32>
    %shift_left3A_312 = arith.constant 6 : i32
    %shift_left3A_313 = vector.broadcast %shift_left3A_312 : i32 to vector<16xi32>
    %shift_left3A_314 = arith.shli %and3A_311, %shift_left3A_313 : vector<16xi32>
    %swap3A_315 = arith.constant 1 : i32
    %swap3A_316 = arith.index_cast %swap3A_315 : i32 to index
    %swap3A_317 = arith.constant 96 : index
    %swap3A_318 = tpu.vector_load %arg7[%swap3A_316, %swap3A_317] {strides = array<i32>} : memref<4x128xi32, #tpu.memory_space<vmem>>, vector<16xi32>,
    tpu.vector_store %arg7[%swap3A_316, %swap3A_317], %shift_left3A_314 {strides = array<i32>} : memref<4x128xi32, #tpu.memory_space<vmem>>, vector<16xi32>,
    %get3A_319 = arith.constant 1 : i32
    %get3A_320 = arith.index_cast %get3A_319 : i32 to index
    %get3A_321 = arith.constant 112 : index
    %get3A_322 = tpu.vector_load %arg5[%get3A_320, %get3A_321] {strides = array<i32>} : memref<200x128xi32, #tpu.memory_space<vmem>>, vector<16xi32>,
    %shift_right_logical3A_323 = arith.constant 1 : i32
    %shift_right_logical3A_324 = vector.broadcast %shift_right_logical3A_323 : i32 to vector<16xi32>
    %shift_right_logical3A_325 = arith.shrui %get3A_322, %shift_right_logical3A_324 : vector<16xi32>
    %swap3A_326 = arith.constant 1 : i32
    %swap3A_327 = arith.index_cast %swap3A_326 : i32 to index
    %swap3A_328 = arith.constant 112 : index
    %swap3A_329 = tpu.vector_load %arg6[%swap3A_327, %swap3A_328] {strides = array<i32>} : memref<4x128xi32, #tpu.memory_space<vmem>>, vector<16xi32>,
    tpu.vector_store %arg6[%swap3A_327, %swap3A_328], %shift_right_logical3A_325 {strides = array<i32>} : memref<4x128xi32, #tpu.memory_space<vmem>>, vector<16xi32>,
    %and3A_330 = arith.constant 1 : i32
    %and3A_331 = vector.broadcast %and3A_330 : i32 to vector<16xi32>
    %and3A_332 = arith.andi %get3A_322, %and3A_331 : vector<16xi32>
    %shift_left3A_333 = arith.constant 6 : i32
    %shift_left3A_334 = vector.broadcast %shift_left3A_333 : i32 to vector<16xi32>
    %shift_left3A_335 = arith.shli %and3A_332, %shift_left3A_334 : vector<16xi32>
    %swap3A_336 = arith.constant 1 : i32
    %swap3A_337 = arith.index_cast %swap3A_336 : i32 to index
    %swap3A_338 = arith.constant 112 : index
    %swap3A_339 = tpu.vector_load %arg7[%swap3A_337, %swap3A_338] {strides = array<i32>} : memref<4x128xi32, #tpu.memory_space<vmem>>, vector<16xi32>,
    tpu.vector_store %arg7[%swap3A_337, %swap3A_338], %shift_left3A_335 {strides = array<i32>} : memref<4x128xi32, #tpu.memory_space<vmem>>, vector<16xi32>,
    %dma_start3A_340 = arith.constant 1 : i32
    %dma_start3A_341 = arith.constant 0 : i32
    %dma_start3A_342 = tpu.memref_slice %arg6[%dma_start3A_340, %dma_start3A_341] : memref<4x128xi32, #tpu.memory_space<vmem>> -> memref<1x128xi32, #tpu.memory_space<vmem>>
    %dma_start3A_343 = tpu.memref_squeeze %dma_start3A_342 : memref<1x128xi32, #tpu.memory_space<vmem>> -> memref<128xi32, #tpu.memory_space<vmem>>
    %dma_start3A_344 = arith.constant 0 : i32
    %dma_start3A_345 = arith.constant 0 : i32
    %dma_start3A_346 = tpu.memref_slice %arg3[%dma_start3A_344, %dma_start3A_345] : memref<500000x128xf32, #tpu.memory_space<hbm>> -> memref<500000x128xf32, #tpu.memory_space<hbm>>
    tpu.enqueue_indirect_dma source(%dma_start3A_346 : memref<500000x128xf32, #tpu.memory_space<hbm>>) target(%arg9 : memref<128x128xf32, #tpu.memory_space<vmem>>) offsets(%dma_start3A_343 : memref<128xi32, #tpu.memory_space<vmem>>) semaphore(%arg15 : memref<!tpu.dma_semaphore, #tpu.memory_space<semaphore_mem>>)
    %get3A_347 = arith.constant 2 : i32
    %get3A_348 = arith.index_cast %get3A_347 : i32 to index
    %get3A_349 = arith.constant 0 : index
    %get3A_350 = tpu.vector_load %arg5[%get3A_348, %get3A_349] {strides = array<i32>} : memref<200x128xi32, #tpu.memory_space<vmem>>, vector<16xi32>,
    %shift_right_logical3A_351 = arith.constant 1 : i32
    %shift_right_logical3A_352 = vector.broadcast %shift_right_logical3A_351 : i32 to vector<16xi32>
    %shift_right_logical3A_353 = arith.shrui %get3A_350, %shift_right_logical3A_352 : vector<16xi32>
    %swap3A_354 = arith.constant 2 : i32
    %swap3A_355 = arith.index_cast %swap3A_354 : i32 to index
    %swap3A_356 = arith.constant 0 : index
    %swap3A_357 = tpu.vector_load %arg6[%swap3A_355, %swap3A_356] {strides = array<i32>} : memref<4x128xi32, #tpu.memory_space<vmem>>, vector<16xi32>,
    tpu.vector_store %arg6[%swap3A_355, %swap3A_356], %shift_right_logical3A_353 {strides = array<i32>} : memref<4x128xi32, #tpu.memory_space<vmem>>, vector<16xi32>,
    %and3A_358 = arith.constant 1 : i32
    %and3A_359 = vector.broadcast %and3A_358 : i32 to vector<16xi32>
    %and3A_360 = arith.andi %get3A_350, %and3A_359 : vector<16xi32>
    %shift_left3A_361 = arith.constant 6 : i32
    %shift_left3A_362 = vector.broadcast %shift_left3A_361 : i32 to vector<16xi32>
    %shift_left3A_363 = arith.shli %and3A_360, %shift_left3A_362 : vector<16xi32>
    %swap3A_364 = arith.constant 2 : i32
    %swap3A_365 = arith.index_cast %swap3A_364 : i32 to index
    %swap3A_366 = arith.constant 0 : index
    %swap3A_367 = tpu.vector_load %arg7[%swap3A_365, %swap3A_366] {strides = array<i32>} : memref<4x128xi32, #tpu.memory_space<vmem>>, vector<16xi32>,
    tpu.vector_store %arg7[%swap3A_365, %swap3A_366], %shift_left3A_363 {strides = array<i32>} : memref<4x128xi32, #tpu.memory_space<vmem>>, vector<16xi32>,
    %get3A_368 = arith.constant 2 : i32
    %get3A_369 = arith.index_cast %get3A_368 : i32 to index
    %get3A_370 = arith.constant 16 : index
    %get3A_371 = tpu.vector_load %arg5[%get3A_369, %get3A_370] {strides = array<i32>} : memref<200x128xi32, #tpu.memory_space<vmem>>, vector<16xi32>,
    %shift_right_logical3A_372 = arith.constant 1 : i32
    %shift_right_logical3A_373 = vector.broadcast %shift_right_logical3A_372 : i32 to vector<16xi32>
    %shift_right_logical3A_374 = arith.shrui %get3A_371, %shift_right_logical3A_373 : vector<16xi32>
    %swap3A_375 = arith.constant 2 : i32
    %swap3A_376 = arith.index_cast %swap3A_375 : i32 to index
    %swap3A_377 = arith.constant 16 : index
    %swap3A_378 = tpu.vector_load %arg6[%swap3A_376, %swap3A_377] {strides = array<i32>} : memref<4x128xi32, #tpu.memory_space<vmem>>, vector<16xi32>,
    tpu.vector_store %arg6[%swap3A_376, %swap3A_377], %shift_right_logical3A_374 {strides = array<i32>} : memref<4x128xi32, #tpu.memory_space<vmem>>, vector<16xi32>,
    %and3A_379 = arith.constant 1 : i32
    %and3A_380 = vector.broadcast %and3A_379 : i32 to vector<16xi32>
    %and3A_381 = arith.andi %get3A_371, %and3A_380 : vector<16xi32>
    %shift_left3A_382 = arith.constant 6 : i32
    %shift_left3A_383 = vector.broadcast %shift_left3A_382 : i32 to vector<16xi32>
    %shift_left3A_384 = arith.shli %and3A_381, %shift_left3A_383 : vector<16xi32>
    %swap3A_385 = arith.constant 2 : i32
    %swap3A_386 = arith.index_cast %swap3A_385 : i32 to index
    %swap3A_387 = arith.constant 16 : index
    %swap3A_388 = tpu.vector_load %arg7[%swap3A_386, %swap3A_387] {strides = array<i32>} : memref<4x128xi32, #tpu.memory_space<vmem>>, vector<16xi32>,
    tpu.vector_store %arg7[%swap3A_386, %swap3A_387], %shift_left3A_384 {strides = array<i32>} : memref<4x128xi32, #tpu.memory_space<vmem>>, vector<16xi32>,
    %get3A_389 = arith.constant 2 : i32
    %get3A_390 = arith.index_cast %get3A_389 : i32 to index
    %get3A_391 = arith.constant 32 : index
    %get3A_392 = tpu.vector_load %arg5[%get3A_390, %get3A_391] {strides = array<i32>} : memref<200x128xi32, #tpu.memory_space<vmem>>, vector<16xi32>,
    %shift_right_logical3A_393 = arith.constant 1 : i32
    %shift_right_logical3A_394 = vector.broadcast %shift_right_logical3A_393 : i32 to vector<16xi32>
    %shift_right_logical3A_395 = arith.shrui %get3A_392, %shift_right_logical3A_394 : vector<16xi32>
    %swap3A_396 = arith.constant 2 : i32
    %swap3A_397 = arith.index_cast %swap3A_396 : i32 to index
    %swap3A_398 = arith.constant 32 : index
    %swap3A_399 = tpu.vector_load %arg6[%swap3A_397, %swap3A_398] {strides = array<i32>} : memref<4x128xi32, #tpu.memory_space<vmem>>, vector<16xi32>,
    tpu.vector_store %arg6[%swap3A_397, %swap3A_398], %shift_right_logical3A_395 {strides = array<i32>} : memref<4x128xi32, #tpu.memory_space<vmem>>, vector<16xi32>,
    %and3A_400 = arith.constant 1 : i32
    %and3A_401 = vector.broadcast %and3A_400 : i32 to vector<16xi32>
    %and3A_402 = arith.andi %get3A_392, %and3A_401 : vector<16xi32>
    %shift_left3A_403 = arith.constant 6 : i32
    %shift_left3A_404 = vector.broadcast %shift_left3A_403 : i32 to vector<16xi32>
    %shift_left3A_405 = arith.shli %and3A_402, %shift_left3A_404 : vector<16xi32>
    %swap3A_406 = arith.constant 2 : i32
    %swap3A_407 = arith.index_cast %swap3A_406 : i32 to index
    %swap3A_408 = arith.constant 32 : index
    %swap3A_409 = tpu.vector_load %arg7[%swap3A_407, %swap3A_408] {strides = array<i32>} : memref<4x128xi32, #tpu.memory_space<vmem>>, vector<16xi32>,
    tpu.vector_store %arg7[%swap3A_407, %swap3A_408], %shift_left3A_405 {strides = array<i32>} : memref<4x128xi32, #tpu.memory_space<vmem>>, vector<16xi32>,
    %get3A_410 = arith.constant 2 : i32
    %get3A_411 = arith.index_cast %get3A_410 : i32 to index
    %get3A_412 = arith.constant 48 : index
    %get3A_413 = tpu.vector_load %arg5[%get3A_411, %get3A_412] {strides = array<i32>} : memref<200x128xi32, #tpu.memory_space<vmem>>, vector<16xi32>,
    %shift_right_logical3A_414 = arith.constant 1 : i32
    %shift_right_logical3A_415 = vector.broadcast %shift_right_logical3A_414 : i32 to vector<16xi32>
    %shift_right_logical3A_416 = arith.shrui %get3A_413, %shift_right_logical3A_415 : vector<16xi32>
    %swap3A_417 = arith.constant 2 : i32
    %swap3A_418 = arith.index_cast %swap3A_417 : i32 to index
    %swap3A_419 = arith.constant 48 : index
    %swap3A_420 = tpu.vector_load %arg6[%swap3A_418, %swap3A_419] {strides = array<i32>} : memref<4x128xi32, #tpu.memory_space<vmem>>, vector<16xi32>,
    tpu.vector_store %arg6[%swap3A_418, %swap3A_419], %shift_right_logical3A_416 {strides = array<i32>} : memref<4x128xi32, #tpu.memory_space<vmem>>, vector<16xi32>,
    %and3A_421 = arith.constant 1 : i32
    %and3A_422 = vector.broadcast %and3A_421 : i32 to vector<16xi32>
    %and3A_423 = arith.andi %get3A_413, %and3A_422 : vector<16xi32>
    %shift_left3A_424 = arith.constant 6 : i32
    %shift_left3A_425 = vector.broadcast %shift_left3A_424 : i32 to vector<16xi32>
    %shift_left3A_426 = arith.shli %and3A_423, %shift_left3A_425 : vector<16xi32>
    %swap3A_427 = arith.constant 2 : i32
    %swap3A_428 = arith.index_cast %swap3A_427 : i32 to index
    %swap3A_429 = arith.constant 48 : index
    %swap3A_430 = tpu.vector_load %arg7[%swap3A_428, %swap3A_429] {strides = array<i32>} : memref<4x128xi32, #tpu.memory_space<vmem>>, vector<16xi32>,
    tpu.vector_store %arg7[%swap3A_428, %swap3A_429], %shift_left3A_426 {strides = array<i32>} : memref<4x128xi32, #tpu.memory_space<vmem>>, vector<16xi32>,
    %get3A_431 = arith.constant 2 : i32
    %get3A_432 = arith.index_cast %get3A_431 : i32 to index
    %get3A_433 = arith.constant 64 : index
    %get3A_434 = tpu.vector_load %arg5[%get3A_432, %get3A_433] {strides = array<i32>} : memref<200x128xi32, #tpu.memory_space<vmem>>, vector<16xi32>,
    %shift_right_logical3A_435 = arith.constant 1 : i32
    %shift_right_logical3A_436 = vector.broadcast %shift_right_logical3A_435 : i32 to vector<16xi32>
    %shift_right_logical3A_437 = arith.shrui %get3A_434, %shift_right_logical3A_436 : vector<16xi32>
    %swap3A_438 = arith.constant 2 : i32
    %swap3A_439 = arith.index_cast %swap3A_438 : i32 to index
    %swap3A_440 = arith.constant 64 : index
    %swap3A_441 = tpu.vector_load %arg6[%swap3A_439, %swap3A_440] {strides = array<i32>} : memref<4x128xi32, #tpu.memory_space<vmem>>, vector<16xi32>,
    tpu.vector_store %arg6[%swap3A_439, %swap3A_440], %shift_right_logical3A_437 {strides = array<i32>} : memref<4x128xi32, #tpu.memory_space<vmem>>, vector<16xi32>,
    %and3A_442 = arith.constant 1 : i32
    %and3A_443 = vector.broadcast %and3A_442 : i32 to vector<16xi32>
    %and3A_444 = arith.andi %get3A_434, %and3A_443 : vector<16xi32>
    %shift_left3A_445 = arith.constant 6 : i32
    %shift_left3A_446 = vector.broadcast %shift_left3A_445 : i32 to vector<16xi32>
    %shift_left3A_447 = arith.shli %and3A_444, %shift_left3A_446 : vector<16xi32>
    %swap3A_448 = arith.constant 2 : i32
    %swap3A_449 = arith.index_cast %swap3A_448 : i32 to index
    %swap3A_450 = arith.constant 64 : index
    %swap3A_451 = tpu.vector_load %arg7[%swap3A_449, %swap3A_450] {strides = array<i32>} : memref<4x128xi32, #tpu.memory_space<vmem>>, vector<16xi32>,
    tpu.vector_store %arg7[%swap3A_449, %swap3A_450], %shift_left3A_447 {strides = array<i32>} : memref<4x128xi32, #tpu.memory_space<vmem>>, vector<16xi32>,
    %get3A_452 = arith.constant 2 : i32
    %get3A_453 = arith.index_cast %get3A_452 : i32 to index
    %get3A_454 = arith.constant 80 : index
    %get3A_455 = tpu.vector_load %arg5[%get3A_453, %get3A_454] {strides = array<i32>} : memref<200x128xi32, #tpu.memory_space<vmem>>, vector<16xi32>,
    %shift_right_logical3A_456 = arith.constant 1 : i32
    %shift_right_logical3A_457 = vector.broadcast %shift_right_logical3A_456 : i32 to vector<16xi32>
    %shift_right_logical3A_458 = arith.shrui %get3A_455, %shift_right_logical3A_457 : vector<16xi32>
    %swap3A_459 = arith.constant 2 : i32
    %swap3A_460 = arith.index_cast %swap3A_459 : i32 to index
    %swap3A_461 = arith.constant 80 : index
    %swap3A_462 = tpu.vector_load %arg6[%swap3A_460, %swap3A_461] {strides = array<i32>} : memref<4x128xi32, #tpu.memory_space<vmem>>, vector<16xi32>,
    tpu.vector_store %arg6[%swap3A_460, %swap3A_461], %shift_right_logical3A_458 {strides = array<i32>} : memref<4x128xi32, #tpu.memory_space<vmem>>, vector<16xi32>,
    %and3A_463 = arith.constant 1 : i32
    %and3A_464 = vector.broadcast %and3A_463 : i32 to vector<16xi32>
    %and3A_465 = arith.andi %get3A_455, %and3A_464 : vector<16xi32>
    %shift_left3A_466 = arith.constant 6 : i32
    %shift_left3A_467 = vector.broadcast %shift_left3A_466 : i32 to vector<16xi32>
    %shift_left3A_468 = arith.shli %and3A_465, %shift_left3A_467 : vector<16xi32>
    %swap3A_469 = arith.constant 2 : i32
    %swap3A_470 = arith.index_cast %swap3A_469 : i32 to index
    %swap3A_471 = arith.constant 80 : index
    %swap3A_472 = tpu.vector_load %arg7[%swap3A_470, %swap3A_471] {strides = array<i32>} : memref<4x128xi32, #tpu.memory_space<vmem>>, vector<16xi32>,
    tpu.vector_store %arg7[%swap3A_470, %swap3A_471], %shift_left3A_468 {strides = array<i32>} : memref<4x128xi32, #tpu.memory_space<vmem>>, vector<16xi32>,
    %get3A_473 = arith.constant 2 : i32
    %get3A_474 = arith.index_cast %get3A_473 : i32 to index
    %get3A_475 = arith.constant 96 : index
    %get3A_476 = tpu.vector_load %arg5[%get3A_474, %get3A_475] {strides = array<i32>} : memref<200x128xi32, #tpu.memory_space<vmem>>, vector<16xi32>,
    %shift_right_logical3A_477 = arith.constant 1 : i32
    %shift_right_logical3A_478 = vector.broadcast %shift_right_logical3A_477 : i32 to vector<16xi32>
    %shift_right_logical3A_479 = arith.shrui %get3A_476, %shift_right_logical3A_478 : vector<16xi32>
    %swap3A_480 = arith.constant 2 : i32
    %swap3A_481 = arith.index_cast %swap3A_480 : i32 to index
    %swap3A_482 = arith.constant 96 : index
    %swap3A_483 = tpu.vector_load %arg6[%swap3A_481, %swap3A_482] {strides = array<i32>} : memref<4x128xi32, #tpu.memory_space<vmem>>, vector<16xi32>,
    tpu.vector_store %arg6[%swap3A_481, %swap3A_482], %shift_right_logical3A_479 {strides = array<i32>} : memref<4x128xi32, #tpu.memory_space<vmem>>, vector<16xi32>,
    %and3A_484 = arith.constant 1 : i32
    %and3A_485 = vector.broadcast %and3A_484 : i32 to vector<16xi32>
    %and3A_486 = arith.andi %get3A_476, %and3A_485 : vector<16xi32>
    %shift_left3A_487 = arith.constant 6 : i32
    %shift_left3A_488 = vector.broadcast %shift_left3A_487 : i32 to vector<16xi32>
    %shift_left3A_489 = arith.shli %and3A_486, %shift_left3A_488 : vector<16xi32>
    %swap3A_490 = arith.constant 2 : i32
    %swap3A_491 = arith.index_cast %swap3A_490 : i32 to index
    %swap3A_492 = arith.constant 96 : index
    %swap3A_493 = tpu.vector_load %arg7[%swap3A_491, %swap3A_492] {strides = array<i32>} : memref<4x128xi32, #tpu.memory_space<vmem>>, vector<16xi32>,
    tpu.vector_store %arg7[%swap3A_491, %swap3A_492], %shift_left3A_489 {strides = array<i32>} : memref<4x128xi32, #tpu.memory_space<vmem>>, vector<16xi32>,
    %get3A_494 = arith.constant 2 : i32
    %get3A_495 = arith.index_cast %get3A_494 : i32 to index
    %get3A_496 = arith.constant 112 : index
    %get3A_497 = tpu.vector_load %arg5[%get3A_495, %get3A_496] {strides = array<i32>} : memref<200x128xi32, #tpu.memory_space<vmem>>, vector<16xi32>,
    %shift_right_logical3A_498 = arith.constant 1 : i32
    %shift_right_logical3A_499 = vector.broadcast %shift_right_logical3A_498 : i32 to vector<16xi32>
    %shift_right_logical3A_500 = arith.shrui %get3A_497, %shift_right_logical3A_499 : vector<16xi32>
    %swap3A_501 = arith.constant 2 : i32
    %swap3A_502 = arith.index_cast %swap3A_501 : i32 to index
    %swap3A_503 = arith.constant 112 : index
    %swap3A_504 = tpu.vector_load %arg6[%swap3A_502, %swap3A_503] {strides = array<i32>} : memref<4x128xi32, #tpu.memory_space<vmem>>, vector<16xi32>,
    tpu.vector_store %arg6[%swap3A_502, %swap3A_503], %shift_right_logical3A_500 {strides = array<i32>} : memref<4x128xi32, #tpu.memory_space<vmem>>, vector<16xi32>,
    %and3A_505 = arith.constant 1 : i32
    %and3A_506 = vector.broadcast %and3A_505 : i32 to vector<16xi32>
    %and3A_507 = arith.andi %get3A_497, %and3A_506 : vector<16xi32>
    %shift_left3A_508 = arith.constant 6 : i32
    %shift_left3A_509 = vector.broadcast %shift_left3A_508 : i32 to vector<16xi32>
    %shift_left3A_510 = arith.shli %and3A_507, %shift_left3A_509 : vector<16xi32>
    %swap3A_511 = arith.constant 2 : i32
    %swap3A_512 = arith.index_cast %swap3A_511 : i32 to index
    %swap3A_513 = arith.constant 112 : index
    %swap3A_514 = tpu.vector_load %arg7[%swap3A_512, %swap3A_513] {strides = array<i32>} : memref<4x128xi32, #tpu.memory_space<vmem>>, vector<16xi32>,
    tpu.vector_store %arg7[%swap3A_512, %swap3A_513], %shift_left3A_510 {strides = array<i32>} : memref<4x128xi32, #tpu.memory_space<vmem>>, vector<16xi32>,
    %dma_start3A_515 = arith.constant 2 : i32
    %dma_start3A_516 = arith.constant 0 : i32
    %dma_start3A_517 = tpu.memref_slice %arg6[%dma_start3A_515, %dma_start3A_516] : memref<4x128xi32, #tpu.memory_space<vmem>> -> memref<1x128xi32, #tpu.memory_space<vmem>>
    %dma_start3A_518 = tpu.memref_squeeze %dma_start3A_517 : memref<1x128xi32, #tpu.memory_space<vmem>> -> memref<128xi32, #tpu.memory_space<vmem>>
    %dma_start3A_519 = arith.constant 0 : i32
    %dma_start3A_520 = arith.constant 0 : i32
    %dma_start3A_521 = tpu.memref_slice %arg3[%dma_start3A_519, %dma_start3A_520] : memref<500000x128xf32, #tpu.memory_space<hbm>> -> memref<500000x128xf32, #tpu.memory_space<hbm>>
    tpu.enqueue_indirect_dma source(%dma_start3A_521 : memref<500000x128xf32, #tpu.memory_space<hbm>>) target(%arg10 : memref<128x128xf32, #tpu.memory_space<vmem>>) offsets(%dma_start3A_518 : memref<128xi32, #tpu.memory_space<vmem>>) semaphore(%arg16 : memref<!tpu.dma_semaphore, #tpu.memory_space<semaphore_mem>>)
    %scan3A = arith.constant 0 : i32
    %scan3A_522 = arith.constant 0 : i32
    %scan3A_523 = arith.constant 50 : i32
    %scan3A_524 = arith.addi %scan3A_522, %scan3A_523 : i32
    %scan3A_525 = arith.constant 1 : i32
    scf.for %scan3A_540 = %scan3A_522 to %scan3A_524 step %scan3A_525  : i32 {
      %mul3A_541 = arith.constant 4 : i32
      %mul3A_542 = arith.muli %mul3A_541, %scan3A_540 : i32
      %add3A_543 = arith.constant 0 : i32
      %add3A_544 = arith.addi %mul3A_542, %add3A_543 : i32
      %dma_wait3A_545 = arith.constant 0 : i32
      %dma_wait3A_546 = arith.constant 0 : i32
      %dma_wait3A_547 = tpu.memref_slice %arg6[%dma_wait3A_545, %dma_wait3A_546] : memref<4x128xi32, #tpu.memory_space<vmem>> -> memref<1x128xi32, #tpu.memory_space<vmem>>
      %dma_wait3A_548 = tpu.memref_squeeze %dma_wait3A_547 : memref<1x128xi32, #tpu.memory_space<vmem>> -> memref<128xi32, #tpu.memory_space<vmem>>
      %dma_wait3A_549 = arith.constant 0 : i32
      %dma_wait3A_550 = arith.constant 0 : i32
      %dma_wait3A_551 = tpu.memref_slice %arg3[%dma_wait3A_549, %dma_wait3A_550] : memref<500000x128xf32, #tpu.memory_space<hbm>> -> memref<500000x128xf32, #tpu.memory_space<hbm>>
      tpu.wait_indirect_dma semaphore(%arg14 : memref<!tpu.dma_semaphore, #tpu.memory_space<semaphore_mem>>) src(%dma_wait3A_551 : memref<500000x128xf32, #tpu.memory_space<hbm>>) dst(%arg8 : memref<128x128xf32, #tpu.memory_space<vmem>>)
      %add3A_552 = arith.constant 0 : i32
      %add3A_553 = vector.broadcast %add3A_552 : i32 to vector<16xi32>
      %add3A_554 = arith.addi %iota3A, %add3A_553 : vector<16xi32>
      %get3A_555 = arith.constant 0 : i32
      %get3A_556 = arith.index_cast %get3A_555 : i32 to index
      %get3A_557 = arith.constant 0 : index
      %get3A_558 = tpu.vector_load %arg7[%get3A_556, %get3A_557] {strides = array<i32>} : memref<4x128xi32, #tpu.memory_space<vmem>>, vector<16xi32>,
      %add3A_559 = arith.constant 16 : i32
      %add3A_560 = vector.broadcast %add3A_559 : i32 to vector<16xi32>
      %add3A_561 = arith.addi %iota3A, %add3A_560 : vector<16xi32>
      %get3A_562 = arith.constant 0 : i32
      %get3A_563 = arith.index_cast %get3A_562 : i32 to index
      %get3A_564 = arith.constant 16 : index
      %get3A_565 = tpu.vector_load %arg7[%get3A_563, %get3A_564] {strides = array<i32>} : memref<4x128xi32, #tpu.memory_space<vmem>>, vector<16xi32>,
      %add3A_566 = arith.constant 32 : i32
      %add3A_567 = vector.broadcast %add3A_566 : i32 to vector<16xi32>
      %add3A_568 = arith.addi %iota3A, %add3A_567 : vector<16xi32>
      %get3A_569 = arith.constant 0 : i32
      %get3A_570 = arith.index_cast %get3A_569 : i32 to index
      %get3A_571 = arith.constant 32 : index
      %get3A_572 = tpu.vector_load %arg7[%get3A_570, %get3A_571] {strides = array<i32>} : memref<4x128xi32, #tpu.memory_space<vmem>>, vector<16xi32>,
      %add3A_573 = arith.constant 48 : i32
      %add3A_574 = vector.broadcast %add3A_573 : i32 to vector<16xi32>
      %add3A_575 = arith.addi %iota3A, %add3A_574 : vector<16xi32>
      %get3A_576 = arith.constant 0 : i32
      %get3A_577 = arith.index_cast %get3A_576 : i32 to index
      %get3A_578 = arith.constant 48 : index
      %get3A_579 = tpu.vector_load %arg7[%get3A_577, %get3A_578] {strides = array<i32>} : memref<4x128xi32, #tpu.memory_space<vmem>>, vector<16xi32>,
      %add3A_580 = arith.constant 64 : i32
      %add3A_581 = vector.broadcast %add3A_580 : i32 to vector<16xi32>
      %add3A_582 = arith.addi %iota3A, %add3A_581 : vector<16xi32>
      %get3A_583 = arith.constant 0 : i32
      %get3A_584 = arith.index_cast %get3A_583 : i32 to index
      %get3A_585 = arith.constant 64 : index
      %get3A_586 = tpu.vector_load %arg7[%get3A_584, %get3A_585] {strides = array<i32>} : memref<4x128xi32, #tpu.memory_space<vmem>>, vector<16xi32>,
      %add3A_587 = arith.constant 80 : i32
      %add3A_588 = vector.broadcast %add3A_587 : i32 to vector<16xi32>
      %add3A_589 = arith.addi %iota3A, %add3A_588 : vector<16xi32>
      %get3A_590 = arith.constant 0 : i32
      %get3A_591 = arith.index_cast %get3A_590 : i32 to index
      %get3A_592 = arith.constant 80 : index
      %get3A_593 = tpu.vector_load %arg7[%get3A_591, %get3A_592] {strides = array<i32>} : memref<4x128xi32, #tpu.memory_space<vmem>>, vector<16xi32>,
      %add3A_594 = arith.constant 96 : i32
      %add3A_595 = vector.broadcast %add3A_594 : i32 to vector<16xi32>
      %add3A_596 = arith.addi %iota3A, %add3A_595 : vector<16xi32>
      %get3A_597 = arith.constant 0 : i32
      %get3A_598 = arith.index_cast %get3A_597 : i32 to index
      %get3A_599 = arith.constant 96 : index
      %get3A_600 = tpu.vector_load %arg7[%get3A_598, %get3A_599] {strides = array<i32>} : memref<4x128xi32, #tpu.memory_space<vmem>>, vector<16xi32>,
      %add3A_601 = arith.constant 112 : i32
      %add3A_602 = vector.broadcast %add3A_601 : i32 to vector<16xi32>
      %add3A_603 = arith.addi %iota3A, %add3A_602 : vector<16xi32>
      %get3A_604 = arith.constant 0 : i32
      %get3A_605 = arith.index_cast %get3A_604 : i32 to index
      %get3A_606 = arith.constant 112 : index
      %get3A_607 = tpu.vector_load %arg7[%get3A_605, %get3A_606] {strides = array<i32>} : memref<4x128xi32, #tpu.memory_space<vmem>>, vector<16xi32>,
      %ge3A = arith.constant 2 : i32
      %ge3A_608 = arith.cmpi sge, %add3A_544, %ge3A : i32
      %convert_element_type3A = arith.extui %ge3A_608 : i1 to i32
      %cond3A = arith.constant 0 : i32
      %cond3A_609 = arith.cmpi ne, %convert_element_type3A, %cond3A : i32
      scf.if %cond3A_609 {
        %sub3A = arith.constant 2 : i32
        %sub3A_901 = arith.subi %add3A_544, %sub3A : i32
        %dma_wait3A_902 = arith.constant 0 : i32
        %dma_wait3A_903 = tpu.memref_slice %arg4[%sub3A_901, %dma_wait3A_902, %mul3A_2] : memref<200x64x4096xf32, #tpu.memory_space<hbm>> -> memref<1x64x128xf32, #tpu.memory_space<hbm>>
        %dma_wait3A_904 = tpu.memref_squeeze %dma_wait3A_903 : memref<1x64x128xf32, #tpu.memory_space<hbm>> -> memref<64x128xf32, #tpu.memory_space<hbm>>
        %dma_wait3A_905 = arith.constant 0 : i32
        %dma_wait3A_906 = tpu.memref_slice %arg4[%sub3A_901, %dma_wait3A_905, %mul3A_2] : memref<200x64x4096xf32, #tpu.memory_space<hbm>> -> memref<1x64x128xf32, #tpu.memory_space<hbm>>
        %dma_wait3A_907 = tpu.memref_squeeze %dma_wait3A_906 : memref<1x64x128xf32, #tpu.memory_space<hbm>> -> memref<64x128xf32, #tpu.memory_space<hbm>>
        tpu.wait_dma2 semaphore(%arg18 : memref<!tpu.dma_semaphore, #tpu.memory_space<semaphore_mem>>) src(%arg12 : memref<64x128xf32, #tpu.memory_space<vmem>>) dst(%dma_wait3A_907 : memref<64x128xf32, #tpu.memory_space<hbm>>)
      } else {
      }
      %scan3A_610 = arith.constant 0 : i32
      %scan3A_611 = arith.constant 0 : i32
      %scan3A_612 = arith.constant 64 : i32
      %scan3A_613 = arith.addi %scan3A_611, %scan3A_612 : i32
      %scan3A_614 = arith.constant 1 : i32
      scf.for %scan3A_901 = %scan3A_611 to %scan3A_613 step %scan3A_614  : i32 {
        %add3A_902 = vector.broadcast %scan3A_901 : i32 to vector<16xi32>
        %add3A_903 = arith.addi %add3A_902, %iota3A : vector<16xi32>
        %and3A_904 = arith.constant 63 : i32
        %and3A_905 = vector.broadcast %and3A_904 : i32 to vector<16xi32>
        %and3A_906 = arith.andi %add3A_903, %and3A_905 : vector<16xi32>
        %add3A_907 = arith.addi %get3A_558, %and3A_906 : vector<16xi32>
        %gather3A = tpu.vector_load_idx %arg8[%add3A_554, %add3A_907] : memref<128x128xf32, #tpu.memory_space<vmem>>[vector<16xi32>, vector<16xi32>], vector<16xf32>,
        %add3A_908 = arith.addi %get3A_565, %and3A_906 : vector<16xi32>
        %gather3A_909 = tpu.vector_load_idx %arg8[%add3A_561, %add3A_908] : memref<128x128xf32, #tpu.memory_space<vmem>>[vector<16xi32>, vector<16xi32>], vector<16xf32>,
        %add3A_910 = arith.addi %get3A_572, %and3A_906 : vector<16xi32>
        %gather3A_911 = tpu.vector_load_idx %arg8[%add3A_568, %add3A_910] : memref<128x128xf32, #tpu.memory_space<vmem>>[vector<16xi32>, vector<16xi32>], vector<16xf32>,
        %add3A_912 = arith.addi %get3A_579, %and3A_906 : vector<16xi32>
        %gather3A_913 = tpu.vector_load_idx %arg8[%add3A_575, %add3A_912] : memref<128x128xf32, #tpu.memory_space<vmem>>[vector<16xi32>, vector<16xi32>], vector<16xf32>,
        %add3A_914 = arith.addi %get3A_586, %and3A_906 : vector<16xi32>
        %gather3A_915 = tpu.vector_load_idx %arg8[%add3A_582, %add3A_914] : memref<128x128xf32, #tpu.memory_space<vmem>>[vector<16xi32>, vector<16xi32>], vector<16xf32>,
        %add3A_916 = arith.addi %get3A_593, %and3A_906 : vector<16xi32>
        %gather3A_917 = tpu.vector_load_idx %arg8[%add3A_589, %add3A_916] : memref<128x128xf32, #tpu.memory_space<vmem>>[vector<16xi32>, vector<16xi32>], vector<16xf32>,
        %add3A_918 = arith.addi %get3A_600, %and3A_906 : vector<16xi32>
        %gather3A_919 = tpu.vector_load_idx %arg8[%add3A_596, %add3A_918] : memref<128x128xf32, #tpu.memory_space<vmem>>[vector<16xi32>, vector<16xi32>], vector<16xf32>,
        %add3A_920 = arith.addi %get3A_607, %and3A_906 : vector<16xi32>
        %gather3A_921 = tpu.vector_load_idx %arg8[%add3A_603, %add3A_920] : memref<128x128xf32, #tpu.memory_space<vmem>>[vector<16xi32>, vector<16xi32>], vector<16xf32>,
        tpu.vector_store_idx %arg12[%and3A_906, %add3A_554], %gather3A : memref<64x128xf32, #tpu.memory_space<vmem>>[vector<16xi32>, vector<16xi32>], vector<16xf32>,
        tpu.vector_store_idx %arg12[%and3A_906, %add3A_561], %gather3A_909 : memref<64x128xf32, #tpu.memory_space<vmem>>[vector<16xi32>, vector<16xi32>], vector<16xf32>,
        tpu.vector_store_idx %arg12[%and3A_906, %add3A_568], %gather3A_911 : memref<64x128xf32, #tpu.memory_space<vmem>>[vector<16xi32>, vector<16xi32>], vector<16xf32>,
        tpu.vector_store_idx %arg12[%and3A_906, %add3A_575], %gather3A_913 : memref<64x128xf32, #tpu.memory_space<vmem>>[vector<16xi32>, vector<16xi32>], vector<16xf32>,
        tpu.vector_store_idx %arg12[%and3A_906, %add3A_582], %gather3A_915 : memref<64x128xf32, #tpu.memory_space<vmem>>[vector<16xi32>, vector<16xi32>], vector<16xf32>,
        tpu.vector_store_idx %arg12[%and3A_906, %add3A_589], %gather3A_917 : memref<64x128xf32, #tpu.memory_space<vmem>>[vector<16xi32>, vector<16xi32>], vector<16xf32>,
        tpu.vector_store_idx %arg12[%and3A_906, %add3A_596], %gather3A_919 : memref<64x128xf32, #tpu.memory_space<vmem>>[vector<16xi32>, vector<16xi32>], vector<16xf32>,
        tpu.vector_store_idx %arg12[%and3A_906, %add3A_603], %gather3A_921 : memref<64x128xf32, #tpu.memory_space<vmem>>[vector<16xi32>, vector<16xi32>], vector<16xf32>,
      }
      %scan3A_615 = arith.constant 64 : i32
      %dma_start3A_616 = arith.constant 0 : i32
      %dma_start3A_617 = tpu.memref_slice %arg4[%add3A_544, %dma_start3A_616, %mul3A_2] : memref<200x64x4096xf32, #tpu.memory_space<hbm>> -> memref<1x64x128xf32, #tpu.memory_space<hbm>>
      %dma_start3A_618 = tpu.memref_squeeze %dma_start3A_617 : memref<1x64x128xf32, #tpu.memory_space<hbm>> -> memref<64x128xf32, #tpu.memory_space<hbm>>
      %dma_start3A_619 = arith.constant 0 : i32
      %dma_start3A_620 = tpu.memref_slice %arg4[%add3A_544, %dma_start3A_619, %mul3A_2] : memref<200x64x4096xf32, #tpu.memory_space<hbm>> -> memref<1x64x128xf32, #tpu.memory_space<hbm>>
      %dma_start3A_621 = tpu.memref_squeeze %dma_start3A_620 : memref<1x64x128xf32, #tpu.memory_space<hbm>> -> memref<64x128xf32, #tpu.memory_space<hbm>>
      tpu.enqueue_dma source(%arg12 : memref<64x128xf32, #tpu.memory_space<vmem>>) target(%dma_start3A_621 : memref<64x128xf32, #tpu.memory_space<hbm>>) target_semaphore(%arg18 : memref<!tpu.dma_semaphore, #tpu.memory_space<semaphore_mem>>)
      %add3A_622 = arith.constant 3 : i32
      %add3A_623 = arith.addi %add3A_544, %add3A_622 : i32
      %lt3A = arith.constant 200 : i32
      %lt3A_624 = arith.cmpi slt, %add3A_623, %lt3A : i32
      %convert_element_type3A_625 = arith.extui %lt3A_624 : i1 to i32
      %cond3A_626 = arith.constant 0 : i32
      %cond3A_627 = arith.cmpi ne, %convert_element_type3A_625, %cond3A_626 : i32
      scf.if %cond3A_627 {
        %add3A_901 = arith.constant 3 : i32
        %add3A_902 = arith.addi %add3A_544, %add3A_901 : i32
        %get3A_903 = arith.index_cast %add3A_902 : i32 to index
        %get3A_904 = arith.constant 0 : index
        %get3A_905 = tpu.vector_load %arg5[%get3A_903, %get3A_904] {strides = array<i32>} : memref<200x128xi32, #tpu.memory_space<vmem>>, vector<16xi32>,
        %shift_right_logical3A_906 = arith.constant 1 : i32
        %shift_right_logical3A_907 = vector.broadcast %shift_right_logical3A_906 : i32 to vector<16xi32>
        %shift_right_logical3A_908 = arith.shrui %get3A_905, %shift_right_logical3A_907 : vector<16xi32>
        %swap3A_909 = arith.constant 3 : i32
        %swap3A_910 = arith.index_cast %swap3A_909 : i32 to index
        %swap3A_911 = arith.constant 0 : index
        %swap3A_912 = tpu.vector_load %arg6[%swap3A_910, %swap3A_911] {strides = array<i32>} : memref<4x128xi32, #tpu.memory_space<vmem>>, vector<16xi32>,
        tpu.vector_store %arg6[%swap3A_910, %swap3A_911], %shift_right_logical3A_908 {strides = array<i32>} : memref<4x128xi32, #tpu.memory_space<vmem>>, vector<16xi32>,
        %and3A_913 = arith.constant 1 : i32
        %and3A_914 = vector.broadcast %and3A_913 : i32 to vector<16xi32>
        %and3A_915 = arith.andi %get3A_905, %and3A_914 : vector<16xi32>
        %shift_left3A_916 = arith.constant 6 : i32
        %shift_left3A_917 = vector.broadcast %shift_left3A_916 : i32 to vector<16xi32>
        %shift_left3A_918 = arith.shli %and3A_915, %shift_left3A_917 : vector<16xi32>
        %swap3A_919 = arith.constant 3 : i32
        %swap3A_920 = arith.index_cast %swap3A_919 : i32 to index
        %swap3A_921 = arith.constant 0 : index
        %swap3A_922 = tpu.vector_load %arg7[%swap3A_920, %swap3A_921] {strides = array<i32>} : memref<4x128xi32, #tpu.memory_space<vmem>>, vector<16xi32>,
        tpu.vector_store %arg7[%swap3A_920, %swap3A_921], %shift_left3A_918 {strides = array<i32>} : memref<4x128xi32, #tpu.memory_space<vmem>>, vector<16xi32>,
        %get3A_923 = arith.index_cast %add3A_902 : i32 to index
        %get3A_924 = arith.constant 16 : index
        %get3A_925 = tpu.vector_load %arg5[%get3A_923, %get3A_924] {strides = array<i32>} : memref<200x128xi32, #tpu.memory_space<vmem>>, vector<16xi32>,
        %shift_right_logical3A_926 = arith.constant 1 : i32
        %shift_right_logical3A_927 = vector.broadcast %shift_right_logical3A_926 : i32 to vector<16xi32>
        %shift_right_logical3A_928 = arith.shrui %get3A_925, %shift_right_logical3A_927 : vector<16xi32>
        %swap3A_929 = arith.constant 3 : i32
        %swap3A_930 = arith.index_cast %swap3A_929 : i32 to index
        %swap3A_931 = arith.constant 16 : index
        %swap3A_932 = tpu.vector_load %arg6[%swap3A_930, %swap3A_931] {strides = array<i32>} : memref<4x128xi32, #tpu.memory_space<vmem>>, vector<16xi32>,
        tpu.vector_store %arg6[%swap3A_930, %swap3A_931], %shift_right_logical3A_928 {strides = array<i32>} : memref<4x128xi32, #tpu.memory_space<vmem>>, vector<16xi32>,
        %and3A_933 = arith.constant 1 : i32
        %and3A_934 = vector.broadcast %and3A_933 : i32 to vector<16xi32>
        %and3A_935 = arith.andi %get3A_925, %and3A_934 : vector<16xi32>
        %shift_left3A_936 = arith.constant 6 : i32
        %shift_left3A_937 = vector.broadcast %shift_left3A_936 : i32 to vector<16xi32>
        %shift_left3A_938 = arith.shli %and3A_935, %shift_left3A_937 : vector<16xi32>
        %swap3A_939 = arith.constant 3 : i32
        %swap3A_940 = arith.index_cast %swap3A_939 : i32 to index
        %swap3A_941 = arith.constant 16 : index
        %swap3A_942 = tpu.vector_load %arg7[%swap3A_940, %swap3A_941] {strides = array<i32>} : memref<4x128xi32, #tpu.memory_space<vmem>>, vector<16xi32>,
        tpu.vector_store %arg7[%swap3A_940, %swap3A_941], %shift_left3A_938 {strides = array<i32>} : memref<4x128xi32, #tpu.memory_space<vmem>>, vector<16xi32>,
        %get3A_943 = arith.index_cast %add3A_902 : i32 to index
        %get3A_944 = arith.constant 32 : index
        %get3A_945 = tpu.vector_load %arg5[%get3A_943, %get3A_944] {strides = array<i32>} : memref<200x128xi32, #tpu.memory_space<vmem>>, vector<16xi32>,
        %shift_right_logical3A_946 = arith.constant 1 : i32
        %shift_right_logical3A_947 = vector.broadcast %shift_right_logical3A_946 : i32 to vector<16xi32>
        %shift_right_logical3A_948 = arith.shrui %get3A_945, %shift_right_logical3A_947 : vector<16xi32>
        %swap3A_949 = arith.constant 3 : i32
        %swap3A_950 = arith.index_cast %swap3A_949 : i32 to index
        %swap3A_951 = arith.constant 32 : index
        %swap3A_952 = tpu.vector_load %arg6[%swap3A_950, %swap3A_951] {strides = array<i32>} : memref<4x128xi32, #tpu.memory_space<vmem>>, vector<16xi32>,
        tpu.vector_store %arg6[%swap3A_950, %swap3A_951], %shift_right_logical3A_948 {strides = array<i32>} : memref<4x128xi32, #tpu.memory_space<vmem>>, vector<16xi32>,
        %and3A_953 = arith.constant 1 : i32
        %and3A_954 = vector.broadcast %and3A_953 : i32 to vector<16xi32>
        %and3A_955 = arith.andi %get3A_945, %and3A_954 : vector<16xi32>
        %shift_left3A_956 = arith.constant 6 : i32
        %shift_left3A_957 = vector.broadcast %shift_left3A_956 : i32 to vector<16xi32>
        %shift_left3A_958 = arith.shli %and3A_955, %shift_left3A_957 : vector<16xi32>
        %swap3A_959 = arith.constant 3 : i32
        %swap3A_960 = arith.index_cast %swap3A_959 : i32 to index
        %swap3A_961 = arith.constant 32 : index
        %swap3A_962 = tpu.vector_load %arg7[%swap3A_960, %swap3A_961] {strides = array<i32>} : memref<4x128xi32, #tpu.memory_space<vmem>>, vector<16xi32>,
        tpu.vector_store %arg7[%swap3A_960, %swap3A_961], %shift_left3A_958 {strides = array<i32>} : memref<4x128xi32, #tpu.memory_space<vmem>>, vector<16xi32>,
        %get3A_963 = arith.index_cast %add3A_902 : i32 to index
        %get3A_964 = arith.constant 48 : index
        %get3A_965 = tpu.vector_load %arg5[%get3A_963, %get3A_964] {strides = array<i32>} : memref<200x128xi32, #tpu.memory_space<vmem>>, vector<16xi32>,
        %shift_right_logical3A_966 = arith.constant 1 : i32
        %shift_right_logical3A_967 = vector.broadcast %shift_right_logical3A_966 : i32 to vector<16xi32>
        %shift_right_logical3A_968 = arith.shrui %get3A_965, %shift_right_logical3A_967 : vector<16xi32>
        %swap3A_969 = arith.constant 3 : i32
        %swap3A_970 = arith.index_cast %swap3A_969 : i32 to index
        %swap3A_971 = arith.constant 48 : index
        %swap3A_972 = tpu.vector_load %arg6[%swap3A_970, %swap3A_971] {strides = array<i32>} : memref<4x128xi32, #tpu.memory_space<vmem>>, vector<16xi32>,
        tpu.vector_store %arg6[%swap3A_970, %swap3A_971], %shift_right_logical3A_968 {strides = array<i32>} : memref<4x128xi32, #tpu.memory_space<vmem>>, vector<16xi32>,
        %and3A_973 = arith.constant 1 : i32
        %and3A_974 = vector.broadcast %and3A_973 : i32 to vector<16xi32>
        %and3A_975 = arith.andi %get3A_965, %and3A_974 : vector<16xi32>
        %shift_left3A_976 = arith.constant 6 : i32
        %shift_left3A_977 = vector.broadcast %shift_left3A_976 : i32 to vector<16xi32>
        %shift_left3A_978 = arith.shli %and3A_975, %shift_left3A_977 : vector<16xi32>
        %swap3A_979 = arith.constant 3 : i32
        %swap3A_980 = arith.index_cast %swap3A_979 : i32 to index
        %swap3A_981 = arith.constant 48 : index
        %swap3A_982 = tpu.vector_load %arg7[%swap3A_980, %swap3A_981] {strides = array<i32>} : memref<4x128xi32, #tpu.memory_space<vmem>>, vector<16xi32>,
        tpu.vector_store %arg7[%swap3A_980, %swap3A_981], %shift_left3A_978 {strides = array<i32>} : memref<4x128xi32, #tpu.memory_space<vmem>>, vector<16xi32>,
        %get3A_983 = arith.index_cast %add3A_902 : i32 to index
        %get3A_984 = arith.constant 64 : index
        %get3A_985 = tpu.vector_load %arg5[%get3A_983, %get3A_984] {strides = array<i32>} : memref<200x128xi32, #tpu.memory_space<vmem>>, vector<16xi32>,
        %shift_right_logical3A_986 = arith.constant 1 : i32
        %shift_right_logical3A_987 = vector.broadcast %shift_right_logical3A_986 : i32 to vector<16xi32>
        %shift_right_logical3A_988 = arith.shrui %get3A_985, %shift_right_logical3A_987 : vector<16xi32>
        %swap3A_989 = arith.constant 3 : i32
        %swap3A_990 = arith.index_cast %swap3A_989 : i32 to index
        %swap3A_991 = arith.constant 64 : index
        %swap3A_992 = tpu.vector_load %arg6[%swap3A_990, %swap3A_991] {strides = array<i32>} : memref<4x128xi32, #tpu.memory_space<vmem>>, vector<16xi32>,
        tpu.vector_store %arg6[%swap3A_990, %swap3A_991], %shift_right_logical3A_988 {strides = array<i32>} : memref<4x128xi32, #tpu.memory_space<vmem>>, vector<16xi32>,
        %and3A_993 = arith.constant 1 : i32
        %and3A_994 = vector.broadcast %and3A_993 : i32 to vector<16xi32>
        %and3A_995 = arith.andi %get3A_985, %and3A_994 : vector<16xi32>
        %shift_left3A_996 = arith.constant 6 : i32
        %shift_left3A_997 = vector.broadcast %shift_left3A_996 : i32 to vector<16xi32>
        %shift_left3A_998 = arith.shli %and3A_995, %shift_left3A_997 : vector<16xi32>
        %swap3A_999 = arith.constant 3 : i32
        %swap3A_1000 = arith.index_cast %swap3A_999 : i32 to index
        %swap3A_1001 = arith.constant 64 : index
        %swap3A_1002 = tpu.vector_load %arg7[%swap3A_1000, %swap3A_1001] {strides = array<i32>} : memref<4x128xi32, #tpu.memory_space<vmem>>, vector<16xi32>,
        tpu.vector_store %arg7[%swap3A_1000, %swap3A_1001], %shift_left3A_998 {strides = array<i32>} : memref<4x128xi32, #tpu.memory_space<vmem>>, vector<16xi32>,
        %get3A_1003 = arith.index_cast %add3A_902 : i32 to index
        %get3A_1004 = arith.constant 80 : index
        %get3A_1005 = tpu.vector_load %arg5[%get3A_1003, %get3A_1004] {strides = array<i32>} : memref<200x128xi32, #tpu.memory_space<vmem>>, vector<16xi32>,
        %shift_right_logical3A_1006 = arith.constant 1 : i32
        %shift_right_logical3A_1007 = vector.broadcast %shift_right_logical3A_1006 : i32 to vector<16xi32>
        %shift_right_logical3A_1008 = arith.shrui %get3A_1005, %shift_right_logical3A_1007 : vector<16xi32>
        %swap3A_1009 = arith.constant 3 : i32
        %swap3A_1010 = arith.index_cast %swap3A_1009 : i32 to index
        %swap3A_1011 = arith.constant 80 : index
        %swap3A_1012 = tpu.vector_load %arg6[%swap3A_1010, %swap3A_1011] {strides = array<i32>} : memref<4x128xi32, #tpu.memory_space<vmem>>, vector<16xi32>,
        tpu.vector_store %arg6[%swap3A_1010, %swap3A_1011], %shift_right_logical3A_1008 {strides = array<i32>} : memref<4x128xi32, #tpu.memory_space<vmem>>, vector<16xi32>,
        %and3A_1013 = arith.constant 1 : i32
        %and3A_1014 = vector.broadcast %and3A_1013 : i32 to vector<16xi32>
        %and3A_1015 = arith.andi %get3A_1005, %and3A_1014 : vector<16xi32>
        %shift_left3A_1016 = arith.constant 6 : i32
        %shift_left3A_1017 = vector.broadcast %shift_left3A_1016 : i32 to vector<16xi32>
        %shift_left3A_1018 = arith.shli %and3A_1015, %shift_left3A_1017 : vector<16xi32>
        %swap3A_1019 = arith.constant 3 : i32
        %swap3A_1020 = arith.index_cast %swap3A_1019 : i32 to index
        %swap3A_1021 = arith.constant 80 : index
        %swap3A_1022 = tpu.vector_load %arg7[%swap3A_1020, %swap3A_1021] {strides = array<i32>} : memref<4x128xi32, #tpu.memory_space<vmem>>, vector<16xi32>,
        tpu.vector_store %arg7[%swap3A_1020, %swap3A_1021], %shift_left3A_1018 {strides = array<i32>} : memref<4x128xi32, #tpu.memory_space<vmem>>, vector<16xi32>,
        %get3A_1023 = arith.index_cast %add3A_902 : i32 to index
        %get3A_1024 = arith.constant 96 : index
        %get3A_1025 = tpu.vector_load %arg5[%get3A_1023, %get3A_1024] {strides = array<i32>} : memref<200x128xi32, #tpu.memory_space<vmem>>, vector<16xi32>,
        %shift_right_logical3A_1026 = arith.constant 1 : i32
        %shift_right_logical3A_1027 = vector.broadcast %shift_right_logical3A_1026 : i32 to vector<16xi32>
        %shift_right_logical3A_1028 = arith.shrui %get3A_1025, %shift_right_logical3A_1027 : vector<16xi32>
        %swap3A_1029 = arith.constant 3 : i32
        %swap3A_1030 = arith.index_cast %swap3A_1029 : i32 to index
        %swap3A_1031 = arith.constant 96 : index
        %swap3A_1032 = tpu.vector_load %arg6[%swap3A_1030, %swap3A_1031] {strides = array<i32>} : memref<4x128xi32, #tpu.memory_space<vmem>>, vector<16xi32>,
        tpu.vector_store %arg6[%swap3A_1030, %swap3A_1031], %shift_right_logical3A_1028 {strides = array<i32>} : memref<4x128xi32, #tpu.memory_space<vmem>>, vector<16xi32>,
        %and3A_1033 = arith.constant 1 : i32
        %and3A_1034 = vector.broadcast %and3A_1033 : i32 to vector<16xi32>
        %and3A_1035 = arith.andi %get3A_1025, %and3A_1034 : vector<16xi32>
        %shift_left3A_1036 = arith.constant 6 : i32
        %shift_left3A_1037 = vector.broadcast %shift_left3A_1036 : i32 to vector<16xi32>
        %shift_left3A_1038 = arith.shli %and3A_1035, %shift_left3A_1037 : vector<16xi32>
        %swap3A_1039 = arith.constant 3 : i32
        %swap3A_1040 = arith.index_cast %swap3A_1039 : i32 to index
        %swap3A_1041 = arith.constant 96 : index
        %swap3A_1042 = tpu.vector_load %arg7[%swap3A_1040, %swap3A_1041] {strides = array<i32>} : memref<4x128xi32, #tpu.memory_space<vmem>>, vector<16xi32>,
        tpu.vector_store %arg7[%swap3A_1040, %swap3A_1041], %shift_left3A_1038 {strides = array<i32>} : memref<4x128xi32, #tpu.memory_space<vmem>>, vector<16xi32>,
        %get3A_1043 = arith.index_cast %add3A_902 : i32 to index
        %get3A_1044 = arith.constant 112 : index
        %get3A_1045 = tpu.vector_load %arg5[%get3A_1043, %get3A_1044] {strides = array<i32>} : memref<200x128xi32, #tpu.memory_space<vmem>>, vector<16xi32>,
        %shift_right_logical3A_1046 = arith.constant 1 : i32
        %shift_right_logical3A_1047 = vector.broadcast %shift_right_logical3A_1046 : i32 to vector<16xi32>
        %shift_right_logical3A_1048 = arith.shrui %get3A_1045, %shift_right_logical3A_1047 : vector<16xi32>
        %swap3A_1049 = arith.constant 3 : i32
        %swap3A_1050 = arith.index_cast %swap3A_1049 : i32 to index
        %swap3A_1051 = arith.constant 112 : index
        %swap3A_1052 = tpu.vector_load %arg6[%swap3A_1050, %swap3A_1051] {strides = array<i32>} : memref<4x128xi32, #tpu.memory_space<vmem>>, vector<16xi32>,
        tpu.vector_store %arg6[%swap3A_1050, %swap3A_1051], %shift_right_logical3A_1048 {strides = array<i32>} : memref<4x128xi32, #tpu.memory_space<vmem>>, vector<16xi32>,
        %and3A_1053 = arith.constant 1 : i32
        %and3A_1054 = vector.broadcast %and3A_1053 : i32 to vector<16xi32>
        %and3A_1055 = arith.andi %get3A_1045, %and3A_1054 : vector<16xi32>
        %shift_left3A_1056 = arith.constant 6 : i32
        %shift_left3A_1057 = vector.broadcast %shift_left3A_1056 : i32 to vector<16xi32>
        %shift_left3A_1058 = arith.shli %and3A_1055, %shift_left3A_1057 : vector<16xi32>
        %swap3A_1059 = arith.constant 3 : i32
        %swap3A_1060 = arith.index_cast %swap3A_1059 : i32 to index
        %swap3A_1061 = arith.constant 112 : index
        %swap3A_1062 = tpu.vector_load %arg7[%swap3A_1060, %swap3A_1061] {strides = array<i32>} : memref<4x128xi32, #tpu.memory_space<vmem>>, vector<16xi32>,
        tpu.vector_store %arg7[%swap3A_1060, %swap3A_1061], %shift_left3A_1058 {strides = array<i32>} : memref<4x128xi32, #tpu.memory_space<vmem>>, vector<16xi32>,
        %dma_start3A_1063 = arith.constant 3 : i32
        %dma_start3A_1064 = arith.constant 0 : i32
        %dma_start3A_1065 = tpu.memref_slice %arg6[%dma_start3A_1063, %dma_start3A_1064] : memref<4x128xi32, #tpu.memory_space<vmem>> -> memref<1x128xi32, #tpu.memory_space<vmem>>
        %dma_start3A_1066 = tpu.memref_squeeze %dma_start3A_1065 : memref<1x128xi32, #tpu.memory_space<vmem>> -> memref<128xi32, #tpu.memory_space<vmem>>
        %dma_start3A_1067 = arith.constant 0 : i32
        %dma_start3A_1068 = arith.constant 0 : i32
        %dma_start3A_1069 = tpu.memref_slice %arg3[%dma_start3A_1067, %dma_start3A_1068] : memref<500000x128xf32, #tpu.memory_space<hbm>> -> memref<500000x128xf32, #tpu.memory_space<hbm>>
        tpu.enqueue_indirect_dma source(%dma_start3A_1069 : memref<500000x128xf32, #tpu.memory_space<hbm>>) target(%arg11 : memref<128x128xf32, #tpu.memory_space<vmem>>) offsets(%dma_start3A_1066 : memref<128xi32, #tpu.memory_space<vmem>>) semaphore(%arg17 : memref<!tpu.dma_semaphore, #tpu.memory_space<semaphore_mem>>)
      } else {
      }
      %mul3A_628 = arith.constant 4 : i32
      %mul3A_629 = arith.muli %mul3A_628, %scan3A_540 : i32
      %add3A_630 = arith.constant 1 : i32
      %add3A_631 = arith.addi %mul3A_629, %add3A_630 : i32
      %dma_wait3A_632 = arith.constant 1 : i32
      %dma_wait3A_633 = arith.constant 0 : i32
      %dma_wait3A_634 = tpu.memref_slice %arg6[%dma_wait3A_632, %dma_wait3A_633] : memref<4x128xi32, #tpu.memory_space<vmem>> -> memref<1x128xi32, #tpu.memory_space<vmem>>
      %dma_wait3A_635 = tpu.memref_squeeze %dma_wait3A_634 : memref<1x128xi32, #tpu.memory_space<vmem>> -> memref<128xi32, #tpu.memory_space<vmem>>
      %dma_wait3A_636 = arith.constant 0 : i32
      %dma_wait3A_637 = arith.constant 0 : i32
      %dma_wait3A_638 = tpu.memref_slice %arg3[%dma_wait3A_636, %dma_wait3A_637] : memref<500000x128xf32, #tpu.memory_space<hbm>> -> memref<500000x128xf32, #tpu.memory_space<hbm>>
      tpu.wait_indirect_dma semaphore(%arg15 : memref<!tpu.dma_semaphore, #tpu.memory_space<semaphore_mem>>) src(%dma_wait3A_638 : memref<500000x128xf32, #tpu.memory_space<hbm>>) dst(%arg9 : memref<128x128xf32, #tpu.memory_space<vmem>>)
      %add3A_639 = arith.constant 0 : i32
      %add3A_640 = vector.broadcast %add3A_639 : i32 to vector<16xi32>
      %add3A_641 = arith.addi %iota3A, %add3A_640 : vector<16xi32>
      %get3A_642 = arith.constant 1 : i32
      %get3A_643 = arith.index_cast %get3A_642 : i32 to index
      %get3A_644 = arith.constant 0 : index
      %get3A_645 = tpu.vector_load %arg7[%get3A_643, %get3A_644] {strides = array<i32>} : memref<4x128xi32, #tpu.memory_space<vmem>>, vector<16xi32>,
      %add3A_646 = arith.constant 16 : i32
      %add3A_647 = vector.broadcast %add3A_646 : i32 to vector<16xi32>
      %add3A_648 = arith.addi %iota3A, %add3A_647 : vector<16xi32>
      %get3A_649 = arith.constant 1 : i32
      %get3A_650 = arith.index_cast %get3A_649 : i32 to index
      %get3A_651 = arith.constant 16 : index
      %get3A_652 = tpu.vector_load %arg7[%get3A_650, %get3A_651] {strides = array<i32>} : memref<4x128xi32, #tpu.memory_space<vmem>>, vector<16xi32>,
      %add3A_653 = arith.constant 32 : i32
      %add3A_654 = vector.broadcast %add3A_653 : i32 to vector<16xi32>
      %add3A_655 = arith.addi %iota3A, %add3A_654 : vector<16xi32>
      %get3A_656 = arith.constant 1 : i32
      %get3A_657 = arith.index_cast %get3A_656 : i32 to index
      %get3A_658 = arith.constant 32 : index
      %get3A_659 = tpu.vector_load %arg7[%get3A_657, %get3A_658] {strides = array<i32>} : memref<4x128xi32, #tpu.memory_space<vmem>>, vector<16xi32>,
      %add3A_660 = arith.constant 48 : i32
      %add3A_661 = vector.broadcast %add3A_660 : i32 to vector<16xi32>
      %add3A_662 = arith.addi %iota3A, %add3A_661 : vector<16xi32>
      %get3A_663 = arith.constant 1 : i32
      %get3A_664 = arith.index_cast %get3A_663 : i32 to index
      %get3A_665 = arith.constant 48 : index
      %get3A_666 = tpu.vector_load %arg7[%get3A_664, %get3A_665] {strides = array<i32>} : memref<4x128xi32, #tpu.memory_space<vmem>>, vector<16xi32>,
      %add3A_667 = arith.constant 64 : i32
      %add3A_668 = vector.broadcast %add3A_667 : i32 to vector<16xi32>
      %add3A_669 = arith.addi %iota3A, %add3A_668 : vector<16xi32>
      %get3A_670 = arith.constant 1 : i32
      %get3A_671 = arith.index_cast %get3A_670 : i32 to index
      %get3A_672 = arith.constant 64 : index
      %get3A_673 = tpu.vector_load %arg7[%get3A_671, %get3A_672] {strides = array<i32>} : memref<4x128xi32, #tpu.memory_space<vmem>>, vector<16xi32>,
      %add3A_674 = arith.constant 80 : i32
      %add3A_675 = vector.broadcast %add3A_674 : i32 to vector<16xi32>
      %add3A_676 = arith.addi %iota3A, %add3A_675 : vector<16xi32>
      %get3A_677 = arith.constant 1 : i32
      %get3A_678 = arith.index_cast %get3A_677 : i32 to index
      %get3A_679 = arith.constant 80 : index
      %get3A_680 = tpu.vector_load %arg7[%get3A_678, %get3A_679] {strides = array<i32>} : memref<4x128xi32, #tpu.memory_space<vmem>>, vector<16xi32>,
      %add3A_681 = arith.constant 96 : i32
      %add3A_682 = vector.broadcast %add3A_681 : i32 to vector<16xi32>
      %add3A_683 = arith.addi %iota3A, %add3A_682 : vector<16xi32>
      %get3A_684 = arith.constant 1 : i32
      %get3A_685 = arith.index_cast %get3A_684 : i32 to index
      %get3A_686 = arith.constant 96 : index
      %get3A_687 = tpu.vector_load %arg7[%get3A_685, %get3A_686] {strides = array<i32>} : memref<4x128xi32, #tpu.memory_space<vmem>>, vector<16xi32>,
      %add3A_688 = arith.constant 112 : i32
      %add3A_689 = vector.broadcast %add3A_688 : i32 to vector<16xi32>
      %add3A_690 = arith.addi %iota3A, %add3A_689 : vector<16xi32>
      %get3A_691 = arith.constant 1 : i32
      %get3A_692 = arith.index_cast %get3A_691 : i32 to index
      %get3A_693 = arith.constant 112 : index
      %get3A_694 = tpu.vector_load %arg7[%get3A_692, %get3A_693] {strides = array<i32>} : memref<4x128xi32, #tpu.memory_space<vmem>>, vector<16xi32>,
      %ge3A_695 = arith.constant 2 : i32
      %ge3A_696 = arith.cmpi sge, %add3A_631, %ge3A_695 : i32
      %convert_element_type3A_697 = arith.extui %ge3A_696 : i1 to i32
      %cond3A_698 = arith.constant 0 : i32
      %cond3A_699 = arith.cmpi ne, %convert_element_type3A_697, %cond3A_698 : i32
      scf.if %cond3A_699 {
        %sub3A = arith.constant 2 : i32
        %sub3A_901 = arith.subi %add3A_631, %sub3A : i32
        %dma_wait3A_902 = arith.constant 0 : i32
        %dma_wait3A_903 = tpu.memref_slice %arg4[%sub3A_901, %dma_wait3A_902, %mul3A_2] : memref<200x64x4096xf32, #tpu.memory_space<hbm>> -> memref<1x64x128xf32, #tpu.memory_space<hbm>>
        %dma_wait3A_904 = tpu.memref_squeeze %dma_wait3A_903 : memref<1x64x128xf32, #tpu.memory_space<hbm>> -> memref<64x128xf32, #tpu.memory_space<hbm>>
        %dma_wait3A_905 = arith.constant 0 : i32
        %dma_wait3A_906 = tpu.memref_slice %arg4[%sub3A_901, %dma_wait3A_905, %mul3A_2] : memref<200x64x4096xf32, #tpu.memory_space<hbm>> -> memref<1x64x128xf32, #tpu.memory_space<hbm>>
        %dma_wait3A_907 = tpu.memref_squeeze %dma_wait3A_906 : memref<1x64x128xf32, #tpu.memory_space<hbm>> -> memref<64x128xf32, #tpu.memory_space<hbm>>
        tpu.wait_dma2 semaphore(%arg19 : memref<!tpu.dma_semaphore, #tpu.memory_space<semaphore_mem>>) src(%arg13 : memref<64x128xf32, #tpu.memory_space<vmem>>) dst(%dma_wait3A_907 : memref<64x128xf32, #tpu.memory_space<hbm>>)
      } else {
      }
      %scan3A_700 = arith.constant 0 : i32
      %scan3A_701 = arith.constant 0 : i32
      %scan3A_702 = arith.constant 64 : i32
      %scan3A_703 = arith.addi %scan3A_701, %scan3A_702 : i32
      %scan3A_704 = arith.constant 1 : i32
      scf.for %scan3A_901 = %scan3A_701 to %scan3A_703 step %scan3A_704  : i32 {
        %add3A_902 = vector.broadcast %scan3A_901 : i32 to vector<16xi32>
        %add3A_903 = arith.addi %add3A_902, %iota3A : vector<16xi32>
        %and3A_904 = arith.constant 63 : i32
        %and3A_905 = vector.broadcast %and3A_904 : i32 to vector<16xi32>
        %and3A_906 = arith.andi %add3A_903, %and3A_905 : vector<16xi32>
        %add3A_907 = arith.addi %get3A_645, %and3A_906 : vector<16xi32>
        %gather3A = tpu.vector_load_idx %arg9[%add3A_641, %add3A_907] : memref<128x128xf32, #tpu.memory_space<vmem>>[vector<16xi32>, vector<16xi32>], vector<16xf32>,
        %add3A_908 = arith.addi %get3A_652, %and3A_906 : vector<16xi32>
        %gather3A_909 = tpu.vector_load_idx %arg9[%add3A_648, %add3A_908] : memref<128x128xf32, #tpu.memory_space<vmem>>[vector<16xi32>, vector<16xi32>], vector<16xf32>,
        %add3A_910 = arith.addi %get3A_659, %and3A_906 : vector<16xi32>
        %gather3A_911 = tpu.vector_load_idx %arg9[%add3A_655, %add3A_910] : memref<128x128xf32, #tpu.memory_space<vmem>>[vector<16xi32>, vector<16xi32>], vector<16xf32>,
        %add3A_912 = arith.addi %get3A_666, %and3A_906 : vector<16xi32>
        %gather3A_913 = tpu.vector_load_idx %arg9[%add3A_662, %add3A_912] : memref<128x128xf32, #tpu.memory_space<vmem>>[vector<16xi32>, vector<16xi32>], vector<16xf32>,
        %add3A_914 = arith.addi %get3A_673, %and3A_906 : vector<16xi32>
        %gather3A_915 = tpu.vector_load_idx %arg9[%add3A_669, %add3A_914] : memref<128x128xf32, #tpu.memory_space<vmem>>[vector<16xi32>, vector<16xi32>], vector<16xf32>,
        %add3A_916 = arith.addi %get3A_680, %and3A_906 : vector<16xi32>
        %gather3A_917 = tpu.vector_load_idx %arg9[%add3A_676, %add3A_916] : memref<128x128xf32, #tpu.memory_space<vmem>>[vector<16xi32>, vector<16xi32>], vector<16xf32>,
        %add3A_918 = arith.addi %get3A_687, %and3A_906 : vector<16xi32>
        %gather3A_919 = tpu.vector_load_idx %arg9[%add3A_683, %add3A_918] : memref<128x128xf32, #tpu.memory_space<vmem>>[vector<16xi32>, vector<16xi32>], vector<16xf32>,
        %add3A_920 = arith.addi %get3A_694, %and3A_906 : vector<16xi32>
        %gather3A_921 = tpu.vector_load_idx %arg9[%add3A_690, %add3A_920] : memref<128x128xf32, #tpu.memory_space<vmem>>[vector<16xi32>, vector<16xi32>], vector<16xf32>,
        tpu.vector_store_idx %arg13[%and3A_906, %add3A_641], %gather3A : memref<64x128xf32, #tpu.memory_space<vmem>>[vector<16xi32>, vector<16xi32>], vector<16xf32>,
        tpu.vector_store_idx %arg13[%and3A_906, %add3A_648], %gather3A_909 : memref<64x128xf32, #tpu.memory_space<vmem>>[vector<16xi32>, vector<16xi32>], vector<16xf32>,
        tpu.vector_store_idx %arg13[%and3A_906, %add3A_655], %gather3A_911 : memref<64x128xf32, #tpu.memory_space<vmem>>[vector<16xi32>, vector<16xi32>], vector<16xf32>,
        tpu.vector_store_idx %arg13[%and3A_906, %add3A_662], %gather3A_913 : memref<64x128xf32, #tpu.memory_space<vmem>>[vector<16xi32>, vector<16xi32>], vector<16xf32>,
        tpu.vector_store_idx %arg13[%and3A_906, %add3A_669], %gather3A_915 : memref<64x128xf32, #tpu.memory_space<vmem>>[vector<16xi32>, vector<16xi32>], vector<16xf32>,
        tpu.vector_store_idx %arg13[%and3A_906, %add3A_676], %gather3A_917 : memref<64x128xf32, #tpu.memory_space<vmem>>[vector<16xi32>, vector<16xi32>], vector<16xf32>,
        tpu.vector_store_idx %arg13[%and3A_906, %add3A_683], %gather3A_919 : memref<64x128xf32, #tpu.memory_space<vmem>>[vector<16xi32>, vector<16xi32>], vector<16xf32>,
        tpu.vector_store_idx %arg13[%and3A_906, %add3A_690], %gather3A_921 : memref<64x128xf32, #tpu.memory_space<vmem>>[vector<16xi32>, vector<16xi32>], vector<16xf32>,
      }
      %scan3A_705 = arith.constant 64 : i32
      %dma_start3A_706 = arith.constant 0 : i32
      %dma_start3A_707 = tpu.memref_slice %arg4[%add3A_631, %dma_start3A_706, %mul3A_2] : memref<200x64x4096xf32, #tpu.memory_space<hbm>> -> memref<1x64x128xf32, #tpu.memory_space<hbm>>
      %dma_start3A_708 = tpu.memref_squeeze %dma_start3A_707 : memref<1x64x128xf32, #tpu.memory_space<hbm>> -> memref<64x128xf32, #tpu.memory_space<hbm>>
      %dma_start3A_709 = arith.constant 0 : i32
      %dma_start3A_710 = tpu.memref_slice %arg4[%add3A_631, %dma_start3A_709, %mul3A_2] : memref<200x64x4096xf32, #tpu.memory_space<hbm>> -> memref<1x64x128xf32, #tpu.memory_space<hbm>>
      %dma_start3A_711 = tpu.memref_squeeze %dma_start3A_710 : memref<1x64x128xf32, #tpu.memory_space<hbm>> -> memref<64x128xf32, #tpu.memory_space<hbm>>
      tpu.enqueue_dma source(%arg13 : memref<64x128xf32, #tpu.memory_space<vmem>>) target(%dma_start3A_711 : memref<64x128xf32, #tpu.memory_space<hbm>>) target_semaphore(%arg19 : memref<!tpu.dma_semaphore, #tpu.memory_space<semaphore_mem>>)
      %add3A_712 = arith.constant 3 : i32
      %add3A_713 = arith.addi %add3A_631, %add3A_712 : i32
      %lt3A_714 = arith.constant 200 : i32
      %lt3A_715 = arith.cmpi slt, %add3A_713, %lt3A_714 : i32
      %convert_element_type3A_716 = arith.extui %lt3A_715 : i1 to i32
      %cond3A_717 = arith.constant 0 : i32
      %cond3A_718 = arith.cmpi ne, %convert_element_type3A_716, %cond3A_717 : i32
      scf.if %cond3A_718 {
        %add3A_901 = arith.constant 3 : i32
        %add3A_902 = arith.addi %add3A_631, %add3A_901 : i32
        %get3A_903 = arith.index_cast %add3A_902 : i32 to index
        %get3A_904 = arith.constant 0 : index
        %get3A_905 = tpu.vector_load %arg5[%get3A_903, %get3A_904] {strides = array<i32>} : memref<200x128xi32, #tpu.memory_space<vmem>>, vector<16xi32>,
        %shift_right_logical3A_906 = arith.constant 1 : i32
        %shift_right_logical3A_907 = vector.broadcast %shift_right_logical3A_906 : i32 to vector<16xi32>
        %shift_right_logical3A_908 = arith.shrui %get3A_905, %shift_right_logical3A_907 : vector<16xi32>
        %swap3A_909 = arith.constant 0 : i32
        %swap3A_910 = arith.index_cast %swap3A_909 : i32 to index
        %swap3A_911 = arith.constant 0 : index
        %swap3A_912 = tpu.vector_load %arg6[%swap3A_910, %swap3A_911] {strides = array<i32>} : memref<4x128xi32, #tpu.memory_space<vmem>>, vector<16xi32>,
        tpu.vector_store %arg6[%swap3A_910, %swap3A_911], %shift_right_logical3A_908 {strides = array<i32>} : memref<4x128xi32, #tpu.memory_space<vmem>>, vector<16xi32>,
        %and3A_913 = arith.constant 1 : i32
        %and3A_914 = vector.broadcast %and3A_913 : i32 to vector<16xi32>
        %and3A_915 = arith.andi %get3A_905, %and3A_914 : vector<16xi32>
        %shift_left3A_916 = arith.constant 6 : i32
        %shift_left3A_917 = vector.broadcast %shift_left3A_916 : i32 to vector<16xi32>
        %shift_left3A_918 = arith.shli %and3A_915, %shift_left3A_917 : vector<16xi32>
        %swap3A_919 = arith.constant 0 : i32
        %swap3A_920 = arith.index_cast %swap3A_919 : i32 to index
        %swap3A_921 = arith.constant 0 : index
        %swap3A_922 = tpu.vector_load %arg7[%swap3A_920, %swap3A_921] {strides = array<i32>} : memref<4x128xi32, #tpu.memory_space<vmem>>, vector<16xi32>,
        tpu.vector_store %arg7[%swap3A_920, %swap3A_921], %shift_left3A_918 {strides = array<i32>} : memref<4x128xi32, #tpu.memory_space<vmem>>, vector<16xi32>,
        %get3A_923 = arith.index_cast %add3A_902 : i32 to index
        %get3A_924 = arith.constant 16 : index
        %get3A_925 = tpu.vector_load %arg5[%get3A_923, %get3A_924] {strides = array<i32>} : memref<200x128xi32, #tpu.memory_space<vmem>>, vector<16xi32>,
        %shift_right_logical3A_926 = arith.constant 1 : i32
        %shift_right_logical3A_927 = vector.broadcast %shift_right_logical3A_926 : i32 to vector<16xi32>
        %shift_right_logical3A_928 = arith.shrui %get3A_925, %shift_right_logical3A_927 : vector<16xi32>
        %swap3A_929 = arith.constant 0 : i32
        %swap3A_930 = arith.index_cast %swap3A_929 : i32 to index
        %swap3A_931 = arith.constant 16 : index
        %swap3A_932 = tpu.vector_load %arg6[%swap3A_930, %swap3A_931] {strides = array<i32>} : memref<4x128xi32, #tpu.memory_space<vmem>>, vector<16xi32>,
        tpu.vector_store %arg6[%swap3A_930, %swap3A_931], %shift_right_logical3A_928 {strides = array<i32>} : memref<4x128xi32, #tpu.memory_space<vmem>>, vector<16xi32>,
        %and3A_933 = arith.constant 1 : i32
        %and3A_934 = vector.broadcast %and3A_933 : i32 to vector<16xi32>
        %and3A_935 = arith.andi %get3A_925, %and3A_934 : vector<16xi32>
        %shift_left3A_936 = arith.constant 6 : i32
        %shift_left3A_937 = vector.broadcast %shift_left3A_936 : i32 to vector<16xi32>
        %shift_left3A_938 = arith.shli %and3A_935, %shift_left3A_937 : vector<16xi32>
        %swap3A_939 = arith.constant 0 : i32
        %swap3A_940 = arith.index_cast %swap3A_939 : i32 to index
        %swap3A_941 = arith.constant 16 : index
        %swap3A_942 = tpu.vector_load %arg7[%swap3A_940, %swap3A_941] {strides = array<i32>} : memref<4x128xi32, #tpu.memory_space<vmem>>, vector<16xi32>,
        tpu.vector_store %arg7[%swap3A_940, %swap3A_941], %shift_left3A_938 {strides = array<i32>} : memref<4x128xi32, #tpu.memory_space<vmem>>, vector<16xi32>,
        %get3A_943 = arith.index_cast %add3A_902 : i32 to index
        %get3A_944 = arith.constant 32 : index
        %get3A_945 = tpu.vector_load %arg5[%get3A_943, %get3A_944] {strides = array<i32>} : memref<200x128xi32, #tpu.memory_space<vmem>>, vector<16xi32>,
        %shift_right_logical3A_946 = arith.constant 1 : i32
        %shift_right_logical3A_947 = vector.broadcast %shift_right_logical3A_946 : i32 to vector<16xi32>
        %shift_right_logical3A_948 = arith.shrui %get3A_945, %shift_right_logical3A_947 : vector<16xi32>
        %swap3A_949 = arith.constant 0 : i32
        %swap3A_950 = arith.index_cast %swap3A_949 : i32 to index
        %swap3A_951 = arith.constant 32 : index
        %swap3A_952 = tpu.vector_load %arg6[%swap3A_950, %swap3A_951] {strides = array<i32>} : memref<4x128xi32, #tpu.memory_space<vmem>>, vector<16xi32>,
        tpu.vector_store %arg6[%swap3A_950, %swap3A_951], %shift_right_logical3A_948 {strides = array<i32>} : memref<4x128xi32, #tpu.memory_space<vmem>>, vector<16xi32>,
        %and3A_953 = arith.constant 1 : i32
        %and3A_954 = vector.broadcast %and3A_953 : i32 to vector<16xi32>
        %and3A_955 = arith.andi %get3A_945, %and3A_954 : vector<16xi32>
        %shift_left3A_956 = arith.constant 6 : i32
        %shift_left3A_957 = vector.broadcast %shift_left3A_956 : i32 to vector<16xi32>
        %shift_left3A_958 = arith.shli %and3A_955, %shift_left3A_957 : vector<16xi32>
        %swap3A_959 = arith.constant 0 : i32
        %swap3A_960 = arith.index_cast %swap3A_959 : i32 to index
        %swap3A_961 = arith.constant 32 : index
        %swap3A_962 = tpu.vector_load %arg7[%swap3A_960, %swap3A_961] {strides = array<i32>} : memref<4x128xi32, #tpu.memory_space<vmem>>, vector<16xi32>,
        tpu.vector_store %arg7[%swap3A_960, %swap3A_961], %shift_left3A_958 {strides = array<i32>} : memref<4x128xi32, #tpu.memory_space<vmem>>, vector<16xi32>,
        %get3A_963 = arith.index_cast %add3A_902 : i32 to index
        %get3A_964 = arith.constant 48 : index
        %get3A_965 = tpu.vector_load %arg5[%get3A_963, %get3A_964] {strides = array<i32>} : memref<200x128xi32, #tpu.memory_space<vmem>>, vector<16xi32>,
        %shift_right_logical3A_966 = arith.constant 1 : i32
        %shift_right_logical3A_967 = vector.broadcast %shift_right_logical3A_966 : i32 to vector<16xi32>
        %shift_right_logical3A_968 = arith.shrui %get3A_965, %shift_right_logical3A_967 : vector<16xi32>
        %swap3A_969 = arith.constant 0 : i32
        %swap3A_970 = arith.index_cast %swap3A_969 : i32 to index
        %swap3A_971 = arith.constant 48 : index
        %swap3A_972 = tpu.vector_load %arg6[%swap3A_970, %swap3A_971] {strides = array<i32>} : memref<4x128xi32, #tpu.memory_space<vmem>>, vector<16xi32>,
        tpu.vector_store %arg6[%swap3A_970, %swap3A_971], %shift_right_logical3A_968 {strides = array<i32>} : memref<4x128xi32, #tpu.memory_space<vmem>>, vector<16xi32>,
        %and3A_973 = arith.constant 1 : i32
        %and3A_974 = vector.broadcast %and3A_973 : i32 to vector<16xi32>
        %and3A_975 = arith.andi %get3A_965, %and3A_974 : vector<16xi32>
        %shift_left3A_976 = arith.constant 6 : i32
        %shift_left3A_977 = vector.broadcast %shift_left3A_976 : i32 to vector<16xi32>
        %shift_left3A_978 = arith.shli %and3A_975, %shift_left3A_977 : vector<16xi32>
        %swap3A_979 = arith.constant 0 : i32
        %swap3A_980 = arith.index_cast %swap3A_979 : i32 to index
        %swap3A_981 = arith.constant 48 : index
        %swap3A_982 = tpu.vector_load %arg7[%swap3A_980, %swap3A_981] {strides = array<i32>} : memref<4x128xi32, #tpu.memory_space<vmem>>, vector<16xi32>,
        tpu.vector_store %arg7[%swap3A_980, %swap3A_981], %shift_left3A_978 {strides = array<i32>} : memref<4x128xi32, #tpu.memory_space<vmem>>, vector<16xi32>,
        %get3A_983 = arith.index_cast %add3A_902 : i32 to index
        %get3A_984 = arith.constant 64 : index
        %get3A_985 = tpu.vector_load %arg5[%get3A_983, %get3A_984] {strides = array<i32>} : memref<200x128xi32, #tpu.memory_space<vmem>>, vector<16xi32>,
        %shift_right_logical3A_986 = arith.constant 1 : i32
        %shift_right_logical3A_987 = vector.broadcast %shift_right_logical3A_986 : i32 to vector<16xi32>
        %shift_right_logical3A_988 = arith.shrui %get3A_985, %shift_right_logical3A_987 : vector<16xi32>
        %swap3A_989 = arith.constant 0 : i32
        %swap3A_990 = arith.index_cast %swap3A_989 : i32 to index
        %swap3A_991 = arith.constant 64 : index
        %swap3A_992 = tpu.vector_load %arg6[%swap3A_990, %swap3A_991] {strides = array<i32>} : memref<4x128xi32, #tpu.memory_space<vmem>>, vector<16xi32>,
        tpu.vector_store %arg6[%swap3A_990, %swap3A_991], %shift_right_logical3A_988 {strides = array<i32>} : memref<4x128xi32, #tpu.memory_space<vmem>>, vector<16xi32>,
        %and3A_993 = arith.constant 1 : i32
        %and3A_994 = vector.broadcast %and3A_993 : i32 to vector<16xi32>
        %and3A_995 = arith.andi %get3A_985, %and3A_994 : vector<16xi32>
        %shift_left3A_996 = arith.constant 6 : i32
        %shift_left3A_997 = vector.broadcast %shift_left3A_996 : i32 to vector<16xi32>
        %shift_left3A_998 = arith.shli %and3A_995, %shift_left3A_997 : vector<16xi32>
        %swap3A_999 = arith.constant 0 : i32
        %swap3A_1000 = arith.index_cast %swap3A_999 : i32 to index
        %swap3A_1001 = arith.constant 64 : index
        %swap3A_1002 = tpu.vector_load %arg7[%swap3A_1000, %swap3A_1001] {strides = array<i32>} : memref<4x128xi32, #tpu.memory_space<vmem>>, vector<16xi32>,
        tpu.vector_store %arg7[%swap3A_1000, %swap3A_1001], %shift_left3A_998 {strides = array<i32>} : memref<4x128xi32, #tpu.memory_space<vmem>>, vector<16xi32>,
        %get3A_1003 = arith.index_cast %add3A_902 : i32 to index
        %get3A_1004 = arith.constant 80 : index
        %get3A_1005 = tpu.vector_load %arg5[%get3A_1003, %get3A_1004] {strides = array<i32>} : memref<200x128xi32, #tpu.memory_space<vmem>>, vector<16xi32>,
        %shift_right_logical3A_1006 = arith.constant 1 : i32
        %shift_right_logical3A_1007 = vector.broadcast %shift_right_logical3A_1006 : i32 to vector<16xi32>
        %shift_right_logical3A_1008 = arith.shrui %get3A_1005, %shift_right_logical3A_1007 : vector<16xi32>
        %swap3A_1009 = arith.constant 0 : i32
        %swap3A_1010 = arith.index_cast %swap3A_1009 : i32 to index
        %swap3A_1011 = arith.constant 80 : index
        %swap3A_1012 = tpu.vector_load %arg6[%swap3A_1010, %swap3A_1011] {strides = array<i32>} : memref<4x128xi32, #tpu.memory_space<vmem>>, vector<16xi32>,
        tpu.vector_store %arg6[%swap3A_1010, %swap3A_1011], %shift_right_logical3A_1008 {strides = array<i32>} : memref<4x128xi32, #tpu.memory_space<vmem>>, vector<16xi32>,
        %and3A_1013 = arith.constant 1 : i32
        %and3A_1014 = vector.broadcast %and3A_1013 : i32 to vector<16xi32>
        %and3A_1015 = arith.andi %get3A_1005, %and3A_1014 : vector<16xi32>
        %shift_left3A_1016 = arith.constant 6 : i32
        %shift_left3A_1017 = vector.broadcast %shift_left3A_1016 : i32 to vector<16xi32>
        %shift_left3A_1018 = arith.shli %and3A_1015, %shift_left3A_1017 : vector<16xi32>
        %swap3A_1019 = arith.constant 0 : i32
        %swap3A_1020 = arith.index_cast %swap3A_1019 : i32 to index
        %swap3A_1021 = arith.constant 80 : index
        %swap3A_1022 = tpu.vector_load %arg7[%swap3A_1020, %swap3A_1021] {strides = array<i32>} : memref<4x128xi32, #tpu.memory_space<vmem>>, vector<16xi32>,
        tpu.vector_store %arg7[%swap3A_1020, %swap3A_1021], %shift_left3A_1018 {strides = array<i32>} : memref<4x128xi32, #tpu.memory_space<vmem>>, vector<16xi32>,
        %get3A_1023 = arith.index_cast %add3A_902 : i32 to index
        %get3A_1024 = arith.constant 96 : index
        %get3A_1025 = tpu.vector_load %arg5[%get3A_1023, %get3A_1024] {strides = array<i32>} : memref<200x128xi32, #tpu.memory_space<vmem>>, vector<16xi32>,
        %shift_right_logical3A_1026 = arith.constant 1 : i32
        %shift_right_logical3A_1027 = vector.broadcast %shift_right_logical3A_1026 : i32 to vector<16xi32>
        %shift_right_logical3A_1028 = arith.shrui %get3A_1025, %shift_right_logical3A_1027 : vector<16xi32>
        %swap3A_1029 = arith.constant 0 : i32
        %swap3A_1030 = arith.index_cast %swap3A_1029 : i32 to index
        %swap3A_1031 = arith.constant 96 : index
        %swap3A_1032 = tpu.vector_load %arg6[%swap3A_1030, %swap3A_1031] {strides = array<i32>} : memref<4x128xi32, #tpu.memory_space<vmem>>, vector<16xi32>,
        tpu.vector_store %arg6[%swap3A_1030, %swap3A_1031], %shift_right_logical3A_1028 {strides = array<i32>} : memref<4x128xi32, #tpu.memory_space<vmem>>, vector<16xi32>,
        %and3A_1033 = arith.constant 1 : i32
        %and3A_1034 = vector.broadcast %and3A_1033 : i32 to vector<16xi32>
        %and3A_1035 = arith.andi %get3A_1025, %and3A_1034 : vector<16xi32>
        %shift_left3A_1036 = arith.constant 6 : i32
        %shift_left3A_1037 = vector.broadcast %shift_left3A_1036 : i32 to vector<16xi32>
        %shift_left3A_1038 = arith.shli %and3A_1035, %shift_left3A_1037 : vector<16xi32>
        %swap3A_1039 = arith.constant 0 : i32
        %swap3A_1040 = arith.index_cast %swap3A_1039 : i32 to index
        %swap3A_1041 = arith.constant 96 : index
        %swap3A_1042 = tpu.vector_load %arg7[%swap3A_1040, %swap3A_1041] {strides = array<i32>} : memref<4x128xi32, #tpu.memory_space<vmem>>, vector<16xi32>,
        tpu.vector_store %arg7[%swap3A_1040, %swap3A_1041], %shift_left3A_1038 {strides = array<i32>} : memref<4x128xi32, #tpu.memory_space<vmem>>, vector<16xi32>,
        %get3A_1043 = arith.index_cast %add3A_902 : i32 to index
        %get3A_1044 = arith.constant 112 : index
        %get3A_1045 = tpu.vector_load %arg5[%get3A_1043, %get3A_1044] {strides = array<i32>} : memref<200x128xi32, #tpu.memory_space<vmem>>, vector<16xi32>,
        %shift_right_logical3A_1046 = arith.constant 1 : i32
        %shift_right_logical3A_1047 = vector.broadcast %shift_right_logical3A_1046 : i32 to vector<16xi32>
        %shift_right_logical3A_1048 = arith.shrui %get3A_1045, %shift_right_logical3A_1047 : vector<16xi32>
        %swap3A_1049 = arith.constant 0 : i32
        %swap3A_1050 = arith.index_cast %swap3A_1049 : i32 to index
        %swap3A_1051 = arith.constant 112 : index
        %swap3A_1052 = tpu.vector_load %arg6[%swap3A_1050, %swap3A_1051] {strides = array<i32>} : memref<4x128xi32, #tpu.memory_space<vmem>>, vector<16xi32>,
        tpu.vector_store %arg6[%swap3A_1050, %swap3A_1051], %shift_right_logical3A_1048 {strides = array<i32>} : memref<4x128xi32, #tpu.memory_space<vmem>>, vector<16xi32>,
        %and3A_1053 = arith.constant 1 : i32
        %and3A_1054 = vector.broadcast %and3A_1053 : i32 to vector<16xi32>
        %and3A_1055 = arith.andi %get3A_1045, %and3A_1054 : vector<16xi32>
        %shift_left3A_1056 = arith.constant 6 : i32
        %shift_left3A_1057 = vector.broadcast %shift_left3A_1056 : i32 to vector<16xi32>
        %shift_left3A_1058 = arith.shli %and3A_1055, %shift_left3A_1057 : vector<16xi32>
        %swap3A_1059 = arith.constant 0 : i32
        %swap3A_1060 = arith.index_cast %swap3A_1059 : i32 to index
        %swap3A_1061 = arith.constant 112 : index
        %swap3A_1062 = tpu.vector_load %arg7[%swap3A_1060, %swap3A_1061] {strides = array<i32>} : memref<4x128xi32, #tpu.memory_space<vmem>>, vector<16xi32>,
        tpu.vector_store %arg7[%swap3A_1060, %swap3A_1061], %shift_left3A_1058 {strides = array<i32>} : memref<4x128xi32, #tpu.memory_space<vmem>>, vector<16xi32>,
        %dma_start3A_1063 = arith.constant 0 : i32
        %dma_start3A_1064 = arith.constant 0 : i32
        %dma_start3A_1065 = tpu.memref_slice %arg6[%dma_start3A_1063, %dma_start3A_1064] : memref<4x128xi32, #tpu.memory_space<vmem>> -> memref<1x128xi32, #tpu.memory_space<vmem>>
        %dma_start3A_1066 = tpu.memref_squeeze %dma_start3A_1065 : memref<1x128xi32, #tpu.memory_space<vmem>> -> memref<128xi32, #tpu.memory_space<vmem>>
        %dma_start3A_1067 = arith.constant 0 : i32
        %dma_start3A_1068 = arith.constant 0 : i32
        %dma_start3A_1069 = tpu.memref_slice %arg3[%dma_start3A_1067, %dma_start3A_1068] : memref<500000x128xf32, #tpu.memory_space<hbm>> -> memref<500000x128xf32, #tpu.memory_space<hbm>>
        tpu.enqueue_indirect_dma source(%dma_start3A_1069 : memref<500000x128xf32, #tpu.memory_space<hbm>>) target(%arg8 : memref<128x128xf32, #tpu.memory_space<vmem>>) offsets(%dma_start3A_1066 : memref<128xi32, #tpu.memory_space<vmem>>) semaphore(%arg14 : memref<!tpu.dma_semaphore, #tpu.memory_space<semaphore_mem>>)
      } else {
      }
      %mul3A_719 = arith.constant 4 : i32
      %mul3A_720 = arith.muli %mul3A_719, %scan3A_540 : i32
      %add3A_721 = arith.constant 2 : i32
      %add3A_722 = arith.addi %mul3A_720, %add3A_721 : i32
      %dma_wait3A_723 = arith.constant 2 : i32
      %dma_wait3A_724 = arith.constant 0 : i32
      %dma_wait3A_725 = tpu.memref_slice %arg6[%dma_wait3A_723, %dma_wait3A_724] : memref<4x128xi32, #tpu.memory_space<vmem>> -> memref<1x128xi32, #tpu.memory_space<vmem>>
      %dma_wait3A_726 = tpu.memref_squeeze %dma_wait3A_725 : memref<1x128xi32, #tpu.memory_space<vmem>> -> memref<128xi32, #tpu.memory_space<vmem>>
      %dma_wait3A_727 = arith.constant 0 : i32
      %dma_wait3A_728 = arith.constant 0 : i32
      %dma_wait3A_729 = tpu.memref_slice %arg3[%dma_wait3A_727, %dma_wait3A_728] : memref<500000x128xf32, #tpu.memory_space<hbm>> -> memref<500000x128xf32, #tpu.memory_space<hbm>>
      tpu.wait_indirect_dma semaphore(%arg16 : memref<!tpu.dma_semaphore, #tpu.memory_space<semaphore_mem>>) src(%dma_wait3A_729 : memref<500000x128xf32, #tpu.memory_space<hbm>>) dst(%arg10 : memref<128x128xf32, #tpu.memory_space<vmem>>)
      %add3A_730 = arith.constant 0 : i32
      %add3A_731 = vector.broadcast %add3A_730 : i32 to vector<16xi32>
      %add3A_732 = arith.addi %iota3A, %add3A_731 : vector<16xi32>
      %get3A_733 = arith.constant 2 : i32
      %get3A_734 = arith.index_cast %get3A_733 : i32 to index
      %get3A_735 = arith.constant 0 : index
      %get3A_736 = tpu.vector_load %arg7[%get3A_734, %get3A_735] {strides = array<i32>} : memref<4x128xi32, #tpu.memory_space<vmem>>, vector<16xi32>,
      %add3A_737 = arith.constant 16 : i32
      %add3A_738 = vector.broadcast %add3A_737 : i32 to vector<16xi32>
      %add3A_739 = arith.addi %iota3A, %add3A_738 : vector<16xi32>
      %get3A_740 = arith.constant 2 : i32
      %get3A_741 = arith.index_cast %get3A_740 : i32 to index
      %get3A_742 = arith.constant 16 : index
      %get3A_743 = tpu.vector_load %arg7[%get3A_741, %get3A_742] {strides = array<i32>} : memref<4x128xi32, #tpu.memory_space<vmem>>, vector<16xi32>,
      %add3A_744 = arith.constant 32 : i32
      %add3A_745 = vector.broadcast %add3A_744 : i32 to vector<16xi32>
      %add3A_746 = arith.addi %iota3A, %add3A_745 : vector<16xi32>
      %get3A_747 = arith.constant 2 : i32
      %get3A_748 = arith.index_cast %get3A_747 : i32 to index
      %get3A_749 = arith.constant 32 : index
      %get3A_750 = tpu.vector_load %arg7[%get3A_748, %get3A_749] {strides = array<i32>} : memref<4x128xi32, #tpu.memory_space<vmem>>, vector<16xi32>,
      %add3A_751 = arith.constant 48 : i32
      %add3A_752 = vector.broadcast %add3A_751 : i32 to vector<16xi32>
      %add3A_753 = arith.addi %iota3A, %add3A_752 : vector<16xi32>
      %get3A_754 = arith.constant 2 : i32
      %get3A_755 = arith.index_cast %get3A_754 : i32 to index
      %get3A_756 = arith.constant 48 : index
      %get3A_757 = tpu.vector_load %arg7[%get3A_755, %get3A_756] {strides = array<i32>} : memref<4x128xi32, #tpu.memory_space<vmem>>, vector<16xi32>,
      %add3A_758 = arith.constant 64 : i32
      %add3A_759 = vector.broadcast %add3A_758 : i32 to vector<16xi32>
      %add3A_760 = arith.addi %iota3A, %add3A_759 : vector<16xi32>
      %get3A_761 = arith.constant 2 : i32
      %get3A_762 = arith.index_cast %get3A_761 : i32 to index
      %get3A_763 = arith.constant 64 : index
      %get3A_764 = tpu.vector_load %arg7[%get3A_762, %get3A_763] {strides = array<i32>} : memref<4x128xi32, #tpu.memory_space<vmem>>, vector<16xi32>,
      %add3A_765 = arith.constant 80 : i32
      %add3A_766 = vector.broadcast %add3A_765 : i32 to vector<16xi32>
      %add3A_767 = arith.addi %iota3A, %add3A_766 : vector<16xi32>
      %get3A_768 = arith.constant 2 : i32
      %get3A_769 = arith.index_cast %get3A_768 : i32 to index
      %get3A_770 = arith.constant 80 : index
      %get3A_771 = tpu.vector_load %arg7[%get3A_769, %get3A_770] {strides = array<i32>} : memref<4x128xi32, #tpu.memory_space<vmem>>, vector<16xi32>,
      %add3A_772 = arith.constant 96 : i32
      %add3A_773 = vector.broadcast %add3A_772 : i32 to vector<16xi32>
      %add3A_774 = arith.addi %iota3A, %add3A_773 : vector<16xi32>
      %get3A_775 = arith.constant 2 : i32
      %get3A_776 = arith.index_cast %get3A_775 : i32 to index
      %get3A_777 = arith.constant 96 : index
      %get3A_778 = tpu.vector_load %arg7[%get3A_776, %get3A_777] {strides = array<i32>} : memref<4x128xi32, #tpu.memory_space<vmem>>, vector<16xi32>,
      %add3A_779 = arith.constant 112 : i32
      %add3A_780 = vector.broadcast %add3A_779 : i32 to vector<16xi32>
      %add3A_781 = arith.addi %iota3A, %add3A_780 : vector<16xi32>
      %get3A_782 = arith.constant 2 : i32
      %get3A_783 = arith.index_cast %get3A_782 : i32 to index
      %get3A_784 = arith.constant 112 : index
      %get3A_785 = tpu.vector_load %arg7[%get3A_783, %get3A_784] {strides = array<i32>} : memref<4x128xi32, #tpu.memory_space<vmem>>, vector<16xi32>,
      %ge3A_786 = arith.constant 2 : i32
      %ge3A_787 = arith.cmpi sge, %add3A_722, %ge3A_786 : i32
      %convert_element_type3A_788 = arith.extui %ge3A_787 : i1 to i32
      %cond3A_789 = arith.constant 0 : i32
      %cond3A_790 = arith.cmpi ne, %convert_element_type3A_788, %cond3A_789 : i32
      scf.if %cond3A_790 {
        %sub3A = arith.constant 2 : i32
        %sub3A_901 = arith.subi %add3A_722, %sub3A : i32
        %dma_wait3A_902 = arith.constant 0 : i32
        %dma_wait3A_903 = tpu.memref_slice %arg4[%sub3A_901, %dma_wait3A_902, %mul3A_2] : memref<200x64x4096xf32, #tpu.memory_space<hbm>> -> memref<1x64x128xf32, #tpu.memory_space<hbm>>
        %dma_wait3A_904 = tpu.memref_squeeze %dma_wait3A_903 : memref<1x64x128xf32, #tpu.memory_space<hbm>> -> memref<64x128xf32, #tpu.memory_space<hbm>>
        %dma_wait3A_905 = arith.constant 0 : i32
        %dma_wait3A_906 = tpu.memref_slice %arg4[%sub3A_901, %dma_wait3A_905, %mul3A_2] : memref<200x64x4096xf32, #tpu.memory_space<hbm>> -> memref<1x64x128xf32, #tpu.memory_space<hbm>>
        %dma_wait3A_907 = tpu.memref_squeeze %dma_wait3A_906 : memref<1x64x128xf32, #tpu.memory_space<hbm>> -> memref<64x128xf32, #tpu.memory_space<hbm>>
        tpu.wait_dma2 semaphore(%arg18 : memref<!tpu.dma_semaphore, #tpu.memory_space<semaphore_mem>>) src(%arg12 : memref<64x128xf32, #tpu.memory_space<vmem>>) dst(%dma_wait3A_907 : memref<64x128xf32, #tpu.memory_space<hbm>>)
      } else {
      }
      %scan3A_791 = arith.constant 0 : i32
      %scan3A_792 = arith.constant 0 : i32
      %scan3A_793 = arith.constant 64 : i32
      %scan3A_794 = arith.addi %scan3A_792, %scan3A_793 : i32
      %scan3A_795 = arith.constant 1 : i32
      scf.for %scan3A_901 = %scan3A_792 to %scan3A_794 step %scan3A_795  : i32 {
        %add3A_902 = vector.broadcast %scan3A_901 : i32 to vector<16xi32>
        %add3A_903 = arith.addi %add3A_902, %iota3A : vector<16xi32>
        %and3A_904 = arith.constant 63 : i32
        %and3A_905 = vector.broadcast %and3A_904 : i32 to vector<16xi32>
        %and3A_906 = arith.andi %add3A_903, %and3A_905 : vector<16xi32>
        %add3A_907 = arith.addi %get3A_736, %and3A_906 : vector<16xi32>
        %gather3A = tpu.vector_load_idx %arg10[%add3A_732, %add3A_907] : memref<128x128xf32, #tpu.memory_space<vmem>>[vector<16xi32>, vector<16xi32>], vector<16xf32>,
        %add3A_908 = arith.addi %get3A_743, %and3A_906 : vector<16xi32>
        %gather3A_909 = tpu.vector_load_idx %arg10[%add3A_739, %add3A_908] : memref<128x128xf32, #tpu.memory_space<vmem>>[vector<16xi32>, vector<16xi32>], vector<16xf32>,
        %add3A_910 = arith.addi %get3A_750, %and3A_906 : vector<16xi32>
        %gather3A_911 = tpu.vector_load_idx %arg10[%add3A_746, %add3A_910] : memref<128x128xf32, #tpu.memory_space<vmem>>[vector<16xi32>, vector<16xi32>], vector<16xf32>,
        %add3A_912 = arith.addi %get3A_757, %and3A_906 : vector<16xi32>
        %gather3A_913 = tpu.vector_load_idx %arg10[%add3A_753, %add3A_912] : memref<128x128xf32, #tpu.memory_space<vmem>>[vector<16xi32>, vector<16xi32>], vector<16xf32>,
        %add3A_914 = arith.addi %get3A_764, %and3A_906 : vector<16xi32>
        %gather3A_915 = tpu.vector_load_idx %arg10[%add3A_760, %add3A_914] : memref<128x128xf32, #tpu.memory_space<vmem>>[vector<16xi32>, vector<16xi32>], vector<16xf32>,
        %add3A_916 = arith.addi %get3A_771, %and3A_906 : vector<16xi32>
        %gather3A_917 = tpu.vector_load_idx %arg10[%add3A_767, %add3A_916] : memref<128x128xf32, #tpu.memory_space<vmem>>[vector<16xi32>, vector<16xi32>], vector<16xf32>,
        %add3A_918 = arith.addi %get3A_778, %and3A_906 : vector<16xi32>
        %gather3A_919 = tpu.vector_load_idx %arg10[%add3A_774, %add3A_918] : memref<128x128xf32, #tpu.memory_space<vmem>>[vector<16xi32>, vector<16xi32>], vector<16xf32>,
        %add3A_920 = arith.addi %get3A_785, %and3A_906 : vector<16xi32>
        %gather3A_921 = tpu.vector_load_idx %arg10[%add3A_781, %add3A_920] : memref<128x128xf32, #tpu.memory_space<vmem>>[vector<16xi32>, vector<16xi32>], vector<16xf32>,
        tpu.vector_store_idx %arg12[%and3A_906, %add3A_732], %gather3A : memref<64x128xf32, #tpu.memory_space<vmem>>[vector<16xi32>, vector<16xi32>], vector<16xf32>,
        tpu.vector_store_idx %arg12[%and3A_906, %add3A_739], %gather3A_909 : memref<64x128xf32, #tpu.memory_space<vmem>>[vector<16xi32>, vector<16xi32>], vector<16xf32>,
        tpu.vector_store_idx %arg12[%and3A_906, %add3A_746], %gather3A_911 : memref<64x128xf32, #tpu.memory_space<vmem>>[vector<16xi32>, vector<16xi32>], vector<16xf32>,
        tpu.vector_store_idx %arg12[%and3A_906, %add3A_753], %gather3A_913 : memref<64x128xf32, #tpu.memory_space<vmem>>[vector<16xi32>, vector<16xi32>], vector<16xf32>,
        tpu.vector_store_idx %arg12[%and3A_906, %add3A_760], %gather3A_915 : memref<64x128xf32, #tpu.memory_space<vmem>>[vector<16xi32>, vector<16xi32>], vector<16xf32>,
        tpu.vector_store_idx %arg12[%and3A_906, %add3A_767], %gather3A_917 : memref<64x128xf32, #tpu.memory_space<vmem>>[vector<16xi32>, vector<16xi32>], vector<16xf32>,
        tpu.vector_store_idx %arg12[%and3A_906, %add3A_774], %gather3A_919 : memref<64x128xf32, #tpu.memory_space<vmem>>[vector<16xi32>, vector<16xi32>], vector<16xf32>,
        tpu.vector_store_idx %arg12[%and3A_906, %add3A_781], %gather3A_921 : memref<64x128xf32, #tpu.memory_space<vmem>>[vector<16xi32>, vector<16xi32>], vector<16xf32>,
      }
      %scan3A_796 = arith.constant 64 : i32
      %dma_start3A_797 = arith.constant 0 : i32
      %dma_start3A_798 = tpu.memref_slice %arg4[%add3A_722, %dma_start3A_797, %mul3A_2] : memref<200x64x4096xf32, #tpu.memory_space<hbm>> -> memref<1x64x128xf32, #tpu.memory_space<hbm>>
      %dma_start3A_799 = tpu.memref_squeeze %dma_start3A_798 : memref<1x64x128xf32, #tpu.memory_space<hbm>> -> memref<64x128xf32, #tpu.memory_space<hbm>>
      %dma_start3A_800 = arith.constant 0 : i32
      %dma_start3A_801 = tpu.memref_slice %arg4[%add3A_722, %dma_start3A_800, %mul3A_2] : memref<200x64x4096xf32, #tpu.memory_space<hbm>> -> memref<1x64x128xf32, #tpu.memory_space<hbm>>
      %dma_start3A_802 = tpu.memref_squeeze %dma_start3A_801 : memref<1x64x128xf32, #tpu.memory_space<hbm>> -> memref<64x128xf32, #tpu.memory_space<hbm>>
      tpu.enqueue_dma source(%arg12 : memref<64x128xf32, #tpu.memory_space<vmem>>) target(%dma_start3A_802 : memref<64x128xf32, #tpu.memory_space<hbm>>) target_semaphore(%arg18 : memref<!tpu.dma_semaphore, #tpu.memory_space<semaphore_mem>>)
      %add3A_803 = arith.constant 3 : i32
      %add3A_804 = arith.addi %add3A_722, %add3A_803 : i32
      %lt3A_805 = arith.constant 200 : i32
      %lt3A_806 = arith.cmpi slt, %add3A_804, %lt3A_805 : i32
      %convert_element_type3A_807 = arith.extui %lt3A_806 : i1 to i32
      %cond3A_808 = arith.constant 0 : i32
      %cond3A_809 = arith.cmpi ne, %convert_element_type3A_807, %cond3A_808 : i32
      scf.if %cond3A_809 {
        %add3A_901 = arith.constant 3 : i32
        %add3A_902 = arith.addi %add3A_722, %add3A_901 : i32
        %get3A_903 = arith.index_cast %add3A_902 : i32 to index
        %get3A_904 = arith.constant 0 : index
        %get3A_905 = tpu.vector_load %arg5[%get3A_903, %get3A_904] {strides = array<i32>} : memref<200x128xi32, #tpu.memory_space<vmem>>, vector<16xi32>,
        %shift_right_logical3A_906 = arith.constant 1 : i32
        %shift_right_logical3A_907 = vector.broadcast %shift_right_logical3A_906 : i32 to vector<16xi32>
        %shift_right_logical3A_908 = arith.shrui %get3A_905, %shift_right_logical3A_907 : vector<16xi32>
        %swap3A_909 = arith.constant 1 : i32
        %swap3A_910 = arith.index_cast %swap3A_909 : i32 to index
        %swap3A_911 = arith.constant 0 : index
        %swap3A_912 = tpu.vector_load %arg6[%swap3A_910, %swap3A_911] {strides = array<i32>} : memref<4x128xi32, #tpu.memory_space<vmem>>, vector<16xi32>,
        tpu.vector_store %arg6[%swap3A_910, %swap3A_911], %shift_right_logical3A_908 {strides = array<i32>} : memref<4x128xi32, #tpu.memory_space<vmem>>, vector<16xi32>,
        %and3A_913 = arith.constant 1 : i32
        %and3A_914 = vector.broadcast %and3A_913 : i32 to vector<16xi32>
        %and3A_915 = arith.andi %get3A_905, %and3A_914 : vector<16xi32>
        %shift_left3A_916 = arith.constant 6 : i32
        %shift_left3A_917 = vector.broadcast %shift_left3A_916 : i32 to vector<16xi32>
        %shift_left3A_918 = arith.shli %and3A_915, %shift_left3A_917 : vector<16xi32>
        %swap3A_919 = arith.constant 1 : i32
        %swap3A_920 = arith.index_cast %swap3A_919 : i32 to index
        %swap3A_921 = arith.constant 0 : index
        %swap3A_922 = tpu.vector_load %arg7[%swap3A_920, %swap3A_921] {strides = array<i32>} : memref<4x128xi32, #tpu.memory_space<vmem>>, vector<16xi32>,
        tpu.vector_store %arg7[%swap3A_920, %swap3A_921], %shift_left3A_918 {strides = array<i32>} : memref<4x128xi32, #tpu.memory_space<vmem>>, vector<16xi32>,
        %get3A_923 = arith.index_cast %add3A_902 : i32 to index
        %get3A_924 = arith.constant 16 : index
        %get3A_925 = tpu.vector_load %arg5[%get3A_923, %get3A_924] {strides = array<i32>} : memref<200x128xi32, #tpu.memory_space<vmem>>, vector<16xi32>,
        %shift_right_logical3A_926 = arith.constant 1 : i32
        %shift_right_logical3A_927 = vector.broadcast %shift_right_logical3A_926 : i32 to vector<16xi32>
        %shift_right_logical3A_928 = arith.shrui %get3A_925, %shift_right_logical3A_927 : vector<16xi32>
        %swap3A_929 = arith.constant 1 : i32
        %swap3A_930 = arith.index_cast %swap3A_929 : i32 to index
        %swap3A_931 = arith.constant 16 : index
        %swap3A_932 = tpu.vector_load %arg6[%swap3A_930, %swap3A_931] {strides = array<i32>} : memref<4x128xi32, #tpu.memory_space<vmem>>, vector<16xi32>,
        tpu.vector_store %arg6[%swap3A_930, %swap3A_931], %shift_right_logical3A_928 {strides = array<i32>} : memref<4x128xi32, #tpu.memory_space<vmem>>, vector<16xi32>,
        %and3A_933 = arith.constant 1 : i32
        %and3A_934 = vector.broadcast %and3A_933 : i32 to vector<16xi32>
        %and3A_935 = arith.andi %get3A_925, %and3A_934 : vector<16xi32>
        %shift_left3A_936 = arith.constant 6 : i32
        %shift_left3A_937 = vector.broadcast %shift_left3A_936 : i32 to vector<16xi32>
        %shift_left3A_938 = arith.shli %and3A_935, %shift_left3A_937 : vector<16xi32>
        %swap3A_939 = arith.constant 1 : i32
        %swap3A_940 = arith.index_cast %swap3A_939 : i32 to index
        %swap3A_941 = arith.constant 16 : index
        %swap3A_942 = tpu.vector_load %arg7[%swap3A_940, %swap3A_941] {strides = array<i32>} : memref<4x128xi32, #tpu.memory_space<vmem>>, vector<16xi32>,
        tpu.vector_store %arg7[%swap3A_940, %swap3A_941], %shift_left3A_938 {strides = array<i32>} : memref<4x128xi32, #tpu.memory_space<vmem>>, vector<16xi32>,
        %get3A_943 = arith.index_cast %add3A_902 : i32 to index
        %get3A_944 = arith.constant 32 : index
        %get3A_945 = tpu.vector_load %arg5[%get3A_943, %get3A_944] {strides = array<i32>} : memref<200x128xi32, #tpu.memory_space<vmem>>, vector<16xi32>,
        %shift_right_logical3A_946 = arith.constant 1 : i32
        %shift_right_logical3A_947 = vector.broadcast %shift_right_logical3A_946 : i32 to vector<16xi32>
        %shift_right_logical3A_948 = arith.shrui %get3A_945, %shift_right_logical3A_947 : vector<16xi32>
        %swap3A_949 = arith.constant 1 : i32
        %swap3A_950 = arith.index_cast %swap3A_949 : i32 to index
        %swap3A_951 = arith.constant 32 : index
        %swap3A_952 = tpu.vector_load %arg6[%swap3A_950, %swap3A_951] {strides = array<i32>} : memref<4x128xi32, #tpu.memory_space<vmem>>, vector<16xi32>,
        tpu.vector_store %arg6[%swap3A_950, %swap3A_951], %shift_right_logical3A_948 {strides = array<i32>} : memref<4x128xi32, #tpu.memory_space<vmem>>, vector<16xi32>,
        %and3A_953 = arith.constant 1 : i32
        %and3A_954 = vector.broadcast %and3A_953 : i32 to vector<16xi32>
        %and3A_955 = arith.andi %get3A_945, %and3A_954 : vector<16xi32>
        %shift_left3A_956 = arith.constant 6 : i32
        %shift_left3A_957 = vector.broadcast %shift_left3A_956 : i32 to vector<16xi32>
        %shift_left3A_958 = arith.shli %and3A_955, %shift_left3A_957 : vector<16xi32>
        %swap3A_959 = arith.constant 1 : i32
        %swap3A_960 = arith.index_cast %swap3A_959 : i32 to index
        %swap3A_961 = arith.constant 32 : index
        %swap3A_962 = tpu.vector_load %arg7[%swap3A_960, %swap3A_961] {strides = array<i32>} : memref<4x128xi32, #tpu.memory_space<vmem>>, vector<16xi32>,
        tpu.vector_store %arg7[%swap3A_960, %swap3A_961], %shift_left3A_958 {strides = array<i32>} : memref<4x128xi32, #tpu.memory_space<vmem>>, vector<16xi32>,
        %get3A_963 = arith.index_cast %add3A_902 : i32 to index
        %get3A_964 = arith.constant 48 : index
        %get3A_965 = tpu.vector_load %arg5[%get3A_963, %get3A_964] {strides = array<i32>} : memref<200x128xi32, #tpu.memory_space<vmem>>, vector<16xi32>,
        %shift_right_logical3A_966 = arith.constant 1 : i32
        %shift_right_logical3A_967 = vector.broadcast %shift_right_logical3A_966 : i32 to vector<16xi32>
        %shift_right_logical3A_968 = arith.shrui %get3A_965, %shift_right_logical3A_967 : vector<16xi32>
        %swap3A_969 = arith.constant 1 : i32
        %swap3A_970 = arith.index_cast %swap3A_969 : i32 to index
        %swap3A_971 = arith.constant 48 : index
        %swap3A_972 = tpu.vector_load %arg6[%swap3A_970, %swap3A_971] {strides = array<i32>} : memref<4x128xi32, #tpu.memory_space<vmem>>, vector<16xi32>,
        tpu.vector_store %arg6[%swap3A_970, %swap3A_971], %shift_right_logical3A_968 {strides = array<i32>} : memref<4x128xi32, #tpu.memory_space<vmem>>, vector<16xi32>,
        %and3A_973 = arith.constant 1 : i32
        %and3A_974 = vector.broadcast %and3A_973 : i32 to vector<16xi32>
        %and3A_975 = arith.andi %get3A_965, %and3A_974 : vector<16xi32>
        %shift_left3A_976 = arith.constant 6 : i32
        %shift_left3A_977 = vector.broadcast %shift_left3A_976 : i32 to vector<16xi32>
        %shift_left3A_978 = arith.shli %and3A_975, %shift_left3A_977 : vector<16xi32>
        %swap3A_979 = arith.constant 1 : i32
        %swap3A_980 = arith.index_cast %swap3A_979 : i32 to index
        %swap3A_981 = arith.constant 48 : index
        %swap3A_982 = tpu.vector_load %arg7[%swap3A_980, %swap3A_981] {strides = array<i32>} : memref<4x128xi32, #tpu.memory_space<vmem>>, vector<16xi32>,
        tpu.vector_store %arg7[%swap3A_980, %swap3A_981], %shift_left3A_978 {strides = array<i32>} : memref<4x128xi32, #tpu.memory_space<vmem>>, vector<16xi32>,
        %get3A_983 = arith.index_cast %add3A_902 : i32 to index
        %get3A_984 = arith.constant 64 : index
        %get3A_985 = tpu.vector_load %arg5[%get3A_983, %get3A_984] {strides = array<i32>} : memref<200x128xi32, #tpu.memory_space<vmem>>, vector<16xi32>,
        %shift_right_logical3A_986 = arith.constant 1 : i32
        %shift_right_logical3A_987 = vector.broadcast %shift_right_logical3A_986 : i32 to vector<16xi32>
        %shift_right_logical3A_988 = arith.shrui %get3A_985, %shift_right_logical3A_987 : vector<16xi32>
        %swap3A_989 = arith.constant 1 : i32
        %swap3A_990 = arith.index_cast %swap3A_989 : i32 to index
        %swap3A_991 = arith.constant 64 : index
        %swap3A_992 = tpu.vector_load %arg6[%swap3A_990, %swap3A_991] {strides = array<i32>} : memref<4x128xi32, #tpu.memory_space<vmem>>, vector<16xi32>,
        tpu.vector_store %arg6[%swap3A_990, %swap3A_991], %shift_right_logical3A_988 {strides = array<i32>} : memref<4x128xi32, #tpu.memory_space<vmem>>, vector<16xi32>,
        %and3A_993 = arith.constant 1 : i32
        %and3A_994 = vector.broadcast %and3A_993 : i32 to vector<16xi32>
        %and3A_995 = arith.andi %get3A_985, %and3A_994 : vector<16xi32>
        %shift_left3A_996 = arith.constant 6 : i32
        %shift_left3A_997 = vector.broadcast %shift_left3A_996 : i32 to vector<16xi32>
        %shift_left3A_998 = arith.shli %and3A_995, %shift_left3A_997 : vector<16xi32>
        %swap3A_999 = arith.constant 1 : i32
        %swap3A_1000 = arith.index_cast %swap3A_999 : i32 to index
        %swap3A_1001 = arith.constant 64 : index
        %swap3A_1002 = tpu.vector_load %arg7[%swap3A_1000, %swap3A_1001] {strides = array<i32>} : memref<4x128xi32, #tpu.memory_space<vmem>>, vector<16xi32>,
        tpu.vector_store %arg7[%swap3A_1000, %swap3A_1001], %shift_left3A_998 {strides = array<i32>} : memref<4x128xi32, #tpu.memory_space<vmem>>, vector<16xi32>,
        %get3A_1003 = arith.index_cast %add3A_902 : i32 to index
        %get3A_1004 = arith.constant 80 : index
        %get3A_1005 = tpu.vector_load %arg5[%get3A_1003, %get3A_1004] {strides = array<i32>} : memref<200x128xi32, #tpu.memory_space<vmem>>, vector<16xi32>,
        %shift_right_logical3A_1006 = arith.constant 1 : i32
        %shift_right_logical3A_1007 = vector.broadcast %shift_right_logical3A_1006 : i32 to vector<16xi32>
        %shift_right_logical3A_1008 = arith.shrui %get3A_1005, %shift_right_logical3A_1007 : vector<16xi32>
        %swap3A_1009 = arith.constant 1 : i32
        %swap3A_1010 = arith.index_cast %swap3A_1009 : i32 to index
        %swap3A_1011 = arith.constant 80 : index
        %swap3A_1012 = tpu.vector_load %arg6[%swap3A_1010, %swap3A_1011] {strides = array<i32>} : memref<4x128xi32, #tpu.memory_space<vmem>>, vector<16xi32>,
        tpu.vector_store %arg6[%swap3A_1010, %swap3A_1011], %shift_right_logical3A_1008 {strides = array<i32>} : memref<4x128xi32, #tpu.memory_space<vmem>>, vector<16xi32>,
        %and3A_1013 = arith.constant 1 : i32
        %and3A_1014 = vector.broadcast %and3A_1013 : i32 to vector<16xi32>
        %and3A_1015 = arith.andi %get3A_1005, %and3A_1014 : vector<16xi32>
        %shift_left3A_1016 = arith.constant 6 : i32
        %shift_left3A_1017 = vector.broadcast %shift_left3A_1016 : i32 to vector<16xi32>
        %shift_left3A_1018 = arith.shli %and3A_1015, %shift_left3A_1017 : vector<16xi32>
        %swap3A_1019 = arith.constant 1 : i32
        %swap3A_1020 = arith.index_cast %swap3A_1019 : i32 to index
        %swap3A_1021 = arith.constant 80 : index
        %swap3A_1022 = tpu.vector_load %arg7[%swap3A_1020, %swap3A_1021] {strides = array<i32>} : memref<4x128xi32, #tpu.memory_space<vmem>>, vector<16xi32>,
        tpu.vector_store %arg7[%swap3A_1020, %swap3A_1021], %shift_left3A_1018 {strides = array<i32>} : memref<4x128xi32, #tpu.memory_space<vmem>>, vector<16xi32>,
        %get3A_1023 = arith.index_cast %add3A_902 : i32 to index
        %get3A_1024 = arith.constant 96 : index
        %get3A_1025 = tpu.vector_load %arg5[%get3A_1023, %get3A_1024] {strides = array<i32>} : memref<200x128xi32, #tpu.memory_space<vmem>>, vector<16xi32>,
        %shift_right_logical3A_1026 = arith.constant 1 : i32
        %shift_right_logical3A_1027 = vector.broadcast %shift_right_logical3A_1026 : i32 to vector<16xi32>
        %shift_right_logical3A_1028 = arith.shrui %get3A_1025, %shift_right_logical3A_1027 : vector<16xi32>
        %swap3A_1029 = arith.constant 1 : i32
        %swap3A_1030 = arith.index_cast %swap3A_1029 : i32 to index
        %swap3A_1031 = arith.constant 96 : index
        %swap3A_1032 = tpu.vector_load %arg6[%swap3A_1030, %swap3A_1031] {strides = array<i32>} : memref<4x128xi32, #tpu.memory_space<vmem>>, vector<16xi32>,
        tpu.vector_store %arg6[%swap3A_1030, %swap3A_1031], %shift_right_logical3A_1028 {strides = array<i32>} : memref<4x128xi32, #tpu.memory_space<vmem>>, vector<16xi32>,
        %and3A_1033 = arith.constant 1 : i32
        %and3A_1034 = vector.broadcast %and3A_1033 : i32 to vector<16xi32>
        %and3A_1035 = arith.andi %get3A_1025, %and3A_1034 : vector<16xi32>
        %shift_left3A_1036 = arith.constant 6 : i32
        %shift_left3A_1037 = vector.broadcast %shift_left3A_1036 : i32 to vector<16xi32>
        %shift_left3A_1038 = arith.shli %and3A_1035, %shift_left3A_1037 : vector<16xi32>
        %swap3A_1039 = arith.constant 1 : i32
        %swap3A_1040 = arith.index_cast %swap3A_1039 : i32 to index
        %swap3A_1041 = arith.constant 96 : index
        %swap3A_1042 = tpu.vector_load %arg7[%swap3A_1040, %swap3A_1041] {strides = array<i32>} : memref<4x128xi32, #tpu.memory_space<vmem>>, vector<16xi32>,
        tpu.vector_store %arg7[%swap3A_1040, %swap3A_1041], %shift_left3A_1038 {strides = array<i32>} : memref<4x128xi32, #tpu.memory_space<vmem>>, vector<16xi32>,
        %get3A_1043 = arith.index_cast %add3A_902 : i32 to index
        %get3A_1044 = arith.constant 112 : index
        %get3A_1045 = tpu.vector_load %arg5[%get3A_1043, %get3A_1044] {strides = array<i32>} : memref<200x128xi32, #tpu.memory_space<vmem>>, vector<16xi32>,
        %shift_right_logical3A_1046 = arith.constant 1 : i32
        %shift_right_logical3A_1047 = vector.broadcast %shift_right_logical3A_1046 : i32 to vector<16xi32>
        %shift_right_logical3A_1048 = arith.shrui %get3A_1045, %shift_right_logical3A_1047 : vector<16xi32>
        %swap3A_1049 = arith.constant 1 : i32
        %swap3A_1050 = arith.index_cast %swap3A_1049 : i32 to index
        %swap3A_1051 = arith.constant 112 : index
        %swap3A_1052 = tpu.vector_load %arg6[%swap3A_1050, %swap3A_1051] {strides = array<i32>} : memref<4x128xi32, #tpu.memory_space<vmem>>, vector<16xi32>,
        tpu.vector_store %arg6[%swap3A_1050, %swap3A_1051], %shift_right_logical3A_1048 {strides = array<i32>} : memref<4x128xi32, #tpu.memory_space<vmem>>, vector<16xi32>,
        %and3A_1053 = arith.constant 1 : i32
        %and3A_1054 = vector.broadcast %and3A_1053 : i32 to vector<16xi32>
        %and3A_1055 = arith.andi %get3A_1045, %and3A_1054 : vector<16xi32>
        %shift_left3A_1056 = arith.constant 6 : i32
        %shift_left3A_1057 = vector.broadcast %shift_left3A_1056 : i32 to vector<16xi32>
        %shift_left3A_1058 = arith.shli %and3A_1055, %shift_left3A_1057 : vector<16xi32>
        %swap3A_1059 = arith.constant 1 : i32
        %swap3A_1060 = arith.index_cast %swap3A_1059 : i32 to index
        %swap3A_1061 = arith.constant 112 : index
        %swap3A_1062 = tpu.vector_load %arg7[%swap3A_1060, %swap3A_1061] {strides = array<i32>} : memref<4x128xi32, #tpu.memory_space<vmem>>, vector<16xi32>,
        tpu.vector_store %arg7[%swap3A_1060, %swap3A_1061], %shift_left3A_1058 {strides = array<i32>} : memref<4x128xi32, #tpu.memory_space<vmem>>, vector<16xi32>,
        %dma_start3A_1063 = arith.constant 1 : i32
        %dma_start3A_1064 = arith.constant 0 : i32
        %dma_start3A_1065 = tpu.memref_slice %arg6[%dma_start3A_1063, %dma_start3A_1064] : memref<4x128xi32, #tpu.memory_space<vmem>> -> memref<1x128xi32, #tpu.memory_space<vmem>>
        %dma_start3A_1066 = tpu.memref_squeeze %dma_start3A_1065 : memref<1x128xi32, #tpu.memory_space<vmem>> -> memref<128xi32, #tpu.memory_space<vmem>>
        %dma_start3A_1067 = arith.constant 0 : i32
        %dma_start3A_1068 = arith.constant 0 : i32
        %dma_start3A_1069 = tpu.memref_slice %arg3[%dma_start3A_1067, %dma_start3A_1068] : memref<500000x128xf32, #tpu.memory_space<hbm>> -> memref<500000x128xf32, #tpu.memory_space<hbm>>
        tpu.enqueue_indirect_dma source(%dma_start3A_1069 : memref<500000x128xf32, #tpu.memory_space<hbm>>) target(%arg9 : memref<128x128xf32, #tpu.memory_space<vmem>>) offsets(%dma_start3A_1066 : memref<128xi32, #tpu.memory_space<vmem>>) semaphore(%arg15 : memref<!tpu.dma_semaphore, #tpu.memory_space<semaphore_mem>>)
      } else {
      }
      %mul3A_810 = arith.constant 4 : i32
      %mul3A_811 = arith.muli %mul3A_810, %scan3A_540 : i32
      %add3A_812 = arith.constant 3 : i32
      %add3A_813 = arith.addi %mul3A_811, %add3A_812 : i32
      %dma_wait3A_814 = arith.constant 3 : i32
      %dma_wait3A_815 = arith.constant 0 : i32
      %dma_wait3A_816 = tpu.memref_slice %arg6[%dma_wait3A_814, %dma_wait3A_815] : memref<4x128xi32, #tpu.memory_space<vmem>> -> memref<1x128xi32, #tpu.memory_space<vmem>>
      %dma_wait3A_817 = tpu.memref_squeeze %dma_wait3A_816 : memref<1x128xi32, #tpu.memory_space<vmem>> -> memref<128xi32, #tpu.memory_space<vmem>>
      %dma_wait3A_818 = arith.constant 0 : i32
      %dma_wait3A_819 = arith.constant 0 : i32
      %dma_wait3A_820 = tpu.memref_slice %arg3[%dma_wait3A_818, %dma_wait3A_819] : memref<500000x128xf32, #tpu.memory_space<hbm>> -> memref<500000x128xf32, #tpu.memory_space<hbm>>
      tpu.wait_indirect_dma semaphore(%arg17 : memref<!tpu.dma_semaphore, #tpu.memory_space<semaphore_mem>>) src(%dma_wait3A_820 : memref<500000x128xf32, #tpu.memory_space<hbm>>) dst(%arg11 : memref<128x128xf32, #tpu.memory_space<vmem>>)
      %add3A_821 = arith.constant 0 : i32
      %add3A_822 = vector.broadcast %add3A_821 : i32 to vector<16xi32>
      %add3A_823 = arith.addi %iota3A, %add3A_822 : vector<16xi32>
      %get3A_824 = arith.constant 3 : i32
      %get3A_825 = arith.index_cast %get3A_824 : i32 to index
      %get3A_826 = arith.constant 0 : index
      %get3A_827 = tpu.vector_load %arg7[%get3A_825, %get3A_826] {strides = array<i32>} : memref<4x128xi32, #tpu.memory_space<vmem>>, vector<16xi32>,
      %add3A_828 = arith.constant 16 : i32
      %add3A_829 = vector.broadcast %add3A_828 : i32 to vector<16xi32>
      %add3A_830 = arith.addi %iota3A, %add3A_829 : vector<16xi32>
      %get3A_831 = arith.constant 3 : i32
      %get3A_832 = arith.index_cast %get3A_831 : i32 to index
      %get3A_833 = arith.constant 16 : index
      %get3A_834 = tpu.vector_load %arg7[%get3A_832, %get3A_833] {strides = array<i32>} : memref<4x128xi32, #tpu.memory_space<vmem>>, vector<16xi32>,
      %add3A_835 = arith.constant 32 : i32
      %add3A_836 = vector.broadcast %add3A_835 : i32 to vector<16xi32>
      %add3A_837 = arith.addi %iota3A, %add3A_836 : vector<16xi32>
      %get3A_838 = arith.constant 3 : i32
      %get3A_839 = arith.index_cast %get3A_838 : i32 to index
      %get3A_840 = arith.constant 32 : index
      %get3A_841 = tpu.vector_load %arg7[%get3A_839, %get3A_840] {strides = array<i32>} : memref<4x128xi32, #tpu.memory_space<vmem>>, vector<16xi32>,
      %add3A_842 = arith.constant 48 : i32
      %add3A_843 = vector.broadcast %add3A_842 : i32 to vector<16xi32>
      %add3A_844 = arith.addi %iota3A, %add3A_843 : vector<16xi32>
      %get3A_845 = arith.constant 3 : i32
      %get3A_846 = arith.index_cast %get3A_845 : i32 to index
      %get3A_847 = arith.constant 48 : index
      %get3A_848 = tpu.vector_load %arg7[%get3A_846, %get3A_847] {strides = array<i32>} : memref<4x128xi32, #tpu.memory_space<vmem>>, vector<16xi32>,
      %add3A_849 = arith.constant 64 : i32
      %add3A_850 = vector.broadcast %add3A_849 : i32 to vector<16xi32>
      %add3A_851 = arith.addi %iota3A, %add3A_850 : vector<16xi32>
      %get3A_852 = arith.constant 3 : i32
      %get3A_853 = arith.index_cast %get3A_852 : i32 to index
      %get3A_854 = arith.constant 64 : index
      %get3A_855 = tpu.vector_load %arg7[%get3A_853, %get3A_854] {strides = array<i32>} : memref<4x128xi32, #tpu.memory_space<vmem>>, vector<16xi32>,
      %add3A_856 = arith.constant 80 : i32
      %add3A_857 = vector.broadcast %add3A_856 : i32 to vector<16xi32>
      %add3A_858 = arith.addi %iota3A, %add3A_857 : vector<16xi32>
      %get3A_859 = arith.constant 3 : i32
      %get3A_860 = arith.index_cast %get3A_859 : i32 to index
      %get3A_861 = arith.constant 80 : index
      %get3A_862 = tpu.vector_load %arg7[%get3A_860, %get3A_861] {strides = array<i32>} : memref<4x128xi32, #tpu.memory_space<vmem>>, vector<16xi32>,
      %add3A_863 = arith.constant 96 : i32
      %add3A_864 = vector.broadcast %add3A_863 : i32 to vector<16xi32>
      %add3A_865 = arith.addi %iota3A, %add3A_864 : vector<16xi32>
      %get3A_866 = arith.constant 3 : i32
      %get3A_867 = arith.index_cast %get3A_866 : i32 to index
      %get3A_868 = arith.constant 96 : index
      %get3A_869 = tpu.vector_load %arg7[%get3A_867, %get3A_868] {strides = array<i32>} : memref<4x128xi32, #tpu.memory_space<vmem>>, vector<16xi32>,
      %add3A_870 = arith.constant 112 : i32
      %add3A_871 = vector.broadcast %add3A_870 : i32 to vector<16xi32>
      %add3A_872 = arith.addi %iota3A, %add3A_871 : vector<16xi32>
      %get3A_873 = arith.constant 3 : i32
      %get3A_874 = arith.index_cast %get3A_873 : i32 to index
      %get3A_875 = arith.constant 112 : index
      %get3A_876 = tpu.vector_load %arg7[%get3A_874, %get3A_875] {strides = array<i32>} : memref<4x128xi32, #tpu.memory_space<vmem>>, vector<16xi32>,
      %ge3A_877 = arith.constant 2 : i32
      %ge3A_878 = arith.cmpi sge, %add3A_813, %ge3A_877 : i32
      %convert_element_type3A_879 = arith.extui %ge3A_878 : i1 to i32
      %cond3A_880 = arith.constant 0 : i32
      %cond3A_881 = arith.cmpi ne, %convert_element_type3A_879, %cond3A_880 : i32
      scf.if %cond3A_881 {
        %sub3A = arith.constant 2 : i32
        %sub3A_901 = arith.subi %add3A_813, %sub3A : i32
        %dma_wait3A_902 = arith.constant 0 : i32
        %dma_wait3A_903 = tpu.memref_slice %arg4[%sub3A_901, %dma_wait3A_902, %mul3A_2] : memref<200x64x4096xf32, #tpu.memory_space<hbm>> -> memref<1x64x128xf32, #tpu.memory_space<hbm>>
        %dma_wait3A_904 = tpu.memref_squeeze %dma_wait3A_903 : memref<1x64x128xf32, #tpu.memory_space<hbm>> -> memref<64x128xf32, #tpu.memory_space<hbm>>
        %dma_wait3A_905 = arith.constant 0 : i32
        %dma_wait3A_906 = tpu.memref_slice %arg4[%sub3A_901, %dma_wait3A_905, %mul3A_2] : memref<200x64x4096xf32, #tpu.memory_space<hbm>> -> memref<1x64x128xf32, #tpu.memory_space<hbm>>
        %dma_wait3A_907 = tpu.memref_squeeze %dma_wait3A_906 : memref<1x64x128xf32, #tpu.memory_space<hbm>> -> memref<64x128xf32, #tpu.memory_space<hbm>>
        tpu.wait_dma2 semaphore(%arg19 : memref<!tpu.dma_semaphore, #tpu.memory_space<semaphore_mem>>) src(%arg13 : memref<64x128xf32, #tpu.memory_space<vmem>>) dst(%dma_wait3A_907 : memref<64x128xf32, #tpu.memory_space<hbm>>)
      } else {
      }
      %scan3A_882 = arith.constant 0 : i32
      %scan3A_883 = arith.constant 0 : i32
      %scan3A_884 = arith.constant 64 : i32
      %scan3A_885 = arith.addi %scan3A_883, %scan3A_884 : i32
      %scan3A_886 = arith.constant 1 : i32
      scf.for %scan3A_901 = %scan3A_883 to %scan3A_885 step %scan3A_886  : i32 {
        %add3A_902 = vector.broadcast %scan3A_901 : i32 to vector<16xi32>
        %add3A_903 = arith.addi %add3A_902, %iota3A : vector<16xi32>
        %and3A_904 = arith.constant 63 : i32
        %and3A_905 = vector.broadcast %and3A_904 : i32 to vector<16xi32>
        %and3A_906 = arith.andi %add3A_903, %and3A_905 : vector<16xi32>
        %add3A_907 = arith.addi %get3A_827, %and3A_906 : vector<16xi32>
        %gather3A = tpu.vector_load_idx %arg11[%add3A_823, %add3A_907] : memref<128x128xf32, #tpu.memory_space<vmem>>[vector<16xi32>, vector<16xi32>], vector<16xf32>,
        %add3A_908 = arith.addi %get3A_834, %and3A_906 : vector<16xi32>
        %gather3A_909 = tpu.vector_load_idx %arg11[%add3A_830, %add3A_908] : memref<128x128xf32, #tpu.memory_space<vmem>>[vector<16xi32>, vector<16xi32>], vector<16xf32>,
        %add3A_910 = arith.addi %get3A_841, %and3A_906 : vector<16xi32>
        %gather3A_911 = tpu.vector_load_idx %arg11[%add3A_837, %add3A_910] : memref<128x128xf32, #tpu.memory_space<vmem>>[vector<16xi32>, vector<16xi32>], vector<16xf32>,
        %add3A_912 = arith.addi %get3A_848, %and3A_906 : vector<16xi32>
        %gather3A_913 = tpu.vector_load_idx %arg11[%add3A_844, %add3A_912] : memref<128x128xf32, #tpu.memory_space<vmem>>[vector<16xi32>, vector<16xi32>], vector<16xf32>,
        %add3A_914 = arith.addi %get3A_855, %and3A_906 : vector<16xi32>
        %gather3A_915 = tpu.vector_load_idx %arg11[%add3A_851, %add3A_914] : memref<128x128xf32, #tpu.memory_space<vmem>>[vector<16xi32>, vector<16xi32>], vector<16xf32>,
        %add3A_916 = arith.addi %get3A_862, %and3A_906 : vector<16xi32>
        %gather3A_917 = tpu.vector_load_idx %arg11[%add3A_858, %add3A_916] : memref<128x128xf32, #tpu.memory_space<vmem>>[vector<16xi32>, vector<16xi32>], vector<16xf32>,
        %add3A_918 = arith.addi %get3A_869, %and3A_906 : vector<16xi32>
        %gather3A_919 = tpu.vector_load_idx %arg11[%add3A_865, %add3A_918] : memref<128x128xf32, #tpu.memory_space<vmem>>[vector<16xi32>, vector<16xi32>], vector<16xf32>,
        %add3A_920 = arith.addi %get3A_876, %and3A_906 : vector<16xi32>
        %gather3A_921 = tpu.vector_load_idx %arg11[%add3A_872, %add3A_920] : memref<128x128xf32, #tpu.memory_space<vmem>>[vector<16xi32>, vector<16xi32>], vector<16xf32>,
        tpu.vector_store_idx %arg13[%and3A_906, %add3A_823], %gather3A : memref<64x128xf32, #tpu.memory_space<vmem>>[vector<16xi32>, vector<16xi32>], vector<16xf32>,
        tpu.vector_store_idx %arg13[%and3A_906, %add3A_830], %gather3A_909 : memref<64x128xf32, #tpu.memory_space<vmem>>[vector<16xi32>, vector<16xi32>], vector<16xf32>,
        tpu.vector_store_idx %arg13[%and3A_906, %add3A_837], %gather3A_911 : memref<64x128xf32, #tpu.memory_space<vmem>>[vector<16xi32>, vector<16xi32>], vector<16xf32>,
        tpu.vector_store_idx %arg13[%and3A_906, %add3A_844], %gather3A_913 : memref<64x128xf32, #tpu.memory_space<vmem>>[vector<16xi32>, vector<16xi32>], vector<16xf32>,
        tpu.vector_store_idx %arg13[%and3A_906, %add3A_851], %gather3A_915 : memref<64x128xf32, #tpu.memory_space<vmem>>[vector<16xi32>, vector<16xi32>], vector<16xf32>,
        tpu.vector_store_idx %arg13[%and3A_906, %add3A_858], %gather3A_917 : memref<64x128xf32, #tpu.memory_space<vmem>>[vector<16xi32>, vector<16xi32>], vector<16xf32>,
        tpu.vector_store_idx %arg13[%and3A_906, %add3A_865], %gather3A_919 : memref<64x128xf32, #tpu.memory_space<vmem>>[vector<16xi32>, vector<16xi32>], vector<16xf32>,
        tpu.vector_store_idx %arg13[%and3A_906, %add3A_872], %gather3A_921 : memref<64x128xf32, #tpu.memory_space<vmem>>[vector<16xi32>, vector<16xi32>], vector<16xf32>,
      }
      %scan3A_887 = arith.constant 64 : i32
      %dma_start3A_888 = arith.constant 0 : i32
      %dma_start3A_889 = tpu.memref_slice %arg4[%add3A_813, %dma_start3A_888, %mul3A_2] : memref<200x64x4096xf32, #tpu.memory_space<hbm>> -> memref<1x64x128xf32, #tpu.memory_space<hbm>>
      %dma_start3A_890 = tpu.memref_squeeze %dma_start3A_889 : memref<1x64x128xf32, #tpu.memory_space<hbm>> -> memref<64x128xf32, #tpu.memory_space<hbm>>
      %dma_start3A_891 = arith.constant 0 : i32
      %dma_start3A_892 = tpu.memref_slice %arg4[%add3A_813, %dma_start3A_891, %mul3A_2] : memref<200x64x4096xf32, #tpu.memory_space<hbm>> -> memref<1x64x128xf32, #tpu.memory_space<hbm>>
      %dma_start3A_893 = tpu.memref_squeeze %dma_start3A_892 : memref<1x64x128xf32, #tpu.memory_space<hbm>> -> memref<64x128xf32, #tpu.memory_space<hbm>>
      tpu.enqueue_dma source(%arg13 : memref<64x128xf32, #tpu.memory_space<vmem>>) target(%dma_start3A_893 : memref<64x128xf32, #tpu.memory_space<hbm>>) target_semaphore(%arg19 : memref<!tpu.dma_semaphore, #tpu.memory_space<semaphore_mem>>)
      %add3A_894 = arith.constant 3 : i32
      %add3A_895 = arith.addi %add3A_813, %add3A_894 : i32
      %lt3A_896 = arith.constant 200 : i32
      %lt3A_897 = arith.cmpi slt, %add3A_895, %lt3A_896 : i32
      %convert_element_type3A_898 = arith.extui %lt3A_897 : i1 to i32
      %cond3A_899 = arith.constant 0 : i32
      %cond3A_900 = arith.cmpi ne, %convert_element_type3A_898, %cond3A_899 : i32
      scf.if %cond3A_900 {
        %add3A_901 = arith.constant 3 : i32
        %add3A_902 = arith.addi %add3A_813, %add3A_901 : i32
        %get3A_903 = arith.index_cast %add3A_902 : i32 to index
        %get3A_904 = arith.constant 0 : index
        %get3A_905 = tpu.vector_load %arg5[%get3A_903, %get3A_904] {strides = array<i32>} : memref<200x128xi32, #tpu.memory_space<vmem>>, vector<16xi32>,
        %shift_right_logical3A_906 = arith.constant 1 : i32
        %shift_right_logical3A_907 = vector.broadcast %shift_right_logical3A_906 : i32 to vector<16xi32>
        %shift_right_logical3A_908 = arith.shrui %get3A_905, %shift_right_logical3A_907 : vector<16xi32>
        %swap3A_909 = arith.constant 2 : i32
        %swap3A_910 = arith.index_cast %swap3A_909 : i32 to index
        %swap3A_911 = arith.constant 0 : index
        %swap3A_912 = tpu.vector_load %arg6[%swap3A_910, %swap3A_911] {strides = array<i32>} : memref<4x128xi32, #tpu.memory_space<vmem>>, vector<16xi32>,
        tpu.vector_store %arg6[%swap3A_910, %swap3A_911], %shift_right_logical3A_908 {strides = array<i32>} : memref<4x128xi32, #tpu.memory_space<vmem>>, vector<16xi32>,
        %and3A_913 = arith.constant 1 : i32
        %and3A_914 = vector.broadcast %and3A_913 : i32 to vector<16xi32>
        %and3A_915 = arith.andi %get3A_905, %and3A_914 : vector<16xi32>
        %shift_left3A_916 = arith.constant 6 : i32
        %shift_left3A_917 = vector.broadcast %shift_left3A_916 : i32 to vector<16xi32>
        %shift_left3A_918 = arith.shli %and3A_915, %shift_left3A_917 : vector<16xi32>
        %swap3A_919 = arith.constant 2 : i32
        %swap3A_920 = arith.index_cast %swap3A_919 : i32 to index
        %swap3A_921 = arith.constant 0 : index
        %swap3A_922 = tpu.vector_load %arg7[%swap3A_920, %swap3A_921] {strides = array<i32>} : memref<4x128xi32, #tpu.memory_space<vmem>>, vector<16xi32>,
        tpu.vector_store %arg7[%swap3A_920, %swap3A_921], %shift_left3A_918 {strides = array<i32>} : memref<4x128xi32, #tpu.memory_space<vmem>>, vector<16xi32>,
        %get3A_923 = arith.index_cast %add3A_902 : i32 to index
        %get3A_924 = arith.constant 16 : index
        %get3A_925 = tpu.vector_load %arg5[%get3A_923, %get3A_924] {strides = array<i32>} : memref<200x128xi32, #tpu.memory_space<vmem>>, vector<16xi32>,
        %shift_right_logical3A_926 = arith.constant 1 : i32
        %shift_right_logical3A_927 = vector.broadcast %shift_right_logical3A_926 : i32 to vector<16xi32>
        %shift_right_logical3A_928 = arith.shrui %get3A_925, %shift_right_logical3A_927 : vector<16xi32>
        %swap3A_929 = arith.constant 2 : i32
        %swap3A_930 = arith.index_cast %swap3A_929 : i32 to index
        %swap3A_931 = arith.constant 16 : index
        %swap3A_932 = tpu.vector_load %arg6[%swap3A_930, %swap3A_931] {strides = array<i32>} : memref<4x128xi32, #tpu.memory_space<vmem>>, vector<16xi32>,
        tpu.vector_store %arg6[%swap3A_930, %swap3A_931], %shift_right_logical3A_928 {strides = array<i32>} : memref<4x128xi32, #tpu.memory_space<vmem>>, vector<16xi32>,
        %and3A_933 = arith.constant 1 : i32
        %and3A_934 = vector.broadcast %and3A_933 : i32 to vector<16xi32>
        %and3A_935 = arith.andi %get3A_925, %and3A_934 : vector<16xi32>
        %shift_left3A_936 = arith.constant 6 : i32
        %shift_left3A_937 = vector.broadcast %shift_left3A_936 : i32 to vector<16xi32>
        %shift_left3A_938 = arith.shli %and3A_935, %shift_left3A_937 : vector<16xi32>
        %swap3A_939 = arith.constant 2 : i32
        %swap3A_940 = arith.index_cast %swap3A_939 : i32 to index
        %swap3A_941 = arith.constant 16 : index
        %swap3A_942 = tpu.vector_load %arg7[%swap3A_940, %swap3A_941] {strides = array<i32>} : memref<4x128xi32, #tpu.memory_space<vmem>>, vector<16xi32>,
        tpu.vector_store %arg7[%swap3A_940, %swap3A_941], %shift_left3A_938 {strides = array<i32>} : memref<4x128xi32, #tpu.memory_space<vmem>>, vector<16xi32>,
        %get3A_943 = arith.index_cast %add3A_902 : i32 to index
        %get3A_944 = arith.constant 32 : index
        %get3A_945 = tpu.vector_load %arg5[%get3A_943, %get3A_944] {strides = array<i32>} : memref<200x128xi32, #tpu.memory_space<vmem>>, vector<16xi32>,
        %shift_right_logical3A_946 = arith.constant 1 : i32
        %shift_right_logical3A_947 = vector.broadcast %shift_right_logical3A_946 : i32 to vector<16xi32>
        %shift_right_logical3A_948 = arith.shrui %get3A_945, %shift_right_logical3A_947 : vector<16xi32>
        %swap3A_949 = arith.constant 2 : i32
        %swap3A_950 = arith.index_cast %swap3A_949 : i32 to index
        %swap3A_951 = arith.constant 32 : index
        %swap3A_952 = tpu.vector_load %arg6[%swap3A_950, %swap3A_951] {strides = array<i32>} : memref<4x128xi32, #tpu.memory_space<vmem>>, vector<16xi32>,
        tpu.vector_store %arg6[%swap3A_950, %swap3A_951], %shift_right_logical3A_948 {strides = array<i32>} : memref<4x128xi32, #tpu.memory_space<vmem>>, vector<16xi32>,
        %and3A_953 = arith.constant 1 : i32
        %and3A_954 = vector.broadcast %and3A_953 : i32 to vector<16xi32>
        %and3A_955 = arith.andi %get3A_945, %and3A_954 : vector<16xi32>
        %shift_left3A_956 = arith.constant 6 : i32
        %shift_left3A_957 = vector.broadcast %shift_left3A_956 : i32 to vector<16xi32>
        %shift_left3A_958 = arith.shli %and3A_955, %shift_left3A_957 : vector<16xi32>
        %swap3A_959 = arith.constant 2 : i32
        %swap3A_960 = arith.index_cast %swap3A_959 : i32 to index
        %swap3A_961 = arith.constant 32 : index
        %swap3A_962 = tpu.vector_load %arg7[%swap3A_960, %swap3A_961] {strides = array<i32>} : memref<4x128xi32, #tpu.memory_space<vmem>>, vector<16xi32>,
        tpu.vector_store %arg7[%swap3A_960, %swap3A_961], %shift_left3A_958 {strides = array<i32>} : memref<4x128xi32, #tpu.memory_space<vmem>>, vector<16xi32>,
        %get3A_963 = arith.index_cast %add3A_902 : i32 to index
        %get3A_964 = arith.constant 48 : index
        %get3A_965 = tpu.vector_load %arg5[%get3A_963, %get3A_964] {strides = array<i32>} : memref<200x128xi32, #tpu.memory_space<vmem>>, vector<16xi32>,
        %shift_right_logical3A_966 = arith.constant 1 : i32
        %shift_right_logical3A_967 = vector.broadcast %shift_right_logical3A_966 : i32 to vector<16xi32>
        %shift_right_logical3A_968 = arith.shrui %get3A_965, %shift_right_logical3A_967 : vector<16xi32>
        %swap3A_969 = arith.constant 2 : i32
        %swap3A_970 = arith.index_cast %swap3A_969 : i32 to index
        %swap3A_971 = arith.constant 48 : index
        %swap3A_972 = tpu.vector_load %arg6[%swap3A_970, %swap3A_971] {strides = array<i32>} : memref<4x128xi32, #tpu.memory_space<vmem>>, vector<16xi32>,
        tpu.vector_store %arg6[%swap3A_970, %swap3A_971], %shift_right_logical3A_968 {strides = array<i32>} : memref<4x128xi32, #tpu.memory_space<vmem>>, vector<16xi32>,
        %and3A_973 = arith.constant 1 : i32
        %and3A_974 = vector.broadcast %and3A_973 : i32 to vector<16xi32>
        %and3A_975 = arith.andi %get3A_965, %and3A_974 : vector<16xi32>
        %shift_left3A_976 = arith.constant 6 : i32
        %shift_left3A_977 = vector.broadcast %shift_left3A_976 : i32 to vector<16xi32>
        %shift_left3A_978 = arith.shli %and3A_975, %shift_left3A_977 : vector<16xi32>
        %swap3A_979 = arith.constant 2 : i32
        %swap3A_980 = arith.index_cast %swap3A_979 : i32 to index
        %swap3A_981 = arith.constant 48 : index
        %swap3A_982 = tpu.vector_load %arg7[%swap3A_980, %swap3A_981] {strides = array<i32>} : memref<4x128xi32, #tpu.memory_space<vmem>>, vector<16xi32>,
        tpu.vector_store %arg7[%swap3A_980, %swap3A_981], %shift_left3A_978 {strides = array<i32>} : memref<4x128xi32, #tpu.memory_space<vmem>>, vector<16xi32>,
        %get3A_983 = arith.index_cast %add3A_902 : i32 to index
        %get3A_984 = arith.constant 64 : index
        %get3A_985 = tpu.vector_load %arg5[%get3A_983, %get3A_984] {strides = array<i32>} : memref<200x128xi32, #tpu.memory_space<vmem>>, vector<16xi32>,
        %shift_right_logical3A_986 = arith.constant 1 : i32
        %shift_right_logical3A_987 = vector.broadcast %shift_right_logical3A_986 : i32 to vector<16xi32>
        %shift_right_logical3A_988 = arith.shrui %get3A_985, %shift_right_logical3A_987 : vector<16xi32>
        %swap3A_989 = arith.constant 2 : i32
        %swap3A_990 = arith.index_cast %swap3A_989 : i32 to index
        %swap3A_991 = arith.constant 64 : index
        %swap3A_992 = tpu.vector_load %arg6[%swap3A_990, %swap3A_991] {strides = array<i32>} : memref<4x128xi32, #tpu.memory_space<vmem>>, vector<16xi32>,
        tpu.vector_store %arg6[%swap3A_990, %swap3A_991], %shift_right_logical3A_988 {strides = array<i32>} : memref<4x128xi32, #tpu.memory_space<vmem>>, vector<16xi32>,
        %and3A_993 = arith.constant 1 : i32
        %and3A_994 = vector.broadcast %and3A_993 : i32 to vector<16xi32>
        %and3A_995 = arith.andi %get3A_985, %and3A_994 : vector<16xi32>
        %shift_left3A_996 = arith.constant 6 : i32
        %shift_left3A_997 = vector.broadcast %shift_left3A_996 : i32 to vector<16xi32>
        %shift_left3A_998 = arith.shli %and3A_995, %shift_left3A_997 : vector<16xi32>
        %swap3A_999 = arith.constant 2 : i32
        %swap3A_1000 = arith.index_cast %swap3A_999 : i32 to index
        %swap3A_1001 = arith.constant 64 : index
        %swap3A_1002 = tpu.vector_load %arg7[%swap3A_1000, %swap3A_1001] {strides = array<i32>} : memref<4x128xi32, #tpu.memory_space<vmem>>, vector<16xi32>,
        tpu.vector_store %arg7[%swap3A_1000, %swap3A_1001], %shift_left3A_998 {strides = array<i32>} : memref<4x128xi32, #tpu.memory_space<vmem>>, vector<16xi32>,
        %get3A_1003 = arith.index_cast %add3A_902 : i32 to index
        %get3A_1004 = arith.constant 80 : index
        %get3A_1005 = tpu.vector_load %arg5[%get3A_1003, %get3A_1004] {strides = array<i32>} : memref<200x128xi32, #tpu.memory_space<vmem>>, vector<16xi32>,
        %shift_right_logical3A_1006 = arith.constant 1 : i32
        %shift_right_logical3A_1007 = vector.broadcast %shift_right_logical3A_1006 : i32 to vector<16xi32>
        %shift_right_logical3A_1008 = arith.shrui %get3A_1005, %shift_right_logical3A_1007 : vector<16xi32>
        %swap3A_1009 = arith.constant 2 : i32
        %swap3A_1010 = arith.index_cast %swap3A_1009 : i32 to index
        %swap3A_1011 = arith.constant 80 : index
        %swap3A_1012 = tpu.vector_load %arg6[%swap3A_1010, %swap3A_1011] {strides = array<i32>} : memref<4x128xi32, #tpu.memory_space<vmem>>, vector<16xi32>,
        tpu.vector_store %arg6[%swap3A_1010, %swap3A_1011], %shift_right_logical3A_1008 {strides = array<i32>} : memref<4x128xi32, #tpu.memory_space<vmem>>, vector<16xi32>,
        %and3A_1013 = arith.constant 1 : i32
        %and3A_1014 = vector.broadcast %and3A_1013 : i32 to vector<16xi32>
        %and3A_1015 = arith.andi %get3A_1005, %and3A_1014 : vector<16xi32>
        %shift_left3A_1016 = arith.constant 6 : i32
        %shift_left3A_1017 = vector.broadcast %shift_left3A_1016 : i32 to vector<16xi32>
        %shift_left3A_1018 = arith.shli %and3A_1015, %shift_left3A_1017 : vector<16xi32>
        %swap3A_1019 = arith.constant 2 : i32
        %swap3A_1020 = arith.index_cast %swap3A_1019 : i32 to index
        %swap3A_1021 = arith.constant 80 : index
        %swap3A_1022 = tpu.vector_load %arg7[%swap3A_1020, %swap3A_1021] {strides = array<i32>} : memref<4x128xi32, #tpu.memory_space<vmem>>, vector<16xi32>,
        tpu.vector_store %arg7[%swap3A_1020, %swap3A_1021], %shift_left3A_1018 {strides = array<i32>} : memref<4x128xi32, #tpu.memory_space<vmem>>, vector<16xi32>,
        %get3A_1023 = arith.index_cast %add3A_902 : i32 to index
        %get3A_1024 = arith.constant 96 : index
        %get3A_1025 = tpu.vector_load %arg5[%get3A_1023, %get3A_1024] {strides = array<i32>} : memref<200x128xi32, #tpu.memory_space<vmem>>, vector<16xi32>,
        %shift_right_logical3A_1026 = arith.constant 1 : i32
        %shift_right_logical3A_1027 = vector.broadcast %shift_right_logical3A_1026 : i32 to vector<16xi32>
        %shift_right_logical3A_1028 = arith.shrui %get3A_1025, %shift_right_logical3A_1027 : vector<16xi32>
        %swap3A_1029 = arith.constant 2 : i32
        %swap3A_1030 = arith.index_cast %swap3A_1029 : i32 to index
        %swap3A_1031 = arith.constant 96 : index
        %swap3A_1032 = tpu.vector_load %arg6[%swap3A_1030, %swap3A_1031] {strides = array<i32>} : memref<4x128xi32, #tpu.memory_space<vmem>>, vector<16xi32>,
        tpu.vector_store %arg6[%swap3A_1030, %swap3A_1031], %shift_right_logical3A_1028 {strides = array<i32>} : memref<4x128xi32, #tpu.memory_space<vmem>>, vector<16xi32>,
        %and3A_1033 = arith.constant 1 : i32
        %and3A_1034 = vector.broadcast %and3A_1033 : i32 to vector<16xi32>
        %and3A_1035 = arith.andi %get3A_1025, %and3A_1034 : vector<16xi32>
        %shift_left3A_1036 = arith.constant 6 : i32
        %shift_left3A_1037 = vector.broadcast %shift_left3A_1036 : i32 to vector<16xi32>
        %shift_left3A_1038 = arith.shli %and3A_1035, %shift_left3A_1037 : vector<16xi32>
        %swap3A_1039 = arith.constant 2 : i32
        %swap3A_1040 = arith.index_cast %swap3A_1039 : i32 to index
        %swap3A_1041 = arith.constant 96 : index
        %swap3A_1042 = tpu.vector_load %arg7[%swap3A_1040, %swap3A_1041] {strides = array<i32>} : memref<4x128xi32, #tpu.memory_space<vmem>>, vector<16xi32>,
        tpu.vector_store %arg7[%swap3A_1040, %swap3A_1041], %shift_left3A_1038 {strides = array<i32>} : memref<4x128xi32, #tpu.memory_space<vmem>>, vector<16xi32>,
        %get3A_1043 = arith.index_cast %add3A_902 : i32 to index
        %get3A_1044 = arith.constant 112 : index
        %get3A_1045 = tpu.vector_load %arg5[%get3A_1043, %get3A_1044] {strides = array<i32>} : memref<200x128xi32, #tpu.memory_space<vmem>>, vector<16xi32>,
        %shift_right_logical3A_1046 = arith.constant 1 : i32
        %shift_right_logical3A_1047 = vector.broadcast %shift_right_logical3A_1046 : i32 to vector<16xi32>
        %shift_right_logical3A_1048 = arith.shrui %get3A_1045, %shift_right_logical3A_1047 : vector<16xi32>
        %swap3A_1049 = arith.constant 2 : i32
        %swap3A_1050 = arith.index_cast %swap3A_1049 : i32 to index
        %swap3A_1051 = arith.constant 112 : index
        %swap3A_1052 = tpu.vector_load %arg6[%swap3A_1050, %swap3A_1051] {strides = array<i32>} : memref<4x128xi32, #tpu.memory_space<vmem>>, vector<16xi32>,
        tpu.vector_store %arg6[%swap3A_1050, %swap3A_1051], %shift_right_logical3A_1048 {strides = array<i32>} : memref<4x128xi32, #tpu.memory_space<vmem>>, vector<16xi32>,
        %and3A_1053 = arith.constant 1 : i32
        %and3A_1054 = vector.broadcast %and3A_1053 : i32 to vector<16xi32>
        %and3A_1055 = arith.andi %get3A_1045, %and3A_1054 : vector<16xi32>
        %shift_left3A_1056 = arith.constant 6 : i32
        %shift_left3A_1057 = vector.broadcast %shift_left3A_1056 : i32 to vector<16xi32>
        %shift_left3A_1058 = arith.shli %and3A_1055, %shift_left3A_1057 : vector<16xi32>
        %swap3A_1059 = arith.constant 2 : i32
        %swap3A_1060 = arith.index_cast %swap3A_1059 : i32 to index
        %swap3A_1061 = arith.constant 112 : index
        %swap3A_1062 = tpu.vector_load %arg7[%swap3A_1060, %swap3A_1061] {strides = array<i32>} : memref<4x128xi32, #tpu.memory_space<vmem>>, vector<16xi32>,
        tpu.vector_store %arg7[%swap3A_1060, %swap3A_1061], %shift_left3A_1058 {strides = array<i32>} : memref<4x128xi32, #tpu.memory_space<vmem>>, vector<16xi32>,
        %dma_start3A_1063 = arith.constant 2 : i32
        %dma_start3A_1064 = arith.constant 0 : i32
        %dma_start3A_1065 = tpu.memref_slice %arg6[%dma_start3A_1063, %dma_start3A_1064] : memref<4x128xi32, #tpu.memory_space<vmem>> -> memref<1x128xi32, #tpu.memory_space<vmem>>
        %dma_start3A_1066 = tpu.memref_squeeze %dma_start3A_1065 : memref<1x128xi32, #tpu.memory_space<vmem>> -> memref<128xi32, #tpu.memory_space<vmem>>
        %dma_start3A_1067 = arith.constant 0 : i32
        %dma_start3A_1068 = arith.constant 0 : i32
        %dma_start3A_1069 = tpu.memref_slice %arg3[%dma_start3A_1067, %dma_start3A_1068] : memref<500000x128xf32, #tpu.memory_space<hbm>> -> memref<500000x128xf32, #tpu.memory_space<hbm>>
        tpu.enqueue_indirect_dma source(%dma_start3A_1069 : memref<500000x128xf32, #tpu.memory_space<hbm>>) target(%arg10 : memref<128x128xf32, #tpu.memory_space<vmem>>) offsets(%dma_start3A_1066 : memref<128xi32, #tpu.memory_space<vmem>>) semaphore(%arg16 : memref<!tpu.dma_semaphore, #tpu.memory_space<semaphore_mem>>)
      } else {
      }
    }
    %scan3A_526 = arith.constant 50 : i32
    %dma_wait3A = arith.constant 198 : i32
    %dma_wait3A_527 = arith.constant 0 : i32
    %dma_wait3A_528 = tpu.memref_slice %arg4[%dma_wait3A, %dma_wait3A_527, %mul3A_2] : memref<200x64x4096xf32, #tpu.memory_space<hbm>> -> memref<1x64x128xf32, #tpu.memory_space<hbm>>
    %dma_wait3A_529 = tpu.memref_squeeze %dma_wait3A_528 : memref<1x64x128xf32, #tpu.memory_space<hbm>> -> memref<64x128xf32, #tpu.memory_space<hbm>>
    %dma_wait3A_530 = arith.constant 0 : i32
    %dma_wait3A_531 = tpu.memref_slice %arg4[%dma_wait3A, %dma_wait3A_530, %mul3A_2] : memref<200x64x4096xf32, #tpu.memory_space<hbm>> -> memref<1x64x128xf32, #tpu.memory_space<hbm>>
    %dma_wait3A_532 = tpu.memref_squeeze %dma_wait3A_531 : memref<1x64x128xf32, #tpu.memory_space<hbm>> -> memref<64x128xf32, #tpu.memory_space<hbm>>
    tpu.wait_dma2 semaphore(%arg18 : memref<!tpu.dma_semaphore, #tpu.memory_space<semaphore_mem>>) src(%arg12 : memref<64x128xf32, #tpu.memory_space<vmem>>) dst(%dma_wait3A_532 : memref<64x128xf32, #tpu.memory_space<hbm>>)
    %dma_wait3A_533 = arith.constant 199 : i32
    %dma_wait3A_534 = arith.constant 0 : i32
    %dma_wait3A_535 = tpu.memref_slice %arg4[%dma_wait3A_533, %dma_wait3A_534, %mul3A_2] : memref<200x64x4096xf32, #tpu.memory_space<hbm>> -> memref<1x64x128xf32, #tpu.memory_space<hbm>>
    %dma_wait3A_536 = tpu.memref_squeeze %dma_wait3A_535 : memref<1x64x128xf32, #tpu.memory_space<hbm>> -> memref<64x128xf32, #tpu.memory_space<hbm>>
    %dma_wait3A_537 = arith.constant 0 : i32
    %dma_wait3A_538 = tpu.memref_slice %arg4[%dma_wait3A_533, %dma_wait3A_537, %mul3A_2] : memref<200x64x4096xf32, #tpu.memory_space<hbm>> -> memref<1x64x128xf32, #tpu.memory_space<hbm>>
    %dma_wait3A_539 = tpu.memref_squeeze %dma_wait3A_538 : memref<1x64x128xf32, #tpu.memory_space<hbm>> -> memref<64x128xf32, #tpu.memory_space<hbm>>
    tpu.wait_dma2 semaphore(%arg19 : memref<!tpu.dma_semaphore, #tpu.memory_space<semaphore_mem>>) src(%arg13 : memref<64x128xf32, #tpu.memory_space<vmem>>) dst(%dma_wait3A_539 : memref<64x128xf32, #tpu.memory_space<hbm>>)
    return
  }
}

</mosaic_0001>

<sc_bundles>
// kernel: kernel.4.cloned.1.call-start
scs
__scs_entry_jumppad:
0x0: {  	(pc) =	sbr.rel $0x88, $3  }
0x1: {  	(tag) =	ssettag $0x0;
	lr =	simm.s32 $0x1  }
0x2: {  	[smem:$0x3F9F] =	sst lr;
	_ =	strace $0xD0000000  }
0x3: {  	_ = 	snop  }
0x4: {  	_ = 	snop  }
0x5: {  	_ = 	snop  }
0x6: {  	_ = 	snop  }
0x7: {  	_ = 	snop  }
__scs_overlays_trampoline_lowered:
0x8: {  	[smem:$0x3FAE] =	sst s0  }
0x9: {  	[smem:$0x3FAF] =	sst s1  }
0xa: {  	[smem:$0x3FB0] =	sst s2  }
0xb: {  	[smem:$0x3FB1] =	sst s3  }
0xc: {  	[smem:$0x3FB2] =	sst s4  }
0xd: {  	[smem:$0x3FB3] =	sst s5  }
0xe: {  	[smem:$0x3FB4] =	sst s6  }
0xf: {  	[smem:$0x3FB5] =	sst s7  }
0x10: {  	[smem:$0x3FB6] =	sst s8  }
0x11: {  	[smem:$0x3FB7] =	sst s9;
	s0 =	simm.s32 @!p0 $0x0  }
0x12: {  	s1 =	sld [smem:$0x3F9D];
	s0 =	simm.s32 @p0 $0x1  }
0x13: {  	[smem:$0x3FB8] =	sst s0;
	s0 =	simm.s32 @!p1 $0x0  }
0x14: {  	s2 =	sld [smem:$0x3F9C];
	s0 =	simm.s32 @p1 $0x1  }
0x15: {  	[smem:$0x3FB9] =	sst s0;
	s0 =	simm.s32 @!p2 $0x0  }
0x16: {  	s3 =	sld [smem:$0x3FDB];
	s0 =	simm.s32 @p2 $0x1  }
0x17: {  	s4 =	simm.s32 $0x1BF5;
	[smem:$0x3FBB] =	sst s0  }
0x18: {  	s0 =	sld [smem:$0x3F9E];
	_ =	swait.ge [sflag:s4], $0x0  }
0x19: {  	s7 =	sld [smem:$0x3F9F]  }
0x1a: {  	s8 =	sadd.s32 $0xFFFFE003, lr  }
0x1b: {  	s9 =	sadd.s32 $0xFFFFFEF7, lr;
	s5 =	simm.s32 $0xFFFFFFFF;
	p2 =	slt.u32 s8, $0xFFFFF086  }
0x1c: {  	p1 =	slt.u32 s9, $0xF7A;
	s5 =	simm.s32 @!p2 $0x0  }
0x1d: {  	s5 =	simm.s32 @p1 $0x1;
	p0 =	seq.s32 s7, s2  }
0x1e: {  	s7 =	smul.u32 @!p0 $0xF7A, s2;
	p2 =	seq.s32 @!p0 s5, $0x0  }
0x1f: {  	s9 =	smul.u32 $0xF7A, s1;
	s8 =	simm.s32 @!p0 $0x1BF5;
	p2 =	por !p2, p0  }
0x20: {  	[sflag:s8] =	ssyncset.s32 @!p0 $0xFFFFF086;
	s6 =	sadd.s32 @!p0 s3, s7;
	s7 =	simm.s32 @!p0 $0x108  }
0x21: {  	s3 =	sadd.s32 s3, s9;
	s6 =	sadd.s32 @!p0 $0x88, s6;
	s7 =	simm.s32 @p2 $0x1082  }
0x22: {  	[simem:s7], [sflag:s8] =	dma.local @!p0 [hbm:s6], $0xF7A  }
0x23: {  	s9 =	sor.u32 $0xD0000000, s2;
	s6 =	simm.s32 $0x108;
	_ =	swait.ge @!p0 [sflag:s8], $0x0  }
0x24: {  	s3 =	sadd.s32 $0x88, s3;
	s6 =	simm.s32 @!p1 $0x1082;
	[sflag:s4] =	ssyncset.s32 $0xFFFFF086  }
0x25: {  	[simem:s6], [sflag:s4] =	dma.local [hbm:s3], $0xF7A  }
0x26: {  	[smem:$0x3F9F] =	sst s1;
	(tag) =	ssettag s2;
	_ =	strace s9  }
0x27: {  	s1 =	sld [smem:$0x3FAF]  }
0x28: {  	s2 =	sld [smem:$0x3FB0]  }
0x29: {  	s4 =	sld [smem:$0x3FB2]  }
0x2a: {  	p0 =	seq.s32 s5, $0x0;
	s5 =	sld [smem:$0x3FB3]  }
0x2b: {  	s6 =	sld [smem:$0x3FB4]  }
0x2c: {  	s7 =	sld [smem:$0x3FB5]  }
0x2d: {  	s3 =	simm.s32 $0x108;
	s8 =	sld [smem:$0x3FB6]  }
0x2e: {  	s3 =	simm.s32 @!p0 $0x1082;
	s9 =	sld [smem:$0x3FB7]  }
0x2f: {  	lr =	sadd.s32 s0, s3;
	s0 =	sld [smem:$0x3FAE]  }
0x30: {  	s3 =	sld [smem:$0x3FB1]  }
0x31: {  	[smem:$0x3FBA] =	sst s10  }
0x32: {  	s10 =	sld [smem:$0x3FB8];
	_ =	sdelay $0x3  }
0x33: {  	p0 =	seq.s32 s10, $0x1;
	s10 =	sld [smem:$0x3FBA];
	_ =	sdelay $0x3  }
0x34: {  	[smem:$0x3FBA] =	sst s10  }
0x35: {  	s10 =	sld [smem:$0x3FB9];
	_ =	sdelay $0x3  }
0x36: {  	p1 =	seq.s32 s10, $0x1;
	s10 =	sld [smem:$0x3FBA];
	_ =	sdelay $0x3  }
0x37: {  	[smem:$0x3FBA] =	sst s10  }
0x38: {  	s10 =	sld [smem:$0x3FBB]  }
0x39: {  	_ = 	snop;
	(pc) =	sbr.ind lr, $3  }
0x3a: {  	_ = 	snop  }
0x3b: {  	_ = 	snop  }
0x3c: {  	p2 =	seq.s32 s10, $0x1;
	s10 =	sld [smem:$0x3FBA]  }
0x3d: {  	_ =	shalt  }
0x3e: {  	_ =	shalt  }
0x3f: {  	_ =	shalt  }
0x40: {  	_ =	shalt  }
0x41: {  	_ =	shalt  }
0x42: {  	_ =	shalt  }
0x43: {  	_ =	shalt  }
0x44: {  	_ =	shalt  }
0x45: {  	_ =	shalt  }
0x46: {  	_ =	shalt  }
0x47: {  	_ =	shalt  }
0x48: {  	_ =	shalt  }
0x49: {  	_ =	shalt  }
0x4a: {  	_ =	shalt  }
0x4b: {  	_ =	shalt  }
0x4c: {  	_ =	shalt  }
0x4d: {  	_ =	shalt  }
0x4e: {  	_ =	shalt  }
0x4f: {  	_ =	shalt  }
0x50: {  	_ =	shalt  }
0x51: {  	_ =	shalt  }
0x52: {  	_ =	shalt  }
0x53: {  	_ =	shalt  }
0x54: {  	_ =	shalt  }
0x55: {  	_ =	shalt  }
0x56: {  	_ =	shalt  }
0x57: {  	_ =	shalt  }
0x58: {  	_ =	shalt  }
0x59: {  	_ =	shalt  }
0x5a: {  	_ =	shalt  }
0x5b: {  	_ =	shalt  }
0x5c: {  	_ =	shalt  }
0x5d: {  	_ =	shalt  }
0x5e: {  	_ =	shalt  }
0x5f: {  	_ =	shalt  }
0x60: {  	_ =	shalt  }
0x61: {  	_ =	shalt  }
0x62: {  	_ =	shalt  }
0x63: {  	_ =	shalt  }
0x64: {  	_ =	shalt  }
0x65: {  	_ =	shalt  }
0x66: {  	_ =	shalt  }
0x67: {  	_ =	shalt  }
0x68: {  	_ =	shalt  }
0x69: {  	_ =	shalt  }
0x6a: {  	_ =	shalt  }
0x6b: {  	_ =	shalt  }
0x6c: {  	_ =	shalt  }
0x6d: {  	_ =	shalt  }
0x6e: {  	_ =	shalt  }
0x6f: {  	_ =	shalt  }
0x70: {  	_ =	shalt  }
0x71: {  	_ =	shalt  }
0x72: {  	_ =	shalt  }
0x73: {  	_ =	shalt  }
0x74: {  	_ =	shalt  }
0x75: {  	_ =	shalt  }
0x76: {  	_ =	shalt  }
0x77: {  	_ =	shalt  }
0x78: {  	_ =	shalt  }
0x79: {  	_ =	shalt  }
0x7a: {  	_ =	shalt  }
0x7b: {  	_ =	shalt  }
0x7c: {  	_ =	shalt  }
0x7d: {  	_ =	shalt  }
0x7e: {  	_ =	shalt  }
0x7f: {  	_ =	shalt  }
0x80: {  	_ =	shalt  }
0x81: {  	_ =	shalt  }
0x82: {  	_ =	shalt  }
0x83: {  	_ =	shalt  }
0x84: {  	_ =	shalt  }
0x85: {  	_ =	shalt  }
0x86: {  	_ =	shalt  }
0x87: {  	_ =	shalt  }
.Lfunc_end0:
.L_simem_size_0:
called_computation_lowered:
.L_overlay_start_0:
0x88: {  	s2 =	sld [smem:$0x3FD9]  }
0x89: {  	s3 =	sld [smem:$0x3FFE];
	_ =	sdelay $0x1  }
0x8a: {  	s1 =	srdreg.scid  }
0x8b: {  	s0 =	sand.u32 $0x1, s1  }
0x8c: {  	s17 =	sshll.u32 s0, $0xA;
	s2 =	sadd.s32 s3, s2  }
0x8d: {  	s2 =	sadd.s32 s2, s17  }
0x8e: {  	[smem:$0x3FC6] =	sst s2  }
0x8f: {  	_ = 	snop  }
0x90: {  	s2 =	sld [smem:$0x3FC8]  }
0x91: {  	s18 =	sld [smem:$0x3FD0];
	(tm) =	ssettm $0x1  }
0x92: {  	s4 =	sld [smem:$0x3FFB];
	_ =	sdelay $0x3  }
0x93: {  	_ =	strace s4  }
0x94: {  	s4 =	sld [smem:$0x3FFC];
	_ =	sdelay $0x3  }
0x95: {  	_ =	strace s4  }
0x96: {  	s4 =	sld [smem:$0x3FFD];
	_ =	sdelay $0x3  }
0x97: {  	_ =	strace s4  }
0x98: {  	_ =	strace $0x8FFFFFFF  }
0x99: {  	s19 =	sld [smem:$0x3FDB];
	_ =	sdelay $0x1  }
0x9a: {  	s5 =	simm.s32 $_scs_section_size  }
0x9b: {  	s6 =	simm.s32 $_size__tile_overlayer_lowered;
	s7 =	simm.s32 $_tile_overlayer_lowered  }
0x9c: {  	s22 =	simm.s32 $0x1BFF;
	s21 =	sshll.u32 s7, $0x1;
	s4 =	sadd.s32 s5, s19  }
0x9d: {  	s8 =	simm.s32 $0x0;
	s20 =	sshll.u32 s6, $0x1;
	s6 =	sadd.s32 s21, s4  }
0x9e: {  	[timem:s8], [sflag:s22] =	dma.local [hbm:s6], s20  }
0x9f: {  	_ =	swait.ge [sflag:s22], s20  }
0xa0: {  	s5 =	ssub.s32 $0x0, s20;
	[sflag:s22] =	ssyncset.done $0x0  }
0xa1: {  	[sflag:s22] =	ssyncadd.s32 s5;
	_ =	sdelay $0x1  }
0xa2: {  	s23 =	simm.s32 $0x1B8B  }
0xa3: {  	_ =	swait.ge [sflag:s23], $0x1  }
0xa4: {  	[sflag:s23] =	ssyncset.done $0x0  }
0xa5: {  	s25 =	simm.s32 $0x1B8E;
	s24 =	sld [smem:$0x3FFE];
	[sflag:s23] =	ssyncadd.s32 $0xFFFFFFFF  }
0xa6: {  	s26 =	simm.s32 $execute0_lowered;
	[smem:$0x3FD2] =	sst s25  }
0xa7: {  	s6 =	sshll.u32 s26, $0x1;
	_ =	strace $0x80000046;
	[dreg:$0x1] =	wrdreg $0xFFFFFFFF  }
0xa8: {  	s28 =	simm.s32 $_size_execute0_lowered;
	s4 =	sadd.s32 s4, s6;
	[dreg:$0x0] =	wrdreg $0x0  }
0xa9: {  	s6 =	sshll.u32 s28, $0x1;
	[dreg:$0x2] =	wrdreg s4  }
0xaa: {  	[dreg:$0x3] =	wrdreg s6  }
0xab: {  	[dreg:$0x4] =	wrdreg $0xC0  }
0xac: {  	_ =	task [dreg:s8], $0x5FFFF  }
0xad: {  	[dreg:$0x1] =	wrdreg $0xFFFFFFFF  }
0xae: {  	[dreg:$0x0] =	wrdreg $0x60  }
0xaf: {  	[dreg:$0x2] =	wrdreg s2  }
0xb0: {  	[dreg:$0x3] =	wrdreg s18  }
0xb1: {  	[dreg:$0x4] =	wrdreg s24  }
0xb2: {  	[dreg:$0x5] =	wrdreg $0x9  }
0xb3: {  	_ =	task.clear_ibuf [dreg:s8], $0x6FFFF;
	_ =	strace $0x90000046  }
0xb4: {  	s29 =	simm.s32 $0x9;
	_ =	strace $0x80000048  }
0xb5: {  	_ =	swait.ge [sflag:s29], $0x1  }
0xb6: {  	[sflag:s29] =	ssyncadd.s32 $0xFFFFFFFF  }
0xb7: {  	_ =	strace $0x90000048  }
0xb8: {  	_ =	sfence  }
0xb9: {  	s30 =	sld [smem:$0x0];
	_ =	sdelay $0x2  }
0xba: {  	s31 =	sshll.u32 s1, $0xD;
	s1 =	sshrl.u32 s1, $0x2  }
0xbb: {  	s3 =	sand.u32 $0x4000, s31;
	s1 =	sadd.s32 s1, s30  }
0xbc: {  	s0 =	sor.u32 s3, s0;
	s1 =	sshll.u32 s1, $0x11  }
0xbd: {  	s0 =	sor.u32 s1, s0  }
0xbe: {  	s0 =	sadd.s32 $0x8F2B, s0  }
0xbf: {  	[sflag:s0] =	ssyncadd.remote.s32 $0x1  }
0xc0: {  	_ =	sfence.sel $0xFFFF  }
0xc1: {  	[dreg:$0x0] =	wrdreg $0xFFFFFFFF;
	(pc) =	sbr.abs _section_cstart, $3  }
0xc2: {  	[dreg:$0x1] =	wrdreg $0xFFFFFFFF  }
0xc3: {  	_ =	task.clear_ibuf [dreg:s8], $0x2FFFF;
	_ =	strace $0x9FFFFFFF  }
0xc4: {  	(tm) =	ssettm $0x7FFFFFFF  }
0xc5: {  	_ =	shalt  }
tec
execute0_lowered:
.L_overlay_start_1:
0x0: {  	(tag) =	ssettag $0x1  }
0x1: {  	s9 =	rddreg [dreg:$0x0]  }
0x2: {  	s1 =	rddreg [dreg:$0x1]  }
0x3: {  	s11 =	rddreg [dreg:$0x2]  }
0x4: {  	s0 =	rddreg [dreg:$0x3]  }
0x5: {  	s3 =	srdreg.scid;
	s22 =	stileid.u32;
	s2 =	simm.s32 $0x0  }
0x6: {  	s15 =	simm.s32 $0x7A1400;
	s16 =	simm.s32 $0x4000;
	s17 =	simm.s32 $0x1  }
0x7: {  	v0 =	vlaneseq.u32;
	s18 =	simm.s32 $0x8000;
	s19 =	simm.s32 $0x2;
	s20 =	simm.s32 $0x4  }
0x8: {  	s21 =	simm.s32 $0xC000;
	s24 =	simm.s32 $0x5;
	s25 =	simm.s32 $0x0;
	v1 =	vor.u32 $0x10, v0  }
0x9: {  	s6 =	sand.u32 $0x1, s3;
	s31 =	sshll.u32 s22, $0x1;
	[smem:$0x7FF] =	sst s2;
	v2 =	vor.u32 $0x20, v0;
	v3 =	vor.u32 $0x30, v0;
	v4 =	vor.u32 $0x40, v0  }
0xa: {  	s3 =	sadd.s32 $0x800, s11;
	v5 =	vor.u32 $0x50, v0;
	v6 =	vor.u32 $0x60, v0;
	v7 =	vor.u32 $0x70, v0;
	s11 =	sadd.s32 $0x7A1800, s11;
	p0 =	sne.s32 s22, $0x0  }
0xb: {  	v8 =	vor.u32 $0x400, v0;
	v9 =	vor.u32 $0x410, v0;
	v10 =	vor.u32 $0x420, v0;
	s22 =	simm.s32 $0x3;
	s4 =	ssub.s32 $0x2, s6;
	s23 =	sor.u32 s6, s31  }
0xc: {  	v11 =	vor.u32 $0x430, v0;
	v12 =	vor.u32 $0x440, v0;
	v13 =	vmul.u32 $0x40, v0;
	_ =	strace $0x80000047;
	s10 =	sor.u32 $0xF40, s6;
	s5 =	sshrl.u32 s4, $0x1  }
0xd: {  	v14 =	vor.u32 $0x450, v0;
	v15 =	vor.u32 $0x460, v0;
	v16 =	vor.u32 $0x470, v0;
	s7 =	sshll.u32 s23, $0x8;
	s12 =	sshll.u32 s23, $0xB;
	s14 =	sshll.u32 s10, $0x8  }
.Ltmp0:
0xe: {  	s10 =	sshll.u32 s10, $0xB;
	v17 =	vor.u32 $0x400, v13;
	v18 =	vor.u32 $0x800, v13;
	v19 =	vor.u32 $0xC00, v13;
	p1 =	sne.s32 s23, $0x2;
	(pc) =	sbr.rel .LBB2_1-.Ltmp0, $4  }
0xf: {  	v20 =	vor.u32 $0x1000, v13;
	v21 =	vor.u32 $0x1400, v13;
	v22 =	vor.u32 $0x1800, v13;
	s23 =	simm.s32 $0x10000;
	s13 =	ssub.s32 s4, s5;
	s4 =	sadd.s32 s9, s7  }
0x10: {  	v23 =	vor.u32 $0x1C00, v13;
	v24 =	vor.u32 $0x2000, v13;
	v25 =	vor.u32 $0x2400, v13;
	s6 =	sadd.s32 s3, s12;
	s9 =	sadd.s32 s9, s14;
	s10 =	sadd.s32 s3, s10  }
0x11: {  	v26 =	vor.u32 $0x2800, v13;
	v27 =	vor.u32 $0x2C00, v13;
	v28 =	vor.u32 $0x3000, v13;
	s12 =	sor.u32 $0x10000, s12;
	s14 =	simm.s32 $0x800;
	s5 =	sadd.s32 $0x2000, s4  }
0x12: {  	v29 =	vor.u32 $0x3400, v13;
	v30 =	vor.u32 $0x3800, v13;
	v31 =	vor.u32 $0x3C00, v13;
	s7 =	sadd.s32 $0x4000, s4;
	s8 =	sadd.s32 $0x6000, s4;
	s13 =	smax.u32 s13, $0x1  }
.LBB2_20:
0x13: {  	s25 =	sadd.s32 $0x1, s25  }
0x14: {  	p2 =	sne.s32 s25, s13  }
.Ltmp1:
0x15: {  	_ = 	snop;
	(pc) =	sbr.rel @!p2 .LBB2_21-.Ltmp1, $1  }
0x16: {  	_ =	sdelay $0x3  }
.LBB2_1:
0x17: {  	[tilespmem:s2], [sflag:$0x1] =	stream.strided.gather [hbm4b:s4+s14], $0x4000, s15, s14, $0x38;
	[tilespmem:$0x12000] =	vst v63  }
0x18: {  	s26 =	simm.s32 $0x0  }
0x19: {  	[tilespmem:s16], [sflag:$0x2] =	stream.strided.gather [hbm4b:s5+s14], $0x4000, s15, s14, $0x38;
	[tilespmem:$0x12000] =	vst v63  }
.LBB2_2:
0x1a: {  	s28 =	simm.s32 $0x0  }
0x1b: {  	v32 =	vadd.s32 s28, v0  }
0x1c: {  	v33 =	vshll.u32 v32, $0x8;
	v34 =	vshll.u32 v32, $0x7  }
0x1d: {  	v33 =	vand.u32 $0x3800, v33;
	v34 =	vand.u32 $0x380, v34  }
0x1e: {  	_ =	swait.ge [sflag:s17], $0x4000;
	v36 =	vor.u32 v34, v33  }
0x1f: {  	p2 =	seq.s32 s26, $0x0;
	[sflag:s17] =	ssyncset.done $0x0;
	v33 =	vor.u32 v1, v36  }
0x20: {  	s28 =	simm.s32 @!p2 $0x3;
	[sflag:s17] =	ssyncadd.s32 $0xFFFFC000;
	v34 =	vor.u32 v4, v36  }
0x21: {  	_ =	swait.ge @!p2 [sflag:s28], $0x4000;
	v35 =	vor.u32 v6, v36  }
0x22: {  	[sflag:s28] =	ssyncset.done @!p2 $0x0;
	v37 =	vor.u32 v7, v36  }
0x23: {  	[sflag:s28] =	ssyncadd.s32 @!p2 $0xFFFFC000;
	v39 =	vor.u32 v5, v36  }
0x24: {  	v41 =	vor.u32 v12, v36;
	v47 =	vld.idx.msk [tilespmem:v33+s2+$0x0], $0xffff  }
0x25: {  	v60 =	vor.u32 v8, v36;
	v40 =	vld.idx.msk [tilespmem:v34+s2+$0x0], $0xffff  }
0x26: {  	v42 =	vor.u32 v16, v36;
	v38 =	vld.idx.msk [tilespmem:v35+s2+$0x0], $0xffff  }
0x27: {  	v61 =	vor.u32 v3, v36;
	v37 =	vld.idx.msk [tilespmem:v37+s2+$0x0], $0xffff  }
0x28: {  	v44 =	vor.u32 v15, v36;
	v43 =	vld.idx.msk [tilespmem:v39+s2+$0x0], $0xffff  }
0x29: {  	v45 =	vor.u32 v0, v36;
	v34 =	vld.idx.msk [tilespmem:v41+s2+$0x0], $0xffff  }
0x2a: {  	v62 =	vor.u32 v2, v36;
	v39 =	vld.idx.msk [tilespmem:v60+s2+$0x0], $0xffff  }
0x2b: {  	v48 =	vor.u32 v10, v36;
	v33 =	vld.idx.msk [tilespmem:v42+s2+$0x0], $0xffff  }
0x2c: {  	v49 =	vor.u32 v9, v36;
	v46 =	vld.idx.msk [tilespmem:v61+s2+$0x0], $0xffff  }
0x2d: {  	v32 =	vand.u32 $0x3F, v32;
	v50 =	vor.u32 v11, v36;
	v35 =	vld.idx.msk [tilespmem:v44+s2+$0x0], $0xffff  }
0x2e: {  	v54 =	vor.u32 v13, v32;
	v36 =	vor.u32 v14, v36;
	v52 =	vld.idx.msk [tilespmem:v45+s2+$0x0], $0xffff  }
0x2f: {  	v63 =	vor.u32 v17, v32;
	v53 =	vld.idx.msk [tilespmem:v62+s2+$0x0], $0xffff  }
0x30: {  	v55 =	vor.u32 v18, v32;
	v42 =	vld.idx.msk [tilespmem:v48+s2+$0x0], $0xffff  }
0x31: {  	v51 =	vor.u32 v19, v32;
	v45 =	vld.idx.msk [tilespmem:v49+s2+$0x0], $0xffff  }
0x32: {  	v44 =	vld.idx.msk [tilespmem:v50+s2+$0x0], $0xffff;
	v50 =	vor.u32 v20, v32  }
0x33: {  	v41 =	vld.idx.msk [tilespmem:v36+s2+$0x0], $0xffff;
	v49 =	vor.u32 v21, v32;
	[tilespmem:v54+s18+$0x0] =	vst.idx.msk $0xffff, v52  }
0x34: {  	v48 =	vor.u32 v22, v32;
	[tilespmem:v63+s18+$0x0] =	vst.idx.msk $0xffff, v47  }
0x35: {  	s29 =	simm.s32 $0x1;
	s28 =	sshll.u32 s26, $0xE;
	v36 =	vor.u32 v24, v32;
	v47 =	vor.u32 v23, v32;
	[tilespmem:v55+s18+$0x0] =	vst.idx.msk $0xffff, v53  }
.LBB2_3:
0x36: {  	p3 =	sne.s32 s29, $0x3F;
	[tilespmem:v51+s18+$0x0] =	vst.idx.msk $0xffff, v46;
	v46 =	vor.u32 v30, v32;
	v51 =	vor.u32 v31, v32;
	s30 =	smov.u32 s29;
	s29 =	sadd.s32 $0x1, s29  }
0x37: {  	[tilespmem:v50+s18+$0x0] =	vst.idx.msk $0xffff, v40;
	v40 =	vor.u32 v25, v32;
	v50 =	vor.u32 v28, v32  }
0x38: {  	v52 =	vadd.s32 s30, v0;
	[tilespmem:v49+s18+$0x0] =	vst.idx.msk $0xffff, v43;
	v43 =	vor.u32 v26, v32;
	v49 =	vor.u32 v27, v32  }
0x39: {  	v53 =	vand.u32 $0x3F, v52;
	v54 =	vshll.u32 v52, $0x8;
	v52 =	vshll.u32 v52, $0x7;
	[tilespmem:v48+s18+$0x0] =	vst.idx.msk $0xffff, v38  }
0x3a: {  	v38 =	vand.u32 $0x3800, v54;
	v48 =	vand.u32 $0x380, v52;
	v52 =	vor.u32 v24, v53;
	[tilespmem:v47+s18+$0x0] =	vst.idx.msk $0xffff, v37  }
0x3b: {  	v47 =	vor.u32 v48, v38;
	v37 =	vor.u32 v29, v32;
	v32 =	vmov v53;
	[tilespmem:v36+s18+$0x0] =	vst.idx.msk $0xffff, v39  }
0x3c: {  	v48 =	vor.u32 v0, v47;
	v38 =	vor.u32 v1, v47;
	v36 =	vmov v52;
	[tilespmem:v40+s18+$0x0] =	vst.idx.msk $0xffff, v45  }
0x3d: {  	v39 =	vor.u32 v4, v47;
	v45 =	vor.u32 v3, v47;
	[tilespmem:v43+s18+$0x0] =	vst.idx.msk $0xffff, v42  }
0x3e: {  	v42 =	vor.u32 v6, v47;
	v43 =	vor.u32 v7, v47;
	[tilespmem:v49+s18+$0x0] =	vst.idx.msk $0xffff, v44  }
0x3f: {  	v44 =	vor.u32 v9, v47;
	v49 =	vor.u32 v10, v47;
	[tilespmem:v50+s18+$0x0] =	vst.idx.msk $0xffff, v34  }
0x40: {  	v34 =	vor.u32 v12, v47;
	v50 =	vor.u32 v14, v47;
	[tilespmem:v37+s18+$0x0] =	vst.idx.msk $0xffff, v41  }
0x41: {  	v52 =	vor.u32 v16, v47;
	v41 =	vor.u32 v15, v47;
	[tilespmem:v46+s18+$0x0] =	vst.idx.msk $0xffff, v35  }
0x42: {  	v35 =	vor.u32 v5, v47;
	v46 =	vor.u32 v8, v47;
	[tilespmem:v51+s18+$0x0] =	vst.idx.msk $0xffff, v33  }
0x43: {  	v51 =	vor.u32 v2, v47;
	v53 =	vld.idx.msk [tilespmem:v38+s2+$0x0], $0xffff  }
0x44: {  	v40 =	vld.idx.msk [tilespmem:v39+s2+$0x0], $0xffff  }
0x45: {  	v38 =	vld.idx.msk [tilespmem:v42+s2+$0x0], $0xffff  }
0x46: {  	v37 =	vld.idx.msk [tilespmem:v43+s2+$0x0], $0xffff  }
0x47: {  	v43 =	vld.idx.msk [tilespmem:v35+s2+$0x0], $0xffff  }
0x48: {  	v47 =	vor.u32 v11, v47;
	v34 =	vld.idx.msk [tilespmem:v34+s2+$0x0], $0xffff  }
0x49: {  	v39 =	vld.idx.msk [tilespmem:v46+s2+$0x0], $0xffff  }
0x4a: {  	v33 =	vld.idx.msk [tilespmem:v52+s2+$0x0], $0xffff  }
0x4b: {  	v46 =	vld.idx.msk [tilespmem:v45+s2+$0x0], $0xffff  }
0x4c: {  	v35 =	vld.idx.msk [tilespmem:v41+s2+$0x0], $0xffff  }
0x4d: {  	v48 =	vld.idx.msk [tilespmem:v48+s2+$0x0], $0xffff  }
0x4e: {  	v54 =	vor.u32 v13, v32;
	v52 =	vld.idx.msk [tilespmem:v51+s2+$0x0], $0xffff  }
0x4f: {  	v55 =	vor.u32 v17, v32;
	v42 =	vld.idx.msk [tilespmem:v49+s2+$0x0], $0xffff  }
0x50: {  	v56 =	vor.u32 v18, v32;
	v45 =	vld.idx.msk [tilespmem:v44+s2+$0x0], $0xffff  }
.Ltmp2:
0x51: {  	v51 =	vor.u32 v19, v32;
	v44 =	vld.idx.msk [tilespmem:v47+s2+$0x0], $0xffff;
	(pc) =	sbr.rel @p3 .LBB2_3-.Ltmp2, $4  }
0x52: {  	v41 =	vld.idx.msk [tilespmem:v50+s2+$0x0], $0xffff;
	v50 =	vor.u32 v20, v32  }
0x53: {  	v49 =	vor.u32 v21, v32;
	[tilespmem:v54+s18+$0x0] =	vst.idx.msk $0xffff, v48  }
0x54: {  	v48 =	vor.u32 v22, v32;
	[tilespmem:v55+s18+$0x0] =	vst.idx.msk $0xffff, v53  }
0x55: {  	v47 =	vor.u32 v23, v32;
	[tilespmem:v56+s18+$0x0] =	vst.idx.msk $0xffff, v52  }
0x56: {  	_ =	sdelay $0x3  }
0x57: {  	[tilespmem:v51+s18+$0x0] =	vst.idx.msk $0xffff, v46  }
0x58: {  	v57 =	vor.u32 v25, v32;
	[tilespmem:v50+s18+$0x0] =	vst.idx.msk $0xffff, v40  }
0x59: {  	v58 =	vor.u32 v26, v32;
	[tilespmem:v49+s18+$0x0] =	vst.idx.msk $0xffff, v43  }
0x5a: {  	v59 =	vor.u32 v27, v32;
	[tilespmem:v48+s18+$0x0] =	vst.idx.msk $0xffff, v38  }
0x5b: {  	v60 =	vor.u32 v28, v32;
	[tilespmem:v47+s18+$0x0] =	vst.idx.msk $0xffff, v37  }
0x5c: {  	v61 =	vor.u32 v29, v32;
	[tilespmem:v36+s18+$0x0] =	vst.idx.msk $0xffff, v39  }
0x5d: {  	v62 =	vor.u32 v30, v32;
	[tilespmem:v57+s18+$0x0] =	vst.idx.msk $0xffff, v45  }
0x5e: {  	v63 =	vor.u32 v31, v32;
	[tilespmem:v58+s18+$0x0] =	vst.idx.msk $0xffff, v42  }
0x5f: {  	p3 =	sne.s32 s26, $0x3C;
	[tilespmem:v59+s18+$0x0] =	vst.idx.msk $0xffff, v44  }
.Ltmp3:
0x60: {  	[tilespmem:v60+s18+$0x0] =	vst.idx.msk $0xffff, v34;
	(pc) =	sbr.rel @p3 .LBB2_6-.Ltmp3, $4  }
0x61: {  	[tilespmem:v61+s18+$0x0] =	vst.idx.msk $0xffff, v41  }
0x62: {  	s29 =	sshll.u32 s26, $0x11;
	[tilespmem:v62+s18+$0x0] =	vst.idx.msk $0xffff, v35  }
0x63: {  	s30 =	sadd.s32 s29, s6;
	[tilespmem:v63+s18+$0x0] =	vst.idx.msk $0xffff, v33  }
0x64: {  	[hbm4b:s30+s2] =	stream.linear.scatter [tilespmem:s18], [sflag:$0x3], $0x4000, $0x38;
	[tilespmem:$0x12000] =	vst v63  }
.Ltmp4:
0x65: {  	(pc) =	sbr.rel .LBB2_7-.Ltmp4, $4  }
0x66: {  	_ = 	snop  }
0x67: {  	_ =	swait.ge [sflag:s19], $0x4000  }
0x68: {  	[sflag:s19] =	ssyncset.done $0x0  }
0x69: {  	[sflag:s19] =	ssyncadd.s32 $0xFFFFC000  }
.LBB2_6:
.Ltmp5:
0x6a: {  	s30 =	sadd.s32 s28, s7;
	(pc) =	sbr.rel @p2 .LBB2_8-.Ltmp5, $4  }
0x6b: {  	[tilespmem:s2], [sflag:$0x1] =	stream.strided.gather [hbm4b:s30+s14], $0x4000, s15, s14, $0x38;
	[tilespmem:$0x12000] =	vst v63  }
0x6c: {  	_ =	swait.ge [sflag:s19], $0x4000  }
0x6d: {  	[sflag:s19] =	ssyncset.done $0x0  }
0x6e: {  	[sflag:s19] =	ssyncadd.s32 $0xFFFFC000  }
.LBB2_7:
0x6f: {  	_ =	swait.ge [sflag:s20], $0x4000  }
0x70: {  	[sflag:s20] =	ssyncset.done $0x0  }
0x71: {  	[sflag:s20] =	ssyncadd.s32 $0xFFFFC000  }
.LBB2_8:
0x72: {  	s30 =	simm.s32 $0x0  }
0x73: {  	v32 =	vadd.s32 s30, v0  }
0x74: {  	v33 =	vshll.u32 v32, $0x8;
	v34 =	vshll.u32 v32, $0x7  }
0x75: {  	v33 =	vand.u32 $0x3800, v33;
	v34 =	vand.u32 $0x380, v34  }
0x76: {  	v36 =	vor.u32 v34, v33  }
0x77: {  	v33 =	vor.u32 v1, v36  }
0x78: {  	v34 =	vor.u32 v4, v36  }
0x79: {  	v35 =	vor.u32 v6, v36  }
0x7a: {  	v37 =	vor.u32 v7, v36  }
0x7b: {  	v39 =	vor.u32 v5, v36  }
0x7c: {  	v41 =	vor.u32 v12, v36;
	v47 =	vld.idx.msk [tilespmem:v33+s16+$0x0], $0xffff  }
0x7d: {  	v60 =	vor.u32 v8, v36;
	v40 =	vld.idx.msk [tilespmem:v34+s16+$0x0], $0xffff  }
0x7e: {  	v42 =	vor.u32 v16, v36;
	v38 =	vld.idx.msk [tilespmem:v35+s16+$0x0], $0xffff  }
0x7f: {  	v61 =	vor.u32 v3, v36;
	v37 =	vld.idx.msk [tilespmem:v37+s16+$0x0], $0xffff  }
0x80: {  	v44 =	vor.u32 v15, v36;
	v43 =	vld.idx.msk [tilespmem:v39+s16+$0x0], $0xffff  }
0x81: {  	v45 =	vor.u32 v0, v36;
	v34 =	vld.idx.msk [tilespmem:v41+s16+$0x0], $0xffff  }
0x82: {  	v62 =	vor.u32 v2, v36;
	v39 =	vld.idx.msk [tilespmem:v60+s16+$0x0], $0xffff  }
0x83: {  	v48 =	vor.u32 v10, v36;
	v33 =	vld.idx.msk [tilespmem:v42+s16+$0x0], $0xffff  }
0x84: {  	v49 =	vor.u32 v9, v36;
	v46 =	vld.idx.msk [tilespmem:v61+s16+$0x0], $0xffff  }
0x85: {  	v32 =	vand.u32 $0x3F, v32;
	v50 =	vor.u32 v11, v36;
	v35 =	vld.idx.msk [tilespmem:v44+s16+$0x0], $0xffff  }
0x86: {  	v54 =	vor.u32 v13, v32;
	v36 =	vor.u32 v14, v36;
	v52 =	vld.idx.msk [tilespmem:v45+s16+$0x0], $0xffff  }
0x87: {  	v63 =	vor.u32 v17, v32;
	v53 =	vld.idx.msk [tilespmem:v62+s16+$0x0], $0xffff  }
0x88: {  	v55 =	vor.u32 v18, v32;
	v42 =	vld.idx.msk [tilespmem:v48+s16+$0x0], $0xffff  }
0x89: {  	v51 =	vor.u32 v19, v32;
	v45 =	vld.idx.msk [tilespmem:v49+s16+$0x0], $0xffff  }
0x8a: {  	v44 =	vld.idx.msk [tilespmem:v50+s16+$0x0], $0xffff;
	v50 =	vor.u32 v20, v32  }
0x8b: {  	v41 =	vld.idx.msk [tilespmem:v36+s16+$0x0], $0xffff;
	v49 =	vor.u32 v21, v32;
	[tilespmem:v54+s21+$0x0] =	vst.idx.msk $0xffff, v52  }
0x8c: {  	v48 =	vor.u32 v22, v32;
	[tilespmem:v63+s21+$0x0] =	vst.idx.msk $0xffff, v47  }
0x8d: {  	s30 =	simm.s32 $0x1;
	v36 =	vor.u32 v24, v32;
	v47 =	vor.u32 v23, v32;
	[tilespmem:v55+s21+$0x0] =	vst.idx.msk $0xffff, v53  }
.LBB2_9:
0x8e: {  	p2 =	sne.s32 s30, $0x3F;
	[tilespmem:v51+s21+$0x0] =	vst.idx.msk $0xffff, v46;
	v46 =	vor.u32 v30, v32;
	v51 =	vor.u32 v31, v32;
	s31 =	smov.u32 s30;
	s30 =	sadd.s32 $0x1, s30  }
0x8f: {  	[tilespmem:v50+s21+$0x0] =	vst.idx.msk $0xffff, v40;
	v40 =	vor.u32 v25, v32;
	v50 =	vor.u32 v28, v32  }
0x90: {  	v52 =	vadd.s32 s31, v0;
	[tilespmem:v49+s21+$0x0] =	vst.idx.msk $0xffff, v43;
	v43 =	vor.u32 v26, v32;
	v49 =	vor.u32 v27, v32  }
0x91: {  	v53 =	vand.u32 $0x3F, v52;
	v54 =	vshll.u32 v52, $0x8;
	v52 =	vshll.u32 v52, $0x7;
	[tilespmem:v48+s21+$0x0] =	vst.idx.msk $0xffff, v38  }
0x92: {  	v38 =	vand.u32 $0x3800, v54;
	v48 =	vand.u32 $0x380, v52;
	v52 =	vor.u32 v24, v53;
	[tilespmem:v47+s21+$0x0] =	vst.idx.msk $0xffff, v37  }
0x93: {  	v47 =	vor.u32 v48, v38;
	v37 =	vor.u32 v29, v32;
	v32 =	vmov v53;
	[tilespmem:v36+s21+$0x0] =	vst.idx.msk $0xffff, v39  }
0x94: {  	v48 =	vor.u32 v0, v47;
	v38 =	vor.u32 v1, v47;
	v36 =	vmov v52;
	[tilespmem:v40+s21+$0x0] =	vst.idx.msk $0xffff, v45  }
0x95: {  	v39 =	vor.u32 v4, v47;
	v45 =	vor.u32 v3, v47;
	[tilespmem:v43+s21+$0x0] =	vst.idx.msk $0xffff, v42  }
0x96: {  	v42 =	vor.u32 v6, v47;
	v43 =	vor.u32 v7, v47;
	[tilespmem:v49+s21+$0x0] =	vst.idx.msk $0xffff, v44  }
0x97: {  	v44 =	vor.u32 v9, v47;
	v49 =	vor.u32 v10, v47;
	[tilespmem:v50+s21+$0x0] =	vst.idx.msk $0xffff, v34  }
0x98: {  	v34 =	vor.u32 v12, v47;
	v50 =	vor.u32 v14, v47;
	[tilespmem:v37+s21+$0x0] =	vst.idx.msk $0xffff, v41  }
0x99: {  	v52 =	vor.u32 v16, v47;
	v41 =	vor.u32 v15, v47;
	[tilespmem:v46+s21+$0x0] =	vst.idx.msk $0xffff, v35  }
0x9a: {  	v35 =	vor.u32 v5, v47;
	v46 =	vor.u32 v8, v47;
	[tilespmem:v51+s21+$0x0] =	vst.idx.msk $0xffff, v33  }
0x9b: {  	v51 =	vor.u32 v2, v47;
	v53 =	vld.idx.msk [tilespmem:v38+s16+$0x0], $0xffff  }
0x9c: {  	v40 =	vld.idx.msk [tilespmem:v39+s16+$0x0], $0xffff  }
0x9d: {  	v38 =	vld.idx.msk [tilespmem:v42+s16+$0x0], $0xffff  }
0x9e: {  	v37 =	vld.idx.msk [tilespmem:v43+s16+$0x0], $0xffff  }
0x9f: {  	v43 =	vld.idx.msk [tilespmem:v35+s16+$0x0], $0xffff  }
0xa0: {  	v47 =	vor.u32 v11, v47;
	v34 =	vld.idx.msk [tilespmem:v34+s16+$0x0], $0xffff  }
0xa1: {  	v39 =	vld.idx.msk [tilespmem:v46+s16+$0x0], $0xffff  }
0xa2: {  	v33 =	vld.idx.msk [tilespmem:v52+s16+$0x0], $0xffff  }
0xa3: {  	v46 =	vld.idx.msk [tilespmem:v45+s16+$0x0], $0xffff  }
0xa4: {  	v35 =	vld.idx.msk [tilespmem:v41+s16+$0x0], $0xffff  }
0xa5: {  	v48 =	vld.idx.msk [tilespmem:v48+s16+$0x0], $0xffff  }
0xa6: {  	v54 =	vor.u32 v13, v32;
	v52 =	vld.idx.msk [tilespmem:v51+s16+$0x0], $0xffff  }
0xa7: {  	v55 =	vor.u32 v17, v32;
	v42 =	vld.idx.msk [tilespmem:v49+s16+$0x0], $0xffff  }
0xa8: {  	v56 =	vor.u32 v18, v32;
	v45 =	vld.idx.msk [tilespmem:v44+s16+$0x0], $0xffff  }
.Ltmp6:
0xa9: {  	v51 =	vor.u32 v19, v32;
	v44 =	vld.idx.msk [tilespmem:v47+s16+$0x0], $0xffff;
	(pc) =	sbr.rel @p2 .LBB2_9-.Ltmp6, $4  }
0xaa: {  	v41 =	vld.idx.msk [tilespmem:v50+s16+$0x0], $0xffff;
	v50 =	vor.u32 v20, v32  }
0xab: {  	v49 =	vor.u32 v21, v32;
	[tilespmem:v54+s21+$0x0] =	vst.idx.msk $0xffff, v48  }
0xac: {  	v48 =	vor.u32 v22, v32;
	[tilespmem:v55+s21+$0x0] =	vst.idx.msk $0xffff, v53  }
0xad: {  	v47 =	vor.u32 v23, v32;
	[tilespmem:v56+s21+$0x0] =	vst.idx.msk $0xffff, v52  }
0xae: {  	_ =	sdelay $0x3  }
0xaf: {  	[tilespmem:v51+s21+$0x0] =	vst.idx.msk $0xffff, v46  }
0xb0: {  	v57 =	vor.u32 v25, v32;
	[tilespmem:v50+s21+$0x0] =	vst.idx.msk $0xffff, v40  }
0xb1: {  	v58 =	vor.u32 v26, v32;
	[tilespmem:v49+s21+$0x0] =	vst.idx.msk $0xffff, v43  }
0xb2: {  	v59 =	vor.u32 v27, v32;
	[tilespmem:v48+s21+$0x0] =	vst.idx.msk $0xffff, v38  }
0xb3: {  	v60 =	vor.u32 v28, v32;
	[tilespmem:v47+s21+$0x0] =	vst.idx.msk $0xffff, v37  }
0xb4: {  	v61 =	vor.u32 v29, v32;
	[tilespmem:v36+s21+$0x0] =	vst.idx.msk $0xffff, v39  }
0xb5: {  	v62 =	vor.u32 v30, v32;
	[tilespmem:v57+s21+$0x0] =	vst.idx.msk $0xffff, v45  }
0xb6: {  	v63 =	vor.u32 v31, v32;
	[tilespmem:v58+s21+$0x0] =	vst.idx.msk $0xffff, v42  }
0xb7: {  	p2 =	seq.s32 s26, $0x3C;
	[tilespmem:v59+s21+$0x0] =	vst.idx.msk $0xffff, v44  }
.Ltmp7:
0xb8: {  	[tilespmem:v60+s21+$0x0] =	vst.idx.msk $0xffff, v34;
	(pc) =	sbr.rel @p2 .LBB2_12-.Ltmp7, $4  }
0xb9: {  	[tilespmem:v61+s21+$0x0] =	vst.idx.msk $0xffff, v41  }
0xba: {  	s29 =	sor.u32 s12, s29;
	[tilespmem:v62+s21+$0x0] =	vst.idx.msk $0xffff, v35  }
0xbb: {  	s29 =	sadd.s32 s3, s29;
	[tilespmem:v63+s21+$0x0] =	vst.idx.msk $0xffff, v33  }
0xbc: {  	[hbm4b:s29+s2] =	stream.linear.scatter [tilespmem:s21], [sflag:$0x4], $0x4000, $0x38;
	[tilespmem:$0x12000] =	vst v63  }
.Ltmp8:
0xbd: {  	(pc) =	sbr.rel .LBB2_2-.Ltmp8, $3  }
0xbe: {  	_ =	sdelay $0x1  }
0xbf: {  	s28 =	sadd.s32 s28, s8;
	s26 =	sadd.s32 $0x1, s26  }
0xc0: {  	[tilespmem:s16], [sflag:$0x2] =	stream.strided.gather [hbm4b:s28+s14], $0x4000, s15, s14, $0x38;
	[tilespmem:$0x12000] =	vst v63  }
.LBB2_12:
0xc1: {  	_ =	swait.ge [sflag:s22], $0x4000  }
.Ltmp9:
0xc2: {  	[sflag:s22] =	ssyncset.done $0x0;
	(pc) =	sbr.rel @p0 .LBB2_16-.Ltmp9, $4  }
0xc3: {  	[sflag:s22] =	ssyncadd.s32 $0xFFFFC000  }
0xc4: {  	_ =	swait.ge [sflag:s20], $0x4000  }
0xc5: {  	[sflag:s20] =	ssyncset.done $0x0  }
0xc6: {  	[sflag:s20] =	ssyncadd.s32 $0xFFFFC000  }
0xc7: {  	s26 =	simm.s32 $0x0  }
0xc8: {  	v32 =	vadd.s32 s26, v0  }
0xc9: {  	v33 =	vshll.u32 v32, $0x8;
	v34 =	vshll.u32 v32, $0x7  }
0xca: {  	v33 =	vand.u32 $0x3800, v33;
	v34 =	vand.u32 $0x380, v34  }
0xcb: {  	v36 =	vor.u32 v34, v33  }
0xcc: {  	v33 =	vor.u32 v1, v36  }
0xcd: {  	[tilespmem:s26], [sflag:$0x1] =	stream.strided.gather [hbm4b:s9+s14], $0x4000, s15, s14, $0x38;
	v34 =	vor.u32 v4, v36;
	[tilespmem:$0x12000] =	vst v63  }
0xce: {  	_ =	swait.ge [sflag:s17], $0x4000;
	v35 =	vor.u32 v6, v36  }
0xcf: {  	[sflag:s17] =	ssyncset.done $0x0;
	v37 =	vor.u32 v7, v36  }
0xd0: {  	[sflag:s17] =	ssyncadd.s32 $0xFFFFC000;
	v39 =	vor.u32 v5, v36  }
0xd1: {  	v41 =	vor.u32 v12, v36;
	v47 =	vld.idx.msk [tilespmem:v33+s2+$0x0], $0xffff  }
0xd2: {  	v60 =	vor.u32 v8, v36;
	v40 =	vld.idx.msk [tilespmem:v34+s2+$0x0], $0xffff  }
0xd3: {  	v42 =	vor.u32 v16, v36;
	v38 =	vld.idx.msk [tilespmem:v35+s2+$0x0], $0xffff  }
0xd4: {  	v61 =	vor.u32 v3, v36;
	v37 =	vld.idx.msk [tilespmem:v37+s2+$0x0], $0xffff  }
0xd5: {  	v44 =	vor.u32 v15, v36;
	v43 =	vld.idx.msk [tilespmem:v39+s2+$0x0], $0xffff  }
0xd6: {  	v45 =	vor.u32 v0, v36;
	v34 =	vld.idx.msk [tilespmem:v41+s2+$0x0], $0xffff  }
0xd7: {  	v62 =	vor.u32 v2, v36;
	v39 =	vld.idx.msk [tilespmem:v60+s2+$0x0], $0xffff  }
0xd8: {  	v48 =	vor.u32 v10, v36;
	v33 =	vld.idx.msk [tilespmem:v42+s2+$0x0], $0xffff  }
0xd9: {  	v49 =	vor.u32 v9, v36;
	v46 =	vld.idx.msk [tilespmem:v61+s2+$0x0], $0xffff  }
0xda: {  	v32 =	vand.u32 $0x3F, v32;
	v50 =	vor.u32 v11, v36;
	v35 =	vld.idx.msk [tilespmem:v44+s2+$0x0], $0xffff  }
0xdb: {  	v54 =	vor.u32 v13, v32;
	v36 =	vor.u32 v14, v36;
	v52 =	vld.idx.msk [tilespmem:v45+s2+$0x0], $0xffff  }
0xdc: {  	v63 =	vor.u32 v17, v32;
	v53 =	vld.idx.msk [tilespmem:v62+s2+$0x0], $0xffff  }
0xdd: {  	v55 =	vor.u32 v18, v32;
	v42 =	vld.idx.msk [tilespmem:v48+s2+$0x0], $0xffff  }
0xde: {  	v51 =	vor.u32 v19, v32;
	v45 =	vld.idx.msk [tilespmem:v49+s2+$0x0], $0xffff  }
0xdf: {  	v44 =	vld.idx.msk [tilespmem:v50+s2+$0x0], $0xffff;
	v50 =	vor.u32 v20, v32  }
0xe0: {  	v41 =	vld.idx.msk [tilespmem:v36+s2+$0x0], $0xffff;
	v49 =	vor.u32 v21, v32;
	[tilespmem:v54+s18+$0x0] =	vst.idx.msk $0xffff, v52  }
0xe1: {  	v48 =	vor.u32 v22, v32;
	[tilespmem:v63+s18+$0x0] =	vst.idx.msk $0xffff, v47  }
0xe2: {  	s26 =	simm.s32 $0x1;
	v36 =	vor.u32 v24, v32;
	v47 =	vor.u32 v23, v32;
	[tilespmem:v55+s18+$0x0] =	vst.idx.msk $0xffff, v53  }
.LBB2_14:
0xe3: {  	p2 =	sne.s32 s26, $0x3F;
	[tilespmem:v51+s18+$0x0] =	vst.idx.msk $0xffff, v46;
	v46 =	vor.u32 v30, v32;
	v51 =	vor.u32 v31, v32;
	s28 =	smov.u32 s26;
	s26 =	sadd.s32 $0x1, s26  }
0xe4: {  	[tilespmem:v50+s18+$0x0] =	vst.idx.msk $0xffff, v40;
	v40 =	vor.u32 v25, v32;
	v50 =	vor.u32 v28, v32  }
0xe5: {  	v52 =	vadd.s32 s28, v0;
	[tilespmem:v49+s18+$0x0] =	vst.idx.msk $0xffff, v43;
	v43 =	vor.u32 v26, v32;
	v49 =	vor.u32 v27, v32  }
0xe6: {  	v53 =	vand.u32 $0x3F, v52;
	v54 =	vshll.u32 v52, $0x8;
	v52 =	vshll.u32 v52, $0x7;
	[tilespmem:v48+s18+$0x0] =	vst.idx.msk $0xffff, v38  }
0xe7: {  	v38 =	vand.u32 $0x3800, v54;
	v48 =	vand.u32 $0x380, v52;
	v52 =	vor.u32 v24, v53;
	[tilespmem:v47+s18+$0x0] =	vst.idx.msk $0xffff, v37  }
0xe8: {  	v47 =	vor.u32 v48, v38;
	v37 =	vor.u32 v29, v32;
	v32 =	vmov v53;
	[tilespmem:v36+s18+$0x0] =	vst.idx.msk $0xffff, v39  }
0xe9: {  	v48 =	vor.u32 v0, v47;
	v38 =	vor.u32 v1, v47;
	v36 =	vmov v52;
	[tilespmem:v40+s18+$0x0] =	vst.idx.msk $0xffff, v45  }
0xea: {  	v39 =	vor.u32 v4, v47;
	v45 =	vor.u32 v3, v47;
	[tilespmem:v43+s18+$0x0] =	vst.idx.msk $0xffff, v42  }
0xeb: {  	v42 =	vor.u32 v6, v47;
	v43 =	vor.u32 v7, v47;
	[tilespmem:v49+s18+$0x0] =	vst.idx.msk $0xffff, v44  }
0xec: {  	v44 =	vor.u32 v9, v47;
	v49 =	vor.u32 v10, v47;
	[tilespmem:v50+s18+$0x0] =	vst.idx.msk $0xffff, v34  }
0xed: {  	v34 =	vor.u32 v12, v47;
	v50 =	vor.u32 v14, v47;
	[tilespmem:v37+s18+$0x0] =	vst.idx.msk $0xffff, v41  }
0xee: {  	v52 =	vor.u32 v16, v47;
	v41 =	vor.u32 v15, v47;
	[tilespmem:v46+s18+$0x0] =	vst.idx.msk $0xffff, v35  }
0xef: {  	v35 =	vor.u32 v5, v47;
	v46 =	vor.u32 v8, v47;
	[tilespmem:v51+s18+$0x0] =	vst.idx.msk $0xffff, v33  }
0xf0: {  	v51 =	vor.u32 v2, v47;
	v53 =	vld.idx.msk [tilespmem:v38+s2+$0x0], $0xffff  }
0xf1: {  	v40 =	vld.idx.msk [tilespmem:v39+s2+$0x0], $0xffff  }
0xf2: {  	v38 =	vld.idx.msk [tilespmem:v42+s2+$0x0], $0xffff  }
0xf3: {  	v37 =	vld.idx.msk [tilespmem:v43+s2+$0x0], $0xffff  }
0xf4: {  	v43 =	vld.idx.msk [tilespmem:v35+s2+$0x0], $0xffff  }
0xf5: {  	v47 =	vor.u32 v11, v47;
	v34 =	vld.idx.msk [tilespmem:v34+s2+$0x0], $0xffff  }
0xf6: {  	v39 =	vld.idx.msk [tilespmem:v46+s2+$0x0], $0xffff  }
0xf7: {  	v33 =	vld.idx.msk [tilespmem:v52+s2+$0x0], $0xffff  }
0xf8: {  	v46 =	vld.idx.msk [tilespmem:v45+s2+$0x0], $0xffff  }
0xf9: {  	v35 =	vld.idx.msk [tilespmem:v41+s2+$0x0], $0xffff  }
0xfa: {  	v48 =	vld.idx.msk [tilespmem:v48+s2+$0x0], $0xffff  }
0xfb: {  	v54 =	vor.u32 v13, v32;
	v52 =	vld.idx.msk [tilespmem:v51+s2+$0x0], $0xffff  }
0xfc: {  	v55 =	vor.u32 v17, v32;
	v42 =	vld.idx.msk [tilespmem:v49+s2+$0x0], $0xffff  }
0xfd: {  	v56 =	vor.u32 v18, v32;
	v45 =	vld.idx.msk [tilespmem:v44+s2+$0x0], $0xffff  }
.Ltmp10:
0xfe: {  	v51 =	vor.u32 v19, v32;
	v44 =	vld.idx.msk [tilespmem:v47+s2+$0x0], $0xffff;
	(pc) =	sbr.rel @p2 .LBB2_14-.Ltmp10, $4  }
0xff: {  	v41 =	vld.idx.msk [tilespmem:v50+s2+$0x0], $0xffff;
	v50 =	vor.u32 v20, v32  }
0x100: {  	v49 =	vor.u32 v21, v32;
	[tilespmem:v54+s18+$0x0] =	vst.idx.msk $0xffff, v48  }
0x101: {  	v48 =	vor.u32 v22, v32;
	[tilespmem:v55+s18+$0x0] =	vst.idx.msk $0xffff, v53  }
0x102: {  	v47 =	vor.u32 v23, v32;
	[tilespmem:v56+s18+$0x0] =	vst.idx.msk $0xffff, v52  }
0x103: {  	_ =	sdelay $0x3  }
0x104: {  	[tilespmem:v51+s18+$0x0] =	vst.idx.msk $0xffff, v46  }
0x105: {  	v57 =	vor.u32 v25, v32;
	[tilespmem:v50+s18+$0x0] =	vst.idx.msk $0xffff, v40  }
0x106: {  	v58 =	vor.u32 v26, v32;
	[tilespmem:v49+s18+$0x0] =	vst.idx.msk $0xffff, v43  }
0x107: {  	v59 =	vor.u32 v27, v32;
	[tilespmem:v48+s18+$0x0] =	vst.idx.msk $0xffff, v38  }
0x108: {  	v60 =	vor.u32 v28, v32;
	[tilespmem:v47+s18+$0x0] =	vst.idx.msk $0xffff, v37  }
0x109: {  	v61 =	vor.u32 v29, v32;
	[tilespmem:v36+s18+$0x0] =	vst.idx.msk $0xffff, v39  }
0x10a: {  	v62 =	vor.u32 v30, v32;
	[tilespmem:v57+s18+$0x0] =	vst.idx.msk $0xffff, v45  }
0x10b: {  	v63 =	vor.u32 v31, v32;
	[tilespmem:v58+s18+$0x0] =	vst.idx.msk $0xffff, v42  }
0x10c: {  	[tilespmem:v59+s18+$0x0] =	vst.idx.msk $0xffff, v44  }
0x10d: {  	[tilespmem:v60+s18+$0x0] =	vst.idx.msk $0xffff, v34  }
0x10e: {  	[tilespmem:v61+s18+$0x0] =	vst.idx.msk $0xffff, v41  }
0x10f: {  	[tilespmem:v62+s18+$0x0] =	vst.idx.msk $0xffff, v35  }
0x110: {  	[tilespmem:v63+s18+$0x0] =	vst.idx.msk $0xffff, v33  }
0x111: {  	[hbm4b:s10+s2] =	stream.linear.scatter [tilespmem:s18], [sflag:$0x3], $0x4000, $0x38;
	[tilespmem:$0x12000] =	vst v63  }
0x112: {  	_ =	swait.ge [sflag:s22], $0x4000  }
0x113: {  	[sflag:s22] =	ssyncset.done $0x0  }
0x114: {  	[sflag:s22] =	ssyncadd.s32 $0xFFFFC000  }
.LBB2_16:
.Ltmp11:
0x115: {  	(pc) =	sbr.rel @p1 .LBB2_20-.Ltmp11, $1  }
0x116: {  	_ =	sdelay $0x3  }
0x117: {  	s26 =	simm.s32 $0x0  }
0x118: {  	v32 =	vadd.s32 s26, v0  }
0x119: {  	v33 =	vand.u32 $0x3F, v32  }
0x11a: {  	v32 =	vshll.u32 v33, $0x7  }
0x11b: {  	v34 =	vor.u32 v0, v32  }
0x11c: {  	[tilespmem:s23], [sflag:$0x5] =	stream.linear.gather [hbm4b:s1+s26], $0x2000, $0x38;
	[tilespmem:$0x12000] =	vst v63  }
0x11d: {  	_ =	swait.ge [sflag:s24], $0x2000;
	v35 =	vor.u32 v1, v32  }
0x11e: {  	[sflag:s24] =	ssyncset.done $0x0;
	v36 =	vor.u32 v2, v32  }
0x11f: {  	[sflag:s24] =	ssyncadd.s32 $0xFFFFE000;
	v37 =	vor.u32 v3, v32  }
0x120: {  	v39 =	vor.u32 v13, v33;
	v38 =	vld.idx.msk [tilespmem:v34+s23+$0x0], $0xffff  }
0x121: {  	s31 =	simm.s32 $0x1  }
0x122: {  	v63 =	vadd.s32 s31, v0;
	v40 =	vor.u32 v17, v33;
	v35 =	vld.idx.msk [tilespmem:v35+s23+$0x0], $0xffff  }
0x123: {  	v42 =	vor.u32 v18, v33;
	v32 =	vand.u32 $0x3F, v63;
	v41 =	vld.idx.msk [tilespmem:v36+s23+$0x0], $0xffff  }
0x124: {  	v43 =	vshll.u32 v32, $0x7;
	v34 =	vld.idx.msk [tilespmem:v37+s23+$0x0], $0xffff;
	v37 =	vor.u32 v19, v33  }
0x125: {  	[tilespmem:v39+s18+$0x0] =	vst.idx.msk $0xffff, v38;
	v38 =	vor.u32 v0, v43  }
0x126: {  	v36 =	vor.u32 v1, v43  }
0x127: {  	[tilespmem:v40+s18+$0x0] =	vst.idx.msk $0xffff, v35;
	v35 =	vor.u32 v2, v43  }
0x128: {  	s26 =	simm.s32 $0x2;
	v33 =	vor.u32 v3, v43;
	[tilespmem:v42+s18+$0x0] =	vst.idx.msk $0xffff, v41  }
.LBB2_18:
0x129: {  	p2 =	sne.s32 s26, $0x3F;
	[tilespmem:v37+s18+$0x0] =	vst.idx.msk $0xffff, v34;
	s28 =	smov.u32 s26;
	s26 =	sadd.s32 $0x1, s26  }
0x12a: {  	v39 =	vld.idx.msk [tilespmem:v38+s23+$0x0], $0xffff  }
0x12b: {  	v41 =	vor.u32 v13, v32;
	v40 =	vld.idx.msk [tilespmem:v36+s23+$0x0], $0xffff  }
0x12c: {  	v43 =	vor.u32 v17, v32;
	v34 =	vadd.s32 s28, v0;
	v42 =	vld.idx.msk [tilespmem:v35+s23+$0x0], $0xffff  }
0x12d: {  	v44 =	vor.u32 v18, v32;
	v35 =	vand.u32 $0x3F, v34;
	v34 =	vld.idx.msk [tilespmem:v33+s23+$0x0], $0xffff  }
.Ltmp12:
0x12e: {  	v37 =	vor.u32 v19, v32;
	v33 =	vshll.u32 v35, $0x7;
	v32 =	vmov v35;
	(pc) =	sbr.rel @p2 .LBB2_18-.Ltmp12, $4  }
0x12f: {  	v38 =	vor.u32 v0, v33;
	v36 =	vor.u32 v1, v33;
	v35 =	vor.u32 v2, v33  }
0x130: {  	v33 =	vor.u32 v3, v33;
	[tilespmem:v41+s18+$0x0] =	vst.idx.msk $0xffff, v39  }
0x131: {  	[tilespmem:v43+s18+$0x0] =	vst.idx.msk $0xffff, v40  }
0x132: {  	[tilespmem:v44+s18+$0x0] =	vst.idx.msk $0xffff, v42  }
0x133: {  	_ =	sdelay $0x3  }
0x134: {  	[tilespmem:v37+s18+$0x0] =	vst.idx.msk $0xffff, v34  }
0x135: {  	v61 =	vor.u32 v13, v32;
	v34 =	vld.idx.msk [tilespmem:v38+s23+$0x0], $0xffff  }
0x136: {  	v62 =	vor.u32 v17, v32;
	v36 =	vld.idx.msk [tilespmem:v36+s23+$0x0], $0xffff  }
0x137: {  	v39 =	vor.u32 v18, v32;
	v35 =	vld.idx.msk [tilespmem:v35+s23+$0x0], $0xffff  }
0x138: {  	v63 =	vor.u32 v19, v32;
	v33 =	vld.idx.msk [tilespmem:v33+s23+$0x0], $0xffff;
	_ =	sdelay $0x1  }
0x139: {  	[tilespmem:v61+s18+$0x0] =	vst.idx.msk $0xffff, v34  }
0x13a: {  	[tilespmem:v62+s18+$0x0] =	vst.idx.msk $0xffff, v36  }
0x13b: {  	[tilespmem:v39+s18+$0x0] =	vst.idx.msk $0xffff, v35  }
.Ltmp13:
0x13c: {  	[tilespmem:v63+s18+$0x0] =	vst.idx.msk $0xffff, v33;
	(pc) =	sbr.rel .LBB2_20-.Ltmp13, $4  }
0x13d: {  	[hbm4b:s11+s2] =	stream.linear.scatter [tilespmem:s18], [sflag:$0x5], $0x1000, $0x38;
	[tilespmem:$0x12000] =	vst v63  }
0x13e: {  	_ =	swait.ge [sflag:s24], $0x1000  }
0x13f: {  	[sflag:s24] =	ssyncset.done $0x0  }
0x140: {  	[sflag:s24] =	ssyncadd.s32 $0xFFFFF000  }
.LBB2_21:
0x141: {  	_ =	sfence.sel $0x180000  }
0x142: {  	[bflag:$0x0] =	sbarrier.arrive $0xFFFF  }
0x143: {  	_ =	strace $0x90000047  }
0x144: {  	s0 =	sadd.s32 @!p0 $0x100000, s0;
	[bflag:$0x2] =	sbarrier.arrive $0xFFFF  }
0x145: {  	[sflag:s0] =	ssyncadd.tile.s32 @!p0 $0x1;
	_ =	shalt  }
.Lfunc_end2:
_tile_overlayer_lowered:
.L_overlay_start_2:
0x146: {  	(tag) =	ssettag $0x2  }
0x147: {  	s0 =	rddreg [dreg:$0x0];
	s2 =	stileid.u32  }
0x148: {  	s1 =	rddreg [dreg:$0x1];
	p0 =	sne.s32 s2, $0x0  }
0x149: {  	s3 =	rddreg [dreg:$0x2];
	[bflag:$0x3] =	sbarrier.arrive $0xFFFF;
	s2 =	simm.s32 @!p0 $0x1C05  }
0x14a: {  	[timem:s3], [sflag:s2] =	dma.local @!p0 [hbm:s0], s1  }
0x14b: {  	s0 =	simm.s32 @!p0 $0x5  }
0x14c: {  	_ =	swait.ge @!p0 [sflag:s0], s1  }
0x14d: {  	s1 =	ssub.s32 @!p0 $0x0, s1;
	[sflag:s0] =	ssyncset.done @!p0 $0x0  }
0x14e: {  	[sflag:s0] =	ssyncadd.s32 @!p0 s1  }
0x14f: {  	[bflag:$0x3] =	sbarrier.arrive $0xFFFF  }
0x150: {  	_ =	shalt  }

// kernel: kernel.7.cloned.1.call-start
scs
__scs_entry_jumppad:
0x0: {  	(pc) =	sbr.rel $0x88, $3  }
0x1: {  	(tag) =	ssettag $0x0;
	lr =	simm.s32 $0x1  }
0x2: {  	[smem:$0x3F9F] =	sst lr;
	_ =	strace $0xD0000000  }
0x3: {  	_ = 	snop  }
0x4: {  	_ = 	snop  }
0x5: {  	_ = 	snop  }
0x6: {  	_ = 	snop  }
0x7: {  	_ = 	snop  }
__scs_overlays_trampoline_lowered:
0x8: {  	[smem:$0x3FAE] =	sst s0  }
0x9: {  	[smem:$0x3FAF] =	sst s1  }
0xa: {  	[smem:$0x3FB0] =	sst s2  }
0xb: {  	[smem:$0x3FB1] =	sst s3  }
0xc: {  	[smem:$0x3FB2] =	sst s4  }
0xd: {  	[smem:$0x3FB3] =	sst s5  }
0xe: {  	[smem:$0x3FB4] =	sst s6  }
0xf: {  	[smem:$0x3FB5] =	sst s7  }
0x10: {  	[smem:$0x3FB6] =	sst s8  }
0x11: {  	[smem:$0x3FB7] =	sst s9;
	s0 =	simm.s32 @!p0 $0x0  }
0x12: {  	s1 =	sld [smem:$0x3F9D];
	s0 =	simm.s32 @p0 $0x1  }
0x13: {  	[smem:$0x3FB8] =	sst s0;
	s0 =	simm.s32 @!p1 $0x0  }
0x14: {  	s2 =	sld [smem:$0x3F9C];
	s0 =	simm.s32 @p1 $0x1  }
0x15: {  	[smem:$0x3FB9] =	sst s0;
	s0 =	simm.s32 @!p2 $0x0  }
0x16: {  	s3 =	sld [smem:$0x3FDB];
	s0 =	simm.s32 @p2 $0x1  }
0x17: {  	s4 =	simm.s32 $0x1BF5;
	[smem:$0x3FBB] =	sst s0  }
0x18: {  	s0 =	sld [smem:$0x3F9E];
	_ =	swait.ge [sflag:s4], $0x0  }
0x19: {  	s7 =	sld [smem:$0x3F9F]  }
0x1a: {  	s8 =	sadd.s32 $0xFFFFE003, lr  }
0x1b: {  	s9 =	sadd.s32 $0xFFFFFEF7, lr;
	s5 =	simm.s32 $0xFFFFFFFF;
	p2 =	slt.u32 s8, $0xFFFFF086  }
0x1c: {  	p1 =	slt.u32 s9, $0xF7A;
	s5 =	simm.s32 @!p2 $0x0  }
0x1d: {  	s5 =	simm.s32 @p1 $0x1;
	p0 =	seq.s32 s7, s2  }
0x1e: {  	s7 =	smul.u32 @!p0 $0xF7A, s2;
	p2 =	seq.s32 @!p0 s5, $0x0  }
0x1f: {  	s9 =	smul.u32 $0xF7A, s1;
	s8 =	simm.s32 @!p0 $0x1BF5;
	p2 =	por !p2, p0  }
0x20: {  	[sflag:s8] =	ssyncset.s32 @!p0 $0xFFFFF086;
	s6 =	sadd.s32 @!p0 s3, s7;
	s7 =	simm.s32 @!p0 $0x108  }
0x21: {  	s3 =	sadd.s32 s3, s9;
	s6 =	sadd.s32 @!p0 $0x88, s6;
	s7 =	simm.s32 @p2 $0x1082  }
0x22: {  	[simem:s7], [sflag:s8] =	dma.local @!p0 [hbm:s6], $0xF7A  }
0x23: {  	s9 =	sor.u32 $0xD0000000, s2;
	s6 =	simm.s32 $0x108;
	_ =	swait.ge @!p0 [sflag:s8], $0x0  }
0x24: {  	s3 =	sadd.s32 $0x88, s3;
	s6 =	simm.s32 @!p1 $0x1082;
	[sflag:s4] =	ssyncset.s32 $0xFFFFF086  }
0x25: {  	[simem:s6], [sflag:s4] =	dma.local [hbm:s3], $0xF7A  }
0x26: {  	[smem:$0x3F9F] =	sst s1;
	(tag) =	ssettag s2;
	_ =	strace s9  }
0x27: {  	s1 =	sld [smem:$0x3FAF]  }
0x28: {  	s2 =	sld [smem:$0x3FB0]  }
0x29: {  	s4 =	sld [smem:$0x3FB2]  }
0x2a: {  	p0 =	seq.s32 s5, $0x0;
	s5 =	sld [smem:$0x3FB3]  }
0x2b: {  	s6 =	sld [smem:$0x3FB4]  }
0x2c: {  	s7 =	sld [smem:$0x3FB5]  }
0x2d: {  	s3 =	simm.s32 $0x108;
	s8 =	sld [smem:$0x3FB6]  }
0x2e: {  	s3 =	simm.s32 @!p0 $0x1082;
	s9 =	sld [smem:$0x3FB7]  }
0x2f: {  	lr =	sadd.s32 s0, s3;
	s0 =	sld [smem:$0x3FAE]  }
0x30: {  	s3 =	sld [smem:$0x3FB1]  }
0x31: {  	[smem:$0x3FBA] =	sst s10  }
0x32: {  	s10 =	sld [smem:$0x3FB8];
	_ =	sdelay $0x3  }
0x33: {  	p0 =	seq.s32 s10, $0x1;
	s10 =	sld [smem:$0x3FBA];
	_ =	sdelay $0x3  }
0x34: {  	[smem:$0x3FBA] =	sst s10  }
0x35: {  	s10 =	sld [smem:$0x3FB9];
	_ =	sdelay $0x3  }
0x36: {  	p1 =	seq.s32 s10, $0x1;
	s10 =	sld [smem:$0x3FBA];
	_ =	sdelay $0x3  }
0x37: {  	[smem:$0x3FBA] =	sst s10  }
0x38: {  	s10 =	sld [smem:$0x3FBB]  }
0x39: {  	_ = 	snop;
	(pc) =	sbr.ind lr, $3  }
0x3a: {  	_ = 	snop  }
0x3b: {  	_ = 	snop  }
0x3c: {  	p2 =	seq.s32 s10, $0x1;
	s10 =	sld [smem:$0x3FBA]  }
0x3d: {  	_ =	shalt  }
0x3e: {  	_ =	shalt  }
0x3f: {  	_ =	shalt  }
0x40: {  	_ =	shalt  }
0x41: {  	_ =	shalt  }
0x42: {  	_ =	shalt  }
0x43: {  	_ =	shalt  }
0x44: {  	_ =	shalt  }
0x45: {  	_ =	shalt  }
0x46: {  	_ =	shalt  }
0x47: {  	_ =	shalt  }
0x48: {  	_ =	shalt  }
0x49: {  	_ =	shalt  }
0x4a: {  	_ =	shalt  }
0x4b: {  	_ =	shalt  }
0x4c: {  	_ =	shalt  }
0x4d: {  	_ =	shalt  }
0x4e: {  	_ =	shalt  }
0x4f: {  	_ =	shalt  }
0x50: {  	_ =	shalt  }
0x51: {  	_ =	shalt  }
0x52: {  	_ =	shalt  }
0x53: {  	_ =	shalt  }
0x54: {  	_ =	shalt  }
0x55: {  	_ =	shalt  }
0x56: {  	_ =	shalt  }
0x57: {  	_ =	shalt  }
0x58: {  	_ =	shalt  }
0x59: {  	_ =	shalt  }
0x5a: {  	_ =	shalt  }
0x5b: {  	_ =	shalt  }
0x5c: {  	_ =	shalt  }
0x5d: {  	_ =	shalt  }
0x5e: {  	_ =	shalt  }
0x5f: {  	_ =	shalt  }
0x60: {  	_ =	shalt  }
0x61: {  	_ =	shalt  }
0x62: {  	_ =	shalt  }
0x63: {  	_ =	shalt  }
0x64: {  	_ =	shalt  }
0x65: {  	_ =	shalt  }
0x66: {  	_ =	shalt  }
0x67: {  	_ =	shalt  }
0x68: {  	_ =	shalt  }
0x69: {  	_ =	shalt  }
0x6a: {  	_ =	shalt  }
0x6b: {  	_ =	shalt  }
0x6c: {  	_ =	shalt  }
0x6d: {  	_ =	shalt  }
0x6e: {  	_ =	shalt  }
0x6f: {  	_ =	shalt  }
0x70: {  	_ =	shalt  }
0x71: {  	_ =	shalt  }
0x72: {  	_ =	shalt  }
0x73: {  	_ =	shalt  }
0x74: {  	_ =	shalt  }
0x75: {  	_ =	shalt  }
0x76: {  	_ =	shalt  }
0x77: {  	_ =	shalt  }
0x78: {  	_ =	shalt  }
0x79: {  	_ =	shalt  }
0x7a: {  	_ =	shalt  }
0x7b: {  	_ =	shalt  }
0x7c: {  	_ =	shalt  }
0x7d: {  	_ =	shalt  }
0x7e: {  	_ =	shalt  }
0x7f: {  	_ =	shalt  }
0x80: {  	_ =	shalt  }
0x81: {  	_ =	shalt  }
0x82: {  	_ =	shalt  }
0x83: {  	_ =	shalt  }
0x84: {  	_ =	shalt  }
0x85: {  	_ =	shalt  }
0x86: {  	_ =	shalt  }
0x87: {  	_ =	shalt  }
.Lfunc_end0:
.L_simem_size_0:
called_computation.1_lowered:
.L_overlay_start_0:
0x88: {  	s2 =	sld [smem:$0x3FD9]  }
0x89: {  	s3 =	sld [smem:$0x3FFE];
	_ =	sdelay $0x1  }
0x8a: {  	s1 =	srdreg.scid  }
0x8b: {  	s0 =	sand.u32 $0x1, s1  }
0x8c: {  	s17 =	sshll.u32 s0, $0xA;
	s2 =	sadd.s32 s3, s2  }
0x8d: {  	s2 =	sadd.s32 s2, s17  }
0x8e: {  	[smem:$0x3FC6] =	sst s2  }
0x8f: {  	_ = 	snop  }
0x90: {  	s2 =	sld [smem:$0x3FC9]  }
0x91: {  	s18 =	sld [smem:$0x3FD0];
	(tm) =	ssettm $0x1  }
0x92: {  	s4 =	sld [smem:$0x3FFB];
	_ =	sdelay $0x3  }
0x93: {  	_ =	strace s4  }
0x94: {  	s4 =	sld [smem:$0x3FFC];
	_ =	sdelay $0x3  }
0x95: {  	_ =	strace s4  }
0x96: {  	s4 =	sld [smem:$0x3FFD];
	_ =	sdelay $0x3  }
0x97: {  	_ =	strace s4  }
0x98: {  	_ =	strace $0x8FFFFFFF  }
0x99: {  	s19 =	sld [smem:$0x3FDB];
	_ =	sdelay $0x1  }
0x9a: {  	s5 =	simm.s32 $_scs_section_size  }
0x9b: {  	s6 =	simm.s32 $_size__tile_overlayer_lowered;
	s7 =	simm.s32 $_tile_overlayer_lowered  }
0x9c: {  	s22 =	simm.s32 $0x1BFF;
	s21 =	sshll.u32 s7, $0x1;
	s4 =	sadd.s32 s5, s19  }
0x9d: {  	s8 =	simm.s32 $0x0;
	s20 =	sshll.u32 s6, $0x1;
	s6 =	sadd.s32 s21, s4  }
0x9e: {  	[timem:s8], [sflag:s22] =	dma.local [hbm:s6], s20  }
0x9f: {  	_ =	swait.ge [sflag:s22], s20  }
0xa0: {  	s5 =	ssub.s32 $0x0, s20;
	[sflag:s22] =	ssyncset.done $0x0  }
0xa1: {  	[sflag:s22] =	ssyncadd.s32 s5;
	_ =	sdelay $0x1  }
0xa2: {  	s23 =	simm.s32 $0x1B8B  }
0xa3: {  	_ =	swait.ge [sflag:s23], $0x1  }
0xa4: {  	[sflag:s23] =	ssyncset.done $0x0  }
0xa5: {  	s25 =	simm.s32 $0x1B8E;
	s24 =	sld [smem:$0x3FFE];
	[sflag:s23] =	ssyncadd.s32 $0xFFFFFFFF  }
0xa6: {  	s26 =	simm.s32 $execute0_lowered;
	[smem:$0x3FD2] =	sst s25  }
0xa7: {  	s6 =	sshll.u32 s26, $0x1;
	_ =	strace $0x80000049;
	[dreg:$0x1] =	wrdreg $0xFFFFFFFF  }
0xa8: {  	s28 =	simm.s32 $_size_execute0_lowered;
	s4 =	sadd.s32 s4, s6;
	[dreg:$0x0] =	wrdreg $0x0  }
0xa9: {  	s6 =	sshll.u32 s28, $0x1;
	[dreg:$0x2] =	wrdreg s4  }
0xaa: {  	[dreg:$0x3] =	wrdreg s6  }
0xab: {  	[dreg:$0x4] =	wrdreg $0xC0  }
0xac: {  	_ =	task [dreg:s8], $0x5FFFF  }
0xad: {  	[dreg:$0x1] =	wrdreg $0xFFFFFFFF  }
0xae: {  	[dreg:$0x0] =	wrdreg $0x60  }
0xaf: {  	[dreg:$0x2] =	wrdreg s2  }
0xb0: {  	[dreg:$0x3] =	wrdreg s24  }
0xb1: {  	[dreg:$0x4] =	wrdreg s18  }
0xb2: {  	[dreg:$0x5] =	wrdreg $0x9  }
0xb3: {  	_ =	task.clear_ibuf [dreg:s8], $0x6FFFF;
	_ =	strace $0x90000049  }
0xb4: {  	s29 =	simm.s32 $0x9;
	_ =	strace $0x8000004B  }
0xb5: {  	_ =	swait.ge [sflag:s29], $0x1  }
0xb6: {  	[sflag:s29] =	ssyncadd.s32 $0xFFFFFFFF  }
0xb7: {  	_ =	strace $0x9000004B  }
0xb8: {  	_ =	sfence  }
0xb9: {  	s30 =	sld [smem:$0x0];
	_ =	sdelay $0x2  }
0xba: {  	s31 =	sshll.u32 s1, $0xD;
	s1 =	sshrl.u32 s1, $0x2  }
0xbb: {  	s3 =	sand.u32 $0x4000, s31;
	s1 =	sadd.s32 s1, s30  }
0xbc: {  	s0 =	sor.u32 s3, s0;
	s1 =	sshll.u32 s1, $0x11  }
0xbd: {  	s0 =	sor.u32 s1, s0  }
0xbe: {  	s0 =	sadd.s32 $0x8F2B, s0  }
0xbf: {  	[sflag:s0] =	ssyncadd.remote.s32 $0x1  }
0xc0: {  	_ =	sfence.sel $0xFFFF  }
0xc1: {  	[dreg:$0x0] =	wrdreg $0xFFFFFFFF;
	(pc) =	sbr.abs _section_cstart, $3  }
0xc2: {  	[dreg:$0x1] =	wrdreg $0xFFFFFFFF  }
0xc3: {  	_ =	task.clear_ibuf [dreg:s8], $0x2FFFF;
	_ =	strace $0x9FFFFFFF  }
0xc4: {  	(tm) =	ssettm $0x7FFFFFFF  }
0xc5: {  	_ =	shalt  }
tec
execute0_lowered:
.L_overlay_start_1:
0x0: {  	(tag) =	ssettag $0x1  }
0x1: {  	s0 =	rddreg [dreg:$0x0]  }
0x2: {  	s1 =	rddreg [dreg:$0x1]  }
0x3: {  	s2 =	rddreg [dreg:$0x2];
	s3 =	srdreg.scid  }
0x4: {  	s4 =	stileid.u32;
	s6 =	simm.s32 $0x0;
	s10 =	simm.s32 $0x400  }
0x5: {  	s11 =	simm.s32 $0x8000;
	s12 =	simm.s32 $0x7;
	s13 =	simm.s32 $0x80  }
0x6: {  	s15 =	simm.s32 $0x6800;
	s17 =	simm.s32 $0xA800;
	s18 =	simm.s32 $0x6500  }
0x7: {  	s19 =	simm.s32 $0xE800;
	s20 =	simm.s32 $0x1;
	s21 =	simm.s32 $0x16800  }
0x8: {  	s22 =	simm.s32 $0x6580;
	s23 =	simm.s32 $0x12800;
	s28 =	simm.s32 $0x5  }
0x9: {  	s29 =	simm.s32 $0x4;
	s30 =	simm.s32 $0x6;
	s31 =	simm.s32 $0x0  }
0xa: {  	s3 =	sand.u32 $0x1, s3;
	s4 =	sshll.u32 s4, $0xB;
	[smem:$0x7FF] =	sst s6  }
0xb: {  	v0 =	vlaneseq.u32;
	s8 =	sadd.s32 $0x10000, s2;
	s5 =	sshll.u32 s3, $0xA;
	s3 =	ssub.s32 $0x2, s3  }
.Ltmp0:
0xc: {  	v1 =	vmul.u32 $0x80, v0;
	v9 =	vor.u32 $0x10, v0;
	v10 =	vor.u32 $0x20, v0;
	_ =	strace $0x8000004A;
	s4 =	sor.u32 s5, s4;
	(pc) =	sbr.rel .LBB2_1-.Ltmp0, $4  }
0xd: {  	v11 =	vor.u32 $0x30, v0;
	v12 =	vor.u32 $0x40, v0;
	v13 =	vor.u32 $0x50, v0;
	s24 =	sshrl.u32 s3, $0x1;
	s5 =	sadd.s32 $0x800, s1;
	s7 =	sshrl.u32 s4, $0x3  }
0xe: {  	v14 =	vor.u32 $0x60, v0;
	v15 =	vor.u32 $0x70, v0;
	v2 =	vor.u32 $0x800, v1;
	s25 =	ssub.s32 s3, s24;
	s24 =	simm.s32 $0x2;
	s0 =	sadd.s32 s0, s7  }
0xf: {  	v3 =	vor.u32 $0x1000, v1;
	v4 =	vor.u32 $0x1800, v1;
	v5 =	vor.u32 $0x2000, v1;
	s7 =	sadd.s32 $0x8000, s2;
	s26 =	smax.u32 s25, $0x1;
	[dreg:$0x4] =	wrdreg s0  }
0x10: {  	v6 =	vor.u32 $0x2800, v1;
	v7 =	vor.u32 $0x3000, v1;
	v8 =	vor.u32 $0x3800, v1;
	s25 =	simm.s32 $0x18800;
	[dreg:$0x5] =	wrdreg s26;
	s26 =	simm.s32 $0x3  }
.LBB2_12:
0x11: {  	_ =	swait.ge [sflag:s28], $0x2000  }
0x12: {  	[sflag:s28] =	ssyncset.done $0x0  }
0x13: {  	[sflag:s28] =	ssyncadd.s32 $0xFFFFE000  }
0x14: {  	_ =	swait.ge [sflag:s30], $0x2000  }
0x15: {  	s31 =	sadd.s32 $0x1, s31;
	s0 =	rddreg [dreg:$0x5]  }
0x16: {  	p0 =	sne.s32 s31, s0  }
.Ltmp1:
0x17: {  	_ = 	snop;
	(pc) =	sbr.rel @!p0 .LBB2_13-.Ltmp1, $3  }
0x18: {  	_ =	sdelay $0x1  }
0x19: {  	[sflag:s30] =	ssyncset.done $0x0  }
0x1a: {  	[sflag:s30] =	ssyncadd.s32 $0xFFFFE000  }
.LBB2_1:
0x1b: {  	s0 =	simm.s32 $0x0;
	s1 =	rddreg [dreg:$0x4]  }
0x1c: {  	[tilespmem:s0], [sflag:$0x7] =	stream.strided.gather [hbm4b:s1+s10], $0x6400, s11, s10, $0x38;
	[tilespmem:$0x1A800] =	vst v63  }
0x1d: {  	_ =	swait.ge [sflag:s12], $0x6400  }
0x1e: {  	[sflag:s12] =	ssyncset.done $0x0  }
0x1f: {  	[sflag:s12] =	ssyncadd.s32 $0xFFFF9C00  }
0x20: {  	v16 =	vld [tilespmem:$0x0];
	_ =	sdelay $0x1  }
0x21: {  	v17 =	vld [tilespmem:$0x10];
	_ =	sdelay $0x1  }
0x22: {  	v18 =	vld [tilespmem:$0x20]  }
0x23: {  	v19 =	vshrl.u32 v16, $0x1;
	v16 =	vshll.u32 v16, $0x6  }
0x24: {  	v48 =	vld [tilespmem:$0x30];
	[tilespmem:$0x6400] =	vst v19;
	v16 =	vand.u32 $0x40, v16  }
0x25: {  	[tilespmem:$0x6600] =	vst v16;
	v16 =	vshrl.u32 v17, $0x1;
	v17 =	vshll.u32 v17, $0x6  }
0x26: {  	[tilespmem:$0x6410] =	vst v16;
	v16 =	vand.u32 $0x40, v17;
	v17 =	vld [tilespmem:$0x40]  }
0x27: {  	[tilespmem:$0x6610] =	vst v16;
	v16 =	vshrl.u32 v18, $0x1;
	v18 =	vshll.u32 v18, $0x6  }
0x28: {  	v49 =	vld [tilespmem:$0x50];
	[tilespmem:$0x6420] =	vst v16;
	v16 =	vand.u32 $0x40, v18  }
0x29: {  	v19 =	vshll.u32 v48, $0x6;
	[tilespmem:$0x6620] =	vst v16;
	v16 =	vshrl.u32 v48, $0x1  }
0x2a: {  	v50 =	vld [tilespmem:$0x60];
	[tilespmem:$0x6430] =	vst v16;
	v16 =	vand.u32 $0x40, v19  }
0x2b: {  	[tilespmem:$0x6630] =	vst v16;
	v16 =	vshrl.u32 v17, $0x1;
	v17 =	vshll.u32 v17, $0x6  }
0x2c: {  	[tilespmem:$0x6440] =	vst v16;
	v16 =	vand.u32 $0x40, v17;
	v17 =	vld [tilespmem:$0x70]  }
0x2d: {  	v18 =	vshll.u32 v49, $0x6;
	[tilespmem:$0x6640] =	vst v16;
	v16 =	vshrl.u32 v49, $0x1  }
0x2e: {  	[tilespmem:$0x6450] =	vst v16;
	v16 =	vand.u32 $0x40, v18  }
0x2f: {  	v51 =	vshll.u32 v50, $0x6;
	[tilespmem:$0x6650] =	vst v16;
	v16 =	vshrl.u32 v50, $0x1  }
0x30: {  	[tilespmem:$0x6460] =	vst v16;
	v16 =	vand.u32 $0x40, v51  }
0x31: {  	[tilespmem:$0x6660] =	vst v16;
	v16 =	vshrl.u32 v17, $0x1;
	v17 =	vshll.u32 v17, $0x6  }
0x32: {  	[tilespmem:$0x6470] =	vst v16;
	v16 =	vand.u32 $0x40, v17  }
0x33: {  	s14 =	simm.s32 $0x6400;
	[tilespmem:$0x6670] =	vst v16  }
0x34: {  	[tilespmem:s15], [sflag:$0x1] =	stream.indirect.gather [hbm4b:s5+s13], $0x80, s14, s13, $0xb8;
	[tilespmem:$0x1A800] =	vst v63  }
0x35: {  	v16 =	vld [tilespmem:$0x80];
	_ =	sdelay $0x1  }
0x36: {  	v17 =	vld [tilespmem:$0x90];
	_ =	sdelay $0x1  }
0x37: {  	v52 =	vld [tilespmem:$0xA0]  }
0x38: {  	v53 =	vshrl.u32 v16, $0x1;
	v16 =	vshll.u32 v16, $0x6  }
0x39: {  	v54 =	vld [tilespmem:$0xB0];
	[tilespmem:$0x6480] =	vst v53;
	v16 =	vand.u32 $0x40, v16  }
0x3a: {  	[tilespmem:$0x6680] =	vst v16;
	v16 =	vshrl.u32 v17, $0x1;
	v17 =	vshll.u32 v17, $0x6  }
0x3b: {  	[tilespmem:$0x6490] =	vst v16;
	v16 =	vand.u32 $0x40, v17;
	v17 =	vld [tilespmem:$0xC0]  }
0x3c: {  	v18 =	vshll.u32 v52, $0x6;
	[tilespmem:$0x6690] =	vst v16;
	v16 =	vshrl.u32 v52, $0x1  }
0x3d: {  	v55 =	vld [tilespmem:$0xD0];
	[tilespmem:$0x64A0] =	vst v16;
	v16 =	vand.u32 $0x40, v18  }
0x3e: {  	v19 =	vshll.u32 v54, $0x6;
	[tilespmem:$0x66A0] =	vst v16;
	v16 =	vshrl.u32 v54, $0x1  }
0x3f: {  	v56 =	vld [tilespmem:$0xE0];
	[tilespmem:$0x64B0] =	vst v16;
	v16 =	vand.u32 $0x40, v19  }
0x40: {  	[tilespmem:$0x66B0] =	vst v16;
	v16 =	vshrl.u32 v17, $0x1;
	v17 =	vshll.u32 v17, $0x6  }
0x41: {  	[tilespmem:$0x64C0] =	vst v16;
	v16 =	vand.u32 $0x40, v17;
	v17 =	vld [tilespmem:$0xF0]  }
0x42: {  	v18 =	vshll.u32 v55, $0x6;
	[tilespmem:$0x66C0] =	vst v16;
	v16 =	vshrl.u32 v55, $0x1  }
0x43: {  	[tilespmem:$0x64D0] =	vst v16;
	v16 =	vand.u32 $0x40, v18  }
0x44: {  	v57 =	vshll.u32 v56, $0x6;
	[tilespmem:$0x66D0] =	vst v16;
	v16 =	vshrl.u32 v56, $0x1  }
0x45: {  	[tilespmem:$0x64E0] =	vst v16;
	v16 =	vand.u32 $0x40, v57  }
0x46: {  	[tilespmem:$0x66E0] =	vst v16;
	v16 =	vshrl.u32 v17, $0x1;
	v17 =	vshll.u32 v17, $0x6  }
0x47: {  	[tilespmem:$0x64F0] =	vst v16;
	v16 =	vand.u32 $0x40, v17  }
0x48: {  	s16 =	simm.s32 $0x6480;
	[tilespmem:$0x66F0] =	vst v16  }
0x49: {  	[tilespmem:s17], [sflag:$0x2] =	stream.indirect.gather [hbm4b:s5+s13], $0x80, s16, s13, $0xb8;
	[tilespmem:$0x1A800] =	vst v63  }
0x4a: {  	v16 =	vld [tilespmem:$0x100];
	_ =	sdelay $0x1  }
0x4b: {  	v17 =	vld [tilespmem:$0x110];
	_ =	sdelay $0x1  }
0x4c: {  	v58 =	vld [tilespmem:$0x120]  }
0x4d: {  	v59 =	vshrl.u32 v16, $0x1;
	v16 =	vshll.u32 v16, $0x6  }
0x4e: {  	v60 =	vld [tilespmem:$0x130];
	[tilespmem:$0x6500] =	vst v59;
	v16 =	vand.u32 $0x40, v16  }
0x4f: {  	[tilespmem:$0x6700] =	vst v16;
	v16 =	vshrl.u32 v17, $0x1;
	v17 =	vshll.u32 v17, $0x6  }
0x50: {  	[tilespmem:$0x6510] =	vst v16;
	v16 =	vand.u32 $0x40, v17;
	v17 =	vld [tilespmem:$0x140]  }
0x51: {  	v18 =	vshll.u32 v58, $0x6;
	[tilespmem:$0x6710] =	vst v16;
	v16 =	vshrl.u32 v58, $0x1  }
0x52: {  	v61 =	vld [tilespmem:$0x150];
	[tilespmem:$0x6520] =	vst v16;
	v16 =	vand.u32 $0x40, v18  }
0x53: {  	v19 =	vshll.u32 v60, $0x6;
	[tilespmem:$0x6720] =	vst v16;
	v16 =	vshrl.u32 v60, $0x1  }
0x54: {  	v62 =	vld [tilespmem:$0x160];
	[tilespmem:$0x6530] =	vst v16;
	v16 =	vand.u32 $0x40, v19  }
0x55: {  	[tilespmem:$0x6730] =	vst v16;
	v16 =	vshrl.u32 v17, $0x1;
	v17 =	vshll.u32 v17, $0x6  }
0x56: {  	[tilespmem:$0x6540] =	vst v16;
	v16 =	vand.u32 $0x40, v17;
	v17 =	vld [tilespmem:$0x170]  }
0x57: {  	v18 =	vshll.u32 v61, $0x6;
	[tilespmem:$0x6740] =	vst v16;
	v16 =	vshrl.u32 v61, $0x1  }
0x58: {  	[tilespmem:$0x6550] =	vst v16;
	v16 =	vand.u32 $0x40, v18  }
0x59: {  	v63 =	vshll.u32 v62, $0x6;
	[tilespmem:$0x6750] =	vst v16;
	v16 =	vshrl.u32 v62, $0x1  }
0x5a: {  	[tilespmem:$0x6560] =	vst v16;
	v16 =	vand.u32 $0x40, v63  }
0x5b: {  	[tilespmem:$0x6760] =	vst v16;
	v16 =	vshrl.u32 v17, $0x1;
	v17 =	vshll.u32 v17, $0x6  }
0x5c: {  	[tilespmem:$0x6570] =	vst v16;
	v16 =	vand.u32 $0x40, v17  }
0x5d: {  	s0 =	simm.s32 $0x0;
	[tilespmem:$0x6770] =	vst v16  }
0x5e: {  	[tilespmem:s19], [sflag:$0x3] =	stream.indirect.gather [hbm4b:s5+s13], $0x80, s18, s13, $0xb8;
	[tilespmem:$0x1A800] =	vst v63  }
.LBB2_2:
0x5f: {  	_ =	swait.ge [sflag:s20], $0x4000  }
0x60: {  	[sflag:s20] =	ssyncset.done $0x0  }
0x61: {  	[sflag:s20] =	ssyncadd.s32 $0xFFFFC000  }
0x62: {  	v20 =	vld [tilespmem:$0x6620]  }
0x63: {  	v21 =	vld [tilespmem:$0x6610]  }
0x64: {  	s1 =	simm.s32 $0x0;
	v22 =	vld [tilespmem:$0x6600]  }
0x65: {  	v16 =	vadd.s32 s1, v0;
	v23 =	vld [tilespmem:$0x6630]  }
0x66: {  	v24 =	vand.u32 $0x3F, v16;
	v18 =	vld [tilespmem:$0x6660]  }
0x67: {  	v17 =	vld [tilespmem:$0x6640];
	v19 =	vadd.s32 v20, v24  }
0x68: {  	p0 =	seq.s32 s0, $0x0;
	v16 =	vld [tilespmem:$0x6650];
	v25 =	vadd.s32 v21, v24;
	v26 =	vadd.s32 v3, v19  }
0x69: {  	s1 =	simm.s32 @!p0 $0x5;
	v27 =	vadd.s32 v22, v24;
	v19 =	vld [tilespmem:$0x6670];
	v25 =	vadd.s32 v2, v25  }
0x6a: {  	v28 =	vadd.s32 v23, v24;
	_ =	swait.ge @!p0 [sflag:s1], $0x2000;
	v27 =	vadd.s32 v1, v27  }
0x6b: {  	v29 =	vadd.s32 v18, v24;
	v28 =	vadd.s32 v4, v28;
	[sflag:s1] =	ssyncset.done @!p0 $0x0  }
0x6c: {  	v30 =	vadd.s32 v17, v24;
	v29 =	vadd.s32 v7, v29;
	[sflag:s1] =	ssyncadd.s32 @!p0 $0xFFFFE000  }
0x6d: {  	v31 =	vadd.s32 v16, v24;
	v30 =	vadd.s32 v5, v30;
	v40 =	vld.idx.msk [tilespmem:v26+s15+$0x0], $0xffff  }
0x6e: {  	v31 =	vadd.s32 v6, v31;
	v26 =	vadd.s32 v19, v24;
	v38 =	vld.idx.msk [tilespmem:v25+s15+$0x0], $0xffff;
	v24 =	vshll.u32 v24, $0x7  }
0x6f: {  	v39 =	vld.idx.msk [tilespmem:v27+s15+$0x0], $0xffff;
	v34 =	vadd.s32 v8, v26;
	v41 =	vor.u32 v0, v24  }
0x70: {  	s16 =	simm.s32 $0x1;
	v27 =	vld.idx.msk [tilespmem:v28+s15+$0x0], $0xffff;
	v42 =	vor.u32 v9, v24  }
0x71: {  	v25 =	vld.idx.msk [tilespmem:v29+s15+$0x0], $0xffff;
	v28 =	vadd.s32 s16, v0;
	v43 =	vor.u32 v10, v24  }
0x72: {  	v30 =	vld.idx.msk [tilespmem:v30+s15+$0x0], $0xffff;
	v26 =	vor.u32 v15, v24;
	v36 =	vor.u32 v11, v24;
	v32 =	vor.u32 v14, v24  }
0x73: {  	v33 =	vld.idx.msk [tilespmem:v31+s15+$0x0], $0xffff;
	v28 =	vand.u32 $0x3F, v28;
	v37 =	vor.u32 v12, v24;
	v35 =	vor.u32 v13, v24  }
0x74: {  	v24 =	vadd.s32 v22, v28;
	v63 =	vadd.s32 v21, v28;
	v29 =	vld.idx.msk [tilespmem:v34+s15+$0x0], $0xffff;
	[tilespmem:v41+s21+$0x0] =	vst.idx.msk $0xffff, v39  }
0x75: {  	v31 =	vadd.s32 v1, v24;
	v34 =	vadd.s32 v2, v63;
	[tilespmem:v42+s21+$0x0] =	vst.idx.msk $0xffff, v38  }
0x76: {  	s14 =	simm.s32 $0x2;
	s1 =	sshll.u32 s0, $0x2;
	v24 =	vshll.u32 v28, $0x7;
	v39 =	vadd.s32 v20, v28;
	v38 =	vadd.s32 v23, v28;
	[tilespmem:v43+s21+$0x0] =	vst.idx.msk $0xffff, v40  }
.LBB2_3:
0x77: {  	p1 =	sne.s32 s14, $0x3F;
	v39 =	vadd.s32 v3, v39;
	v40 =	vadd.s32 v17, v28;
	[tilespmem:v36+s21+$0x0] =	vst.idx.msk $0xffff, v27;
	s3 =	smov.u32 s14;
	s14 =	sadd.s32 $0x1, s14  }
0x78: {  	v27 =	vadd.s32 v4, v38;
	v36 =	vadd.s32 v5, v40;
	[tilespmem:v37+s21+$0x0] =	vst.idx.msk $0xffff, v30  }
0x79: {  	v30 =	vadd.s32 v16, v28;
	v37 =	vadd.s32 v18, v28;
	[tilespmem:v35+s21+$0x0] =	vst.idx.msk $0xffff, v33  }
0x7a: {  	v28 =	vadd.s32 v19, v28;
	v33 =	vadd.s32 v7, v37;
	[tilespmem:v32+s21+$0x0] =	vst.idx.msk $0xffff, v25  }
0x7b: {  	v35 =	vadd.s32 v8, v28;
	v32 =	vadd.s32 v6, v30;
	[tilespmem:v26+s21+$0x0] =	vst.idx.msk $0xffff, v29  }
0x7c: {  	v40 =	vld.idx.msk [tilespmem:v39+s15+$0x0], $0xffff  }
0x7d: {  	v38 =	vld.idx.msk [tilespmem:v34+s15+$0x0], $0xffff  }
0x7e: {  	v31 =	vld.idx.msk [tilespmem:v31+s15+$0x0], $0xffff  }
0x7f: {  	v34 =	vor.u32 v0, v24;
	v27 =	vld.idx.msk [tilespmem:v27+s15+$0x0], $0xffff  }
0x80: {  	v39 =	vor.u32 v9, v24;
	v25 =	vld.idx.msk [tilespmem:v33+s15+$0x0], $0xffff  }
0x81: {  	v41 =	vor.u32 v10, v24;
	v26 =	vor.u32 v15, v24;
	v30 =	vld.idx.msk [tilespmem:v36+s15+$0x0], $0xffff  }
.Ltmp2:
0x82: {  	v28 =	vadd.s32 s3, v0;
	v36 =	vor.u32 v11, v24;
	v33 =	vld.idx.msk [tilespmem:v32+s15+$0x0], $0xffff;
	v32 =	vor.u32 v14, v24;
	(pc) =	sbr.rel @p1 .LBB2_3-.Ltmp2, $4  }
0x83: {  	v37 =	vor.u32 v12, v24;
	v28 =	vand.u32 $0x3F, v28;
	v29 =	vld.idx.msk [tilespmem:v35+s15+$0x0], $0xffff;
	v35 =	vor.u32 v13, v24  }
0x84: {  	v42 =	vadd.s32 v22, v28;
	v43 =	vadd.s32 v21, v28;
	v24 =	vshll.u32 v28, $0x7;
	[tilespmem:v34+s21+$0x0] =	vst.idx.msk $0xffff, v31  }
0x85: {  	v31 =	vadd.s32 v1, v42;
	v34 =	vadd.s32 v2, v43;
	[tilespmem:v39+s21+$0x0] =	vst.idx.msk $0xffff, v38  }
0x86: {  	v39 =	vadd.s32 v20, v28;
	v38 =	vadd.s32 v23, v28;
	[tilespmem:v41+s21+$0x0] =	vst.idx.msk $0xffff, v40  }
0x87: {  	_ =	sdelay $0x3  }
0x88: {  	v20 =	vadd.s32 v3, v39;
	[tilespmem:v36+s21+$0x0] =	vst.idx.msk $0xffff, v27  }
0x89: {  	[tilespmem:v37+s21+$0x0] =	vst.idx.msk $0xffff, v30  }
0x8a: {  	[tilespmem:v35+s21+$0x0] =	vst.idx.msk $0xffff, v33  }
0x8b: {  	v21 =	vadd.s32 v4, v38;
	v18 =	vadd.s32 v18, v28;
	[tilespmem:v32+s21+$0x0] =	vst.idx.msk $0xffff, v25  }
0x8c: {  	v17 =	vadd.s32 v17, v28;
	v18 =	vadd.s32 v7, v18;
	[tilespmem:v26+s21+$0x0] =	vst.idx.msk $0xffff, v29  }
0x8d: {  	v16 =	vadd.s32 v16, v28;
	v17 =	vadd.s32 v5, v17;
	v20 =	vld.idx.msk [tilespmem:v20+s15+$0x0], $0xffff  }
0x8e: {  	v19 =	vadd.s32 v19, v28;
	v16 =	vadd.s32 v6, v16;
	v22 =	vld.idx.msk [tilespmem:v34+s15+$0x0], $0xffff  }
0x8f: {  	v19 =	vadd.s32 v8, v19;
	v25 =	vor.u32 v0, v24;
	v23 =	vld.idx.msk [tilespmem:v31+s15+$0x0], $0xffff  }
0x90: {  	v26 =	vor.u32 v9, v24;
	v21 =	vld.idx.msk [tilespmem:v21+s15+$0x0], $0xffff  }
0x91: {  	v27 =	vor.u32 v10, v24;
	v18 =	vld.idx.msk [tilespmem:v18+s15+$0x0], $0xffff  }
0x92: {  	v28 =	vor.u32 v11, v24;
	v17 =	vld.idx.msk [tilespmem:v17+s15+$0x0], $0xffff  }
0x93: {  	v29 =	vor.u32 v12, v24;
	v16 =	vld.idx.msk [tilespmem:v16+s15+$0x0], $0xffff  }
0x94: {  	v30 =	vor.u32 v13, v24;
	v19 =	vld.idx.msk [tilespmem:v19+s15+$0x0], $0xffff;
	[tilespmem:v25+s21+$0x0] =	vst.idx.msk $0xffff, v23  }
0x95: {  	v23 =	vor.u32 v14, v24;
	[tilespmem:v26+s21+$0x0] =	vst.idx.msk $0xffff, v22  }
0x96: {  	v22 =	vor.u32 v15, v24;
	[tilespmem:v27+s21+$0x0] =	vst.idx.msk $0xffff, v20  }
0x97: {  	[tilespmem:v28+s21+$0x0] =	vst.idx.msk $0xffff, v21  }
0x98: {  	s3 =	sshll.u32 s0, $0x14;
	[tilespmem:v29+s21+$0x0] =	vst.idx.msk $0xffff, v17  }
0x99: {  	s3 =	sor.u32 s4, s3;
	[tilespmem:v30+s21+$0x0] =	vst.idx.msk $0xffff, v16  }
0x9a: {  	s1 =	sor.u32 $0x3, s1;
	s14 =	sshrl.u32 s3, $0x3;
	[tilespmem:v23+s21+$0x0] =	vst.idx.msk $0xffff, v18  }
0x9b: {  	s6 =	sshll.u32 s1, $0x7;
	s3 =	sadd.s32 s2, s14;
	[tilespmem:v22+s21+$0x0] =	vst.idx.msk $0xffff, v19  }
0x9c: {  	[hbm4b:s3+s10] =	stream.strided.scatter [tilespmem:s21], [sflag:$0x5], $0x2000, s11, s10, $0x38;
	[tilespmem:$0x1A800] =	vst v63  }
0x9d: {  	s3 =	sand.u32 $0x3FFFFF80, s6  }
0x9e: {  	v16 =	vld [tilespmem:s3+$0x0];
	_ =	sdelay $0x4  }
0x9f: {  	v17 =	vshrl.u32 v16, $0x1;
	v16 =	vshll.u32 v16, $0x6  }
0xa0: {  	[tilespmem:$0x6580] =	vst v17;
	v16 =	vand.u32 $0x40, v16  }
0xa1: {  	[tilespmem:$0x6780] =	vst v16  }
0xa2: {  	v16 =	vld [tilespmem:s3+$0x10];
	_ =	sdelay $0x4  }
0xa3: {  	v17 =	vshrl.u32 v16, $0x1;
	v16 =	vshll.u32 v16, $0x6  }
0xa4: {  	[tilespmem:$0x6590] =	vst v17;
	v16 =	vand.u32 $0x40, v16  }
0xa5: {  	[tilespmem:$0x6790] =	vst v16  }
0xa6: {  	v16 =	vld [tilespmem:s3+$0x20];
	_ =	sdelay $0x4  }
0xa7: {  	v17 =	vshrl.u32 v16, $0x1;
	v16 =	vshll.u32 v16, $0x6  }
0xa8: {  	[tilespmem:$0x65A0] =	vst v17;
	v16 =	vand.u32 $0x40, v16  }
0xa9: {  	[tilespmem:$0x67A0] =	vst v16  }
0xaa: {  	v16 =	vld [tilespmem:s3+$0x30];
	_ =	sdelay $0x4  }
0xab: {  	v17 =	vshrl.u32 v16, $0x1;
	v16 =	vshll.u32 v16, $0x6  }
0xac: {  	[tilespmem:$0x65B0] =	vst v17;
	v16 =	vand.u32 $0x40, v16  }
0xad: {  	[tilespmem:$0x67B0] =	vst v16  }
0xae: {  	v16 =	vld [tilespmem:s3+$0x40];
	_ =	sdelay $0x4  }
0xaf: {  	v17 =	vshrl.u32 v16, $0x1;
	v16 =	vshll.u32 v16, $0x6  }
0xb0: {  	[tilespmem:$0x65C0] =	vst v17;
	v16 =	vand.u32 $0x40, v16  }
0xb1: {  	[tilespmem:$0x67C0] =	vst v16  }
0xb2: {  	v16 =	vld [tilespmem:s3+$0x50];
	_ =	sdelay $0x4  }
0xb3: {  	v17 =	vshrl.u32 v16, $0x1;
	v16 =	vshll.u32 v16, $0x6  }
0xb4: {  	[tilespmem:$0x65D0] =	vst v17;
	v16 =	vand.u32 $0x40, v16  }
0xb5: {  	[tilespmem:$0x67D0] =	vst v16  }
0xb6: {  	v16 =	vld [tilespmem:s3+$0x60];
	_ =	sdelay $0x4  }
0xb7: {  	v17 =	vshrl.u32 v16, $0x1;
	v16 =	vshll.u32 v16, $0x6  }
0xb8: {  	[tilespmem:$0x65E0] =	vst v17;
	v16 =	vand.u32 $0x40, v16  }
0xb9: {  	[tilespmem:$0x67E0] =	vst v16  }
0xba: {  	v16 =	vld [tilespmem:s3+$0x70];
	_ =	sdelay $0x4  }
0xbb: {  	v17 =	vshrl.u32 v16, $0x1;
	v16 =	vshll.u32 v16, $0x6  }
0xbc: {  	[tilespmem:$0x65F0] =	vst v17;
	v16 =	vand.u32 $0x40, v16  }
0xbd: {  	[tilespmem:$0x67F0] =	vst v16  }
0xbe: {  	[tilespmem:s23], [sflag:$0x4] =	stream.indirect.gather [hbm4b:s5+s13], $0x80, s22, s13, $0xb8;
	[tilespmem:$0x1A800] =	vst v63  }
0xbf: {  	_ =	swait.ge [sflag:s24], $0x4000  }
0xc0: {  	[sflag:s24] =	ssyncset.done $0x0  }
0xc1: {  	[sflag:s24] =	ssyncadd.s32 $0xFFFFC000  }
0xc2: {  	v20 =	vld [tilespmem:$0x66A0]  }
0xc3: {  	v21 =	vld [tilespmem:$0x6690]  }
0xc4: {  	s9 =	simm.s32 $0x0;
	v22 =	vld [tilespmem:$0x6680]  }
0xc5: {  	v16 =	vadd.s32 s9, v0;
	v23 =	vld [tilespmem:$0x66B0]  }
0xc6: {  	v24 =	vand.u32 $0x3F, v16;
	v19 =	vld [tilespmem:$0x66E0]  }
0xc7: {  	v18 =	vld [tilespmem:$0x66C0];
	v17 =	vadd.s32 v20, v24  }
0xc8: {  	v16 =	vld [tilespmem:$0x66D0];
	v25 =	vadd.s32 v21, v24;
	v26 =	vadd.s32 v3, v17  }
0xc9: {  	s3 =	simm.s32 @!p0 $0x6;
	v27 =	vadd.s32 v22, v24;
	v17 =	vld [tilespmem:$0x66F0];
	v25 =	vadd.s32 v2, v25  }
0xca: {  	v28 =	vadd.s32 v23, v24;
	_ =	swait.ge @!p0 [sflag:s3], $0x2000;
	v27 =	vadd.s32 v1, v27  }
0xcb: {  	v29 =	vadd.s32 v19, v24;
	v28 =	vadd.s32 v4, v28;
	[sflag:s3] =	ssyncset.done @!p0 $0x0  }
0xcc: {  	v30 =	vadd.s32 v18, v24;
	v29 =	vadd.s32 v7, v29;
	[sflag:s3] =	ssyncadd.s32 @!p0 $0xFFFFE000  }
0xcd: {  	v31 =	vadd.s32 v16, v24;
	v30 =	vadd.s32 v5, v30;
	v40 =	vld.idx.msk [tilespmem:v26+s17+$0x0], $0xffff  }
0xce: {  	v31 =	vadd.s32 v6, v31;
	v26 =	vadd.s32 v17, v24;
	v60 =	vld.idx.msk [tilespmem:v25+s17+$0x0], $0xffff;
	v24 =	vshll.u32 v24, $0x7  }
0xcf: {  	v62 =	vld.idx.msk [tilespmem:v27+s17+$0x0], $0xffff;
	v61 =	vadd.s32 v8, v26;
	v41 =	vor.u32 v0, v24  }
0xd0: {  	s16 =	simm.s32 $0x1;
	v27 =	vld.idx.msk [tilespmem:v28+s17+$0x0], $0xffff;
	v42 =	vor.u32 v9, v24  }
0xd1: {  	v25 =	vld.idx.msk [tilespmem:v29+s17+$0x0], $0xffff;
	v28 =	vadd.s32 s16, v0;
	v43 =	vor.u32 v10, v24  }
0xd2: {  	v30 =	vld.idx.msk [tilespmem:v30+s17+$0x0], $0xffff;
	v26 =	vor.u32 v15, v24;
	v36 =	vor.u32 v11, v24;
	v32 =	vor.u32 v14, v24  }
0xd3: {  	v33 =	vld.idx.msk [tilespmem:v31+s17+$0x0], $0xffff;
	v28 =	vand.u32 $0x3F, v28;
	v37 =	vor.u32 v12, v24;
	v35 =	vor.u32 v13, v24  }
0xd4: {  	v24 =	vadd.s32 v22, v28;
	v63 =	vadd.s32 v21, v28;
	v29 =	vld.idx.msk [tilespmem:v61+s17+$0x0], $0xffff;
	[tilespmem:v41+s25+$0x0] =	vst.idx.msk $0xffff, v62  }
0xd5: {  	v39 =	vadd.s32 v20, v28;
	v38 =	vadd.s32 v23, v28;
	[tilespmem:v42+s25+$0x0] =	vst.idx.msk $0xffff, v60  }
0xd6: {  	s16 =	simm.s32 $0x2;
	v31 =	vadd.s32 v1, v24;
	v34 =	vadd.s32 v2, v63;
	v24 =	vshll.u32 v28, $0x7;
	[tilespmem:v43+s25+$0x0] =	vst.idx.msk $0xffff, v40  }
.LBB2_5:
0xd7: {  	p0 =	sne.s32 s16, $0x3F;
	v39 =	vadd.s32 v3, v39;
	v40 =	vadd.s32 v18, v28;
	[tilespmem:v36+s25+$0x0] =	vst.idx.msk $0xffff, v27;
	s3 =	smov.u32 s16;
	s16 =	sadd.s32 $0x1, s16  }
0xd8: {  	v27 =	vadd.s32 v4, v38;
	v36 =	vadd.s32 v5, v40;
	[tilespmem:v37+s25+$0x0] =	vst.idx.msk $0xffff, v30  }
0xd9: {  	v30 =	vadd.s32 v16, v28;
	v37 =	vadd.s32 v19, v28;
	[tilespmem:v35+s25+$0x0] =	vst.idx.msk $0xffff, v33  }
0xda: {  	v28 =	vadd.s32 v17, v28;
	v33 =	vadd.s32 v7, v37;
	[tilespmem:v32+s25+$0x0] =	vst.idx.msk $0xffff, v25  }
0xdb: {  	v35 =	vadd.s32 v8, v28;
	v32 =	vadd.s32 v6, v30;
	[tilespmem:v26+s25+$0x0] =	vst.idx.msk $0xffff, v29  }
0xdc: {  	v40 =	vld.idx.msk [tilespmem:v39+s17+$0x0], $0xffff  }
0xdd: {  	v38 =	vld.idx.msk [tilespmem:v34+s17+$0x0], $0xffff  }
0xde: {  	v31 =	vld.idx.msk [tilespmem:v31+s17+$0x0], $0xffff  }
0xdf: {  	v34 =	vor.u32 v0, v24;
	v27 =	vld.idx.msk [tilespmem:v27+s17+$0x0], $0xffff  }
0xe0: {  	v39 =	vor.u32 v9, v24;
	v25 =	vld.idx.msk [tilespmem:v33+s17+$0x0], $0xffff  }
0xe1: {  	v41 =	vor.u32 v10, v24;
	v26 =	vor.u32 v15, v24;
	v30 =	vld.idx.msk [tilespmem:v36+s17+$0x0], $0xffff  }
.Ltmp3:
0xe2: {  	v28 =	vadd.s32 s3, v0;
	v36 =	vor.u32 v11, v24;
	v33 =	vld.idx.msk [tilespmem:v32+s17+$0x0], $0xffff;
	v32 =	vor.u32 v14, v24;
	(pc) =	sbr.rel @p0 .LBB2_5-.Ltmp3, $4  }
0xe3: {  	v37 =	vor.u32 v12, v24;
	v28 =	vand.u32 $0x3F, v28;
	v29 =	vld.idx.msk [tilespmem:v35+s17+$0x0], $0xffff;
	v35 =	vor.u32 v13, v24  }
0xe4: {  	v42 =	vadd.s32 v22, v28;
	v43 =	vadd.s32 v21, v28;
	v24 =	vshll.u32 v28, $0x7;
	[tilespmem:v34+s25+$0x0] =	vst.idx.msk $0xffff, v31  }
0xe5: {  	v31 =	vadd.s32 v1, v42;
	v34 =	vadd.s32 v2, v43;
	[tilespmem:v39+s25+$0x0] =	vst.idx.msk $0xffff, v38  }
0xe6: {  	v39 =	vadd.s32 v20, v28;
	v38 =	vadd.s32 v23, v28;
	[tilespmem:v41+s25+$0x0] =	vst.idx.msk $0xffff, v40  }
0xe7: {  	_ =	sdelay $0x3  }
0xe8: {  	v20 =	vadd.s32 v3, v39;
	[tilespmem:v36+s25+$0x0] =	vst.idx.msk $0xffff, v27  }
0xe9: {  	[tilespmem:v37+s25+$0x0] =	vst.idx.msk $0xffff, v30  }
0xea: {  	[tilespmem:v35+s25+$0x0] =	vst.idx.msk $0xffff, v33  }
0xeb: {  	v21 =	vadd.s32 v4, v38;
	v19 =	vadd.s32 v19, v28;
	[tilespmem:v32+s25+$0x0] =	vst.idx.msk $0xffff, v25  }
0xec: {  	v18 =	vadd.s32 v18, v28;
	v19 =	vadd.s32 v7, v19;
	[tilespmem:v26+s25+$0x0] =	vst.idx.msk $0xffff, v29  }
0xed: {  	v16 =	vadd.s32 v16, v28;
	v18 =	vadd.s32 v5, v18;
	v20 =	vld.idx.msk [tilespmem:v20+s17+$0x0], $0xffff  }
0xee: {  	v17 =	vadd.s32 v17, v28;
	v16 =	vadd.s32 v6, v16;
	v22 =	vld.idx.msk [tilespmem:v34+s17+$0x0], $0xffff  }
0xef: {  	v17 =	vadd.s32 v8, v17;
	v25 =	vor.u32 v0, v24;
	v23 =	vld.idx.msk [tilespmem:v31+s17+$0x0], $0xffff  }
0xf0: {  	v26 =	vor.u32 v9, v24;
	v21 =	vld.idx.msk [tilespmem:v21+s17+$0x0], $0xffff  }
0xf1: {  	v27 =	vor.u32 v10, v24;
	v19 =	vld.idx.msk [tilespmem:v19+s17+$0x0], $0xffff  }
0xf2: {  	v28 =	vor.u32 v11, v24;
	v18 =	vld.idx.msk [tilespmem:v18+s17+$0x0], $0xffff  }
0xf3: {  	v29 =	vor.u32 v12, v24;
	v16 =	vld.idx.msk [tilespmem:v16+s17+$0x0], $0xffff  }
0xf4: {  	v30 =	vor.u32 v13, v24;
	v17 =	vld.idx.msk [tilespmem:v17+s17+$0x0], $0xffff;
	[tilespmem:v25+s25+$0x0] =	vst.idx.msk $0xffff, v23  }
0xf5: {  	v23 =	vor.u32 v14, v24;
	[tilespmem:v26+s25+$0x0] =	vst.idx.msk $0xffff, v22  }
0xf6: {  	v22 =	vor.u32 v15, v24;
	[tilespmem:v27+s25+$0x0] =	vst.idx.msk $0xffff, v20  }
0xf7: {  	[tilespmem:v28+s25+$0x0] =	vst.idx.msk $0xffff, v21  }
0xf8: {  	[tilespmem:v29+s25+$0x0] =	vst.idx.msk $0xffff, v18  }
0xf9: {  	[tilespmem:v30+s25+$0x0] =	vst.idx.msk $0xffff, v16  }
0xfa: {  	[tilespmem:v23+s25+$0x0] =	vst.idx.msk $0xffff, v19  }
0xfb: {  	s3 =	sadd.s32 s14, s7;
	p0 =	seq.s32 s0, $0x31;
	[tilespmem:v22+s25+$0x0] =	vst.idx.msk $0xffff, v17  }
0xfc: {  	[hbm4b:s3+s10] =	stream.strided.scatter [tilespmem:s25], [sflag:$0x6], $0x2000, s11, s10, $0x38;
	[tilespmem:$0x1A800] =	vst v63  }
0xfd: {  	s3 =	sshll.u32 @!p0 s0, $0x9  }
0xfe: {  	s16 =	sand.u32 @!p0 $0x3FFFFE00, s3  }
0xff: {  	v16 =	vld @!p0 [tilespmem:s16+$0x200];
	_ =	sdelay $0x4  }
0x100: {  	v17 =	vshrl.u32 @!p0 v16, $0x1;
	v16 =	vshll.u32 @!p0 v16, $0x6  }
0x101: {  	[tilespmem:$0x6400] =	vst @!p0 v17;
	v16 =	vand.u32 @!p0 $0x40, v16  }
0x102: {  	[tilespmem:$0x6600] =	vst @!p0 v16  }
0x103: {  	v16 =	vld @!p0 [tilespmem:s16+$0x210];
	_ =	sdelay $0x4  }
0x104: {  	v17 =	vshrl.u32 @!p0 v16, $0x1;
	v16 =	vshll.u32 @!p0 v16, $0x6  }
0x105: {  	[tilespmem:$0x6410] =	vst @!p0 v17;
	v16 =	vand.u32 @!p0 $0x40, v16  }
0x106: {  	[tilespmem:$0x6610] =	vst @!p0 v16  }
0x107: {  	v16 =	vld @!p0 [tilespmem:s16+$0x220];
	_ =	sdelay $0x4  }
0x108: {  	v17 =	vshrl.u32 @!p0 v16, $0x1;
	v16 =	vshll.u32 @!p0 v16, $0x6  }
0x109: {  	[tilespmem:$0x6420] =	vst @!p0 v17;
	v16 =	vand.u32 @!p0 $0x40, v16  }
0x10a: {  	[tilespmem:$0x6620] =	vst @!p0 v16  }
0x10b: {  	v16 =	vld @!p0 [tilespmem:s16+$0x230];
	_ =	sdelay $0x4  }
0x10c: {  	v17 =	vshrl.u32 @!p0 v16, $0x1;
	v16 =	vshll.u32 @!p0 v16, $0x6  }
0x10d: {  	[tilespmem:$0x6430] =	vst @!p0 v17;
	v16 =	vand.u32 @!p0 $0x40, v16  }
0x10e: {  	[tilespmem:$0x6630] =	vst @!p0 v16  }
0x10f: {  	v16 =	vld @!p0 [tilespmem:s16+$0x240];
	_ =	sdelay $0x4  }
0x110: {  	v17 =	vshrl.u32 @!p0 v16, $0x1;
	v16 =	vshll.u32 @!p0 v16, $0x6  }
0x111: {  	[tilespmem:$0x6440] =	vst @!p0 v17;
	v16 =	vand.u32 @!p0 $0x40, v16  }
0x112: {  	[tilespmem:$0x6640] =	vst @!p0 v16  }
0x113: {  	v16 =	vld @!p0 [tilespmem:s16+$0x250];
	_ =	sdelay $0x4  }
0x114: {  	v17 =	vshrl.u32 @!p0 v16, $0x1;
	v16 =	vshll.u32 @!p0 v16, $0x6  }
0x115: {  	[tilespmem:$0x6450] =	vst @!p0 v17;
	v16 =	vand.u32 @!p0 $0x40, v16  }
0x116: {  	[tilespmem:$0x6650] =	vst @!p0 v16  }
0x117: {  	v16 =	vld @!p0 [tilespmem:s16+$0x260];
	_ =	sdelay $0x4  }
0x118: {  	v17 =	vshrl.u32 @!p0 v16, $0x1;
	v16 =	vshll.u32 @!p0 v16, $0x6  }
0x119: {  	[tilespmem:$0x6460] =	vst @!p0 v17;
	v16 =	vand.u32 @!p0 $0x40, v16  }
0x11a: {  	[tilespmem:$0x6660] =	vst @!p0 v16  }
0x11b: {  	v16 =	vld @!p0 [tilespmem:s16+$0x270];
	_ =	sdelay $0x4  }
0x11c: {  	v17 =	vshrl.u32 @!p0 v16, $0x1;
	v16 =	vshll.u32 @!p0 v16, $0x6  }
0x11d: {  	[tilespmem:$0x6470] =	vst @!p0 v17;
	v16 =	vand.u32 @!p0 $0x40, v16  }
0x11e: {  	s6 =	simm.s32 @!p0 $0x6400;
	s9 =	simm.s32 @!p0 $0x6800;
	s3 =	simm.s32 @!p0 $0x80;
	[tilespmem:$0x6670] =	vst @!p0 v16  }
0x11f: {  	[tilespmem:s9], [sflag:$0x1] =	stream.indirect.gather @!p0 [hbm4b:s5+s3], $0x80, s6, s3, $0xb8;
	[tilespmem:$0x1A800] =	vst v63  }
0x120: {  	_ =	swait.ge [sflag:s26], $0x4000  }
0x121: {  	[sflag:s26] =	ssyncset.done $0x0  }
0x122: {  	[sflag:s26] =	ssyncadd.s32 $0xFFFFC000  }
0x123: {  	v20 =	vld [tilespmem:$0x6720]  }
0x124: {  	v21 =	vld [tilespmem:$0x6710]  }
0x125: {  	s6 =	simm.s32 $0x0;
	v22 =	vld [tilespmem:$0x6700]  }
0x126: {  	v16 =	vadd.s32 s6, v0;
	v23 =	vld [tilespmem:$0x6730]  }
0x127: {  	v24 =	vand.u32 $0x3F, v16;
	v19 =	vld [tilespmem:$0x6760]  }
0x128: {  	v18 =	vld [tilespmem:$0x6740];
	v17 =	vadd.s32 v20, v24  }
0x129: {  	v16 =	vld [tilespmem:$0x6750];
	v25 =	vadd.s32 v21, v24;
	v26 =	vadd.s32 v3, v17  }
0x12a: {  	v27 =	vadd.s32 v22, v24;
	v17 =	vld [tilespmem:$0x6770];
	v25 =	vadd.s32 v2, v25  }
0x12b: {  	v28 =	vadd.s32 v23, v24;
	_ =	swait.ge [sflag:s28], $0x2000;
	v27 =	vadd.s32 v1, v27  }
0x12c: {  	v29 =	vadd.s32 v19, v24;
	v28 =	vadd.s32 v4, v28;
	[sflag:s28] =	ssyncset.done $0x0  }
0x12d: {  	v30 =	vadd.s32 v18, v24;
	v29 =	vadd.s32 v7, v29;
	[sflag:s28] =	ssyncadd.s32 $0xFFFFE000  }
0x12e: {  	v31 =	vadd.s32 v16, v24;
	v30 =	vadd.s32 v5, v30;
	v40 =	vld.idx.msk [tilespmem:v26+s19+$0x0], $0xffff  }
0x12f: {  	v31 =	vadd.s32 v6, v31;
	v26 =	vadd.s32 v17, v24;
	v60 =	vld.idx.msk [tilespmem:v25+s19+$0x0], $0xffff;
	v24 =	vshll.u32 v24, $0x7  }
0x130: {  	v62 =	vld.idx.msk [tilespmem:v27+s19+$0x0], $0xffff;
	v61 =	vadd.s32 v8, v26;
	v41 =	vor.u32 v0, v24  }
0x131: {  	s9 =	simm.s32 $0x1;
	v27 =	vld.idx.msk [tilespmem:v28+s19+$0x0], $0xffff;
	v42 =	vor.u32 v9, v24  }
0x132: {  	v25 =	vld.idx.msk [tilespmem:v29+s19+$0x0], $0xffff;
	v28 =	vadd.s32 s9, v0;
	v43 =	vor.u32 v10, v24  }
0x133: {  	v30 =	vld.idx.msk [tilespmem:v30+s19+$0x0], $0xffff;
	v26 =	vor.u32 v15, v24;
	v36 =	vor.u32 v11, v24;
	v32 =	vor.u32 v14, v24  }
0x134: {  	v33 =	vld.idx.msk [tilespmem:v31+s19+$0x0], $0xffff;
	v28 =	vand.u32 $0x3F, v28;
	v37 =	vor.u32 v12, v24;
	v35 =	vor.u32 v13, v24  }
0x135: {  	v24 =	vadd.s32 v22, v28;
	v63 =	vadd.s32 v21, v28;
	v29 =	vld.idx.msk [tilespmem:v61+s19+$0x0], $0xffff;
	[tilespmem:v41+s21+$0x0] =	vst.idx.msk $0xffff, v62  }
0x136: {  	v39 =	vadd.s32 v20, v28;
	v38 =	vadd.s32 v23, v28;
	[tilespmem:v42+s21+$0x0] =	vst.idx.msk $0xffff, v60  }
0x137: {  	s3 =	simm.s32 $0x2;
	v31 =	vadd.s32 v1, v24;
	v34 =	vadd.s32 v2, v63;
	v24 =	vshll.u32 v28, $0x7;
	[tilespmem:v43+s21+$0x0] =	vst.idx.msk $0xffff, v40  }
.LBB2_7:
0x138: {  	p1 =	sne.s32 s3, $0x3F;
	v39 =	vadd.s32 v3, v39;
	v40 =	vadd.s32 v18, v28;
	[tilespmem:v36+s21+$0x0] =	vst.idx.msk $0xffff, v27;
	s6 =	smov.u32 s3;
	s3 =	sadd.s32 $0x1, s3  }
0x139: {  	v27 =	vadd.s32 v4, v38;
	v36 =	vadd.s32 v5, v40;
	[tilespmem:v37+s21+$0x0] =	vst.idx.msk $0xffff, v30  }
0x13a: {  	v30 =	vadd.s32 v16, v28;
	v37 =	vadd.s32 v19, v28;
	[tilespmem:v35+s21+$0x0] =	vst.idx.msk $0xffff, v33  }
0x13b: {  	v28 =	vadd.s32 v17, v28;
	v33 =	vadd.s32 v7, v37;
	[tilespmem:v32+s21+$0x0] =	vst.idx.msk $0xffff, v25  }
0x13c: {  	v35 =	vadd.s32 v8, v28;
	v32 =	vadd.s32 v6, v30;
	[tilespmem:v26+s21+$0x0] =	vst.idx.msk $0xffff, v29  }
0x13d: {  	v40 =	vld.idx.msk [tilespmem:v39+s19+$0x0], $0xffff  }
0x13e: {  	v38 =	vld.idx.msk [tilespmem:v34+s19+$0x0], $0xffff  }
0x13f: {  	v31 =	vld.idx.msk [tilespmem:v31+s19+$0x0], $0xffff  }
0x140: {  	v34 =	vor.u32 v0, v24;
	v27 =	vld.idx.msk [tilespmem:v27+s19+$0x0], $0xffff  }
0x141: {  	v39 =	vor.u32 v9, v24;
	v25 =	vld.idx.msk [tilespmem:v33+s19+$0x0], $0xffff  }
0x142: {  	v41 =	vor.u32 v10, v24;
	v26 =	vor.u32 v15, v24;
	v30 =	vld.idx.msk [tilespmem:v36+s19+$0x0], $0xffff  }
.Ltmp4:
0x143: {  	v28 =	vadd.s32 s6, v0;
	v36 =	vor.u32 v11, v24;
	v33 =	vld.idx.msk [tilespmem:v32+s19+$0x0], $0xffff;
	v32 =	vor.u32 v14, v24;
	(pc) =	sbr.rel @p1 .LBB2_7-.Ltmp4, $4  }
0x144: {  	v37 =	vor.u32 v12, v24;
	v28 =	vand.u32 $0x3F, v28;
	v29 =	vld.idx.msk [tilespmem:v35+s19+$0x0], $0xffff;
	v35 =	vor.u32 v13, v24  }
0x145: {  	v42 =	vadd.s32 v22, v28;
	v43 =	vadd.s32 v21, v28;
	v24 =	vshll.u32 v28, $0x7;
	[tilespmem:v34+s21+$0x0] =	vst.idx.msk $0xffff, v31  }
0x146: {  	v31 =	vadd.s32 v1, v42;
	v34 =	vadd.s32 v2, v43;
	[tilespmem:v39+s21+$0x0] =	vst.idx.msk $0xffff, v38  }
0x147: {  	v39 =	vadd.s32 v20, v28;
	v38 =	vadd.s32 v23, v28;
	[tilespmem:v41+s21+$0x0] =	vst.idx.msk $0xffff, v40  }
0x148: {  	_ =	sdelay $0x3  }
0x149: {  	v20 =	vadd.s32 v3, v39;
	[tilespmem:v36+s21+$0x0] =	vst.idx.msk $0xffff, v27  }
0x14a: {  	[tilespmem:v37+s21+$0x0] =	vst.idx.msk $0xffff, v30  }
0x14b: {  	[tilespmem:v35+s21+$0x0] =	vst.idx.msk $0xffff, v33  }
0x14c: {  	v21 =	vadd.s32 v4, v38;
	v19 =	vadd.s32 v19, v28;
	[tilespmem:v32+s21+$0x0] =	vst.idx.msk $0xffff, v25  }
0x14d: {  	v18 =	vadd.s32 v18, v28;
	v19 =	vadd.s32 v7, v19;
	[tilespmem:v26+s21+$0x0] =	vst.idx.msk $0xffff, v29  }
0x14e: {  	v16 =	vadd.s32 v16, v28;
	v18 =	vadd.s32 v5, v18;
	v20 =	vld.idx.msk [tilespmem:v20+s19+$0x0], $0xffff  }
0x14f: {  	v17 =	vadd.s32 v17, v28;
	v16 =	vadd.s32 v6, v16;
	v22 =	vld.idx.msk [tilespmem:v34+s19+$0x0], $0xffff  }
0x150: {  	v17 =	vadd.s32 v8, v17;
	v25 =	vor.u32 v0, v24;
	v23 =	vld.idx.msk [tilespmem:v31+s19+$0x0], $0xffff  }
0x151: {  	v26 =	vor.u32 v9, v24;
	v21 =	vld.idx.msk [tilespmem:v21+s19+$0x0], $0xffff  }
0x152: {  	v27 =	vor.u32 v10, v24;
	v19 =	vld.idx.msk [tilespmem:v19+s19+$0x0], $0xffff  }
0x153: {  	v28 =	vor.u32 v11, v24;
	v18 =	vld.idx.msk [tilespmem:v18+s19+$0x0], $0xffff  }
0x154: {  	v29 =	vor.u32 v12, v24;
	v16 =	vld.idx.msk [tilespmem:v16+s19+$0x0], $0xffff  }
0x155: {  	v30 =	vor.u32 v13, v24;
	v17 =	vld.idx.msk [tilespmem:v17+s19+$0x0], $0xffff;
	[tilespmem:v25+s21+$0x0] =	vst.idx.msk $0xffff, v23  }
0x156: {  	v23 =	vor.u32 v14, v24;
	[tilespmem:v26+s21+$0x0] =	vst.idx.msk $0xffff, v22  }
0x157: {  	v22 =	vor.u32 v15, v24;
	[tilespmem:v27+s21+$0x0] =	vst.idx.msk $0xffff, v20  }
0x158: {  	[tilespmem:v28+s21+$0x0] =	vst.idx.msk $0xffff, v21  }
0x159: {  	[tilespmem:v29+s21+$0x0] =	vst.idx.msk $0xffff, v18  }
0x15a: {  	[tilespmem:v30+s21+$0x0] =	vst.idx.msk $0xffff, v16  }
0x15b: {  	[tilespmem:v23+s21+$0x0] =	vst.idx.msk $0xffff, v19  }
0x15c: {  	s3 =	sadd.s32 s14, s8;
	[tilespmem:v22+s21+$0x0] =	vst.idx.msk $0xffff, v17  }
0x15d: {  	[hbm4b:s3+s10] =	stream.strided.scatter [tilespmem:s21], [sflag:$0x5], $0x2000, s11, s10, $0x38;
	[tilespmem:$0x1A800] =	vst v63  }
0x15e: {  	v16 =	vld @!p0 [tilespmem:s16+$0x280];
	_ =	sdelay $0x4  }
0x15f: {  	v17 =	vshrl.u32 @!p0 v16, $0x1;
	v16 =	vshll.u32 @!p0 v16, $0x6  }
0x160: {  	[tilespmem:$0x6480] =	vst @!p0 v17;
	v16 =	vand.u32 @!p0 $0x40, v16  }
0x161: {  	[tilespmem:$0x6680] =	vst @!p0 v16  }
0x162: {  	v16 =	vld @!p0 [tilespmem:s16+$0x290];
	_ =	sdelay $0x4  }
0x163: {  	v17 =	vshrl.u32 @!p0 v16, $0x1;
	v16 =	vshll.u32 @!p0 v16, $0x6  }
0x164: {  	[tilespmem:$0x6490] =	vst @!p0 v17;
	v16 =	vand.u32 @!p0 $0x40, v16  }
0x165: {  	[tilespmem:$0x6690] =	vst @!p0 v16  }
0x166: {  	v16 =	vld @!p0 [tilespmem:s16+$0x2A0];
	_ =	sdelay $0x4  }
0x167: {  	v17 =	vshrl.u32 @!p0 v16, $0x1;
	v16 =	vshll.u32 @!p0 v16, $0x6  }
0x168: {  	[tilespmem:$0x64A0] =	vst @!p0 v17;
	v16 =	vand.u32 @!p0 $0x40, v16  }
0x169: {  	[tilespmem:$0x66A0] =	vst @!p0 v16  }
0x16a: {  	v16 =	vld @!p0 [tilespmem:s16+$0x2B0];
	_ =	sdelay $0x4  }
0x16b: {  	v17 =	vshrl.u32 @!p0 v16, $0x1;
	v16 =	vshll.u32 @!p0 v16, $0x6  }
0x16c: {  	[tilespmem:$0x64B0] =	vst @!p0 v17;
	v16 =	vand.u32 @!p0 $0x40, v16  }
0x16d: {  	[tilespmem:$0x66B0] =	vst @!p0 v16  }
0x16e: {  	v16 =	vld @!p0 [tilespmem:s16+$0x2C0];
	_ =	sdelay $0x4  }
0x16f: {  	v17 =	vshrl.u32 @!p0 v16, $0x1;
	v16 =	vshll.u32 @!p0 v16, $0x6  }
0x170: {  	[tilespmem:$0x64C0] =	vst @!p0 v17;
	v16 =	vand.u32 @!p0 $0x40, v16  }
0x171: {  	[tilespmem:$0x66C0] =	vst @!p0 v16  }
0x172: {  	v16 =	vld @!p0 [tilespmem:s16+$0x2D0];
	_ =	sdelay $0x4  }
0x173: {  	v17 =	vshrl.u32 @!p0 v16, $0x1;
	v16 =	vshll.u32 @!p0 v16, $0x6  }
0x174: {  	[tilespmem:$0x64D0] =	vst @!p0 v17;
	v16 =	vand.u32 @!p0 $0x40, v16  }
0x175: {  	[tilespmem:$0x66D0] =	vst @!p0 v16  }
0x176: {  	v16 =	vld @!p0 [tilespmem:s16+$0x2E0];
	_ =	sdelay $0x4  }
0x177: {  	v17 =	vshrl.u32 @!p0 v16, $0x1;
	v16 =	vshll.u32 @!p0 v16, $0x6  }
0x178: {  	[tilespmem:$0x64E0] =	vst @!p0 v17;
	v16 =	vand.u32 @!p0 $0x40, v16  }
0x179: {  	[tilespmem:$0x66E0] =	vst @!p0 v16  }
0x17a: {  	v16 =	vld @!p0 [tilespmem:s16+$0x2F0];
	_ =	sdelay $0x4  }
0x17b: {  	v17 =	vshrl.u32 @!p0 v16, $0x1;
	v16 =	vshll.u32 @!p0 v16, $0x6  }
0x17c: {  	[tilespmem:$0x64F0] =	vst @!p0 v17;
	v16 =	vand.u32 @!p0 $0x40, v16  }
0x17d: {  	s6 =	simm.s32 @!p0 $0x6480;
	s9 =	simm.s32 @!p0 $0xA800;
	s3 =	simm.s32 @!p0 $0x80;
	[tilespmem:$0x66F0] =	vst @!p0 v16  }
0x17e: {  	[tilespmem:s9], [sflag:$0x2] =	stream.indirect.gather @!p0 [hbm4b:s5+s3], $0x80, s6, s3, $0xb8;
	[tilespmem:$0x1A800] =	vst v63  }
0x17f: {  	_ =	swait.ge [sflag:s29], $0x4000  }
0x180: {  	[sflag:s29] =	ssyncset.done $0x0  }
0x181: {  	[sflag:s29] =	ssyncadd.s32 $0xFFFFC000  }
0x182: {  	v20 =	vld [tilespmem:$0x67A0]  }
0x183: {  	v21 =	vld [tilespmem:$0x6790]  }
0x184: {  	s14 =	simm.s32 $0x0;
	v22 =	vld [tilespmem:$0x6780]  }
0x185: {  	v16 =	vadd.s32 s14, v0;
	v23 =	vld [tilespmem:$0x67B0]  }
0x186: {  	v24 =	vand.u32 $0x3F, v16;
	v19 =	vld [tilespmem:$0x67E0]  }
0x187: {  	v18 =	vld [tilespmem:$0x67C0];
	v17 =	vadd.s32 v20, v24  }
0x188: {  	v16 =	vld [tilespmem:$0x67D0];
	v25 =	vadd.s32 v21, v24;
	v26 =	vadd.s32 v3, v17  }
0x189: {  	v27 =	vadd.s32 v22, v24;
	v17 =	vld [tilespmem:$0x67F0];
	v25 =	vadd.s32 v2, v25  }
0x18a: {  	v28 =	vadd.s32 v23, v24;
	_ =	swait.ge [sflag:s30], $0x2000;
	v27 =	vadd.s32 v1, v27  }
0x18b: {  	v29 =	vadd.s32 v19, v24;
	v28 =	vadd.s32 v4, v28;
	[sflag:s30] =	ssyncset.done $0x0  }
0x18c: {  	v30 =	vadd.s32 v18, v24;
	v29 =	vadd.s32 v7, v29;
	[sflag:s30] =	ssyncadd.s32 $0xFFFFE000  }
0x18d: {  	v31 =	vadd.s32 v16, v24;
	v30 =	vadd.s32 v5, v30;
	v40 =	vld.idx.msk [tilespmem:v26+s23+$0x0], $0xffff  }
0x18e: {  	v31 =	vadd.s32 v6, v31;
	v26 =	vadd.s32 v17, v24;
	v60 =	vld.idx.msk [tilespmem:v25+s23+$0x0], $0xffff;
	v24 =	vshll.u32 v24, $0x7  }
0x18f: {  	v62 =	vld.idx.msk [tilespmem:v27+s23+$0x0], $0xffff;
	v61 =	vadd.s32 v8, v26;
	v41 =	vor.u32 v0, v24  }
0x190: {  	s16 =	simm.s32 $0x1;
	v27 =	vld.idx.msk [tilespmem:v28+s23+$0x0], $0xffff;
	v42 =	vor.u32 v9, v24  }
0x191: {  	v25 =	vld.idx.msk [tilespmem:v29+s23+$0x0], $0xffff;
	v28 =	vadd.s32 s16, v0;
	v43 =	vor.u32 v10, v24  }
0x192: {  	v30 =	vld.idx.msk [tilespmem:v30+s23+$0x0], $0xffff;
	v26 =	vor.u32 v15, v24;
	v36 =	vor.u32 v11, v24;
	v32 =	vor.u32 v14, v24  }
0x193: {  	v33 =	vld.idx.msk [tilespmem:v31+s23+$0x0], $0xffff;
	v28 =	vand.u32 $0x3F, v28;
	v37 =	vor.u32 v12, v24;
	v35 =	vor.u32 v13, v24  }
0x194: {  	v24 =	vadd.s32 v22, v28;
	v63 =	vadd.s32 v21, v28;
	v29 =	vld.idx.msk [tilespmem:v61+s23+$0x0], $0xffff;
	[tilespmem:v41+s25+$0x0] =	vst.idx.msk $0xffff, v62  }
0x195: {  	v39 =	vadd.s32 v20, v28;
	v38 =	vadd.s32 v23, v28;
	[tilespmem:v42+s25+$0x0] =	vst.idx.msk $0xffff, v60  }
0x196: {  	s3 =	simm.s32 $0x2;
	v31 =	vadd.s32 v1, v24;
	v34 =	vadd.s32 v2, v63;
	v24 =	vshll.u32 v28, $0x7;
	[tilespmem:v43+s25+$0x0] =	vst.idx.msk $0xffff, v40  }
.LBB2_9:
0x197: {  	p1 =	sne.s32 s3, $0x3F;
	v39 =	vadd.s32 v3, v39;
	v40 =	vadd.s32 v18, v28;
	[tilespmem:v36+s25+$0x0] =	vst.idx.msk $0xffff, v27;
	s6 =	smov.u32 s3;
	s3 =	sadd.s32 $0x1, s3  }
0x198: {  	v27 =	vadd.s32 v4, v38;
	v36 =	vadd.s32 v5, v40;
	[tilespmem:v37+s25+$0x0] =	vst.idx.msk $0xffff, v30  }
0x199: {  	v30 =	vadd.s32 v16, v28;
	v37 =	vadd.s32 v19, v28;
	[tilespmem:v35+s25+$0x0] =	vst.idx.msk $0xffff, v33  }
0x19a: {  	v28 =	vadd.s32 v17, v28;
	v33 =	vadd.s32 v7, v37;
	[tilespmem:v32+s25+$0x0] =	vst.idx.msk $0xffff, v25  }
0x19b: {  	v35 =	vadd.s32 v8, v28;
	v32 =	vadd.s32 v6, v30;
	[tilespmem:v26+s25+$0x0] =	vst.idx.msk $0xffff, v29  }
0x19c: {  	v40 =	vld.idx.msk [tilespmem:v39+s23+$0x0], $0xffff  }
0x19d: {  	v38 =	vld.idx.msk [tilespmem:v34+s23+$0x0], $0xffff  }
0x19e: {  	v31 =	vld.idx.msk [tilespmem:v31+s23+$0x0], $0xffff  }
0x19f: {  	v34 =	vor.u32 v0, v24;
	v27 =	vld.idx.msk [tilespmem:v27+s23+$0x0], $0xffff  }
0x1a0: {  	v39 =	vor.u32 v9, v24;
	v25 =	vld.idx.msk [tilespmem:v33+s23+$0x0], $0xffff  }
0x1a1: {  	v41 =	vor.u32 v10, v24;
	v26 =	vor.u32 v15, v24;
	v30 =	vld.idx.msk [tilespmem:v36+s23+$0x0], $0xffff  }
.Ltmp5:
0x1a2: {  	v28 =	vadd.s32 s6, v0;
	v36 =	vor.u32 v11, v24;
	v33 =	vld.idx.msk [tilespmem:v32+s23+$0x0], $0xffff;
	v32 =	vor.u32 v14, v24;
	(pc) =	sbr.rel @p1 .LBB2_9-.Ltmp5, $4  }
0x1a3: {  	v37 =	vor.u32 v12, v24;
	v28 =	vand.u32 $0x3F, v28;
	v29 =	vld.idx.msk [tilespmem:v35+s23+$0x0], $0xffff;
	v35 =	vor.u32 v13, v24  }
0x1a4: {  	v42 =	vadd.s32 v22, v28;
	v43 =	vadd.s32 v21, v28;
	v24 =	vshll.u32 v28, $0x7;
	[tilespmem:v34+s25+$0x0] =	vst.idx.msk $0xffff, v31  }
0x1a5: {  	v31 =	vadd.s32 v1, v42;
	v34 =	vadd.s32 v2, v43;
	[tilespmem:v39+s25+$0x0] =	vst.idx.msk $0xffff, v38  }
0x1a6: {  	v39 =	vadd.s32 v20, v28;
	v38 =	vadd.s32 v23, v28;
	[tilespmem:v41+s25+$0x0] =	vst.idx.msk $0xffff, v40  }
0x1a7: {  	_ =	sdelay $0x3  }
0x1a8: {  	v20 =	vadd.s32 v3, v39;
	[tilespmem:v36+s25+$0x0] =	vst.idx.msk $0xffff, v27  }
0x1a9: {  	[tilespmem:v37+s25+$0x0] =	vst.idx.msk $0xffff, v30  }
0x1aa: {  	[tilespmem:v35+s25+$0x0] =	vst.idx.msk $0xffff, v33  }
0x1ab: {  	v21 =	vadd.s32 v4, v38;
	v19 =	vadd.s32 v19, v28;
	[tilespmem:v32+s25+$0x0] =	vst.idx.msk $0xffff, v25  }
0x1ac: {  	v18 =	vadd.s32 v18, v28;
	v19 =	vadd.s32 v7, v19;
	[tilespmem:v26+s25+$0x0] =	vst.idx.msk $0xffff, v29  }
0x1ad: {  	v16 =	vadd.s32 v16, v28;
	v18 =	vadd.s32 v5, v18;
	v20 =	vld.idx.msk [tilespmem:v20+s23+$0x0], $0xffff  }
0x1ae: {  	v17 =	vadd.s32 v17, v28;
	v16 =	vadd.s32 v6, v16;
	v22 =	vld.idx.msk [tilespmem:v34+s23+$0x0], $0xffff  }
0x1af: {  	v56 =	vor.u32 v0, v24;
	v17 =	vadd.s32 v8, v17;
	v23 =	vld.idx.msk [tilespmem:v31+s23+$0x0], $0xffff  }
0x1b0: {  	v57 =	vor.u32 v9, v24;
	v21 =	vld.idx.msk [tilespmem:v21+s23+$0x0], $0xffff  }
0x1b1: {  	v58 =	vor.u32 v10, v24;
	v19 =	vld.idx.msk [tilespmem:v19+s23+$0x0], $0xffff  }
0x1b2: {  	v59 =	vor.u32 v11, v24;
	v18 =	vld.idx.msk [tilespmem:v18+s23+$0x0], $0xffff  }
0x1b3: {  	v60 =	vor.u32 v12, v24;
	v16 =	vld.idx.msk [tilespmem:v16+s23+$0x0], $0xffff  }
0x1b4: {  	v61 =	vor.u32 v13, v24;
	v17 =	vld.idx.msk [tilespmem:v17+s23+$0x0], $0xffff;
	[tilespmem:v56+s25+$0x0] =	vst.idx.msk $0xffff, v23  }
0x1b5: {  	v62 =	vor.u32 v14, v24;
	[tilespmem:v57+s25+$0x0] =	vst.idx.msk $0xffff, v22  }
0x1b6: {  	v63 =	vor.u32 v15, v24;
	[tilespmem:v58+s25+$0x0] =	vst.idx.msk $0xffff, v20  }
0x1b7: {  	[tilespmem:v59+s25+$0x0] =	vst.idx.msk $0xffff, v21  }
.Ltmp6:
0x1b8: {  	s1 =	sshll.u32 s1, $0x12;
	[tilespmem:v60+s25+$0x0] =	vst.idx.msk $0xffff, v18;
	(pc) =	sbr.rel @p0 .LBB2_12-.Ltmp6, $4  }
0x1b9: {  	s1 =	sor.u32 s4, s1;
	[tilespmem:v61+s25+$0x0] =	vst.idx.msk $0xffff, v16  }
0x1ba: {  	s1 =	sshrl.u32 s1, $0x3;
	[tilespmem:v62+s25+$0x0] =	vst.idx.msk $0xffff, v19  }
0x1bb: {  	s1 =	sadd.s32 s2, s1;
	[tilespmem:v63+s25+$0x0] =	vst.idx.msk $0xffff, v17  }
0x1bc: {  	[hbm4b:s1+s10] =	stream.strided.scatter [tilespmem:s25], [sflag:$0x6], $0x2000, s11, s10, $0x38;
	[tilespmem:$0x1A800] =	vst v63  }
0x1bd: {  	s1 =	sshll.u32 s0, $0x9  }
0x1be: {  	s1 =	sand.u32 $0x3FFFFE00, s1  }
0x1bf: {  	v16 =	vld [tilespmem:s1+$0x300];
	_ =	sdelay $0x4  }
0x1c0: {  	v17 =	vshrl.u32 v16, $0x1;
	v16 =	vshll.u32 v16, $0x6  }
0x1c1: {  	[tilespmem:$0x6500] =	vst v17;
	v16 =	vand.u32 $0x40, v16  }
0x1c2: {  	[tilespmem:$0x6700] =	vst v16  }
0x1c3: {  	v16 =	vld [tilespmem:s1+$0x310];
	_ =	sdelay $0x4  }
0x1c4: {  	v17 =	vshrl.u32 v16, $0x1;
	v16 =	vshll.u32 v16, $0x6  }
0x1c5: {  	[tilespmem:$0x6510] =	vst v17;
	v16 =	vand.u32 $0x40, v16  }
0x1c6: {  	[tilespmem:$0x6710] =	vst v16  }
0x1c7: {  	v16 =	vld [tilespmem:s1+$0x320];
	_ =	sdelay $0x4  }
0x1c8: {  	v17 =	vshrl.u32 v16, $0x1;
	v16 =	vshll.u32 v16, $0x6  }
0x1c9: {  	[tilespmem:$0x6520] =	vst v17;
	v16 =	vand.u32 $0x40, v16  }
0x1ca: {  	[tilespmem:$0x6720] =	vst v16  }
0x1cb: {  	v16 =	vld [tilespmem:s1+$0x330];
	_ =	sdelay $0x4  }
0x1cc: {  	v17 =	vshrl.u32 v16, $0x1;
	v16 =	vshll.u32 v16, $0x6  }
0x1cd: {  	[tilespmem:$0x6530] =	vst v17;
	v16 =	vand.u32 $0x40, v16  }
0x1ce: {  	[tilespmem:$0x6730] =	vst v16  }
0x1cf: {  	v16 =	vld [tilespmem:s1+$0x340];
	_ =	sdelay $0x4  }
0x1d0: {  	v17 =	vshrl.u32 v16, $0x1;
	v16 =	vshll.u32 v16, $0x6  }
0x1d1: {  	[tilespmem:$0x6540] =	vst v17;
	v16 =	vand.u32 $0x40, v16  }
0x1d2: {  	[tilespmem:$0x6740] =	vst v16  }
0x1d3: {  	v16 =	vld [tilespmem:s1+$0x350];
	_ =	sdelay $0x4  }
0x1d4: {  	v17 =	vshrl.u32 v16, $0x1;
	v16 =	vshll.u32 v16, $0x6  }
0x1d5: {  	[tilespmem:$0x6550] =	vst v17;
	v16 =	vand.u32 $0x40, v16  }
0x1d6: {  	[tilespmem:$0x6750] =	vst v16  }
0x1d7: {  	v16 =	vld [tilespmem:s1+$0x360];
	_ =	sdelay $0x4  }
0x1d8: {  	v17 =	vshrl.u32 v16, $0x1;
	v16 =	vshll.u32 v16, $0x6  }
0x1d9: {  	[tilespmem:$0x6560] =	vst v17;
	v16 =	vand.u32 $0x40, v16  }
0x1da: {  	[tilespmem:$0x6760] =	vst v16  }
0x1db: {  	v16 =	vld [tilespmem:s1+$0x370];
	_ =	sdelay $0x3  }
.Ltmp7:
0x1dc: {  	_ = 	snop;
	(pc) =	sbr.rel .LBB2_2-.Ltmp7, $4  }
0x1dd: {  	v17 =	vshrl.u32 v16, $0x1;
	v16 =	vshll.u32 v16, $0x6  }
0x1de: {  	[tilespmem:$0x6570] =	vst v17;
	v16 =	vand.u32 $0x40, v16  }
0x1df: {  	s0 =	sadd.s32 $0x1, s0;
	[tilespmem:$0x6770] =	vst v16  }
0x1e0: {  	[tilespmem:s19], [sflag:$0x3] =	stream.indirect.gather [hbm4b:s5+s13], $0x80, s18, s13, $0xb8;
	[tilespmem:$0x1A800] =	vst v63  }
.LBB2_13:
0x1e1: {  	_ =	sfence.sel $0x180000  }
0x1e2: {  	[bflag:$0x0] =	sbarrier.arrive $0xFFFF  }
0x1e3: {  	_ =	strace $0x9000004A  }
0x1e4: {  	s0 =	stileid.u32;
	[bflag:$0x2] =	sbarrier.arrive $0xFFFF  }
0x1e5: {  	p0 =	sne.s32 s0, $0x0;
	s0 =	rddreg [dreg:$0x3]  }
0x1e6: {  	s0 =	sadd.s32 @!p0 $0x100000, s0  }
0x1e7: {  	[sflag:s0] =	ssyncadd.tile.s32 @!p0 $0x1;
	_ =	shalt  }
.Lfunc_end2:
_tile_overlayer_lowered:
.L_overlay_start_2:
0x1e8: {  	(tag) =	ssettag $0x2  }
0x1e9: {  	s0 =	rddreg [dreg:$0x0];
	s2 =	stileid.u32  }
0x1ea: {  	s1 =	rddreg [dreg:$0x1];
	p0 =	sne.s32 s2, $0x0  }
0x1eb: {  	s3 =	rddreg [dreg:$0x2];
	[bflag:$0x3] =	sbarrier.arrive $0xFFFF;
	s2 =	simm.s32 @!p0 $0x1C07  }
0x1ec: {  	[timem:s3], [sflag:s2] =	dma.local @!p0 [hbm:s0], s1  }
0x1ed: {  	s0 =	simm.s32 @!p0 $0x7  }
0x1ee: {  	_ =	swait.ge @!p0 [sflag:s0], s1  }
0x1ef: {  	s1 =	ssub.s32 @!p0 $0x0, s1;
	[sflag:s0] =	ssyncset.done @!p0 $0x0  }
0x1f0: {  	[sflag:s0] =	ssyncadd.s32 @!p0 s1  }
0x1f1: {  	[bflag:$0x3] =	sbarrier.arrive $0xFFFF  }
0x1f2: {  	_ =	shalt  }

</sc_bundles>
